<compile_context>
chip_gen: v7x
topology: tpu7x:2x2x1
jax: 0.10.2.dev20260603
libtpu: 0.0.44.dev20260713+nightly
codegen_flags: <defaults>
</compile_context>

<pallas_src>
import functools

import jax
import jax.numpy as jnp
from jax import lax
from jax.experimental import pallas as pl
from jax.experimental.pallas import tpu as pltpu
from jax.experimental.pallas import tpu_sc as plsc

_VOCAB = 1000000
_D = 128
_NL = 64
_B = 4096
_L = 200

_NC, _NS = 2, 16
_NW = _NC * _NS
_BW = _B // _NW
_LANES = 16
_DCH = _D // _LANES

_CW = 128
_GROUP = 25
_ROWS_PER_GROUP = (_GROUP * _CW) // _L
_NGROUPS = (_BW * _L) // (_GROUP * _CW)
_NBUF = 5
_NCHUNKS = _BW * _L // _CW

_PATTERN = []
for _k in range(_GROUP):
    _start = _k * _CW
    _p = _L - (_start % _L)
    if _p <= _CW:
        _PATTERN.append((_p, True, _start // _L))
    else:
        _PATTERN.append((_CW, False, -1))


def _sc_pooled_sum(x_flat, table):
    mesh = plsc.VectorSubcoreMesh(core_axis_name="core", subcore_axis_name="subcore")
    rows_per_sc = _NS * _BW

    @functools.partial(
        pl.kernel,
        out_type=jax.ShapeDtypeStruct((_B, _D), jnp.float32),
        mesh=mesh,
        scratch_types=[
            pltpu.VMEM((_BW * _L,), jnp.int32),
            pltpu.VMEM((_CW, _D), jnp.float32),
            pltpu.VMEM((_CW, _D), jnp.float32),
            pltpu.VMEM((_CW, _D), jnp.float32),
            pltpu.VMEM((_CW, _D), jnp.float32),
            pltpu.VMEM((_CW, _D), jnp.float32),
            pltpu.VMEM((_D,), jnp.float32),
            pltpu.VMEM_SHARED((rows_per_sc, _D), jnp.float32),
            pltpu.SemaphoreType.DMA,
            pltpu.SemaphoreType.DMA,
            pltpu.SemaphoreType.DMA,
            pltpu.SemaphoreType.DMA,
            pltpu.SemaphoreType.DMA,
            pltpu.SemaphoreType.DMA,
        ],
    )
    def sc_kernel(x_hbm, tbl_hbm, out_hbm, idx_v, buf0, buf1, buf2, buf3, buf4,
                  acc_row, shared, sem0, sem1, sem2, sem3, sem4, sem_row):
        s = lax.axis_index("subcore")
        w = lax.axis_index("core") * _NS + s
        pltpu.sync_copy(x_hbm.at[pl.ds(w * (_BW * _L), _BW * _L)], idx_v)

        bufs = (buf0, buf1, buf2, buf3, buf4)
        sems = (sem0, sem1, sem2, sem3, sem4)

        def gather(c, par):
            return pltpu.make_async_copy(
                tbl_hbm.at[idx_v.at[pl.ds(c * _CW, _CW)]], bufs[par], sems[par])

        def accum(buf, lo, hi, acc):
            def rbody(r, a):
                return tuple(a[k] + buf[r, pl.ds(k * _LANES, _LANES)]
                             for k in range(_DCH))
            return lax.fori_loop(lo, hi, rbody, acc)

        zero = tuple(jnp.zeros((_LANES,), jnp.float32) for _ in range(_DCH))

        for par in range(_NBUF):
            gather(par, par).start()

        @pl.loop(0, _NGROUPS)
        def _(g):
            c0 = g * _GROUP
            acc = zero
            for k in range(_GROUP):
                par = k % _NBUF
                m, flush, row_k = _PATTERN[k]
                gather(c0 + k, par).wait()
                acc = accum(bufs[par], 0, m, acc)
                if flush:
                    row = g * _ROWS_PER_GROUP + row_k

                    @pl.when(row > 0)
                    def _():
                        pltpu.make_async_copy(acc_row, shared.at[s * _BW + row],
                                              sem_row).wait()

                    for d in range(_DCH):
                        acc_row[pl.ds(d * _LANES, _LANES)] = acc[d]
                    pltpu.make_async_copy(acc_row, shared.at[s * _BW + row],
                                          sem_row).start()
                    if m < _CW:
                        acc = accum(bufs[par], m, _CW, zero)
                    else:
                        acc = zero

                @pl.when(c0 + k + _NBUF < _NCHUNKS)
                def _():
                    gather(c0 + k + _NBUF, par).start()

        pltpu.make_async_copy(acc_row, shared.at[0], sem_row).wait()
        pltpu.sync_copy(shared.at[pl.ds(s * _BW, _BW)],
                        out_hbm.at[pl.ds(w * _BW, _BW)])

    return sc_kernel(x_flat, table)


def _tc_project(pooled, w_scaled, b_row):
    def body(p_ref, w_ref, b_ref, o_ref):
        o_ref[...] = jnp.dot(p_ref[...], w_ref[...],
                             preferred_element_type=jnp.float32) + b_ref[...]

    blk = 1024
    return pl.pallas_call(
        body,
        grid=(_B // blk,),
        in_specs=[
            pl.BlockSpec((blk, _D), lambda i: (i, 0)),
            pl.BlockSpec((_D, _NL), lambda i: (0, 0)),
            pl.BlockSpec((1, _NL), lambda i: (0, 0)),
        ],
        out_specs=pl.BlockSpec((blk, _NL), lambda i: (i, 0)),
        out_shape=jax.ShapeDtypeStruct((_B, _NL), jnp.float32),
    )(pooled, w_scaled, b_row)


def kernel(x, table, W, b):
    pooled_sum = _sc_pooled_sum(x.reshape(-1), table)
    return _tc_project(pooled_sum, W * (1.0 / _L), b.reshape(1, _NL))

# --- scband reference (transcript-rebuilt; emitter-appended) ---
"""Pipeline reference for scband-fast-text-28432683499697 (READ-ONLY COPY).

The authoritative reference and input builder live on the scoring server;
editing this copy changes nothing except your own understanding.
"""

import jax, jax.numpy as jnp
import numpy as np

VOCAB = 1000000
EMBED_DIM = 128
NUM_LABELS = 64
BATCH = 4096
SEQ = 200


def setup_inputs(seed: int = 0) -> dict:
    key = jax.random.key(seed)
    k1, k2, k3 = jax.random.split(key, 3)
    x = jax.random.randint(k1, (BATCH, SEQ), 0, VOCAB, dtype=jnp.int64 if jax.config.jax_enable_x64 else jnp.int32).astype(jnp.int32)
    table = jax.random.normal(k2, (VOCAB, EMBED_DIM), dtype=jnp.float32) * 0.02
    W = jax.random.normal(k3, (EMBED_DIM, NUM_LABELS), dtype=jnp.float32) * (1.0 / np.sqrt(EMBED_DIM))
    b = jnp.zeros((NUM_LABELS,), dtype=jnp.float32)
    return {"x": x, "table": table, "W": W, "b": b}


def reference(x, table, W, b):
    # embedding lookup: gather rows of the table
    embedded = jnp.take(table, x, axis=0)  # [B, L, D]
    # avg_pool2d over the full sequence length == mean over axis 1
    pooled = jnp.mean(embedded, axis=1)  # [B, D]
    # dropout is identity in eval mode
    logits = pooled @ W + b  # [B, num_labels]
    return logits

if __name__ == "__main__":
    import jax
    _d = setup_inputs()
    print(jax.jit(kernel)(*tuple(_d.values())))

</pallas_src>

<mosaic_0001>
#map = affine_map<(d0, d1) -> (0)>
#map1 = affine_map<(d0, d1) -> (0, 0)>
module attributes {stable_mosaic.version = 14 : i64} {
  func.func @sc_kernel(%arg0: i32, %arg1: i32, %arg2: memref<819200xi32, #tpu.memory_space<hbm>>, %arg3: memref<1000000x128xf32, #tpu.memory_space<hbm>>, %arg4: memref<4096x128xf32, #tpu.memory_space<hbm>>, %arg5: memref<25600xi32, #tpu.memory_space<vmem>>, %arg6: memref<128x128xf32, #tpu.memory_space<vmem>>, %arg7: memref<128x128xf32, #tpu.memory_space<vmem>>, %arg8: memref<128x128xf32, #tpu.memory_space<vmem>>, %arg9: memref<128x128xf32, #tpu.memory_space<vmem>>, %arg10: memref<128x128xf32, #tpu.memory_space<vmem>>, %arg11: memref<128xf32, #tpu.memory_space<vmem>>, %arg12: memref<2048x128xf32, #tpu.memory_space<vmem_shared>>, %arg13: memref<!tpu.dma_semaphore, #tpu.memory_space<semaphore_mem>>, %arg14: memref<!tpu.dma_semaphore, #tpu.memory_space<semaphore_mem>>, %arg15: memref<!tpu.dma_semaphore, #tpu.memory_space<semaphore_mem>>, %arg16: memref<!tpu.dma_semaphore, #tpu.memory_space<semaphore_mem>>, %arg17: memref<!tpu.dma_semaphore, #tpu.memory_space<semaphore_mem>>, %arg18: memref<!tpu.dma_semaphore, #tpu.memory_space<semaphore_mem>>) attributes {dimension_semantics = [#tpu.dimension_semantics<core_parallel>, #tpu.dimension_semantics<subcore_parallel>], iteration_bounds = array<i64: 2, 16>, scalar_prefetch = 0 : i64, scratch_operands = 14 : i64, tpu.core_type = #tpu.core_type<sc_vector_subcore>, window_params = [{transform_indices = #map}, {transform_indices = #map1}, {transform_indices = #map1}]} {
    %mul3A = arith.constant 16 : i32
    %mul3A_0 = arith.muli %arg0, %mul3A : i32
    %add3A = arith.addi %mul3A_0, %arg1 : i32
    %mul3A_1 = arith.constant 25600 : i32
    %mul3A_2 = arith.muli %add3A, %mul3A_1 : i32
    "tpu.region"() ({
      %run_scoped3A = tpu.sem_alloc : memref<!tpu.dma_semaphore, #tpu.memory_space<semaphore_mem>>
      %dma_start3A_56 = tpu.memref_slice %arg2[%mul3A_2] : memref<819200xi32, #tpu.memory_space<hbm>> -> memref<25600xi32, #tpu.memory_space<hbm>>
      %dma_start3A_57 = tpu.memref_slice %arg2[%mul3A_2] : memref<819200xi32, #tpu.memory_space<hbm>> -> memref<25600xi32, #tpu.memory_space<hbm>>
      tpu.enqueue_dma source(%dma_start3A_57 : memref<25600xi32, #tpu.memory_space<hbm>>) target(%arg5 : memref<25600xi32, #tpu.memory_space<vmem>>) target_semaphore(%run_scoped3A : memref<!tpu.dma_semaphore, #tpu.memory_space<semaphore_mem>>)
      %dma_wait3A_58 = tpu.memref_slice %arg2[%mul3A_2] : memref<819200xi32, #tpu.memory_space<hbm>> -> memref<25600xi32, #tpu.memory_space<hbm>>
      %dma_wait3A_59 = tpu.memref_slice %arg2[%mul3A_2] : memref<819200xi32, #tpu.memory_space<hbm>> -> memref<25600xi32, #tpu.memory_space<hbm>>
      tpu.wait_dma2 semaphore(%run_scoped3A : memref<!tpu.dma_semaphore, #tpu.memory_space<semaphore_mem>>) src(%dma_wait3A_59 : memref<25600xi32, #tpu.memory_space<hbm>>) dst(%arg5 : memref<25600xi32, #tpu.memory_space<vmem>>)
      tpu.yield
    }) : () -> ()
    %broadcast_in_dim3A = arith.constant 0.000000e+00 : f32
    %broadcast_in_dim3A_3 = vector.broadcast %broadcast_in_dim3A : f32 to vector<16xf32>
    %broadcast_in_dim3A_4 = arith.constant 0.000000e+00 : f32
    %broadcast_in_dim3A_5 = vector.broadcast %broadcast_in_dim3A_4 : f32 to vector<16xf32>
    %broadcast_in_dim3A_6 = arith.constant 0.000000e+00 : f32
    %broadcast_in_dim3A_7 = vector.broadcast %broadcast_in_dim3A_6 : f32 to vector<16xf32>
    %broadcast_in_dim3A_8 = arith.constant 0.000000e+00 : f32
    %broadcast_in_dim3A_9 = vector.broadcast %broadcast_in_dim3A_8 : f32 to vector<16xf32>
    %broadcast_in_dim3A_10 = arith.constant 0.000000e+00 : f32
    %broadcast_in_dim3A_11 = vector.broadcast %broadcast_in_dim3A_10 : f32 to vector<16xf32>
    %broadcast_in_dim3A_12 = arith.constant 0.000000e+00 : f32
    %broadcast_in_dim3A_13 = vector.broadcast %broadcast_in_dim3A_12 : f32 to vector<16xf32>
    %broadcast_in_dim3A_14 = arith.constant 0.000000e+00 : f32
    %broadcast_in_dim3A_15 = vector.broadcast %broadcast_in_dim3A_14 : f32 to vector<16xf32>
    %broadcast_in_dim3A_16 = arith.constant 0.000000e+00 : f32
    %broadcast_in_dim3A_17 = vector.broadcast %broadcast_in_dim3A_16 : f32 to vector<16xf32>
    %dma_start3A = arith.constant 0 : i32
    %dma_start3A_18 = tpu.memref_slice %arg5[%dma_start3A] : memref<25600xi32, #tpu.memory_space<vmem>> -> memref<128xi32, #tpu.memory_space<vmem>>
    %dma_start3A_19 = arith.constant 0 : i32
    %dma_start3A_20 = arith.constant 0 : i32
    %dma_start3A_21 = tpu.memref_slice %arg3[%dma_start3A_19, %dma_start3A_20] : memref<1000000x128xf32, #tpu.memory_space<hbm>> -> memref<1000000x128xf32, #tpu.memory_space<hbm>>
    tpu.enqueue_indirect_dma source(%dma_start3A_21 : memref<1000000x128xf32, #tpu.memory_space<hbm>>) target(%arg6 : memref<128x128xf32, #tpu.memory_space<vmem>>) offsets(%dma_start3A_18 : memref<128xi32, #tpu.memory_space<vmem>>) semaphore(%arg13 : memref<!tpu.dma_semaphore, #tpu.memory_space<semaphore_mem>>)
    %dma_start3A_22 = arith.constant 128 : i32
    %dma_start3A_23 = tpu.memref_slice %arg5[%dma_start3A_22] : memref<25600xi32, #tpu.memory_space<vmem>> -> memref<128xi32, #tpu.memory_space<vmem>>
    %dma_start3A_24 = arith.constant 0 : i32
    %dma_start3A_25 = arith.constant 0 : i32
    %dma_start3A_26 = tpu.memref_slice %arg3[%dma_start3A_24, %dma_start3A_25] : memref<1000000x128xf32, #tpu.memory_space<hbm>> -> memref<1000000x128xf32, #tpu.memory_space<hbm>>
    tpu.enqueue_indirect_dma source(%dma_start3A_26 : memref<1000000x128xf32, #tpu.memory_space<hbm>>) target(%arg7 : memref<128x128xf32, #tpu.memory_space<vmem>>) offsets(%dma_start3A_23 : memref<128xi32, #tpu.memory_space<vmem>>) semaphore(%arg14 : memref<!tpu.dma_semaphore, #tpu.memory_space<semaphore_mem>>)
    %dma_start3A_27 = arith.constant 256 : i32
    %dma_start3A_28 = tpu.memref_slice %arg5[%dma_start3A_27] : memref<25600xi32, #tpu.memory_space<vmem>> -> memref<128xi32, #tpu.memory_space<vmem>>
    %dma_start3A_29 = arith.constant 0 : i32
    %dma_start3A_30 = arith.constant 0 : i32
    %dma_start3A_31 = tpu.memref_slice %arg3[%dma_start3A_29, %dma_start3A_30] : memref<1000000x128xf32, #tpu.memory_space<hbm>> -> memref<1000000x128xf32, #tpu.memory_space<hbm>>
    tpu.enqueue_indirect_dma source(%dma_start3A_31 : memref<1000000x128xf32, #tpu.memory_space<hbm>>) target(%arg8 : memref<128x128xf32, #tpu.memory_space<vmem>>) offsets(%dma_start3A_28 : memref<128xi32, #tpu.memory_space<vmem>>) semaphore(%arg15 : memref<!tpu.dma_semaphore, #tpu.memory_space<semaphore_mem>>)
    %dma_start3A_32 = arith.constant 384 : i32
    %dma_start3A_33 = tpu.memref_slice %arg5[%dma_start3A_32] : memref<25600xi32, #tpu.memory_space<vmem>> -> memref<128xi32, #tpu.memory_space<vmem>>
    %dma_start3A_34 = arith.constant 0 : i32
    %dma_start3A_35 = arith.constant 0 : i32
    %dma_start3A_36 = tpu.memref_slice %arg3[%dma_start3A_34, %dma_start3A_35] : memref<1000000x128xf32, #tpu.memory_space<hbm>> -> memref<1000000x128xf32, #tpu.memory_space<hbm>>
    tpu.enqueue_indirect_dma source(%dma_start3A_36 : memref<1000000x128xf32, #tpu.memory_space<hbm>>) target(%arg9 : memref<128x128xf32, #tpu.memory_space<vmem>>) offsets(%dma_start3A_33 : memref<128xi32, #tpu.memory_space<vmem>>) semaphore(%arg16 : memref<!tpu.dma_semaphore, #tpu.memory_space<semaphore_mem>>)
    %dma_start3A_37 = arith.constant 512 : i32
    %dma_start3A_38 = tpu.memref_slice %arg5[%dma_start3A_37] : memref<25600xi32, #tpu.memory_space<vmem>> -> memref<128xi32, #tpu.memory_space<vmem>>
    %dma_start3A_39 = arith.constant 0 : i32
    %dma_start3A_40 = arith.constant 0 : i32
    %dma_start3A_41 = tpu.memref_slice %arg3[%dma_start3A_39, %dma_start3A_40] : memref<1000000x128xf32, #tpu.memory_space<hbm>> -> memref<1000000x128xf32, #tpu.memory_space<hbm>>
    tpu.enqueue_indirect_dma source(%dma_start3A_41 : memref<1000000x128xf32, #tpu.memory_space<hbm>>) target(%arg10 : memref<128x128xf32, #tpu.memory_space<vmem>>) offsets(%dma_start3A_38 : memref<128xi32, #tpu.memory_space<vmem>>) semaphore(%arg17 : memref<!tpu.dma_semaphore, #tpu.memory_space<semaphore_mem>>)
    %scan3A = arith.constant 0 : i32
    %scan3A_42 = arith.constant 8 : i32
    %scan3A_43 = arith.addi %scan3A, %scan3A_42 : i32
    %scan3A_44 = arith.constant 1 : i32
    scf.for %scan3A_56 = %scan3A to %scan3A_43 step %scan3A_44  : i32 {
      %mul3A_57 = arith.constant 1 : i32
      %mul3A_58 = arith.muli %scan3A_56, %mul3A_57 : i32
      %add3A_59 = arith.constant 0 : i32
      %add3A_60 = arith.addi %add3A_59, %mul3A_58 : i32
      %mul3A_61 = arith.constant 25 : i32
      %mul3A_62 = arith.muli %add3A_60, %mul3A_61 : i32
      %add3A_63 = arith.constant 0 : i32
      %add3A_64 = arith.addi %mul3A_62, %add3A_63 : i32
      %mul3A_65 = arith.constant 128 : i32
      %mul3A_66 = arith.muli %add3A_64, %mul3A_65 : i32
      %dma_wait3A_67 = tpu.memref_slice %arg5[%mul3A_66] : memref<25600xi32, #tpu.memory_space<vmem>> -> memref<128xi32, #tpu.memory_space<vmem>>
      %dma_wait3A_68 = arith.constant 0 : i32
      %dma_wait3A_69 = arith.constant 0 : i32
      %dma_wait3A_70 = tpu.memref_slice %arg3[%dma_wait3A_68, %dma_wait3A_69] : memref<1000000x128xf32, #tpu.memory_space<hbm>> -> memref<1000000x128xf32, #tpu.memory_space<hbm>>
      tpu.wait_indirect_dma semaphore(%arg13 : memref<!tpu.dma_semaphore, #tpu.memory_space<semaphore_mem>>) src(%dma_wait3A_70 : memref<1000000x128xf32, #tpu.memory_space<hbm>>) dst(%arg6 : memref<128x128xf32, #tpu.memory_space<vmem>>)
      %scan3A_71 = arith.constant 0 : i32
      %scan3A_72 = arith.constant 128 : i32
      %scan3A_73 = arith.addi %scan3A_71, %scan3A_72 : i32
      %scan3A_74 = arith.constant 1 : i32
      %scan3A_75:8 = scf.for %scan3A_1523 = %scan3A_71 to %scan3A_73 step %scan3A_74 iter_args(%scan3A_1524 = %broadcast_in_dim3A_3, %scan3A_1525 = %broadcast_in_dim3A_5, %scan3A_1526 = %broadcast_in_dim3A_7, %scan3A_1527 = %broadcast_in_dim3A_9, %scan3A_1528 = %broadcast_in_dim3A_11, %scan3A_1529 = %broadcast_in_dim3A_13, %scan3A_1530 = %broadcast_in_dim3A_15, %scan3A_1531 = %broadcast_in_dim3A_17) -> (vector<16xf32>, vector<16xf32>, vector<16xf32>, vector<16xf32>, vector<16xf32>, vector<16xf32>, vector<16xf32>, vector<16xf32>)  : i32 {
        %get3A = arith.index_cast %scan3A_1523 : i32 to index
        %get3A_1532 = arith.constant 0 : index
        %get3A_1533 = tpu.vector_load %arg6[%get3A, %get3A_1532] {strides = array<i32>} : memref<128x128xf32, #tpu.memory_space<vmem>>, vector<1x16xf32>,
        %get3A_1534 = vector.shape_cast %get3A_1533 : vector<1x16xf32> to vector<16xf32>
        %add3A_1535 = arith.addf %scan3A_1524, %get3A_1534 : vector<16xf32>
        %get3A_1536 = arith.index_cast %scan3A_1523 : i32 to index
        %get3A_1537 = arith.constant 16 : index
        %get3A_1538 = tpu.vector_load %arg6[%get3A_1536, %get3A_1537] {strides = array<i32>} : memref<128x128xf32, #tpu.memory_space<vmem>>, vector<1x16xf32>,
        %get3A_1539 = vector.shape_cast %get3A_1538 : vector<1x16xf32> to vector<16xf32>
        %add3A_1540 = arith.addf %scan3A_1525, %get3A_1539 : vector<16xf32>
        %get3A_1541 = arith.index_cast %scan3A_1523 : i32 to index
        %get3A_1542 = arith.constant 32 : index
        %get3A_1543 = tpu.vector_load %arg6[%get3A_1541, %get3A_1542] {strides = array<i32>} : memref<128x128xf32, #tpu.memory_space<vmem>>, vector<1x16xf32>,
        %get3A_1544 = vector.shape_cast %get3A_1543 : vector<1x16xf32> to vector<16xf32>
        %add3A_1545 = arith.addf %scan3A_1526, %get3A_1544 : vector<16xf32>
        %get3A_1546 = arith.index_cast %scan3A_1523 : i32 to index
        %get3A_1547 = arith.constant 48 : index
        %get3A_1548 = tpu.vector_load %arg6[%get3A_1546, %get3A_1547] {strides = array<i32>} : memref<128x128xf32, #tpu.memory_space<vmem>>, vector<1x16xf32>,
        %get3A_1549 = vector.shape_cast %get3A_1548 : vector<1x16xf32> to vector<16xf32>
        %add3A_1550 = arith.addf %scan3A_1527, %get3A_1549 : vector<16xf32>
        %get3A_1551 = arith.index_cast %scan3A_1523 : i32 to index
        %get3A_1552 = arith.constant 64 : index
        %get3A_1553 = tpu.vector_load %arg6[%get3A_1551, %get3A_1552] {strides = array<i32>} : memref<128x128xf32, #tpu.memory_space<vmem>>, vector<1x16xf32>,
        %get3A_1554 = vector.shape_cast %get3A_1553 : vector<1x16xf32> to vector<16xf32>
        %add3A_1555 = arith.addf %scan3A_1528, %get3A_1554 : vector<16xf32>
        %get3A_1556 = arith.index_cast %scan3A_1523 : i32 to index
        %get3A_1557 = arith.constant 80 : index
        %get3A_1558 = tpu.vector_load %arg6[%get3A_1556, %get3A_1557] {strides = array<i32>} : memref<128x128xf32, #tpu.memory_space<vmem>>, vector<1x16xf32>,
        %get3A_1559 = vector.shape_cast %get3A_1558 : vector<1x16xf32> to vector<16xf32>
        %add3A_1560 = arith.addf %scan3A_1529, %get3A_1559 : vector<16xf32>
        %get3A_1561 = arith.index_cast %scan3A_1523 : i32 to index
        %get3A_1562 = arith.constant 96 : index
        %get3A_1563 = tpu.vector_load %arg6[%get3A_1561, %get3A_1562] {strides = array<i32>} : memref<128x128xf32, #tpu.memory_space<vmem>>, vector<1x16xf32>,
        %get3A_1564 = vector.shape_cast %get3A_1563 : vector<1x16xf32> to vector<16xf32>
        %add3A_1565 = arith.addf %scan3A_1530, %get3A_1564 : vector<16xf32>
        %get3A_1566 = arith.index_cast %scan3A_1523 : i32 to index
        %get3A_1567 = arith.constant 112 : index
        %get3A_1568 = tpu.vector_load %arg6[%get3A_1566, %get3A_1567] {strides = array<i32>} : memref<128x128xf32, #tpu.memory_space<vmem>>, vector<1x16xf32>,
        %get3A_1569 = vector.shape_cast %get3A_1568 : vector<1x16xf32> to vector<16xf32>
        %add3A_1570 = arith.addf %scan3A_1531, %get3A_1569 : vector<16xf32>
        scf.yield %add3A_1535, %add3A_1540, %add3A_1545, %add3A_1550, %add3A_1555, %add3A_1560, %add3A_1565, %add3A_1570 : vector<16xf32>, vector<16xf32>, vector<16xf32>, vector<16xf32>, vector<16xf32>, vector<16xf32>, vector<16xf32>, vector<16xf32>
      }
      %scan3A_76 = arith.constant 128 : i32
      %add3A_77 = arith.constant 0 : i32
      %add3A_78 = arith.addi %mul3A_62, %add3A_77 : i32
      %add3A_79 = arith.constant 5 : i32
      %add3A_80 = arith.addi %add3A_78, %add3A_79 : i32
      %lt3A = arith.constant 200 : i32
      %lt3A_81 = arith.cmpi slt, %add3A_80, %lt3A : i32
      %convert_element_type3A = arith.extui %lt3A_81 : i1 to i32
      %cond3A = arith.constant 0 : i32
      %cond3A_82 = arith.cmpi ne, %convert_element_type3A, %cond3A : i32
      scf.if %cond3A_82 {
        %add3A_1523 = arith.constant 0 : i32
        %add3A_1524 = arith.addi %mul3A_62, %add3A_1523 : i32
        %add3A_1525 = arith.constant 5 : i32
        %add3A_1526 = arith.addi %add3A_1524, %add3A_1525 : i32
        %mul3A_1527 = arith.constant 128 : i32
        %mul3A_1528 = arith.muli %add3A_1526, %mul3A_1527 : i32
        %dma_start3A_1529 = tpu.memref_slice %arg5[%mul3A_1528] : memref<25600xi32, #tpu.memory_space<vmem>> -> memref<128xi32, #tpu.memory_space<vmem>>
        %dma_start3A_1530 = arith.constant 0 : i32
        %dma_start3A_1531 = arith.constant 0 : i32
        %dma_start3A_1532 = tpu.memref_slice %arg3[%dma_start3A_1530, %dma_start3A_1531] : memref<1000000x128xf32, #tpu.memory_space<hbm>> -> memref<1000000x128xf32, #tpu.memory_space<hbm>>
        tpu.enqueue_indirect_dma source(%dma_start3A_1532 : memref<1000000x128xf32, #tpu.memory_space<hbm>>) target(%arg6 : memref<128x128xf32, #tpu.memory_space<vmem>>) offsets(%dma_start3A_1529 : memref<128xi32, #tpu.memory_space<vmem>>) semaphore(%arg13 : memref<!tpu.dma_semaphore, #tpu.memory_space<semaphore_mem>>)
      } else {
      }
      %add3A_83 = arith.constant 1 : i32
      %add3A_84 = arith.addi %mul3A_62, %add3A_83 : i32
      %mul3A_85 = arith.constant 128 : i32
      %mul3A_86 = arith.muli %add3A_84, %mul3A_85 : i32
      %dma_wait3A_87 = tpu.memref_slice %arg5[%mul3A_86] : memref<25600xi32, #tpu.memory_space<vmem>> -> memref<128xi32, #tpu.memory_space<vmem>>
      %dma_wait3A_88 = arith.constant 0 : i32
      %dma_wait3A_89 = arith.constant 0 : i32
      %dma_wait3A_90 = tpu.memref_slice %arg3[%dma_wait3A_88, %dma_wait3A_89] : memref<1000000x128xf32, #tpu.memory_space<hbm>> -> memref<1000000x128xf32, #tpu.memory_space<hbm>>
      tpu.wait_indirect_dma semaphore(%arg14 : memref<!tpu.dma_semaphore, #tpu.memory_space<semaphore_mem>>) src(%dma_wait3A_90 : memref<1000000x128xf32, #tpu.memory_space<hbm>>) dst(%arg7 : memref<128x128xf32, #tpu.memory_space<vmem>>)
      %scan3A_91 = arith.constant 0 : i32
      %scan3A_92 = arith.constant 72 : i32
      %scan3A_93 = arith.addi %scan3A_91, %scan3A_92 : i32
      %scan3A_94 = arith.constant 1 : i32
      %scan3A_95:8 = scf.for %scan3A_1523 = %scan3A_91 to %scan3A_93 step %scan3A_94 iter_args(%scan3A_1524 = %scan3A_75#0, %scan3A_1525 = %scan3A_75#1, %scan3A_1526 = %scan3A_75#2, %scan3A_1527 = %scan3A_75#3, %scan3A_1528 = %scan3A_75#4, %scan3A_1529 = %scan3A_75#5, %scan3A_1530 = %scan3A_75#6, %scan3A_1531 = %scan3A_75#7) -> (vector<16xf32>, vector<16xf32>, vector<16xf32>, vector<16xf32>, vector<16xf32>, vector<16xf32>, vector<16xf32>, vector<16xf32>)  : i32 {
        %get3A = arith.index_cast %scan3A_1523 : i32 to index
        %get3A_1532 = arith.constant 0 : index
        %get3A_1533 = tpu.vector_load %arg7[%get3A, %get3A_1532] {strides = array<i32>} : memref<128x128xf32, #tpu.memory_space<vmem>>, vector<1x16xf32>,
        %get3A_1534 = vector.shape_cast %get3A_1533 : vector<1x16xf32> to vector<16xf32>
        %add3A_1535 = arith.addf %scan3A_1524, %get3A_1534 : vector<16xf32>
        %get3A_1536 = arith.index_cast %scan3A_1523 : i32 to index
        %get3A_1537 = arith.constant 16 : index
        %get3A_1538 = tpu.vector_load %arg7[%get3A_1536, %get3A_1537] {strides = array<i32>} : memref<128x128xf32, #tpu.memory_space<vmem>>, vector<1x16xf32>,
        %get3A_1539 = vector.shape_cast %get3A_1538 : vector<1x16xf32> to vector<16xf32>
        %add3A_1540 = arith.addf %scan3A_1525, %get3A_1539 : vector<16xf32>
        %get3A_1541 = arith.index_cast %scan3A_1523 : i32 to index
        %get3A_1542 = arith.constant 32 : index
        %get3A_1543 = tpu.vector_load %arg7[%get3A_1541, %get3A_1542] {strides = array<i32>} : memref<128x128xf32, #tpu.memory_space<vmem>>, vector<1x16xf32>,
        %get3A_1544 = vector.shape_cast %get3A_1543 : vector<1x16xf32> to vector<16xf32>
        %add3A_1545 = arith.addf %scan3A_1526, %get3A_1544 : vector<16xf32>
        %get3A_1546 = arith.index_cast %scan3A_1523 : i32 to index
        %get3A_1547 = arith.constant 48 : index
        %get3A_1548 = tpu.vector_load %arg7[%get3A_1546, %get3A_1547] {strides = array<i32>} : memref<128x128xf32, #tpu.memory_space<vmem>>, vector<1x16xf32>,
        %get3A_1549 = vector.shape_cast %get3A_1548 : vector<1x16xf32> to vector<16xf32>
        %add3A_1550 = arith.addf %scan3A_1527, %get3A_1549 : vector<16xf32>
        %get3A_1551 = arith.index_cast %scan3A_1523 : i32 to index
        %get3A_1552 = arith.constant 64 : index
        %get3A_1553 = tpu.vector_load %arg7[%get3A_1551, %get3A_1552] {strides = array<i32>} : memref<128x128xf32, #tpu.memory_space<vmem>>, vector<1x16xf32>,
        %get3A_1554 = vector.shape_cast %get3A_1553 : vector<1x16xf32> to vector<16xf32>
        %add3A_1555 = arith.addf %scan3A_1528, %get3A_1554 : vector<16xf32>
        %get3A_1556 = arith.index_cast %scan3A_1523 : i32 to index
        %get3A_1557 = arith.constant 80 : index
        %get3A_1558 = tpu.vector_load %arg7[%get3A_1556, %get3A_1557] {strides = array<i32>} : memref<128x128xf32, #tpu.memory_space<vmem>>, vector<1x16xf32>,
        %get3A_1559 = vector.shape_cast %get3A_1558 : vector<1x16xf32> to vector<16xf32>
        %add3A_1560 = arith.addf %scan3A_1529, %get3A_1559 : vector<16xf32>
        %get3A_1561 = arith.index_cast %scan3A_1523 : i32 to index
        %get3A_1562 = arith.constant 96 : index
        %get3A_1563 = tpu.vector_load %arg7[%get3A_1561, %get3A_1562] {strides = array<i32>} : memref<128x128xf32, #tpu.memory_space<vmem>>, vector<1x16xf32>,
        %get3A_1564 = vector.shape_cast %get3A_1563 : vector<1x16xf32> to vector<16xf32>
        %add3A_1565 = arith.addf %scan3A_1530, %get3A_1564 : vector<16xf32>
        %get3A_1566 = arith.index_cast %scan3A_1523 : i32 to index
        %get3A_1567 = arith.constant 112 : index
        %get3A_1568 = tpu.vector_load %arg7[%get3A_1566, %get3A_1567] {strides = array<i32>} : memref<128x128xf32, #tpu.memory_space<vmem>>, vector<1x16xf32>,
        %get3A_1569 = vector.shape_cast %get3A_1568 : vector<1x16xf32> to vector<16xf32>
        %add3A_1570 = arith.addf %scan3A_1531, %get3A_1569 : vector<16xf32>
        scf.yield %add3A_1535, %add3A_1540, %add3A_1545, %add3A_1550, %add3A_1555, %add3A_1560, %add3A_1565, %add3A_1570 : vector<16xf32>, vector<16xf32>, vector<16xf32>, vector<16xf32>, vector<16xf32>, vector<16xf32>, vector<16xf32>, vector<16xf32>
      }
      %scan3A_96 = arith.constant 72 : i32
      %mul3A_97 = arith.constant 16 : i32
      %mul3A_98 = arith.muli %add3A_60, %mul3A_97 : i32
      %add3A_99 = arith.constant 0 : i32
      %add3A_100 = arith.addi %mul3A_98, %add3A_99 : i32
      %gt3A = arith.constant 0 : i32
      %gt3A_101 = arith.cmpi sgt, %add3A_100, %gt3A : i32
      %convert_element_type3A_102 = arith.extui %gt3A_101 : i1 to i32
      %cond3A_103 = arith.constant 0 : i32
      %cond3A_104 = arith.cmpi ne, %convert_element_type3A_102, %cond3A_103 : i32
      scf.if %cond3A_104 {
        %mul3A_1523 = arith.constant 128 : i32
        %mul3A_1524 = arith.muli %arg1, %mul3A_1523 : i32
        %add3A_1525 = arith.addi %mul3A_1524, %add3A_100 : i32
        %dma_wait3A_1526 = arith.constant 0 : i32
        %dma_wait3A_1527 = tpu.memref_slice %arg12[%add3A_1525, %dma_wait3A_1526] : memref<2048x128xf32, #tpu.memory_space<vmem_shared>> -> memref<1x128xf32, #tpu.memory_space<vmem_shared>>
        %dma_wait3A_1528 = tpu.memref_squeeze %dma_wait3A_1527 : memref<1x128xf32, #tpu.memory_space<vmem_shared>> -> memref<128xf32, #tpu.memory_space<vmem_shared>>
        %dma_wait3A_1529 = arith.constant 0 : i32
        %dma_wait3A_1530 = tpu.memref_slice %arg12[%add3A_1525, %dma_wait3A_1529] : memref<2048x128xf32, #tpu.memory_space<vmem_shared>> -> memref<1x128xf32, #tpu.memory_space<vmem_shared>>
        %dma_wait3A_1531 = tpu.memref_squeeze %dma_wait3A_1530 : memref<1x128xf32, #tpu.memory_space<vmem_shared>> -> memref<128xf32, #tpu.memory_space<vmem_shared>>
        tpu.wait_dma2 semaphore(%arg18 : memref<!tpu.dma_semaphore, #tpu.memory_space<semaphore_mem>>) src(%arg11 : memref<128xf32, #tpu.memory_space<vmem>>) dst(%dma_wait3A_1531 : memref<128xf32, #tpu.memory_space<vmem_shared>>)
      } else {
      }
      %swap3A = arith.constant 0 : index
      %swap3A_105 = tpu.vector_load %arg11[%swap3A] {strides = array<i32>} : memref<128xf32, #tpu.memory_space<vmem>>, vector<16xf32>,
      %swap3A_106 = vector.shape_cast %swap3A_105 : vector<16xf32> to vector<16xf32>
      %swap3A_107 = vector.shape_cast %scan3A_95#0 : vector<16xf32> to vector<16xf32>
      tpu.vector_store %arg11[%swap3A], %swap3A_107 {strides = array<i32>} : memref<128xf32, #tpu.memory_space<vmem>>, vector<16xf32>,
      %swap3A_108 = arith.constant 16 : index
      %swap3A_109 = tpu.vector_load %arg11[%swap3A_108] {strides = array<i32>} : memref<128xf32, #tpu.memory_space<vmem>>, vector<16xf32>,
      %swap3A_110 = vector.shape_cast %swap3A_109 : vector<16xf32> to vector<16xf32>
      %swap3A_111 = vector.shape_cast %scan3A_95#1 : vector<16xf32> to vector<16xf32>
      tpu.vector_store %arg11[%swap3A_108], %swap3A_111 {strides = array<i32>} : memref<128xf32, #tpu.memory_space<vmem>>, vector<16xf32>,
      %swap3A_112 = arith.constant 32 : index
      %swap3A_113 = tpu.vector_load %arg11[%swap3A_112] {strides = array<i32>} : memref<128xf32, #tpu.memory_space<vmem>>, vector<16xf32>,
      %swap3A_114 = vector.shape_cast %swap3A_113 : vector<16xf32> to vector<16xf32>
      %swap3A_115 = vector.shape_cast %scan3A_95#2 : vector<16xf32> to vector<16xf32>
      tpu.vector_store %arg11[%swap3A_112], %swap3A_115 {strides = array<i32>} : memref<128xf32, #tpu.memory_space<vmem>>, vector<16xf32>,
      %swap3A_116 = arith.constant 48 : index
      %swap3A_117 = tpu.vector_load %arg11[%swap3A_116] {strides = array<i32>} : memref<128xf32, #tpu.memory_space<vmem>>, vector<16xf32>,
      %swap3A_118 = vector.shape_cast %swap3A_117 : vector<16xf32> to vector<16xf32>
      %swap3A_119 = vector.shape_cast %scan3A_95#3 : vector<16xf32> to vector<16xf32>
      tpu.vector_store %arg11[%swap3A_116], %swap3A_119 {strides = array<i32>} : memref<128xf32, #tpu.memory_space<vmem>>, vector<16xf32>,
      %swap3A_120 = arith.constant 64 : index
      %swap3A_121 = tpu.vector_load %arg11[%swap3A_120] {strides = array<i32>} : memref<128xf32, #tpu.memory_space<vmem>>, vector<16xf32>,
      %swap3A_122 = vector.shape_cast %swap3A_121 : vector<16xf32> to vector<16xf32>
      %swap3A_123 = vector.shape_cast %scan3A_95#4 : vector<16xf32> to vector<16xf32>
      tpu.vector_store %arg11[%swap3A_120], %swap3A_123 {strides = array<i32>} : memref<128xf32, #tpu.memory_space<vmem>>, vector<16xf32>,
      %swap3A_124 = arith.constant 80 : index
      %swap3A_125 = tpu.vector_load %arg11[%swap3A_124] {strides = array<i32>} : memref<128xf32, #tpu.memory_space<vmem>>, vector<16xf32>,
      %swap3A_126 = vector.shape_cast %swap3A_125 : vector<16xf32> to vector<16xf32>
      %swap3A_127 = vector.shape_cast %scan3A_95#5 : vector<16xf32> to vector<16xf32>
      tpu.vector_store %arg11[%swap3A_124], %swap3A_127 {strides = array<i32>} : memref<128xf32, #tpu.memory_space<vmem>>, vector<16xf32>,
      %swap3A_128 = arith.constant 96 : index
      %swap3A_129 = tpu.vector_load %arg11[%swap3A_128] {strides = array<i32>} : memref<128xf32, #tpu.memory_space<vmem>>, vector<16xf32>,
      %swap3A_130 = vector.shape_cast %swap3A_129 : vector<16xf32> to vector<16xf32>
      %swap3A_131 = vector.shape_cast %scan3A_95#6 : vector<16xf32> to vector<16xf32>
      tpu.vector_store %arg11[%swap3A_128], %swap3A_131 {strides = array<i32>} : memref<128xf32, #tpu.memory_space<vmem>>, vector<16xf32>,
      %swap3A_132 = arith.constant 112 : index
      %swap3A_133 = tpu.vector_load %arg11[%swap3A_132] {strides = array<i32>} : memref<128xf32, #tpu.memory_space<vmem>>, vector<16xf32>,
      %swap3A_134 = vector.shape_cast %swap3A_133 : vector<16xf32> to vector<16xf32>
      %swap3A_135 = vector.shape_cast %scan3A_95#7 : vector<16xf32> to vector<16xf32>
      tpu.vector_store %arg11[%swap3A_132], %swap3A_135 {strides = array<i32>} : memref<128xf32, #tpu.memory_space<vmem>>, vector<16xf32>,
      %mul3A_136 = arith.constant 128 : i32
      %mul3A_137 = arith.muli %arg1, %mul3A_136 : i32
      %add3A_138 = arith.addi %mul3A_137, %add3A_100 : i32
      %dma_start3A_139 = arith.constant 0 : i32
      %dma_start3A_140 = tpu.memref_slice %arg12[%add3A_138, %dma_start3A_139] : memref<2048x128xf32, #tpu.memory_space<vmem_shared>> -> memref<1x128xf32, #tpu.memory_space<vmem_shared>>
      %dma_start3A_141 = tpu.memref_squeeze %dma_start3A_140 : memref<1x128xf32, #tpu.memory_space<vmem_shared>> -> memref<128xf32, #tpu.memory_space<vmem_shared>>
      %dma_start3A_142 = arith.constant 0 : i32
      %dma_start3A_143 = tpu.memref_slice %arg12[%add3A_138, %dma_start3A_142] : memref<2048x128xf32, #tpu.memory_space<vmem_shared>> -> memref<1x128xf32, #tpu.memory_space<vmem_shared>>
      %dma_start3A_144 = tpu.memref_squeeze %dma_start3A_143 : memref<1x128xf32, #tpu.memory_space<vmem_shared>> -> memref<128xf32, #tpu.memory_space<vmem_shared>>
      tpu.enqueue_dma source(%arg11 : memref<128xf32, #tpu.memory_space<vmem>>) target(%dma_start3A_144 : memref<128xf32, #tpu.memory_space<vmem_shared>>) target_semaphore(%arg18 : memref<!tpu.dma_semaphore, #tpu.memory_space<semaphore_mem>>)
      %scan3A_145 = arith.constant 72 : i32
      %scan3A_146 = arith.constant 56 : i32
      %scan3A_147 = arith.addi %scan3A_145, %scan3A_146 : i32
      %scan3A_148 = arith.constant 1 : i32
      %scan3A_149:8 = scf.for %scan3A_1523 = %scan3A_145 to %scan3A_147 step %scan3A_148 iter_args(%scan3A_1524 = %broadcast_in_dim3A_3, %scan3A_1525 = %broadcast_in_dim3A_5, %scan3A_1526 = %broadcast_in_dim3A_7, %scan3A_1527 = %broadcast_in_dim3A_9, %scan3A_1528 = %broadcast_in_dim3A_11, %scan3A_1529 = %broadcast_in_dim3A_13, %scan3A_1530 = %broadcast_in_dim3A_15, %scan3A_1531 = %broadcast_in_dim3A_17) -> (vector<16xf32>, vector<16xf32>, vector<16xf32>, vector<16xf32>, vector<16xf32>, vector<16xf32>, vector<16xf32>, vector<16xf32>)  : i32 {
        %get3A = arith.index_cast %scan3A_1523 : i32 to index
        %get3A_1532 = arith.constant 0 : index
        %get3A_1533 = tpu.vector_load %arg7[%get3A, %get3A_1532] {strides = array<i32>} : memref<128x128xf32, #tpu.memory_space<vmem>>, vector<1x16xf32>,
        %get3A_1534 = vector.shape_cast %get3A_1533 : vector<1x16xf32> to vector<16xf32>
        %add3A_1535 = arith.addf %scan3A_1524, %get3A_1534 : vector<16xf32>
        %get3A_1536 = arith.index_cast %scan3A_1523 : i32 to index
        %get3A_1537 = arith.constant 16 : index
        %get3A_1538 = tpu.vector_load %arg7[%get3A_1536, %get3A_1537] {strides = array<i32>} : memref<128x128xf32, #tpu.memory_space<vmem>>, vector<1x16xf32>,
        %get3A_1539 = vector.shape_cast %get3A_1538 : vector<1x16xf32> to vector<16xf32>
        %add3A_1540 = arith.addf %scan3A_1525, %get3A_1539 : vector<16xf32>
        %get3A_1541 = arith.index_cast %scan3A_1523 : i32 to index
        %get3A_1542 = arith.constant 32 : index
        %get3A_1543 = tpu.vector_load %arg7[%get3A_1541, %get3A_1542] {strides = array<i32>} : memref<128x128xf32, #tpu.memory_space<vmem>>, vector<1x16xf32>,
        %get3A_1544 = vector.shape_cast %get3A_1543 : vector<1x16xf32> to vector<16xf32>
        %add3A_1545 = arith.addf %scan3A_1526, %get3A_1544 : vector<16xf32>
        %get3A_1546 = arith.index_cast %scan3A_1523 : i32 to index
        %get3A_1547 = arith.constant 48 : index
        %get3A_1548 = tpu.vector_load %arg7[%get3A_1546, %get3A_1547] {strides = array<i32>} : memref<128x128xf32, #tpu.memory_space<vmem>>, vector<1x16xf32>,
        %get3A_1549 = vector.shape_cast %get3A_1548 : vector<1x16xf32> to vector<16xf32>
        %add3A_1550 = arith.addf %scan3A_1527, %get3A_1549 : vector<16xf32>
        %get3A_1551 = arith.index_cast %scan3A_1523 : i32 to index
        %get3A_1552 = arith.constant 64 : index
        %get3A_1553 = tpu.vector_load %arg7[%get3A_1551, %get3A_1552] {strides = array<i32>} : memref<128x128xf32, #tpu.memory_space<vmem>>, vector<1x16xf32>,
        %get3A_1554 = vector.shape_cast %get3A_1553 : vector<1x16xf32> to vector<16xf32>
        %add3A_1555 = arith.addf %scan3A_1528, %get3A_1554 : vector<16xf32>
        %get3A_1556 = arith.index_cast %scan3A_1523 : i32 to index
        %get3A_1557 = arith.constant 80 : index
        %get3A_1558 = tpu.vector_load %arg7[%get3A_1556, %get3A_1557] {strides = array<i32>} : memref<128x128xf32, #tpu.memory_space<vmem>>, vector<1x16xf32>,
        %get3A_1559 = vector.shape_cast %get3A_1558 : vector<1x16xf32> to vector<16xf32>
        %add3A_1560 = arith.addf %scan3A_1529, %get3A_1559 : vector<16xf32>
        %get3A_1561 = arith.index_cast %scan3A_1523 : i32 to index
        %get3A_1562 = arith.constant 96 : index
        %get3A_1563 = tpu.vector_load %arg7[%get3A_1561, %get3A_1562] {strides = array<i32>} : memref<128x128xf32, #tpu.memory_space<vmem>>, vector<1x16xf32>,
        %get3A_1564 = vector.shape_cast %get3A_1563 : vector<1x16xf32> to vector<16xf32>
        %add3A_1565 = arith.addf %scan3A_1530, %get3A_1564 : vector<16xf32>
        %get3A_1566 = arith.index_cast %scan3A_1523 : i32 to index
        %get3A_1567 = arith.constant 112 : index
        %get3A_1568 = tpu.vector_load %arg7[%get3A_1566, %get3A_1567] {strides = array<i32>} : memref<128x128xf32, #tpu.memory_space<vmem>>, vector<1x16xf32>,
        %get3A_1569 = vector.shape_cast %get3A_1568 : vector<1x16xf32> to vector<16xf32>
        %add3A_1570 = arith.addf %scan3A_1531, %get3A_1569 : vector<16xf32>
        scf.yield %add3A_1535, %add3A_1540, %add3A_1545, %add3A_1550, %add3A_1555, %add3A_1560, %add3A_1565, %add3A_1570 : vector<16xf32>, vector<16xf32>, vector<16xf32>, vector<16xf32>, vector<16xf32>, vector<16xf32>, vector<16xf32>, vector<16xf32>
      }
      %scan3A_150 = arith.constant 56 : i32
      %add3A_151 = arith.constant 1 : i32
      %add3A_152 = arith.addi %mul3A_62, %add3A_151 : i32
      %add3A_153 = arith.constant 5 : i32
      %add3A_154 = arith.addi %add3A_152, %add3A_153 : i32
      %lt3A_155 = arith.constant 200 : i32
      %lt3A_156 = arith.cmpi slt, %add3A_154, %lt3A_155 : i32
      %convert_element_type3A_157 = arith.extui %lt3A_156 : i1 to i32
      %cond3A_158 = arith.constant 0 : i32
      %cond3A_159 = arith.cmpi ne, %convert_element_type3A_157, %cond3A_158 : i32
      scf.if %cond3A_159 {
        %add3A_1523 = arith.constant 1 : i32
        %add3A_1524 = arith.addi %mul3A_62, %add3A_1523 : i32
        %add3A_1525 = arith.constant 5 : i32
        %add3A_1526 = arith.addi %add3A_1524, %add3A_1525 : i32
        %mul3A_1527 = arith.constant 128 : i32
        %mul3A_1528 = arith.muli %add3A_1526, %mul3A_1527 : i32
        %dma_start3A_1529 = tpu.memref_slice %arg5[%mul3A_1528] : memref<25600xi32, #tpu.memory_space<vmem>> -> memref<128xi32, #tpu.memory_space<vmem>>
        %dma_start3A_1530 = arith.constant 0 : i32
        %dma_start3A_1531 = arith.constant 0 : i32
        %dma_start3A_1532 = tpu.memref_slice %arg3[%dma_start3A_1530, %dma_start3A_1531] : memref<1000000x128xf32, #tpu.memory_space<hbm>> -> memref<1000000x128xf32, #tpu.memory_space<hbm>>
        tpu.enqueue_indirect_dma source(%dma_start3A_1532 : memref<1000000x128xf32, #tpu.memory_space<hbm>>) target(%arg7 : memref<128x128xf32, #tpu.memory_space<vmem>>) offsets(%dma_start3A_1529 : memref<128xi32, #tpu.memory_space<vmem>>) semaphore(%arg14 : memref<!tpu.dma_semaphore, #tpu.memory_space<semaphore_mem>>)
      } else {
      }
      %add3A_160 = arith.constant 2 : i32
      %add3A_161 = arith.addi %mul3A_62, %add3A_160 : i32
      %mul3A_162 = arith.constant 128 : i32
      %mul3A_163 = arith.muli %add3A_161, %mul3A_162 : i32
      %dma_wait3A_164 = tpu.memref_slice %arg5[%mul3A_163] : memref<25600xi32, #tpu.memory_space<vmem>> -> memref<128xi32, #tpu.memory_space<vmem>>
      %dma_wait3A_165 = arith.constant 0 : i32
      %dma_wait3A_166 = arith.constant 0 : i32
      %dma_wait3A_167 = tpu.memref_slice %arg3[%dma_wait3A_165, %dma_wait3A_166] : memref<1000000x128xf32, #tpu.memory_space<hbm>> -> memref<1000000x128xf32, #tpu.memory_space<hbm>>
      tpu.wait_indirect_dma semaphore(%arg15 : memref<!tpu.dma_semaphore, #tpu.memory_space<semaphore_mem>>) src(%dma_wait3A_167 : memref<1000000x128xf32, #tpu.memory_space<hbm>>) dst(%arg8 : memref<128x128xf32, #tpu.memory_space<vmem>>)
      %scan3A_168 = arith.constant 0 : i32
      %scan3A_169 = arith.constant 128 : i32
      %scan3A_170 = arith.addi %scan3A_168, %scan3A_169 : i32
      %scan3A_171 = arith.constant 1 : i32
      %scan3A_172:8 = scf.for %scan3A_1523 = %scan3A_168 to %scan3A_170 step %scan3A_171 iter_args(%scan3A_1524 = %scan3A_149#0, %scan3A_1525 = %scan3A_149#1, %scan3A_1526 = %scan3A_149#2, %scan3A_1527 = %scan3A_149#3, %scan3A_1528 = %scan3A_149#4, %scan3A_1529 = %scan3A_149#5, %scan3A_1530 = %scan3A_149#6, %scan3A_1531 = %scan3A_149#7) -> (vector<16xf32>, vector<16xf32>, vector<16xf32>, vector<16xf32>, vector<16xf32>, vector<16xf32>, vector<16xf32>, vector<16xf32>)  : i32 {
        %get3A = arith.index_cast %scan3A_1523 : i32 to index
        %get3A_1532 = arith.constant 0 : index
        %get3A_1533 = tpu.vector_load %arg8[%get3A, %get3A_1532] {strides = array<i32>} : memref<128x128xf32, #tpu.memory_space<vmem>>, vector<1x16xf32>,
        %get3A_1534 = vector.shape_cast %get3A_1533 : vector<1x16xf32> to vector<16xf32>
        %add3A_1535 = arith.addf %scan3A_1524, %get3A_1534 : vector<16xf32>
        %get3A_1536 = arith.index_cast %scan3A_1523 : i32 to index
        %get3A_1537 = arith.constant 16 : index
        %get3A_1538 = tpu.vector_load %arg8[%get3A_1536, %get3A_1537] {strides = array<i32>} : memref<128x128xf32, #tpu.memory_space<vmem>>, vector<1x16xf32>,
        %get3A_1539 = vector.shape_cast %get3A_1538 : vector<1x16xf32> to vector<16xf32>
        %add3A_1540 = arith.addf %scan3A_1525, %get3A_1539 : vector<16xf32>
        %get3A_1541 = arith.index_cast %scan3A_1523 : i32 to index
        %get3A_1542 = arith.constant 32 : index
        %get3A_1543 = tpu.vector_load %arg8[%get3A_1541, %get3A_1542] {strides = array<i32>} : memref<128x128xf32, #tpu.memory_space<vmem>>, vector<1x16xf32>,
        %get3A_1544 = vector.shape_cast %get3A_1543 : vector<1x16xf32> to vector<16xf32>
        %add3A_1545 = arith.addf %scan3A_1526, %get3A_1544 : vector<16xf32>
        %get3A_1546 = arith.index_cast %scan3A_1523 : i32 to index
        %get3A_1547 = arith.constant 48 : index
        %get3A_1548 = tpu.vector_load %arg8[%get3A_1546, %get3A_1547] {strides = array<i32>} : memref<128x128xf32, #tpu.memory_space<vmem>>, vector<1x16xf32>,
        %get3A_1549 = vector.shape_cast %get3A_1548 : vector<1x16xf32> to vector<16xf32>
        %add3A_1550 = arith.addf %scan3A_1527, %get3A_1549 : vector<16xf32>
        %get3A_1551 = arith.index_cast %scan3A_1523 : i32 to index
        %get3A_1552 = arith.constant 64 : index
        %get3A_1553 = tpu.vector_load %arg8[%get3A_1551, %get3A_1552] {strides = array<i32>} : memref<128x128xf32, #tpu.memory_space<vmem>>, vector<1x16xf32>,
        %get3A_1554 = vector.shape_cast %get3A_1553 : vector<1x16xf32> to vector<16xf32>
        %add3A_1555 = arith.addf %scan3A_1528, %get3A_1554 : vector<16xf32>
        %get3A_1556 = arith.index_cast %scan3A_1523 : i32 to index
        %get3A_1557 = arith.constant 80 : index
        %get3A_1558 = tpu.vector_load %arg8[%get3A_1556, %get3A_1557] {strides = array<i32>} : memref<128x128xf32, #tpu.memory_space<vmem>>, vector<1x16xf32>,
        %get3A_1559 = vector.shape_cast %get3A_1558 : vector<1x16xf32> to vector<16xf32>
        %add3A_1560 = arith.addf %scan3A_1529, %get3A_1559 : vector<16xf32>
        %get3A_1561 = arith.index_cast %scan3A_1523 : i32 to index
        %get3A_1562 = arith.constant 96 : index
        %get3A_1563 = tpu.vector_load %arg8[%get3A_1561, %get3A_1562] {strides = array<i32>} : memref<128x128xf32, #tpu.memory_space<vmem>>, vector<1x16xf32>,
        %get3A_1564 = vector.shape_cast %get3A_1563 : vector<1x16xf32> to vector<16xf32>
        %add3A_1565 = arith.addf %scan3A_1530, %get3A_1564 : vector<16xf32>
        %get3A_1566 = arith.index_cast %scan3A_1523 : i32 to index
        %get3A_1567 = arith.constant 112 : index
        %get3A_1568 = tpu.vector_load %arg8[%get3A_1566, %get3A_1567] {strides = array<i32>} : memref<128x128xf32, #tpu.memory_space<vmem>>, vector<1x16xf32>,
        %get3A_1569 = vector.shape_cast %get3A_1568 : vector<1x16xf32> to vector<16xf32>
        %add3A_1570 = arith.addf %scan3A_1531, %get3A_1569 : vector<16xf32>
        scf.yield %add3A_1535, %add3A_1540, %add3A_1545, %add3A_1550, %add3A_1555, %add3A_1560, %add3A_1565, %add3A_1570 : vector<16xf32>, vector<16xf32>, vector<16xf32>, vector<16xf32>, vector<16xf32>, vector<16xf32>, vector<16xf32>, vector<16xf32>
      }
      %scan3A_173 = arith.constant 128 : i32
      %add3A_174 = arith.constant 2 : i32
      %add3A_175 = arith.addi %mul3A_62, %add3A_174 : i32
      %add3A_176 = arith.constant 5 : i32
      %add3A_177 = arith.addi %add3A_175, %add3A_176 : i32
      %lt3A_178 = arith.constant 200 : i32
      %lt3A_179 = arith.cmpi slt, %add3A_177, %lt3A_178 : i32
      %convert_element_type3A_180 = arith.extui %lt3A_179 : i1 to i32
      %cond3A_181 = arith.constant 0 : i32
      %cond3A_182 = arith.cmpi ne, %convert_element_type3A_180, %cond3A_181 : i32
      scf.if %cond3A_182 {
        %add3A_1523 = arith.constant 2 : i32
        %add3A_1524 = arith.addi %mul3A_62, %add3A_1523 : i32
        %add3A_1525 = arith.constant 5 : i32
        %add3A_1526 = arith.addi %add3A_1524, %add3A_1525 : i32
        %mul3A_1527 = arith.constant 128 : i32
        %mul3A_1528 = arith.muli %add3A_1526, %mul3A_1527 : i32
        %dma_start3A_1529 = tpu.memref_slice %arg5[%mul3A_1528] : memref<25600xi32, #tpu.memory_space<vmem>> -> memref<128xi32, #tpu.memory_space<vmem>>
        %dma_start3A_1530 = arith.constant 0 : i32
        %dma_start3A_1531 = arith.constant 0 : i32
        %dma_start3A_1532 = tpu.memref_slice %arg3[%dma_start3A_1530, %dma_start3A_1531] : memref<1000000x128xf32, #tpu.memory_space<hbm>> -> memref<1000000x128xf32, #tpu.memory_space<hbm>>
        tpu.enqueue_indirect_dma source(%dma_start3A_1532 : memref<1000000x128xf32, #tpu.memory_space<hbm>>) target(%arg8 : memref<128x128xf32, #tpu.memory_space<vmem>>) offsets(%dma_start3A_1529 : memref<128xi32, #tpu.memory_space<vmem>>) semaphore(%arg15 : memref<!tpu.dma_semaphore, #tpu.memory_space<semaphore_mem>>)
      } else {
      }
      %add3A_183 = arith.constant 3 : i32
      %add3A_184 = arith.addi %mul3A_62, %add3A_183 : i32
      %mul3A_185 = arith.constant 128 : i32
      %mul3A_186 = arith.muli %add3A_184, %mul3A_185 : i32
      %dma_wait3A_187 = tpu.memref_slice %arg5[%mul3A_186] : memref<25600xi32, #tpu.memory_space<vmem>> -> memref<128xi32, #tpu.memory_space<vmem>>
      %dma_wait3A_188 = arith.constant 0 : i32
      %dma_wait3A_189 = arith.constant 0 : i32
      %dma_wait3A_190 = tpu.memref_slice %arg3[%dma_wait3A_188, %dma_wait3A_189] : memref<1000000x128xf32, #tpu.memory_space<hbm>> -> memref<1000000x128xf32, #tpu.memory_space<hbm>>
      tpu.wait_indirect_dma semaphore(%arg16 : memref<!tpu.dma_semaphore, #tpu.memory_space<semaphore_mem>>) src(%dma_wait3A_190 : memref<1000000x128xf32, #tpu.memory_space<hbm>>) dst(%arg9 : memref<128x128xf32, #tpu.memory_space<vmem>>)
      %scan3A_191 = arith.constant 0 : i32
      %scan3A_192 = arith.constant 16 : i32
      %scan3A_193 = arith.addi %scan3A_191, %scan3A_192 : i32
      %scan3A_194 = arith.constant 1 : i32
      %scan3A_195:8 = scf.for %scan3A_1523 = %scan3A_191 to %scan3A_193 step %scan3A_194 iter_args(%scan3A_1524 = %scan3A_172#0, %scan3A_1525 = %scan3A_172#1, %scan3A_1526 = %scan3A_172#2, %scan3A_1527 = %scan3A_172#3, %scan3A_1528 = %scan3A_172#4, %scan3A_1529 = %scan3A_172#5, %scan3A_1530 = %scan3A_172#6, %scan3A_1531 = %scan3A_172#7) -> (vector<16xf32>, vector<16xf32>, vector<16xf32>, vector<16xf32>, vector<16xf32>, vector<16xf32>, vector<16xf32>, vector<16xf32>)  : i32 {
        %get3A = arith.index_cast %scan3A_1523 : i32 to index
        %get3A_1532 = arith.constant 0 : index
        %get3A_1533 = tpu.vector_load %arg9[%get3A, %get3A_1532] {strides = array<i32>} : memref<128x128xf32, #tpu.memory_space<vmem>>, vector<1x16xf32>,
        %get3A_1534 = vector.shape_cast %get3A_1533 : vector<1x16xf32> to vector<16xf32>
        %add3A_1535 = arith.addf %scan3A_1524, %get3A_1534 : vector<16xf32>
        %get3A_1536 = arith.index_cast %scan3A_1523 : i32 to index
        %get3A_1537 = arith.constant 16 : index
        %get3A_1538 = tpu.vector_load %arg9[%get3A_1536, %get3A_1537] {strides = array<i32>} : memref<128x128xf32, #tpu.memory_space<vmem>>, vector<1x16xf32>,
        %get3A_1539 = vector.shape_cast %get3A_1538 : vector<1x16xf32> to vector<16xf32>
        %add3A_1540 = arith.addf %scan3A_1525, %get3A_1539 : vector<16xf32>
        %get3A_1541 = arith.index_cast %scan3A_1523 : i32 to index
        %get3A_1542 = arith.constant 32 : index
        %get3A_1543 = tpu.vector_load %arg9[%get3A_1541, %get3A_1542] {strides = array<i32>} : memref<128x128xf32, #tpu.memory_space<vmem>>, vector<1x16xf32>,
        %get3A_1544 = vector.shape_cast %get3A_1543 : vector<1x16xf32> to vector<16xf32>
        %add3A_1545 = arith.addf %scan3A_1526, %get3A_1544 : vector<16xf32>
        %get3A_1546 = arith.index_cast %scan3A_1523 : i32 to index
        %get3A_1547 = arith.constant 48 : index
        %get3A_1548 = tpu.vector_load %arg9[%get3A_1546, %get3A_1547] {strides = array<i32>} : memref<128x128xf32, #tpu.memory_space<vmem>>, vector<1x16xf32>,
        %get3A_1549 = vector.shape_cast %get3A_1548 : vector<1x16xf32> to vector<16xf32>
        %add3A_1550 = arith.addf %scan3A_1527, %get3A_1549 : vector<16xf32>
        %get3A_1551 = arith.index_cast %scan3A_1523 : i32 to index
        %get3A_1552 = arith.constant 64 : index
        %get3A_1553 = tpu.vector_load %arg9[%get3A_1551, %get3A_1552] {strides = array<i32>} : memref<128x128xf32, #tpu.memory_space<vmem>>, vector<1x16xf32>,
        %get3A_1554 = vector.shape_cast %get3A_1553 : vector<1x16xf32> to vector<16xf32>
        %add3A_1555 = arith.addf %scan3A_1528, %get3A_1554 : vector<16xf32>
        %get3A_1556 = arith.index_cast %scan3A_1523 : i32 to index
        %get3A_1557 = arith.constant 80 : index
        %get3A_1558 = tpu.vector_load %arg9[%get3A_1556, %get3A_1557] {strides = array<i32>} : memref<128x128xf32, #tpu.memory_space<vmem>>, vector<1x16xf32>,
        %get3A_1559 = vector.shape_cast %get3A_1558 : vector<1x16xf32> to vector<16xf32>
        %add3A_1560 = arith.addf %scan3A_1529, %get3A_1559 : vector<16xf32>
        %get3A_1561 = arith.index_cast %scan3A_1523 : i32 to index
        %get3A_1562 = arith.constant 96 : index
        %get3A_1563 = tpu.vector_load %arg9[%get3A_1561, %get3A_1562] {strides = array<i32>} : memref<128x128xf32, #tpu.memory_space<vmem>>, vector<1x16xf32>,
        %get3A_1564 = vector.shape_cast %get3A_1563 : vector<1x16xf32> to vector<16xf32>
        %add3A_1565 = arith.addf %scan3A_1530, %get3A_1564 : vector<16xf32>
        %get3A_1566 = arith.index_cast %scan3A_1523 : i32 to index
        %get3A_1567 = arith.constant 112 : index
        %get3A_1568 = tpu.vector_load %arg9[%get3A_1566, %get3A_1567] {strides = array<i32>} : memref<128x128xf32, #tpu.memory_space<vmem>>, vector<1x16xf32>,
        %get3A_1569 = vector.shape_cast %get3A_1568 : vector<1x16xf32> to vector<16xf32>
        %add3A_1570 = arith.addf %scan3A_1531, %get3A_1569 : vector<16xf32>
        scf.yield %add3A_1535, %add3A_1540, %add3A_1545, %add3A_1550, %add3A_1555, %add3A_1560, %add3A_1565, %add3A_1570 : vector<16xf32>, vector<16xf32>, vector<16xf32>, vector<16xf32>, vector<16xf32>, vector<16xf32>, vector<16xf32>, vector<16xf32>
      }
      %scan3A_196 = arith.constant 16 : i32
      %mul3A_197 = arith.constant 16 : i32
      %mul3A_198 = arith.muli %add3A_60, %mul3A_197 : i32
      %add3A_199 = arith.constant 1 : i32
      %add3A_200 = arith.addi %mul3A_198, %add3A_199 : i32
      %gt3A_201 = arith.constant 0 : i32
      %gt3A_202 = arith.cmpi sgt, %add3A_200, %gt3A_201 : i32
      %convert_element_type3A_203 = arith.extui %gt3A_202 : i1 to i32
      %cond3A_204 = arith.constant 0 : i32
      %cond3A_205 = arith.cmpi ne, %convert_element_type3A_203, %cond3A_204 : i32
      scf.if %cond3A_205 {
        %mul3A_1523 = arith.constant 128 : i32
        %mul3A_1524 = arith.muli %arg1, %mul3A_1523 : i32
        %add3A_1525 = arith.addi %mul3A_1524, %add3A_200 : i32
        %dma_wait3A_1526 = arith.constant 0 : i32
        %dma_wait3A_1527 = tpu.memref_slice %arg12[%add3A_1525, %dma_wait3A_1526] : memref<2048x128xf32, #tpu.memory_space<vmem_shared>> -> memref<1x128xf32, #tpu.memory_space<vmem_shared>>
        %dma_wait3A_1528 = tpu.memref_squeeze %dma_wait3A_1527 : memref<1x128xf32, #tpu.memory_space<vmem_shared>> -> memref<128xf32, #tpu.memory_space<vmem_shared>>
        %dma_wait3A_1529 = arith.constant 0 : i32
        %dma_wait3A_1530 = tpu.memref_slice %arg12[%add3A_1525, %dma_wait3A_1529] : memref<2048x128xf32, #tpu.memory_space<vmem_shared>> -> memref<1x128xf32, #tpu.memory_space<vmem_shared>>
        %dma_wait3A_1531 = tpu.memref_squeeze %dma_wait3A_1530 : memref<1x128xf32, #tpu.memory_space<vmem_shared>> -> memref<128xf32, #tpu.memory_space<vmem_shared>>
        tpu.wait_dma2 semaphore(%arg18 : memref<!tpu.dma_semaphore, #tpu.memory_space<semaphore_mem>>) src(%arg11 : memref<128xf32, #tpu.memory_space<vmem>>) dst(%dma_wait3A_1531 : memref<128xf32, #tpu.memory_space<vmem_shared>>)
      } else {
      }
      %swap3A_206 = arith.constant 0 : index
      %swap3A_207 = tpu.vector_load %arg11[%swap3A_206] {strides = array<i32>} : memref<128xf32, #tpu.memory_space<vmem>>, vector<16xf32>,
      %swap3A_208 = vector.shape_cast %swap3A_207 : vector<16xf32> to vector<16xf32>
      %swap3A_209 = vector.shape_cast %scan3A_195#0 : vector<16xf32> to vector<16xf32>
      tpu.vector_store %arg11[%swap3A_206], %swap3A_209 {strides = array<i32>} : memref<128xf32, #tpu.memory_space<vmem>>, vector<16xf32>,
      %swap3A_210 = arith.constant 16 : index
      %swap3A_211 = tpu.vector_load %arg11[%swap3A_210] {strides = array<i32>} : memref<128xf32, #tpu.memory_space<vmem>>, vector<16xf32>,
      %swap3A_212 = vector.shape_cast %swap3A_211 : vector<16xf32> to vector<16xf32>
      %swap3A_213 = vector.shape_cast %scan3A_195#1 : vector<16xf32> to vector<16xf32>
      tpu.vector_store %arg11[%swap3A_210], %swap3A_213 {strides = array<i32>} : memref<128xf32, #tpu.memory_space<vmem>>, vector<16xf32>,
      %swap3A_214 = arith.constant 32 : index
      %swap3A_215 = tpu.vector_load %arg11[%swap3A_214] {strides = array<i32>} : memref<128xf32, #tpu.memory_space<vmem>>, vector<16xf32>,
      %swap3A_216 = vector.shape_cast %swap3A_215 : vector<16xf32> to vector<16xf32>
      %swap3A_217 = vector.shape_cast %scan3A_195#2 : vector<16xf32> to vector<16xf32>
      tpu.vector_store %arg11[%swap3A_214], %swap3A_217 {strides = array<i32>} : memref<128xf32, #tpu.memory_space<vmem>>, vector<16xf32>,
      %swap3A_218 = arith.constant 48 : index
      %swap3A_219 = tpu.vector_load %arg11[%swap3A_218] {strides = array<i32>} : memref<128xf32, #tpu.memory_space<vmem>>, vector<16xf32>,
      %swap3A_220 = vector.shape_cast %swap3A_219 : vector<16xf32> to vector<16xf32>
      %swap3A_221 = vector.shape_cast %scan3A_195#3 : vector<16xf32> to vector<16xf32>
      tpu.vector_store %arg11[%swap3A_218], %swap3A_221 {strides = array<i32>} : memref<128xf32, #tpu.memory_space<vmem>>, vector<16xf32>,
      %swap3A_222 = arith.constant 64 : index
      %swap3A_223 = tpu.vector_load %arg11[%swap3A_222] {strides = array<i32>} : memref<128xf32, #tpu.memory_space<vmem>>, vector<16xf32>,
      %swap3A_224 = vector.shape_cast %swap3A_223 : vector<16xf32> to vector<16xf32>
      %swap3A_225 = vector.shape_cast %scan3A_195#4 : vector<16xf32> to vector<16xf32>
      tpu.vector_store %arg11[%swap3A_222], %swap3A_225 {strides = array<i32>} : memref<128xf32, #tpu.memory_space<vmem>>, vector<16xf32>,
      %swap3A_226 = arith.constant 80 : index
      %swap3A_227 = tpu.vector_load %arg11[%swap3A_226] {strides = array<i32>} : memref<128xf32, #tpu.memory_space<vmem>>, vector<16xf32>,
      %swap3A_228 = vector.shape_cast %swap3A_227 : vector<16xf32> to vector<16xf32>
      %swap3A_229 = vector.shape_cast %scan3A_195#5 : vector<16xf32> to vector<16xf32>
      tpu.vector_store %arg11[%swap3A_226], %swap3A_229 {strides = array<i32>} : memref<128xf32, #tpu.memory_space<vmem>>, vector<16xf32>,
      %swap3A_230 = arith.constant 96 : index
      %swap3A_231 = tpu.vector_load %arg11[%swap3A_230] {strides = array<i32>} : memref<128xf32, #tpu.memory_space<vmem>>, vector<16xf32>,
      %swap3A_232 = vector.shape_cast %swap3A_231 : vector<16xf32> to vector<16xf32>
      %swap3A_233 = vector.shape_cast %scan3A_195#6 : vector<16xf32> to vector<16xf32>
      tpu.vector_store %arg11[%swap3A_230], %swap3A_233 {strides = array<i32>} : memref<128xf32, #tpu.memory_space<vmem>>, vector<16xf32>,
      %swap3A_234 = arith.constant 112 : index
      %swap3A_235 = tpu.vector_load %arg11[%swap3A_234] {strides = array<i32>} : memref<128xf32, #tpu.memory_space<vmem>>, vector<16xf32>,
      %swap3A_236 = vector.shape_cast %swap3A_235 : vector<16xf32> to vector<16xf32>
      %swap3A_237 = vector.shape_cast %scan3A_195#7 : vector<16xf32> to vector<16xf32>
      tpu.vector_store %arg11[%swap3A_234], %swap3A_237 {strides = array<i32>} : memref<128xf32, #tpu.memory_space<vmem>>, vector<16xf32>,
      %mul3A_238 = arith.constant 128 : i32
      %mul3A_239 = arith.muli %arg1, %mul3A_238 : i32
      %add3A_240 = arith.addi %mul3A_239, %add3A_200 : i32
      %dma_start3A_241 = arith.constant 0 : i32
      %dma_start3A_242 = tpu.memref_slice %arg12[%add3A_240, %dma_start3A_241] : memref<2048x128xf32, #tpu.memory_space<vmem_shared>> -> memref<1x128xf32, #tpu.memory_space<vmem_shared>>
      %dma_start3A_243 = tpu.memref_squeeze %dma_start3A_242 : memref<1x128xf32, #tpu.memory_space<vmem_shared>> -> memref<128xf32, #tpu.memory_space<vmem_shared>>
      %dma_start3A_244 = arith.constant 0 : i32
      %dma_start3A_245 = tpu.memref_slice %arg12[%add3A_240, %dma_start3A_244] : memref<2048x128xf32, #tpu.memory_space<vmem_shared>> -> memref<1x128xf32, #tpu.memory_space<vmem_shared>>
      %dma_start3A_246 = tpu.memref_squeeze %dma_start3A_245 : memref<1x128xf32, #tpu.memory_space<vmem_shared>> -> memref<128xf32, #tpu.memory_space<vmem_shared>>
      tpu.enqueue_dma source(%arg11 : memref<128xf32, #tpu.memory_space<vmem>>) target(%dma_start3A_246 : memref<128xf32, #tpu.memory_space<vmem_shared>>) target_semaphore(%arg18 : memref<!tpu.dma_semaphore, #tpu.memory_space<semaphore_mem>>)
      %scan3A_247 = arith.constant 16 : i32
      %scan3A_248 = arith.constant 112 : i32
      %scan3A_249 = arith.addi %scan3A_247, %scan3A_248 : i32
      %scan3A_250 = arith.constant 1 : i32
      %scan3A_251:8 = scf.for %scan3A_1523 = %scan3A_247 to %scan3A_249 step %scan3A_250 iter_args(%scan3A_1524 = %broadcast_in_dim3A_3, %scan3A_1525 = %broadcast_in_dim3A_5, %scan3A_1526 = %broadcast_in_dim3A_7, %scan3A_1527 = %broadcast_in_dim3A_9, %scan3A_1528 = %broadcast_in_dim3A_11, %scan3A_1529 = %broadcast_in_dim3A_13, %scan3A_1530 = %broadcast_in_dim3A_15, %scan3A_1531 = %broadcast_in_dim3A_17) -> (vector<16xf32>, vector<16xf32>, vector<16xf32>, vector<16xf32>, vector<16xf32>, vector<16xf32>, vector<16xf32>, vector<16xf32>)  : i32 {
        %get3A = arith.index_cast %scan3A_1523 : i32 to index
        %get3A_1532 = arith.constant 0 : index
        %get3A_1533 = tpu.vector_load %arg9[%get3A, %get3A_1532] {strides = array<i32>} : memref<128x128xf32, #tpu.memory_space<vmem>>, vector<1x16xf32>,
        %get3A_1534 = vector.shape_cast %get3A_1533 : vector<1x16xf32> to vector<16xf32>
        %add3A_1535 = arith.addf %scan3A_1524, %get3A_1534 : vector<16xf32>
        %get3A_1536 = arith.index_cast %scan3A_1523 : i32 to index
        %get3A_1537 = arith.constant 16 : index
        %get3A_1538 = tpu.vector_load %arg9[%get3A_1536, %get3A_1537] {strides = array<i32>} : memref<128x128xf32, #tpu.memory_space<vmem>>, vector<1x16xf32>,
        %get3A_1539 = vector.shape_cast %get3A_1538 : vector<1x16xf32> to vector<16xf32>
        %add3A_1540 = arith.addf %scan3A_1525, %get3A_1539 : vector<16xf32>
        %get3A_1541 = arith.index_cast %scan3A_1523 : i32 to index
        %get3A_1542 = arith.constant 32 : index
        %get3A_1543 = tpu.vector_load %arg9[%get3A_1541, %get3A_1542] {strides = array<i32>} : memref<128x128xf32, #tpu.memory_space<vmem>>, vector<1x16xf32>,
        %get3A_1544 = vector.shape_cast %get3A_1543 : vector<1x16xf32> to vector<16xf32>
        %add3A_1545 = arith.addf %scan3A_1526, %get3A_1544 : vector<16xf32>
        %get3A_1546 = arith.index_cast %scan3A_1523 : i32 to index
        %get3A_1547 = arith.constant 48 : index
        %get3A_1548 = tpu.vector_load %arg9[%get3A_1546, %get3A_1547] {strides = array<i32>} : memref<128x128xf32, #tpu.memory_space<vmem>>, vector<1x16xf32>,
        %get3A_1549 = vector.shape_cast %get3A_1548 : vector<1x16xf32> to vector<16xf32>
        %add3A_1550 = arith.addf %scan3A_1527, %get3A_1549 : vector<16xf32>
        %get3A_1551 = arith.index_cast %scan3A_1523 : i32 to index
        %get3A_1552 = arith.constant 64 : index
        %get3A_1553 = tpu.vector_load %arg9[%get3A_1551, %get3A_1552] {strides = array<i32>} : memref<128x128xf32, #tpu.memory_space<vmem>>, vector<1x16xf32>,
        %get3A_1554 = vector.shape_cast %get3A_1553 : vector<1x16xf32> to vector<16xf32>
        %add3A_1555 = arith.addf %scan3A_1528, %get3A_1554 : vector<16xf32>
        %get3A_1556 = arith.index_cast %scan3A_1523 : i32 to index
        %get3A_1557 = arith.constant 80 : index
        %get3A_1558 = tpu.vector_load %arg9[%get3A_1556, %get3A_1557] {strides = array<i32>} : memref<128x128xf32, #tpu.memory_space<vmem>>, vector<1x16xf32>,
        %get3A_1559 = vector.shape_cast %get3A_1558 : vector<1x16xf32> to vector<16xf32>
        %add3A_1560 = arith.addf %scan3A_1529, %get3A_1559 : vector<16xf32>
        %get3A_1561 = arith.index_cast %scan3A_1523 : i32 to index
        %get3A_1562 = arith.constant 96 : index
        %get3A_1563 = tpu.vector_load %arg9[%get3A_1561, %get3A_1562] {strides = array<i32>} : memref<128x128xf32, #tpu.memory_space<vmem>>, vector<1x16xf32>,
        %get3A_1564 = vector.shape_cast %get3A_1563 : vector<1x16xf32> to vector<16xf32>
        %add3A_1565 = arith.addf %scan3A_1530, %get3A_1564 : vector<16xf32>
        %get3A_1566 = arith.index_cast %scan3A_1523 : i32 to index
        %get3A_1567 = arith.constant 112 : index
        %get3A_1568 = tpu.vector_load %arg9[%get3A_1566, %get3A_1567] {strides = array<i32>} : memref<128x128xf32, #tpu.memory_space<vmem>>, vector<1x16xf32>,
        %get3A_1569 = vector.shape_cast %get3A_1568 : vector<1x16xf32> to vector<16xf32>
        %add3A_1570 = arith.addf %scan3A_1531, %get3A_1569 : vector<16xf32>
        scf.yield %add3A_1535, %add3A_1540, %add3A_1545, %add3A_1550, %add3A_1555, %add3A_1560, %add3A_1565, %add3A_1570 : vector<16xf32>, vector<16xf32>, vector<16xf32>, vector<16xf32>, vector<16xf32>, vector<16xf32>, vector<16xf32>, vector<16xf32>
      }
      %scan3A_252 = arith.constant 112 : i32
      %add3A_253 = arith.constant 3 : i32
      %add3A_254 = arith.addi %mul3A_62, %add3A_253 : i32
      %add3A_255 = arith.constant 5 : i32
      %add3A_256 = arith.addi %add3A_254, %add3A_255 : i32
      %lt3A_257 = arith.constant 200 : i32
      %lt3A_258 = arith.cmpi slt, %add3A_256, %lt3A_257 : i32
      %convert_element_type3A_259 = arith.extui %lt3A_258 : i1 to i32
      %cond3A_260 = arith.constant 0 : i32
      %cond3A_261 = arith.cmpi ne, %convert_element_type3A_259, %cond3A_260 : i32
      scf.if %cond3A_261 {
        %add3A_1523 = arith.constant 3 : i32
        %add3A_1524 = arith.addi %mul3A_62, %add3A_1523 : i32
        %add3A_1525 = arith.constant 5 : i32
        %add3A_1526 = arith.addi %add3A_1524, %add3A_1525 : i32
        %mul3A_1527 = arith.constant 128 : i32
        %mul3A_1528 = arith.muli %add3A_1526, %mul3A_1527 : i32
        %dma_start3A_1529 = tpu.memref_slice %arg5[%mul3A_1528] : memref<25600xi32, #tpu.memory_space<vmem>> -> memref<128xi32, #tpu.memory_space<vmem>>
        %dma_start3A_1530 = arith.constant 0 : i32
        %dma_start3A_1531 = arith.constant 0 : i32
        %dma_start3A_1532 = tpu.memref_slice %arg3[%dma_start3A_1530, %dma_start3A_1531] : memref<1000000x128xf32, #tpu.memory_space<hbm>> -> memref<1000000x128xf32, #tpu.memory_space<hbm>>
        tpu.enqueue_indirect_dma source(%dma_start3A_1532 : memref<1000000x128xf32, #tpu.memory_space<hbm>>) target(%arg9 : memref<128x128xf32, #tpu.memory_space<vmem>>) offsets(%dma_start3A_1529 : memref<128xi32, #tpu.memory_space<vmem>>) semaphore(%arg16 : memref<!tpu.dma_semaphore, #tpu.memory_space<semaphore_mem>>)
      } else {
      }
      %add3A_262 = arith.constant 4 : i32
      %add3A_263 = arith.addi %mul3A_62, %add3A_262 : i32
      %mul3A_264 = arith.constant 128 : i32
      %mul3A_265 = arith.muli %add3A_263, %mul3A_264 : i32
      %dma_wait3A_266 = tpu.memref_slice %arg5[%mul3A_265] : memref<25600xi32, #tpu.memory_space<vmem>> -> memref<128xi32, #tpu.memory_space<vmem>>
      %dma_wait3A_267 = arith.constant 0 : i32
      %dma_wait3A_268 = arith.constant 0 : i32
      %dma_wait3A_269 = tpu.memref_slice %arg3[%dma_wait3A_267, %dma_wait3A_268] : memref<1000000x128xf32, #tpu.memory_space<hbm>> -> memref<1000000x128xf32, #tpu.memory_space<hbm>>
      tpu.wait_indirect_dma semaphore(%arg17 : memref<!tpu.dma_semaphore, #tpu.memory_space<semaphore_mem>>) src(%dma_wait3A_269 : memref<1000000x128xf32, #tpu.memory_space<hbm>>) dst(%arg10 : memref<128x128xf32, #tpu.memory_space<vmem>>)
      %scan3A_270 = arith.constant 0 : i32
      %scan3A_271 = arith.constant 88 : i32
      %scan3A_272 = arith.addi %scan3A_270, %scan3A_271 : i32
      %scan3A_273 = arith.constant 1 : i32
      %scan3A_274:8 = scf.for %scan3A_1523 = %scan3A_270 to %scan3A_272 step %scan3A_273 iter_args(%scan3A_1524 = %scan3A_251#0, %scan3A_1525 = %scan3A_251#1, %scan3A_1526 = %scan3A_251#2, %scan3A_1527 = %scan3A_251#3, %scan3A_1528 = %scan3A_251#4, %scan3A_1529 = %scan3A_251#5, %scan3A_1530 = %scan3A_251#6, %scan3A_1531 = %scan3A_251#7) -> (vector<16xf32>, vector<16xf32>, vector<16xf32>, vector<16xf32>, vector<16xf32>, vector<16xf32>, vector<16xf32>, vector<16xf32>)  : i32 {
        %get3A = arith.index_cast %scan3A_1523 : i32 to index
        %get3A_1532 = arith.constant 0 : index
        %get3A_1533 = tpu.vector_load %arg10[%get3A, %get3A_1532] {strides = array<i32>} : memref<128x128xf32, #tpu.memory_space<vmem>>, vector<1x16xf32>,
        %get3A_1534 = vector.shape_cast %get3A_1533 : vector<1x16xf32> to vector<16xf32>
        %add3A_1535 = arith.addf %scan3A_1524, %get3A_1534 : vector<16xf32>
        %get3A_1536 = arith.index_cast %scan3A_1523 : i32 to index
        %get3A_1537 = arith.constant 16 : index
        %get3A_1538 = tpu.vector_load %arg10[%get3A_1536, %get3A_1537] {strides = array<i32>} : memref<128x128xf32, #tpu.memory_space<vmem>>, vector<1x16xf32>,
        %get3A_1539 = vector.shape_cast %get3A_1538 : vector<1x16xf32> to vector<16xf32>
        %add3A_1540 = arith.addf %scan3A_1525, %get3A_1539 : vector<16xf32>
        %get3A_1541 = arith.index_cast %scan3A_1523 : i32 to index
        %get3A_1542 = arith.constant 32 : index
        %get3A_1543 = tpu.vector_load %arg10[%get3A_1541, %get3A_1542] {strides = array<i32>} : memref<128x128xf32, #tpu.memory_space<vmem>>, vector<1x16xf32>,
        %get3A_1544 = vector.shape_cast %get3A_1543 : vector<1x16xf32> to vector<16xf32>
        %add3A_1545 = arith.addf %scan3A_1526, %get3A_1544 : vector<16xf32>
        %get3A_1546 = arith.index_cast %scan3A_1523 : i32 to index
        %get3A_1547 = arith.constant 48 : index
        %get3A_1548 = tpu.vector_load %arg10[%get3A_1546, %get3A_1547] {strides = array<i32>} : memref<128x128xf32, #tpu.memory_space<vmem>>, vector<1x16xf32>,
        %get3A_1549 = vector.shape_cast %get3A_1548 : vector<1x16xf32> to vector<16xf32>
        %add3A_1550 = arith.addf %scan3A_1527, %get3A_1549 : vector<16xf32>
        %get3A_1551 = arith.index_cast %scan3A_1523 : i32 to index
        %get3A_1552 = arith.constant 64 : index
        %get3A_1553 = tpu.vector_load %arg10[%get3A_1551, %get3A_1552] {strides = array<i32>} : memref<128x128xf32, #tpu.memory_space<vmem>>, vector<1x16xf32>,
        %get3A_1554 = vector.shape_cast %get3A_1553 : vector<1x16xf32> to vector<16xf32>
        %add3A_1555 = arith.addf %scan3A_1528, %get3A_1554 : vector<16xf32>
        %get3A_1556 = arith.index_cast %scan3A_1523 : i32 to index
        %get3A_1557 = arith.constant 80 : index
        %get3A_1558 = tpu.vector_load %arg10[%get3A_1556, %get3A_1557] {strides = array<i32>} : memref<128x128xf32, #tpu.memory_space<vmem>>, vector<1x16xf32>,
        %get3A_1559 = vector.shape_cast %get3A_1558 : vector<1x16xf32> to vector<16xf32>
        %add3A_1560 = arith.addf %scan3A_1529, %get3A_1559 : vector<16xf32>
        %get3A_1561 = arith.index_cast %scan3A_1523 : i32 to index
        %get3A_1562 = arith.constant 96 : index
        %get3A_1563 = tpu.vector_load %arg10[%get3A_1561, %get3A_1562] {strides = array<i32>} : memref<128x128xf32, #tpu.memory_space<vmem>>, vector<1x16xf32>,
        %get3A_1564 = vector.shape_cast %get3A_1563 : vector<1x16xf32> to vector<16xf32>
        %add3A_1565 = arith.addf %scan3A_1530, %get3A_1564 : vector<16xf32>
        %get3A_1566 = arith.index_cast %scan3A_1523 : i32 to index
        %get3A_1567 = arith.constant 112 : index
        %get3A_1568 = tpu.vector_load %arg10[%get3A_1566, %get3A_1567] {strides = array<i32>} : memref<128x128xf32, #tpu.memory_space<vmem>>, vector<1x16xf32>,
        %get3A_1569 = vector.shape_cast %get3A_1568 : vector<1x16xf32> to vector<16xf32>
        %add3A_1570 = arith.addf %scan3A_1531, %get3A_1569 : vector<16xf32>
        scf.yield %add3A_1535, %add3A_1540, %add3A_1545, %add3A_1550, %add3A_1555, %add3A_1560, %add3A_1565, %add3A_1570 : vector<16xf32>, vector<16xf32>, vector<16xf32>, vector<16xf32>, vector<16xf32>, vector<16xf32>, vector<16xf32>, vector<16xf32>
      }
      %scan3A_275 = arith.constant 88 : i32
      %mul3A_276 = arith.constant 16 : i32
      %mul3A_277 = arith.muli %add3A_60, %mul3A_276 : i32
      %add3A_278 = arith.constant 2 : i32
      %add3A_279 = arith.addi %mul3A_277, %add3A_278 : i32
      %gt3A_280 = arith.constant 0 : i32
      %gt3A_281 = arith.cmpi sgt, %add3A_279, %gt3A_280 : i32
      %convert_element_type3A_282 = arith.extui %gt3A_281 : i1 to i32
      %cond3A_283 = arith.constant 0 : i32
      %cond3A_284 = arith.cmpi ne, %convert_element_type3A_282, %cond3A_283 : i32
      scf.if %cond3A_284 {
        %mul3A_1523 = arith.constant 128 : i32
        %mul3A_1524 = arith.muli %arg1, %mul3A_1523 : i32
        %add3A_1525 = arith.addi %mul3A_1524, %add3A_279 : i32
        %dma_wait3A_1526 = arith.constant 0 : i32
        %dma_wait3A_1527 = tpu.memref_slice %arg12[%add3A_1525, %dma_wait3A_1526] : memref<2048x128xf32, #tpu.memory_space<vmem_shared>> -> memref<1x128xf32, #tpu.memory_space<vmem_shared>>
        %dma_wait3A_1528 = tpu.memref_squeeze %dma_wait3A_1527 : memref<1x128xf32, #tpu.memory_space<vmem_shared>> -> memref<128xf32, #tpu.memory_space<vmem_shared>>
        %dma_wait3A_1529 = arith.constant 0 : i32
        %dma_wait3A_1530 = tpu.memref_slice %arg12[%add3A_1525, %dma_wait3A_1529] : memref<2048x128xf32, #tpu.memory_space<vmem_shared>> -> memref<1x128xf32, #tpu.memory_space<vmem_shared>>
        %dma_wait3A_1531 = tpu.memref_squeeze %dma_wait3A_1530 : memref<1x128xf32, #tpu.memory_space<vmem_shared>> -> memref<128xf32, #tpu.memory_space<vmem_shared>>
        tpu.wait_dma2 semaphore(%arg18 : memref<!tpu.dma_semaphore, #tpu.memory_space<semaphore_mem>>) src(%arg11 : memref<128xf32, #tpu.memory_space<vmem>>) dst(%dma_wait3A_1531 : memref<128xf32, #tpu.memory_space<vmem_shared>>)
      } else {
      }
      %swap3A_285 = arith.constant 0 : index
      %swap3A_286 = tpu.vector_load %arg11[%swap3A_285] {strides = array<i32>} : memref<128xf32, #tpu.memory_space<vmem>>, vector<16xf32>,
      %swap3A_287 = vector.shape_cast %swap3A_286 : vector<16xf32> to vector<16xf32>
      %swap3A_288 = vector.shape_cast %scan3A_274#0 : vector<16xf32> to vector<16xf32>
      tpu.vector_store %arg11[%swap3A_285], %swap3A_288 {strides = array<i32>} : memref<128xf32, #tpu.memory_space<vmem>>, vector<16xf32>,
      %swap3A_289 = arith.constant 16 : index
      %swap3A_290 = tpu.vector_load %arg11[%swap3A_289] {strides = array<i32>} : memref<128xf32, #tpu.memory_space<vmem>>, vector<16xf32>,
      %swap3A_291 = vector.shape_cast %swap3A_290 : vector<16xf32> to vector<16xf32>
      %swap3A_292 = vector.shape_cast %scan3A_274#1 : vector<16xf32> to vector<16xf32>
      tpu.vector_store %arg11[%swap3A_289], %swap3A_292 {strides = array<i32>} : memref<128xf32, #tpu.memory_space<vmem>>, vector<16xf32>,
      %swap3A_293 = arith.constant 32 : index
      %swap3A_294 = tpu.vector_load %arg11[%swap3A_293] {strides = array<i32>} : memref<128xf32, #tpu.memory_space<vmem>>, vector<16xf32>,
      %swap3A_295 = vector.shape_cast %swap3A_294 : vector<16xf32> to vector<16xf32>
      %swap3A_296 = vector.shape_cast %scan3A_274#2 : vector<16xf32> to vector<16xf32>
      tpu.vector_store %arg11[%swap3A_293], %swap3A_296 {strides = array<i32>} : memref<128xf32, #tpu.memory_space<vmem>>, vector<16xf32>,
      %swap3A_297 = arith.constant 48 : index
      %swap3A_298 = tpu.vector_load %arg11[%swap3A_297] {strides = array<i32>} : memref<128xf32, #tpu.memory_space<vmem>>, vector<16xf32>,
      %swap3A_299 = vector.shape_cast %swap3A_298 : vector<16xf32> to vector<16xf32>
      %swap3A_300 = vector.shape_cast %scan3A_274#3 : vector<16xf32> to vector<16xf32>
      tpu.vector_store %arg11[%swap3A_297], %swap3A_300 {strides = array<i32>} : memref<128xf32, #tpu.memory_space<vmem>>, vector<16xf32>,
      %swap3A_301 = arith.constant 64 : index
      %swap3A_302 = tpu.vector_load %arg11[%swap3A_301] {strides = array<i32>} : memref<128xf32, #tpu.memory_space<vmem>>, vector<16xf32>,
      %swap3A_303 = vector.shape_cast %swap3A_302 : vector<16xf32> to vector<16xf32>
      %swap3A_304 = vector.shape_cast %scan3A_274#4 : vector<16xf32> to vector<16xf32>
      tpu.vector_store %arg11[%swap3A_301], %swap3A_304 {strides = array<i32>} : memref<128xf32, #tpu.memory_space<vmem>>, vector<16xf32>,
      %swap3A_305 = arith.constant 80 : index
      %swap3A_306 = tpu.vector_load %arg11[%swap3A_305] {strides = array<i32>} : memref<128xf32, #tpu.memory_space<vmem>>, vector<16xf32>,
      %swap3A_307 = vector.shape_cast %swap3A_306 : vector<16xf32> to vector<16xf32>
      %swap3A_308 = vector.shape_cast %scan3A_274#5 : vector<16xf32> to vector<16xf32>
      tpu.vector_store %arg11[%swap3A_305], %swap3A_308 {strides = array<i32>} : memref<128xf32, #tpu.memory_space<vmem>>, vector<16xf32>,
      %swap3A_309 = arith.constant 96 : index
      %swap3A_310 = tpu.vector_load %arg11[%swap3A_309] {strides = array<i32>} : memref<128xf32, #tpu.memory_space<vmem>>, vector<16xf32>,
      %swap3A_311 = vector.shape_cast %swap3A_310 : vector<16xf32> to vector<16xf32>
      %swap3A_312 = vector.shape_cast %scan3A_274#6 : vector<16xf32> to vector<16xf32>
      tpu.vector_store %arg11[%swap3A_309], %swap3A_312 {strides = array<i32>} : memref<128xf32, #tpu.memory_space<vmem>>, vector<16xf32>,
      %swap3A_313 = arith.constant 112 : index
      %swap3A_314 = tpu.vector_load %arg11[%swap3A_313] {strides = array<i32>} : memref<128xf32, #tpu.memory_space<vmem>>, vector<16xf32>,
      %swap3A_315 = vector.shape_cast %swap3A_314 : vector<16xf32> to vector<16xf32>
      %swap3A_316 = vector.shape_cast %scan3A_274#7 : vector<16xf32> to vector<16xf32>
      tpu.vector_store %arg11[%swap3A_313], %swap3A_316 {strides = array<i32>} : memref<128xf32, #tpu.memory_space<vmem>>, vector<16xf32>,
      %mul3A_317 = arith.constant 128 : i32
      %mul3A_318 = arith.muli %arg1, %mul3A_317 : i32
      %add3A_319 = arith.addi %mul3A_318, %add3A_279 : i32
      %dma_start3A_320 = arith.constant 0 : i32
      %dma_start3A_321 = tpu.memref_slice %arg12[%add3A_319, %dma_start3A_320] : memref<2048x128xf32, #tpu.memory_space<vmem_shared>> -> memref<1x128xf32, #tpu.memory_space<vmem_shared>>
      %dma_start3A_322 = tpu.memref_squeeze %dma_start3A_321 : memref<1x128xf32, #tpu.memory_space<vmem_shared>> -> memref<128xf32, #tpu.memory_space<vmem_shared>>
      %dma_start3A_323 = arith.constant 0 : i32
      %dma_start3A_324 = tpu.memref_slice %arg12[%add3A_319, %dma_start3A_323] : memref<2048x128xf32, #tpu.memory_space<vmem_shared>> -> memref<1x128xf32, #tpu.memory_space<vmem_shared>>
      %dma_start3A_325 = tpu.memref_squeeze %dma_start3A_324 : memref<1x128xf32, #tpu.memory_space<vmem_shared>> -> memref<128xf32, #tpu.memory_space<vmem_shared>>
      tpu.enqueue_dma source(%arg11 : memref<128xf32, #tpu.memory_space<vmem>>) target(%dma_start3A_325 : memref<128xf32, #tpu.memory_space<vmem_shared>>) target_semaphore(%arg18 : memref<!tpu.dma_semaphore, #tpu.memory_space<semaphore_mem>>)
      %scan3A_326 = arith.constant 88 : i32
      %scan3A_327 = arith.constant 40 : i32
      %scan3A_328 = arith.addi %scan3A_326, %scan3A_327 : i32
      %scan3A_329 = arith.constant 1 : i32
      %scan3A_330:8 = scf.for %scan3A_1523 = %scan3A_326 to %scan3A_328 step %scan3A_329 iter_args(%scan3A_1524 = %broadcast_in_dim3A_3, %scan3A_1525 = %broadcast_in_dim3A_5, %scan3A_1526 = %broadcast_in_dim3A_7, %scan3A_1527 = %broadcast_in_dim3A_9, %scan3A_1528 = %broadcast_in_dim3A_11, %scan3A_1529 = %broadcast_in_dim3A_13, %scan3A_1530 = %broadcast_in_dim3A_15, %scan3A_1531 = %broadcast_in_dim3A_17) -> (vector<16xf32>, vector<16xf32>, vector<16xf32>, vector<16xf32>, vector<16xf32>, vector<16xf32>, vector<16xf32>, vector<16xf32>)  : i32 {
        %get3A = arith.index_cast %scan3A_1523 : i32 to index
        %get3A_1532 = arith.constant 0 : index
        %get3A_1533 = tpu.vector_load %arg10[%get3A, %get3A_1532] {strides = array<i32>} : memref<128x128xf32, #tpu.memory_space<vmem>>, vector<1x16xf32>,
        %get3A_1534 = vector.shape_cast %get3A_1533 : vector<1x16xf32> to vector<16xf32>
        %add3A_1535 = arith.addf %scan3A_1524, %get3A_1534 : vector<16xf32>
        %get3A_1536 = arith.index_cast %scan3A_1523 : i32 to index
        %get3A_1537 = arith.constant 16 : index
        %get3A_1538 = tpu.vector_load %arg10[%get3A_1536, %get3A_1537] {strides = array<i32>} : memref<128x128xf32, #tpu.memory_space<vmem>>, vector<1x16xf32>,
        %get3A_1539 = vector.shape_cast %get3A_1538 : vector<1x16xf32> to vector<16xf32>
        %add3A_1540 = arith.addf %scan3A_1525, %get3A_1539 : vector<16xf32>
        %get3A_1541 = arith.index_cast %scan3A_1523 : i32 to index
        %get3A_1542 = arith.constant 32 : index
        %get3A_1543 = tpu.vector_load %arg10[%get3A_1541, %get3A_1542] {strides = array<i32>} : memref<128x128xf32, #tpu.memory_space<vmem>>, vector<1x16xf32>,
        %get3A_1544 = vector.shape_cast %get3A_1543 : vector<1x16xf32> to vector<16xf32>
        %add3A_1545 = arith.addf %scan3A_1526, %get3A_1544 : vector<16xf32>
        %get3A_1546 = arith.index_cast %scan3A_1523 : i32 to index
        %get3A_1547 = arith.constant 48 : index
        %get3A_1548 = tpu.vector_load %arg10[%get3A_1546, %get3A_1547] {strides = array<i32>} : memref<128x128xf32, #tpu.memory_space<vmem>>, vector<1x16xf32>,
        %get3A_1549 = vector.shape_cast %get3A_1548 : vector<1x16xf32> to vector<16xf32>
        %add3A_1550 = arith.addf %scan3A_1527, %get3A_1549 : vector<16xf32>
        %get3A_1551 = arith.index_cast %scan3A_1523 : i32 to index
        %get3A_1552 = arith.constant 64 : index
        %get3A_1553 = tpu.vector_load %arg10[%get3A_1551, %get3A_1552] {strides = array<i32>} : memref<128x128xf32, #tpu.memory_space<vmem>>, vector<1x16xf32>,
        %get3A_1554 = vector.shape_cast %get3A_1553 : vector<1x16xf32> to vector<16xf32>
        %add3A_1555 = arith.addf %scan3A_1528, %get3A_1554 : vector<16xf32>
        %get3A_1556 = arith.index_cast %scan3A_1523 : i32 to index
        %get3A_1557 = arith.constant 80 : index
        %get3A_1558 = tpu.vector_load %arg10[%get3A_1556, %get3A_1557] {strides = array<i32>} : memref<128x128xf32, #tpu.memory_space<vmem>>, vector<1x16xf32>,
        %get3A_1559 = vector.shape_cast %get3A_1558 : vector<1x16xf32> to vector<16xf32>
        %add3A_1560 = arith.addf %scan3A_1529, %get3A_1559 : vector<16xf32>
        %get3A_1561 = arith.index_cast %scan3A_1523 : i32 to index
        %get3A_1562 = arith.constant 96 : index
        %get3A_1563 = tpu.vector_load %arg10[%get3A_1561, %get3A_1562] {strides = array<i32>} : memref<128x128xf32, #tpu.memory_space<vmem>>, vector<1x16xf32>,
        %get3A_1564 = vector.shape_cast %get3A_1563 : vector<1x16xf32> to vector<16xf32>
        %add3A_1565 = arith.addf %scan3A_1530, %get3A_1564 : vector<16xf32>
        %get3A_1566 = arith.index_cast %scan3A_1523 : i32 to index
        %get3A_1567 = arith.constant 112 : index
        %get3A_1568 = tpu.vector_load %arg10[%get3A_1566, %get3A_1567] {strides = array<i32>} : memref<128x128xf32, #tpu.memory_space<vmem>>, vector<1x16xf32>,
        %get3A_1569 = vector.shape_cast %get3A_1568 : vector<1x16xf32> to vector<16xf32>
        %add3A_1570 = arith.addf %scan3A_1531, %get3A_1569 : vector<16xf32>
        scf.yield %add3A_1535, %add3A_1540, %add3A_1545, %add3A_1550, %add3A_1555, %add3A_1560, %add3A_1565, %add3A_1570 : vector<16xf32>, vector<16xf32>, vector<16xf32>, vector<16xf32>, vector<16xf32>, vector<16xf32>, vector<16xf32>, vector<16xf32>
      }
      %scan3A_331 = arith.constant 40 : i32
      %add3A_332 = arith.constant 4 : i32
      %add3A_333 = arith.addi %mul3A_62, %add3A_332 : i32
      %add3A_334 = arith.constant 5 : i32
      %add3A_335 = arith.addi %add3A_333, %add3A_334 : i32
      %lt3A_336 = arith.constant 200 : i32
      %lt3A_337 = arith.cmpi slt, %add3A_335, %lt3A_336 : i32
      %convert_element_type3A_338 = arith.extui %lt3A_337 : i1 to i32
      %cond3A_339 = arith.constant 0 : i32
      %cond3A_340 = arith.cmpi ne, %convert_element_type3A_338, %cond3A_339 : i32
      scf.if %cond3A_340 {
        %add3A_1523 = arith.constant 4 : i32
        %add3A_1524 = arith.addi %mul3A_62, %add3A_1523 : i32
        %add3A_1525 = arith.constant 5 : i32
        %add3A_1526 = arith.addi %add3A_1524, %add3A_1525 : i32
        %mul3A_1527 = arith.constant 128 : i32
        %mul3A_1528 = arith.muli %add3A_1526, %mul3A_1527 : i32
        %dma_start3A_1529 = tpu.memref_slice %arg5[%mul3A_1528] : memref<25600xi32, #tpu.memory_space<vmem>> -> memref<128xi32, #tpu.memory_space<vmem>>
        %dma_start3A_1530 = arith.constant 0 : i32
        %dma_start3A_1531 = arith.constant 0 : i32
        %dma_start3A_1532 = tpu.memref_slice %arg3[%dma_start3A_1530, %dma_start3A_1531] : memref<1000000x128xf32, #tpu.memory_space<hbm>> -> memref<1000000x128xf32, #tpu.memory_space<hbm>>
        tpu.enqueue_indirect_dma source(%dma_start3A_1532 : memref<1000000x128xf32, #tpu.memory_space<hbm>>) target(%arg10 : memref<128x128xf32, #tpu.memory_space<vmem>>) offsets(%dma_start3A_1529 : memref<128xi32, #tpu.memory_space<vmem>>) semaphore(%arg17 : memref<!tpu.dma_semaphore, #tpu.memory_space<semaphore_mem>>)
      } else {
      }
      %add3A_341 = arith.constant 5 : i32
      %add3A_342 = arith.addi %mul3A_62, %add3A_341 : i32
      %mul3A_343 = arith.constant 128 : i32
      %mul3A_344 = arith.muli %add3A_342, %mul3A_343 : i32
      %dma_wait3A_345 = tpu.memref_slice %arg5[%mul3A_344] : memref<25600xi32, #tpu.memory_space<vmem>> -> memref<128xi32, #tpu.memory_space<vmem>>
      %dma_wait3A_346 = arith.constant 0 : i32
      %dma_wait3A_347 = arith.constant 0 : i32
      %dma_wait3A_348 = tpu.memref_slice %arg3[%dma_wait3A_346, %dma_wait3A_347] : memref<1000000x128xf32, #tpu.memory_space<hbm>> -> memref<1000000x128xf32, #tpu.memory_space<hbm>>
      tpu.wait_indirect_dma semaphore(%arg13 : memref<!tpu.dma_semaphore, #tpu.memory_space<semaphore_mem>>) src(%dma_wait3A_348 : memref<1000000x128xf32, #tpu.memory_space<hbm>>) dst(%arg6 : memref<128x128xf32, #tpu.memory_space<vmem>>)
      %scan3A_349 = arith.constant 0 : i32
      %scan3A_350 = arith.constant 128 : i32
      %scan3A_351 = arith.addi %scan3A_349, %scan3A_350 : i32
      %scan3A_352 = arith.constant 1 : i32
      %scan3A_353:8 = scf.for %scan3A_1523 = %scan3A_349 to %scan3A_351 step %scan3A_352 iter_args(%scan3A_1524 = %scan3A_330#0, %scan3A_1525 = %scan3A_330#1, %scan3A_1526 = %scan3A_330#2, %scan3A_1527 = %scan3A_330#3, %scan3A_1528 = %scan3A_330#4, %scan3A_1529 = %scan3A_330#5, %scan3A_1530 = %scan3A_330#6, %scan3A_1531 = %scan3A_330#7) -> (vector<16xf32>, vector<16xf32>, vector<16xf32>, vector<16xf32>, vector<16xf32>, vector<16xf32>, vector<16xf32>, vector<16xf32>)  : i32 {
        %get3A = arith.index_cast %scan3A_1523 : i32 to index
        %get3A_1532 = arith.constant 0 : index
        %get3A_1533 = tpu.vector_load %arg6[%get3A, %get3A_1532] {strides = array<i32>} : memref<128x128xf32, #tpu.memory_space<vmem>>, vector<1x16xf32>,
        %get3A_1534 = vector.shape_cast %get3A_1533 : vector<1x16xf32> to vector<16xf32>
        %add3A_1535 = arith.addf %scan3A_1524, %get3A_1534 : vector<16xf32>
        %get3A_1536 = arith.index_cast %scan3A_1523 : i32 to index
        %get3A_1537 = arith.constant 16 : index
        %get3A_1538 = tpu.vector_load %arg6[%get3A_1536, %get3A_1537] {strides = array<i32>} : memref<128x128xf32, #tpu.memory_space<vmem>>, vector<1x16xf32>,
        %get3A_1539 = vector.shape_cast %get3A_1538 : vector<1x16xf32> to vector<16xf32>
        %add3A_1540 = arith.addf %scan3A_1525, %get3A_1539 : vector<16xf32>
        %get3A_1541 = arith.index_cast %scan3A_1523 : i32 to index
        %get3A_1542 = arith.constant 32 : index
        %get3A_1543 = tpu.vector_load %arg6[%get3A_1541, %get3A_1542] {strides = array<i32>} : memref<128x128xf32, #tpu.memory_space<vmem>>, vector<1x16xf32>,
        %get3A_1544 = vector.shape_cast %get3A_1543 : vector<1x16xf32> to vector<16xf32>
        %add3A_1545 = arith.addf %scan3A_1526, %get3A_1544 : vector<16xf32>
        %get3A_1546 = arith.index_cast %scan3A_1523 : i32 to index
        %get3A_1547 = arith.constant 48 : index
        %get3A_1548 = tpu.vector_load %arg6[%get3A_1546, %get3A_1547] {strides = array<i32>} : memref<128x128xf32, #tpu.memory_space<vmem>>, vector<1x16xf32>,
        %get3A_1549 = vector.shape_cast %get3A_1548 : vector<1x16xf32> to vector<16xf32>
        %add3A_1550 = arith.addf %scan3A_1527, %get3A_1549 : vector<16xf32>
        %get3A_1551 = arith.index_cast %scan3A_1523 : i32 to index
        %get3A_1552 = arith.constant 64 : index
        %get3A_1553 = tpu.vector_load %arg6[%get3A_1551, %get3A_1552] {strides = array<i32>} : memref<128x128xf32, #tpu.memory_space<vmem>>, vector<1x16xf32>,
        %get3A_1554 = vector.shape_cast %get3A_1553 : vector<1x16xf32> to vector<16xf32>
        %add3A_1555 = arith.addf %scan3A_1528, %get3A_1554 : vector<16xf32>
        %get3A_1556 = arith.index_cast %scan3A_1523 : i32 to index
        %get3A_1557 = arith.constant 80 : index
        %get3A_1558 = tpu.vector_load %arg6[%get3A_1556, %get3A_1557] {strides = array<i32>} : memref<128x128xf32, #tpu.memory_space<vmem>>, vector<1x16xf32>,
        %get3A_1559 = vector.shape_cast %get3A_1558 : vector<1x16xf32> to vector<16xf32>
        %add3A_1560 = arith.addf %scan3A_1529, %get3A_1559 : vector<16xf32>
        %get3A_1561 = arith.index_cast %scan3A_1523 : i32 to index
        %get3A_1562 = arith.constant 96 : index
        %get3A_1563 = tpu.vector_load %arg6[%get3A_1561, %get3A_1562] {strides = array<i32>} : memref<128x128xf32, #tpu.memory_space<vmem>>, vector<1x16xf32>,
        %get3A_1564 = vector.shape_cast %get3A_1563 : vector<1x16xf32> to vector<16xf32>
        %add3A_1565 = arith.addf %scan3A_1530, %get3A_1564 : vector<16xf32>
        %get3A_1566 = arith.index_cast %scan3A_1523 : i32 to index
        %get3A_1567 = arith.constant 112 : index
        %get3A_1568 = tpu.vector_load %arg6[%get3A_1566, %get3A_1567] {strides = array<i32>} : memref<128x128xf32, #tpu.memory_space<vmem>>, vector<1x16xf32>,
        %get3A_1569 = vector.shape_cast %get3A_1568 : vector<1x16xf32> to vector<16xf32>
        %add3A_1570 = arith.addf %scan3A_1531, %get3A_1569 : vector<16xf32>
        scf.yield %add3A_1535, %add3A_1540, %add3A_1545, %add3A_1550, %add3A_1555, %add3A_1560, %add3A_1565, %add3A_1570 : vector<16xf32>, vector<16xf32>, vector<16xf32>, vector<16xf32>, vector<16xf32>, vector<16xf32>, vector<16xf32>, vector<16xf32>
      }
      %scan3A_354 = arith.constant 128 : i32
      %add3A_355 = arith.constant 5 : i32
      %add3A_356 = arith.addi %mul3A_62, %add3A_355 : i32
      %add3A_357 = arith.constant 5 : i32
      %add3A_358 = arith.addi %add3A_356, %add3A_357 : i32
      %lt3A_359 = arith.constant 200 : i32
      %lt3A_360 = arith.cmpi slt, %add3A_358, %lt3A_359 : i32
      %convert_element_type3A_361 = arith.extui %lt3A_360 : i1 to i32
      %cond3A_362 = arith.constant 0 : i32
      %cond3A_363 = arith.cmpi ne, %convert_element_type3A_361, %cond3A_362 : i32
      scf.if %cond3A_363 {
        %add3A_1523 = arith.constant 5 : i32
        %add3A_1524 = arith.addi %mul3A_62, %add3A_1523 : i32
        %add3A_1525 = arith.constant 5 : i32
        %add3A_1526 = arith.addi %add3A_1524, %add3A_1525 : i32
        %mul3A_1527 = arith.constant 128 : i32
        %mul3A_1528 = arith.muli %add3A_1526, %mul3A_1527 : i32
        %dma_start3A_1529 = tpu.memref_slice %arg5[%mul3A_1528] : memref<25600xi32, #tpu.memory_space<vmem>> -> memref<128xi32, #tpu.memory_space<vmem>>
        %dma_start3A_1530 = arith.constant 0 : i32
        %dma_start3A_1531 = arith.constant 0 : i32
        %dma_start3A_1532 = tpu.memref_slice %arg3[%dma_start3A_1530, %dma_start3A_1531] : memref<1000000x128xf32, #tpu.memory_space<hbm>> -> memref<1000000x128xf32, #tpu.memory_space<hbm>>
        tpu.enqueue_indirect_dma source(%dma_start3A_1532 : memref<1000000x128xf32, #tpu.memory_space<hbm>>) target(%arg6 : memref<128x128xf32, #tpu.memory_space<vmem>>) offsets(%dma_start3A_1529 : memref<128xi32, #tpu.memory_space<vmem>>) semaphore(%arg13 : memref<!tpu.dma_semaphore, #tpu.memory_space<semaphore_mem>>)
      } else {
      }
      %add3A_364 = arith.constant 6 : i32
      %add3A_365 = arith.addi %mul3A_62, %add3A_364 : i32
      %mul3A_366 = arith.constant 128 : i32
      %mul3A_367 = arith.muli %add3A_365, %mul3A_366 : i32
      %dma_wait3A_368 = tpu.memref_slice %arg5[%mul3A_367] : memref<25600xi32, #tpu.memory_space<vmem>> -> memref<128xi32, #tpu.memory_space<vmem>>
      %dma_wait3A_369 = arith.constant 0 : i32
      %dma_wait3A_370 = arith.constant 0 : i32
      %dma_wait3A_371 = tpu.memref_slice %arg3[%dma_wait3A_369, %dma_wait3A_370] : memref<1000000x128xf32, #tpu.memory_space<hbm>> -> memref<1000000x128xf32, #tpu.memory_space<hbm>>
      tpu.wait_indirect_dma semaphore(%arg14 : memref<!tpu.dma_semaphore, #tpu.memory_space<semaphore_mem>>) src(%dma_wait3A_371 : memref<1000000x128xf32, #tpu.memory_space<hbm>>) dst(%arg7 : memref<128x128xf32, #tpu.memory_space<vmem>>)
      %scan3A_372 = arith.constant 0 : i32
      %scan3A_373 = arith.constant 32 : i32
      %scan3A_374 = arith.addi %scan3A_372, %scan3A_373 : i32
      %scan3A_375 = arith.constant 1 : i32
      %scan3A_376:8 = scf.for %scan3A_1523 = %scan3A_372 to %scan3A_374 step %scan3A_375 iter_args(%scan3A_1524 = %scan3A_353#0, %scan3A_1525 = %scan3A_353#1, %scan3A_1526 = %scan3A_353#2, %scan3A_1527 = %scan3A_353#3, %scan3A_1528 = %scan3A_353#4, %scan3A_1529 = %scan3A_353#5, %scan3A_1530 = %scan3A_353#6, %scan3A_1531 = %scan3A_353#7) -> (vector<16xf32>, vector<16xf32>, vector<16xf32>, vector<16xf32>, vector<16xf32>, vector<16xf32>, vector<16xf32>, vector<16xf32>)  : i32 {
        %get3A = arith.index_cast %scan3A_1523 : i32 to index
        %get3A_1532 = arith.constant 0 : index
        %get3A_1533 = tpu.vector_load %arg7[%get3A, %get3A_1532] {strides = array<i32>} : memref<128x128xf32, #tpu.memory_space<vmem>>, vector<1x16xf32>,
        %get3A_1534 = vector.shape_cast %get3A_1533 : vector<1x16xf32> to vector<16xf32>
        %add3A_1535 = arith.addf %scan3A_1524, %get3A_1534 : vector<16xf32>
        %get3A_1536 = arith.index_cast %scan3A_1523 : i32 to index
        %get3A_1537 = arith.constant 16 : index
        %get3A_1538 = tpu.vector_load %arg7[%get3A_1536, %get3A_1537] {strides = array<i32>} : memref<128x128xf32, #tpu.memory_space<vmem>>, vector<1x16xf32>,
        %get3A_1539 = vector.shape_cast %get3A_1538 : vector<1x16xf32> to vector<16xf32>
        %add3A_1540 = arith.addf %scan3A_1525, %get3A_1539 : vector<16xf32>
        %get3A_1541 = arith.index_cast %scan3A_1523 : i32 to index
        %get3A_1542 = arith.constant 32 : index
        %get3A_1543 = tpu.vector_load %arg7[%get3A_1541, %get3A_1542] {strides = array<i32>} : memref<128x128xf32, #tpu.memory_space<vmem>>, vector<1x16xf32>,
        %get3A_1544 = vector.shape_cast %get3A_1543 : vector<1x16xf32> to vector<16xf32>
        %add3A_1545 = arith.addf %scan3A_1526, %get3A_1544 : vector<16xf32>
        %get3A_1546 = arith.index_cast %scan3A_1523 : i32 to index
        %get3A_1547 = arith.constant 48 : index
        %get3A_1548 = tpu.vector_load %arg7[%get3A_1546, %get3A_1547] {strides = array<i32>} : memref<128x128xf32, #tpu.memory_space<vmem>>, vector<1x16xf32>,
        %get3A_1549 = vector.shape_cast %get3A_1548 : vector<1x16xf32> to vector<16xf32>
        %add3A_1550 = arith.addf %scan3A_1527, %get3A_1549 : vector<16xf32>
        %get3A_1551 = arith.index_cast %scan3A_1523 : i32 to index
        %get3A_1552 = arith.constant 64 : index
        %get3A_1553 = tpu.vector_load %arg7[%get3A_1551, %get3A_1552] {strides = array<i32>} : memref<128x128xf32, #tpu.memory_space<vmem>>, vector<1x16xf32>,
        %get3A_1554 = vector.shape_cast %get3A_1553 : vector<1x16xf32> to vector<16xf32>
        %add3A_1555 = arith.addf %scan3A_1528, %get3A_1554 : vector<16xf32>
        %get3A_1556 = arith.index_cast %scan3A_1523 : i32 to index
        %get3A_1557 = arith.constant 80 : index
        %get3A_1558 = tpu.vector_load %arg7[%get3A_1556, %get3A_1557] {strides = array<i32>} : memref<128x128xf32, #tpu.memory_space<vmem>>, vector<1x16xf32>,
        %get3A_1559 = vector.shape_cast %get3A_1558 : vector<1x16xf32> to vector<16xf32>
        %add3A_1560 = arith.addf %scan3A_1529, %get3A_1559 : vector<16xf32>
        %get3A_1561 = arith.index_cast %scan3A_1523 : i32 to index
        %get3A_1562 = arith.constant 96 : index
        %get3A_1563 = tpu.vector_load %arg7[%get3A_1561, %get3A_1562] {strides = array<i32>} : memref<128x128xf32, #tpu.memory_space<vmem>>, vector<1x16xf32>,
        %get3A_1564 = vector.shape_cast %get3A_1563 : vector<1x16xf32> to vector<16xf32>
        %add3A_1565 = arith.addf %scan3A_1530, %get3A_1564 : vector<16xf32>
        %get3A_1566 = arith.index_cast %scan3A_1523 : i32 to index
        %get3A_1567 = arith.constant 112 : index
        %get3A_1568 = tpu.vector_load %arg7[%get3A_1566, %get3A_1567] {strides = array<i32>} : memref<128x128xf32, #tpu.memory_space<vmem>>, vector<1x16xf32>,
        %get3A_1569 = vector.shape_cast %get3A_1568 : vector<1x16xf32> to vector<16xf32>
        %add3A_1570 = arith.addf %scan3A_1531, %get3A_1569 : vector<16xf32>
        scf.yield %add3A_1535, %add3A_1540, %add3A_1545, %add3A_1550, %add3A_1555, %add3A_1560, %add3A_1565, %add3A_1570 : vector<16xf32>, vector<16xf32>, vector<16xf32>, vector<16xf32>, vector<16xf32>, vector<16xf32>, vector<16xf32>, vector<16xf32>
      }
      %scan3A_377 = arith.constant 32 : i32
      %mul3A_378 = arith.constant 16 : i32
      %mul3A_379 = arith.muli %add3A_60, %mul3A_378 : i32
      %add3A_380 = arith.constant 3 : i32
      %add3A_381 = arith.addi %mul3A_379, %add3A_380 : i32
      %gt3A_382 = arith.constant 0 : i32
      %gt3A_383 = arith.cmpi sgt, %add3A_381, %gt3A_382 : i32
      %convert_element_type3A_384 = arith.extui %gt3A_383 : i1 to i32
      %cond3A_385 = arith.constant 0 : i32
      %cond3A_386 = arith.cmpi ne, %convert_element_type3A_384, %cond3A_385 : i32
      scf.if %cond3A_386 {
        %mul3A_1523 = arith.constant 128 : i32
        %mul3A_1524 = arith.muli %arg1, %mul3A_1523 : i32
        %add3A_1525 = arith.addi %mul3A_1524, %add3A_381 : i32
        %dma_wait3A_1526 = arith.constant 0 : i32
        %dma_wait3A_1527 = tpu.memref_slice %arg12[%add3A_1525, %dma_wait3A_1526] : memref<2048x128xf32, #tpu.memory_space<vmem_shared>> -> memref<1x128xf32, #tpu.memory_space<vmem_shared>>
        %dma_wait3A_1528 = tpu.memref_squeeze %dma_wait3A_1527 : memref<1x128xf32, #tpu.memory_space<vmem_shared>> -> memref<128xf32, #tpu.memory_space<vmem_shared>>
        %dma_wait3A_1529 = arith.constant 0 : i32
        %dma_wait3A_1530 = tpu.memref_slice %arg12[%add3A_1525, %dma_wait3A_1529] : memref<2048x128xf32, #tpu.memory_space<vmem_shared>> -> memref<1x128xf32, #tpu.memory_space<vmem_shared>>
        %dma_wait3A_1531 = tpu.memref_squeeze %dma_wait3A_1530 : memref<1x128xf32, #tpu.memory_space<vmem_shared>> -> memref<128xf32, #tpu.memory_space<vmem_shared>>
        tpu.wait_dma2 semaphore(%arg18 : memref<!tpu.dma_semaphore, #tpu.memory_space<semaphore_mem>>) src(%arg11 : memref<128xf32, #tpu.memory_space<vmem>>) dst(%dma_wait3A_1531 : memref<128xf32, #tpu.memory_space<vmem_shared>>)
      } else {
      }
      %swap3A_387 = arith.constant 0 : index
      %swap3A_388 = tpu.vector_load %arg11[%swap3A_387] {strides = array<i32>} : memref<128xf32, #tpu.memory_space<vmem>>, vector<16xf32>,
      %swap3A_389 = vector.shape_cast %swap3A_388 : vector<16xf32> to vector<16xf32>
      %swap3A_390 = vector.shape_cast %scan3A_376#0 : vector<16xf32> to vector<16xf32>
      tpu.vector_store %arg11[%swap3A_387], %swap3A_390 {strides = array<i32>} : memref<128xf32, #tpu.memory_space<vmem>>, vector<16xf32>,
      %swap3A_391 = arith.constant 16 : index
      %swap3A_392 = tpu.vector_load %arg11[%swap3A_391] {strides = array<i32>} : memref<128xf32, #tpu.memory_space<vmem>>, vector<16xf32>,
      %swap3A_393 = vector.shape_cast %swap3A_392 : vector<16xf32> to vector<16xf32>
      %swap3A_394 = vector.shape_cast %scan3A_376#1 : vector<16xf32> to vector<16xf32>
      tpu.vector_store %arg11[%swap3A_391], %swap3A_394 {strides = array<i32>} : memref<128xf32, #tpu.memory_space<vmem>>, vector<16xf32>,
      %swap3A_395 = arith.constant 32 : index
      %swap3A_396 = tpu.vector_load %arg11[%swap3A_395] {strides = array<i32>} : memref<128xf32, #tpu.memory_space<vmem>>, vector<16xf32>,
      %swap3A_397 = vector.shape_cast %swap3A_396 : vector<16xf32> to vector<16xf32>
      %swap3A_398 = vector.shape_cast %scan3A_376#2 : vector<16xf32> to vector<16xf32>
      tpu.vector_store %arg11[%swap3A_395], %swap3A_398 {strides = array<i32>} : memref<128xf32, #tpu.memory_space<vmem>>, vector<16xf32>,
      %swap3A_399 = arith.constant 48 : index
      %swap3A_400 = tpu.vector_load %arg11[%swap3A_399] {strides = array<i32>} : memref<128xf32, #tpu.memory_space<vmem>>, vector<16xf32>,
      %swap3A_401 = vector.shape_cast %swap3A_400 : vector<16xf32> to vector<16xf32>
      %swap3A_402 = vector.shape_cast %scan3A_376#3 : vector<16xf32> to vector<16xf32>
      tpu.vector_store %arg11[%swap3A_399], %swap3A_402 {strides = array<i32>} : memref<128xf32, #tpu.memory_space<vmem>>, vector<16xf32>,
      %swap3A_403 = arith.constant 64 : index
      %swap3A_404 = tpu.vector_load %arg11[%swap3A_403] {strides = array<i32>} : memref<128xf32, #tpu.memory_space<vmem>>, vector<16xf32>,
      %swap3A_405 = vector.shape_cast %swap3A_404 : vector<16xf32> to vector<16xf32>
      %swap3A_406 = vector.shape_cast %scan3A_376#4 : vector<16xf32> to vector<16xf32>
      tpu.vector_store %arg11[%swap3A_403], %swap3A_406 {strides = array<i32>} : memref<128xf32, #tpu.memory_space<vmem>>, vector<16xf32>,
      %swap3A_407 = arith.constant 80 : index
      %swap3A_408 = tpu.vector_load %arg11[%swap3A_407] {strides = array<i32>} : memref<128xf32, #tpu.memory_space<vmem>>, vector<16xf32>,
      %swap3A_409 = vector.shape_cast %swap3A_408 : vector<16xf32> to vector<16xf32>
      %swap3A_410 = vector.shape_cast %scan3A_376#5 : vector<16xf32> to vector<16xf32>
      tpu.vector_store %arg11[%swap3A_407], %swap3A_410 {strides = array<i32>} : memref<128xf32, #tpu.memory_space<vmem>>, vector<16xf32>,
      %swap3A_411 = arith.constant 96 : index
      %swap3A_412 = tpu.vector_load %arg11[%swap3A_411] {strides = array<i32>} : memref<128xf32, #tpu.memory_space<vmem>>, vector<16xf32>,
      %swap3A_413 = vector.shape_cast %swap3A_412 : vector<16xf32> to vector<16xf32>
      %swap3A_414 = vector.shape_cast %scan3A_376#6 : vector<16xf32> to vector<16xf32>
      tpu.vector_store %arg11[%swap3A_411], %swap3A_414 {strides = array<i32>} : memref<128xf32, #tpu.memory_space<vmem>>, vector<16xf32>,
      %swap3A_415 = arith.constant 112 : index
      %swap3A_416 = tpu.vector_load %arg11[%swap3A_415] {strides = array<i32>} : memref<128xf32, #tpu.memory_space<vmem>>, vector<16xf32>,
      %swap3A_417 = vector.shape_cast %swap3A_416 : vector<16xf32> to vector<16xf32>
      %swap3A_418 = vector.shape_cast %scan3A_376#7 : vector<16xf32> to vector<16xf32>
      tpu.vector_store %arg11[%swap3A_415], %swap3A_418 {strides = array<i32>} : memref<128xf32, #tpu.memory_space<vmem>>, vector<16xf32>,
      %mul3A_419 = arith.constant 128 : i32
      %mul3A_420 = arith.muli %arg1, %mul3A_419 : i32
      %add3A_421 = arith.addi %mul3A_420, %add3A_381 : i32
      %dma_start3A_422 = arith.constant 0 : i32
      %dma_start3A_423 = tpu.memref_slice %arg12[%add3A_421, %dma_start3A_422] : memref<2048x128xf32, #tpu.memory_space<vmem_shared>> -> memref<1x128xf32, #tpu.memory_space<vmem_shared>>
      %dma_start3A_424 = tpu.memref_squeeze %dma_start3A_423 : memref<1x128xf32, #tpu.memory_space<vmem_shared>> -> memref<128xf32, #tpu.memory_space<vmem_shared>>
      %dma_start3A_425 = arith.constant 0 : i32
      %dma_start3A_426 = tpu.memref_slice %arg12[%add3A_421, %dma_start3A_425] : memref<2048x128xf32, #tpu.memory_space<vmem_shared>> -> memref<1x128xf32, #tpu.memory_space<vmem_shared>>
      %dma_start3A_427 = tpu.memref_squeeze %dma_start3A_426 : memref<1x128xf32, #tpu.memory_space<vmem_shared>> -> memref<128xf32, #tpu.memory_space<vmem_shared>>
      tpu.enqueue_dma source(%arg11 : memref<128xf32, #tpu.memory_space<vmem>>) target(%dma_start3A_427 : memref<128xf32, #tpu.memory_space<vmem_shared>>) target_semaphore(%arg18 : memref<!tpu.dma_semaphore, #tpu.memory_space<semaphore_mem>>)
      %scan3A_428 = arith.constant 32 : i32
      %scan3A_429 = arith.constant 96 : i32
      %scan3A_430 = arith.addi %scan3A_428, %scan3A_429 : i32
      %scan3A_431 = arith.constant 1 : i32
      %scan3A_432:8 = scf.for %scan3A_1523 = %scan3A_428 to %scan3A_430 step %scan3A_431 iter_args(%scan3A_1524 = %broadcast_in_dim3A_3, %scan3A_1525 = %broadcast_in_dim3A_5, %scan3A_1526 = %broadcast_in_dim3A_7, %scan3A_1527 = %broadcast_in_dim3A_9, %scan3A_1528 = %broadcast_in_dim3A_11, %scan3A_1529 = %broadcast_in_dim3A_13, %scan3A_1530 = %broadcast_in_dim3A_15, %scan3A_1531 = %broadcast_in_dim3A_17) -> (vector<16xf32>, vector<16xf32>, vector<16xf32>, vector<16xf32>, vector<16xf32>, vector<16xf32>, vector<16xf32>, vector<16xf32>)  : i32 {
        %get3A = arith.index_cast %scan3A_1523 : i32 to index
        %get3A_1532 = arith.constant 0 : index
        %get3A_1533 = tpu.vector_load %arg7[%get3A, %get3A_1532] {strides = array<i32>} : memref<128x128xf32, #tpu.memory_space<vmem>>, vector<1x16xf32>,
        %get3A_1534 = vector.shape_cast %get3A_1533 : vector<1x16xf32> to vector<16xf32>
        %add3A_1535 = arith.addf %scan3A_1524, %get3A_1534 : vector<16xf32>
        %get3A_1536 = arith.index_cast %scan3A_1523 : i32 to index
        %get3A_1537 = arith.constant 16 : index
        %get3A_1538 = tpu.vector_load %arg7[%get3A_1536, %get3A_1537] {strides = array<i32>} : memref<128x128xf32, #tpu.memory_space<vmem>>, vector<1x16xf32>,
        %get3A_1539 = vector.shape_cast %get3A_1538 : vector<1x16xf32> to vector<16xf32>
        %add3A_1540 = arith.addf %scan3A_1525, %get3A_1539 : vector<16xf32>
        %get3A_1541 = arith.index_cast %scan3A_1523 : i32 to index
        %get3A_1542 = arith.constant 32 : index
        %get3A_1543 = tpu.vector_load %arg7[%get3A_1541, %get3A_1542] {strides = array<i32>} : memref<128x128xf32, #tpu.memory_space<vmem>>, vector<1x16xf32>,
        %get3A_1544 = vector.shape_cast %get3A_1543 : vector<1x16xf32> to vector<16xf32>
        %add3A_1545 = arith.addf %scan3A_1526, %get3A_1544 : vector<16xf32>
        %get3A_1546 = arith.index_cast %scan3A_1523 : i32 to index
        %get3A_1547 = arith.constant 48 : index
        %get3A_1548 = tpu.vector_load %arg7[%get3A_1546, %get3A_1547] {strides = array<i32>} : memref<128x128xf32, #tpu.memory_space<vmem>>, vector<1x16xf32>,
        %get3A_1549 = vector.shape_cast %get3A_1548 : vector<1x16xf32> to vector<16xf32>
        %add3A_1550 = arith.addf %scan3A_1527, %get3A_1549 : vector<16xf32>
        %get3A_1551 = arith.index_cast %scan3A_1523 : i32 to index
        %get3A_1552 = arith.constant 64 : index
        %get3A_1553 = tpu.vector_load %arg7[%get3A_1551, %get3A_1552] {strides = array<i32>} : memref<128x128xf32, #tpu.memory_space<vmem>>, vector<1x16xf32>,
        %get3A_1554 = vector.shape_cast %get3A_1553 : vector<1x16xf32> to vector<16xf32>
        %add3A_1555 = arith.addf %scan3A_1528, %get3A_1554 : vector<16xf32>
        %get3A_1556 = arith.index_cast %scan3A_1523 : i32 to index
        %get3A_1557 = arith.constant 80 : index
        %get3A_1558 = tpu.vector_load %arg7[%get3A_1556, %get3A_1557] {strides = array<i32>} : memref<128x128xf32, #tpu.memory_space<vmem>>, vector<1x16xf32>,
        %get3A_1559 = vector.shape_cast %get3A_1558 : vector<1x16xf32> to vector<16xf32>
        %add3A_1560 = arith.addf %scan3A_1529, %get3A_1559 : vector<16xf32>
        %get3A_1561 = arith.index_cast %scan3A_1523 : i32 to index
        %get3A_1562 = arith.constant 96 : index
        %get3A_1563 = tpu.vector_load %arg7[%get3A_1561, %get3A_1562] {strides = array<i32>} : memref<128x128xf32, #tpu.memory_space<vmem>>, vector<1x16xf32>,
        %get3A_1564 = vector.shape_cast %get3A_1563 : vector<1x16xf32> to vector<16xf32>
        %add3A_1565 = arith.addf %scan3A_1530, %get3A_1564 : vector<16xf32>
        %get3A_1566 = arith.index_cast %scan3A_1523 : i32 to index
        %get3A_1567 = arith.constant 112 : index
        %get3A_1568 = tpu.vector_load %arg7[%get3A_1566, %get3A_1567] {strides = array<i32>} : memref<128x128xf32, #tpu.memory_space<vmem>>, vector<1x16xf32>,
        %get3A_1569 = vector.shape_cast %get3A_1568 : vector<1x16xf32> to vector<16xf32>
        %add3A_1570 = arith.addf %scan3A_1531, %get3A_1569 : vector<16xf32>
        scf.yield %add3A_1535, %add3A_1540, %add3A_1545, %add3A_1550, %add3A_1555, %add3A_1560, %add3A_1565, %add3A_1570 : vector<16xf32>, vector<16xf32>, vector<16xf32>, vector<16xf32>, vector<16xf32>, vector<16xf32>, vector<16xf32>, vector<16xf32>
      }
      %scan3A_433 = arith.constant 96 : i32
      %add3A_434 = arith.constant 6 : i32
      %add3A_435 = arith.addi %mul3A_62, %add3A_434 : i32
      %add3A_436 = arith.constant 5 : i32
      %add3A_437 = arith.addi %add3A_435, %add3A_436 : i32
      %lt3A_438 = arith.constant 200 : i32
      %lt3A_439 = arith.cmpi slt, %add3A_437, %lt3A_438 : i32
      %convert_element_type3A_440 = arith.extui %lt3A_439 : i1 to i32
      %cond3A_441 = arith.constant 0 : i32
      %cond3A_442 = arith.cmpi ne, %convert_element_type3A_440, %cond3A_441 : i32
      scf.if %cond3A_442 {
        %add3A_1523 = arith.constant 6 : i32
        %add3A_1524 = arith.addi %mul3A_62, %add3A_1523 : i32
        %add3A_1525 = arith.constant 5 : i32
        %add3A_1526 = arith.addi %add3A_1524, %add3A_1525 : i32
        %mul3A_1527 = arith.constant 128 : i32
        %mul3A_1528 = arith.muli %add3A_1526, %mul3A_1527 : i32
        %dma_start3A_1529 = tpu.memref_slice %arg5[%mul3A_1528] : memref<25600xi32, #tpu.memory_space<vmem>> -> memref<128xi32, #tpu.memory_space<vmem>>
        %dma_start3A_1530 = arith.constant 0 : i32
        %dma_start3A_1531 = arith.constant 0 : i32
        %dma_start3A_1532 = tpu.memref_slice %arg3[%dma_start3A_1530, %dma_start3A_1531] : memref<1000000x128xf32, #tpu.memory_space<hbm>> -> memref<1000000x128xf32, #tpu.memory_space<hbm>>
        tpu.enqueue_indirect_dma source(%dma_start3A_1532 : memref<1000000x128xf32, #tpu.memory_space<hbm>>) target(%arg7 : memref<128x128xf32, #tpu.memory_space<vmem>>) offsets(%dma_start3A_1529 : memref<128xi32, #tpu.memory_space<vmem>>) semaphore(%arg14 : memref<!tpu.dma_semaphore, #tpu.memory_space<semaphore_mem>>)
      } else {
      }
      %add3A_443 = arith.constant 7 : i32
      %add3A_444 = arith.addi %mul3A_62, %add3A_443 : i32
      %mul3A_445 = arith.constant 128 : i32
      %mul3A_446 = arith.muli %add3A_444, %mul3A_445 : i32
      %dma_wait3A_447 = tpu.memref_slice %arg5[%mul3A_446] : memref<25600xi32, #tpu.memory_space<vmem>> -> memref<128xi32, #tpu.memory_space<vmem>>
      %dma_wait3A_448 = arith.constant 0 : i32
      %dma_wait3A_449 = arith.constant 0 : i32
      %dma_wait3A_450 = tpu.memref_slice %arg3[%dma_wait3A_448, %dma_wait3A_449] : memref<1000000x128xf32, #tpu.memory_space<hbm>> -> memref<1000000x128xf32, #tpu.memory_space<hbm>>
      tpu.wait_indirect_dma semaphore(%arg15 : memref<!tpu.dma_semaphore, #tpu.memory_space<semaphore_mem>>) src(%dma_wait3A_450 : memref<1000000x128xf32, #tpu.memory_space<hbm>>) dst(%arg8 : memref<128x128xf32, #tpu.memory_space<vmem>>)
      %scan3A_451 = arith.constant 0 : i32
      %scan3A_452 = arith.constant 104 : i32
      %scan3A_453 = arith.addi %scan3A_451, %scan3A_452 : i32
      %scan3A_454 = arith.constant 1 : i32
      %scan3A_455:8 = scf.for %scan3A_1523 = %scan3A_451 to %scan3A_453 step %scan3A_454 iter_args(%scan3A_1524 = %scan3A_432#0, %scan3A_1525 = %scan3A_432#1, %scan3A_1526 = %scan3A_432#2, %scan3A_1527 = %scan3A_432#3, %scan3A_1528 = %scan3A_432#4, %scan3A_1529 = %scan3A_432#5, %scan3A_1530 = %scan3A_432#6, %scan3A_1531 = %scan3A_432#7) -> (vector<16xf32>, vector<16xf32>, vector<16xf32>, vector<16xf32>, vector<16xf32>, vector<16xf32>, vector<16xf32>, vector<16xf32>)  : i32 {
        %get3A = arith.index_cast %scan3A_1523 : i32 to index
        %get3A_1532 = arith.constant 0 : index
        %get3A_1533 = tpu.vector_load %arg8[%get3A, %get3A_1532] {strides = array<i32>} : memref<128x128xf32, #tpu.memory_space<vmem>>, vector<1x16xf32>,
        %get3A_1534 = vector.shape_cast %get3A_1533 : vector<1x16xf32> to vector<16xf32>
        %add3A_1535 = arith.addf %scan3A_1524, %get3A_1534 : vector<16xf32>
        %get3A_1536 = arith.index_cast %scan3A_1523 : i32 to index
        %get3A_1537 = arith.constant 16 : index
        %get3A_1538 = tpu.vector_load %arg8[%get3A_1536, %get3A_1537] {strides = array<i32>} : memref<128x128xf32, #tpu.memory_space<vmem>>, vector<1x16xf32>,
        %get3A_1539 = vector.shape_cast %get3A_1538 : vector<1x16xf32> to vector<16xf32>
        %add3A_1540 = arith.addf %scan3A_1525, %get3A_1539 : vector<16xf32>
        %get3A_1541 = arith.index_cast %scan3A_1523 : i32 to index
        %get3A_1542 = arith.constant 32 : index
        %get3A_1543 = tpu.vector_load %arg8[%get3A_1541, %get3A_1542] {strides = array<i32>} : memref<128x128xf32, #tpu.memory_space<vmem>>, vector<1x16xf32>,
        %get3A_1544 = vector.shape_cast %get3A_1543 : vector<1x16xf32> to vector<16xf32>
        %add3A_1545 = arith.addf %scan3A_1526, %get3A_1544 : vector<16xf32>
        %get3A_1546 = arith.index_cast %scan3A_1523 : i32 to index
        %get3A_1547 = arith.constant 48 : index
        %get3A_1548 = tpu.vector_load %arg8[%get3A_1546, %get3A_1547] {strides = array<i32>} : memref<128x128xf32, #tpu.memory_space<vmem>>, vector<1x16xf32>,
        %get3A_1549 = vector.shape_cast %get3A_1548 : vector<1x16xf32> to vector<16xf32>
        %add3A_1550 = arith.addf %scan3A_1527, %get3A_1549 : vector<16xf32>
        %get3A_1551 = arith.index_cast %scan3A_1523 : i32 to index
        %get3A_1552 = arith.constant 64 : index
        %get3A_1553 = tpu.vector_load %arg8[%get3A_1551, %get3A_1552] {strides = array<i32>} : memref<128x128xf32, #tpu.memory_space<vmem>>, vector<1x16xf32>,
        %get3A_1554 = vector.shape_cast %get3A_1553 : vector<1x16xf32> to vector<16xf32>
        %add3A_1555 = arith.addf %scan3A_1528, %get3A_1554 : vector<16xf32>
        %get3A_1556 = arith.index_cast %scan3A_1523 : i32 to index
        %get3A_1557 = arith.constant 80 : index
        %get3A_1558 = tpu.vector_load %arg8[%get3A_1556, %get3A_1557] {strides = array<i32>} : memref<128x128xf32, #tpu.memory_space<vmem>>, vector<1x16xf32>,
        %get3A_1559 = vector.shape_cast %get3A_1558 : vector<1x16xf32> to vector<16xf32>
        %add3A_1560 = arith.addf %scan3A_1529, %get3A_1559 : vector<16xf32>
        %get3A_1561 = arith.index_cast %scan3A_1523 : i32 to index
        %get3A_1562 = arith.constant 96 : index
        %get3A_1563 = tpu.vector_load %arg8[%get3A_1561, %get3A_1562] {strides = array<i32>} : memref<128x128xf32, #tpu.memory_space<vmem>>, vector<1x16xf32>,
        %get3A_1564 = vector.shape_cast %get3A_1563 : vector<1x16xf32> to vector<16xf32>
        %add3A_1565 = arith.addf %scan3A_1530, %get3A_1564 : vector<16xf32>
        %get3A_1566 = arith.index_cast %scan3A_1523 : i32 to index
        %get3A_1567 = arith.constant 112 : index
        %get3A_1568 = tpu.vector_load %arg8[%get3A_1566, %get3A_1567] {strides = array<i32>} : memref<128x128xf32, #tpu.memory_space<vmem>>, vector<1x16xf32>,
        %get3A_1569 = vector.shape_cast %get3A_1568 : vector<1x16xf32> to vector<16xf32>
        %add3A_1570 = arith.addf %scan3A_1531, %get3A_1569 : vector<16xf32>
        scf.yield %add3A_1535, %add3A_1540, %add3A_1545, %add3A_1550, %add3A_1555, %add3A_1560, %add3A_1565, %add3A_1570 : vector<16xf32>, vector<16xf32>, vector<16xf32>, vector<16xf32>, vector<16xf32>, vector<16xf32>, vector<16xf32>, vector<16xf32>
      }
      %scan3A_456 = arith.constant 104 : i32
      %mul3A_457 = arith.constant 16 : i32
      %mul3A_458 = arith.muli %add3A_60, %mul3A_457 : i32
      %add3A_459 = arith.constant 4 : i32
      %add3A_460 = arith.addi %mul3A_458, %add3A_459 : i32
      %gt3A_461 = arith.constant 0 : i32
      %gt3A_462 = arith.cmpi sgt, %add3A_460, %gt3A_461 : i32
      %convert_element_type3A_463 = arith.extui %gt3A_462 : i1 to i32
      %cond3A_464 = arith.constant 0 : i32
      %cond3A_465 = arith.cmpi ne, %convert_element_type3A_463, %cond3A_464 : i32
      scf.if %cond3A_465 {
        %mul3A_1523 = arith.constant 128 : i32
        %mul3A_1524 = arith.muli %arg1, %mul3A_1523 : i32
        %add3A_1525 = arith.addi %mul3A_1524, %add3A_460 : i32
        %dma_wait3A_1526 = arith.constant 0 : i32
        %dma_wait3A_1527 = tpu.memref_slice %arg12[%add3A_1525, %dma_wait3A_1526] : memref<2048x128xf32, #tpu.memory_space<vmem_shared>> -> memref<1x128xf32, #tpu.memory_space<vmem_shared>>
        %dma_wait3A_1528 = tpu.memref_squeeze %dma_wait3A_1527 : memref<1x128xf32, #tpu.memory_space<vmem_shared>> -> memref<128xf32, #tpu.memory_space<vmem_shared>>
        %dma_wait3A_1529 = arith.constant 0 : i32
        %dma_wait3A_1530 = tpu.memref_slice %arg12[%add3A_1525, %dma_wait3A_1529] : memref<2048x128xf32, #tpu.memory_space<vmem_shared>> -> memref<1x128xf32, #tpu.memory_space<vmem_shared>>
        %dma_wait3A_1531 = tpu.memref_squeeze %dma_wait3A_1530 : memref<1x128xf32, #tpu.memory_space<vmem_shared>> -> memref<128xf32, #tpu.memory_space<vmem_shared>>
        tpu.wait_dma2 semaphore(%arg18 : memref<!tpu.dma_semaphore, #tpu.memory_space<semaphore_mem>>) src(%arg11 : memref<128xf32, #tpu.memory_space<vmem>>) dst(%dma_wait3A_1531 : memref<128xf32, #tpu.memory_space<vmem_shared>>)
      } else {
      }
      %swap3A_466 = arith.constant 0 : index
      %swap3A_467 = tpu.vector_load %arg11[%swap3A_466] {strides = array<i32>} : memref<128xf32, #tpu.memory_space<vmem>>, vector<16xf32>,
      %swap3A_468 = vector.shape_cast %swap3A_467 : vector<16xf32> to vector<16xf32>
      %swap3A_469 = vector.shape_cast %scan3A_455#0 : vector<16xf32> to vector<16xf32>
      tpu.vector_store %arg11[%swap3A_466], %swap3A_469 {strides = array<i32>} : memref<128xf32, #tpu.memory_space<vmem>>, vector<16xf32>,
      %swap3A_470 = arith.constant 16 : index
      %swap3A_471 = tpu.vector_load %arg11[%swap3A_470] {strides = array<i32>} : memref<128xf32, #tpu.memory_space<vmem>>, vector<16xf32>,
      %swap3A_472 = vector.shape_cast %swap3A_471 : vector<16xf32> to vector<16xf32>
      %swap3A_473 = vector.shape_cast %scan3A_455#1 : vector<16xf32> to vector<16xf32>
      tpu.vector_store %arg11[%swap3A_470], %swap3A_473 {strides = array<i32>} : memref<128xf32, #tpu.memory_space<vmem>>, vector<16xf32>,
      %swap3A_474 = arith.constant 32 : index
      %swap3A_475 = tpu.vector_load %arg11[%swap3A_474] {strides = array<i32>} : memref<128xf32, #tpu.memory_space<vmem>>, vector<16xf32>,
      %swap3A_476 = vector.shape_cast %swap3A_475 : vector<16xf32> to vector<16xf32>
      %swap3A_477 = vector.shape_cast %scan3A_455#2 : vector<16xf32> to vector<16xf32>
      tpu.vector_store %arg11[%swap3A_474], %swap3A_477 {strides = array<i32>} : memref<128xf32, #tpu.memory_space<vmem>>, vector<16xf32>,
      %swap3A_478 = arith.constant 48 : index
      %swap3A_479 = tpu.vector_load %arg11[%swap3A_478] {strides = array<i32>} : memref<128xf32, #tpu.memory_space<vmem>>, vector<16xf32>,
      %swap3A_480 = vector.shape_cast %swap3A_479 : vector<16xf32> to vector<16xf32>
      %swap3A_481 = vector.shape_cast %scan3A_455#3 : vector<16xf32> to vector<16xf32>
      tpu.vector_store %arg11[%swap3A_478], %swap3A_481 {strides = array<i32>} : memref<128xf32, #tpu.memory_space<vmem>>, vector<16xf32>,
      %swap3A_482 = arith.constant 64 : index
      %swap3A_483 = tpu.vector_load %arg11[%swap3A_482] {strides = array<i32>} : memref<128xf32, #tpu.memory_space<vmem>>, vector<16xf32>,
      %swap3A_484 = vector.shape_cast %swap3A_483 : vector<16xf32> to vector<16xf32>
      %swap3A_485 = vector.shape_cast %scan3A_455#4 : vector<16xf32> to vector<16xf32>
      tpu.vector_store %arg11[%swap3A_482], %swap3A_485 {strides = array<i32>} : memref<128xf32, #tpu.memory_space<vmem>>, vector<16xf32>,
      %swap3A_486 = arith.constant 80 : index
      %swap3A_487 = tpu.vector_load %arg11[%swap3A_486] {strides = array<i32>} : memref<128xf32, #tpu.memory_space<vmem>>, vector<16xf32>,
      %swap3A_488 = vector.shape_cast %swap3A_487 : vector<16xf32> to vector<16xf32>
      %swap3A_489 = vector.shape_cast %scan3A_455#5 : vector<16xf32> to vector<16xf32>
      tpu.vector_store %arg11[%swap3A_486], %swap3A_489 {strides = array<i32>} : memref<128xf32, #tpu.memory_space<vmem>>, vector<16xf32>,
      %swap3A_490 = arith.constant 96 : index
      %swap3A_491 = tpu.vector_load %arg11[%swap3A_490] {strides = array<i32>} : memref<128xf32, #tpu.memory_space<vmem>>, vector<16xf32>,
      %swap3A_492 = vector.shape_cast %swap3A_491 : vector<16xf32> to vector<16xf32>
      %swap3A_493 = vector.shape_cast %scan3A_455#6 : vector<16xf32> to vector<16xf32>
      tpu.vector_store %arg11[%swap3A_490], %swap3A_493 {strides = array<i32>} : memref<128xf32, #tpu.memory_space<vmem>>, vector<16xf32>,
      %swap3A_494 = arith.constant 112 : index
      %swap3A_495 = tpu.vector_load %arg11[%swap3A_494] {strides = array<i32>} : memref<128xf32, #tpu.memory_space<vmem>>, vector<16xf32>,
      %swap3A_496 = vector.shape_cast %swap3A_495 : vector<16xf32> to vector<16xf32>
      %swap3A_497 = vector.shape_cast %scan3A_455#7 : vector<16xf32> to vector<16xf32>
      tpu.vector_store %arg11[%swap3A_494], %swap3A_497 {strides = array<i32>} : memref<128xf32, #tpu.memory_space<vmem>>, vector<16xf32>,
      %mul3A_498 = arith.constant 128 : i32
      %mul3A_499 = arith.muli %arg1, %mul3A_498 : i32
      %add3A_500 = arith.addi %mul3A_499, %add3A_460 : i32
      %dma_start3A_501 = arith.constant 0 : i32
      %dma_start3A_502 = tpu.memref_slice %arg12[%add3A_500, %dma_start3A_501] : memref<2048x128xf32, #tpu.memory_space<vmem_shared>> -> memref<1x128xf32, #tpu.memory_space<vmem_shared>>
      %dma_start3A_503 = tpu.memref_squeeze %dma_start3A_502 : memref<1x128xf32, #tpu.memory_space<vmem_shared>> -> memref<128xf32, #tpu.memory_space<vmem_shared>>
      %dma_start3A_504 = arith.constant 0 : i32
      %dma_start3A_505 = tpu.memref_slice %arg12[%add3A_500, %dma_start3A_504] : memref<2048x128xf32, #tpu.memory_space<vmem_shared>> -> memref<1x128xf32, #tpu.memory_space<vmem_shared>>
      %dma_start3A_506 = tpu.memref_squeeze %dma_start3A_505 : memref<1x128xf32, #tpu.memory_space<vmem_shared>> -> memref<128xf32, #tpu.memory_space<vmem_shared>>
      tpu.enqueue_dma source(%arg11 : memref<128xf32, #tpu.memory_space<vmem>>) target(%dma_start3A_506 : memref<128xf32, #tpu.memory_space<vmem_shared>>) target_semaphore(%arg18 : memref<!tpu.dma_semaphore, #tpu.memory_space<semaphore_mem>>)
      %scan3A_507 = arith.constant 104 : i32
      %scan3A_508 = arith.constant 24 : i32
      %scan3A_509 = arith.addi %scan3A_507, %scan3A_508 : i32
      %scan3A_510 = arith.constant 1 : i32
      %scan3A_511:8 = scf.for %scan3A_1523 = %scan3A_507 to %scan3A_509 step %scan3A_510 iter_args(%scan3A_1524 = %broadcast_in_dim3A_3, %scan3A_1525 = %broadcast_in_dim3A_5, %scan3A_1526 = %broadcast_in_dim3A_7, %scan3A_1527 = %broadcast_in_dim3A_9, %scan3A_1528 = %broadcast_in_dim3A_11, %scan3A_1529 = %broadcast_in_dim3A_13, %scan3A_1530 = %broadcast_in_dim3A_15, %scan3A_1531 = %broadcast_in_dim3A_17) -> (vector<16xf32>, vector<16xf32>, vector<16xf32>, vector<16xf32>, vector<16xf32>, vector<16xf32>, vector<16xf32>, vector<16xf32>)  : i32 {
        %get3A = arith.index_cast %scan3A_1523 : i32 to index
        %get3A_1532 = arith.constant 0 : index
        %get3A_1533 = tpu.vector_load %arg8[%get3A, %get3A_1532] {strides = array<i32>} : memref<128x128xf32, #tpu.memory_space<vmem>>, vector<1x16xf32>,
        %get3A_1534 = vector.shape_cast %get3A_1533 : vector<1x16xf32> to vector<16xf32>
        %add3A_1535 = arith.addf %scan3A_1524, %get3A_1534 : vector<16xf32>
        %get3A_1536 = arith.index_cast %scan3A_1523 : i32 to index
        %get3A_1537 = arith.constant 16 : index
        %get3A_1538 = tpu.vector_load %arg8[%get3A_1536, %get3A_1537] {strides = array<i32>} : memref<128x128xf32, #tpu.memory_space<vmem>>, vector<1x16xf32>,
        %get3A_1539 = vector.shape_cast %get3A_1538 : vector<1x16xf32> to vector<16xf32>
        %add3A_1540 = arith.addf %scan3A_1525, %get3A_1539 : vector<16xf32>
        %get3A_1541 = arith.index_cast %scan3A_1523 : i32 to index
        %get3A_1542 = arith.constant 32 : index
        %get3A_1543 = tpu.vector_load %arg8[%get3A_1541, %get3A_1542] {strides = array<i32>} : memref<128x128xf32, #tpu.memory_space<vmem>>, vector<1x16xf32>,
        %get3A_1544 = vector.shape_cast %get3A_1543 : vector<1x16xf32> to vector<16xf32>
        %add3A_1545 = arith.addf %scan3A_1526, %get3A_1544 : vector<16xf32>
        %get3A_1546 = arith.index_cast %scan3A_1523 : i32 to index
        %get3A_1547 = arith.constant 48 : index
        %get3A_1548 = tpu.vector_load %arg8[%get3A_1546, %get3A_1547] {strides = array<i32>} : memref<128x128xf32, #tpu.memory_space<vmem>>, vector<1x16xf32>,
        %get3A_1549 = vector.shape_cast %get3A_1548 : vector<1x16xf32> to vector<16xf32>
        %add3A_1550 = arith.addf %scan3A_1527, %get3A_1549 : vector<16xf32>
        %get3A_1551 = arith.index_cast %scan3A_1523 : i32 to index
        %get3A_1552 = arith.constant 64 : index
        %get3A_1553 = tpu.vector_load %arg8[%get3A_1551, %get3A_1552] {strides = array<i32>} : memref<128x128xf32, #tpu.memory_space<vmem>>, vector<1x16xf32>,
        %get3A_1554 = vector.shape_cast %get3A_1553 : vector<1x16xf32> to vector<16xf32>
        %add3A_1555 = arith.addf %scan3A_1528, %get3A_1554 : vector<16xf32>
        %get3A_1556 = arith.index_cast %scan3A_1523 : i32 to index
        %get3A_1557 = arith.constant 80 : index
        %get3A_1558 = tpu.vector_load %arg8[%get3A_1556, %get3A_1557] {strides = array<i32>} : memref<128x128xf32, #tpu.memory_space<vmem>>, vector<1x16xf32>,
        %get3A_1559 = vector.shape_cast %get3A_1558 : vector<1x16xf32> to vector<16xf32>
        %add3A_1560 = arith.addf %scan3A_1529, %get3A_1559 : vector<16xf32>
        %get3A_1561 = arith.index_cast %scan3A_1523 : i32 to index
        %get3A_1562 = arith.constant 96 : index
        %get3A_1563 = tpu.vector_load %arg8[%get3A_1561, %get3A_1562] {strides = array<i32>} : memref<128x128xf32, #tpu.memory_space<vmem>>, vector<1x16xf32>,
        %get3A_1564 = vector.shape_cast %get3A_1563 : vector<1x16xf32> to vector<16xf32>
        %add3A_1565 = arith.addf %scan3A_1530, %get3A_1564 : vector<16xf32>
        %get3A_1566 = arith.index_cast %scan3A_1523 : i32 to index
        %get3A_1567 = arith.constant 112 : index
        %get3A_1568 = tpu.vector_load %arg8[%get3A_1566, %get3A_1567] {strides = array<i32>} : memref<128x128xf32, #tpu.memory_space<vmem>>, vector<1x16xf32>,
        %get3A_1569 = vector.shape_cast %get3A_1568 : vector<1x16xf32> to vector<16xf32>
        %add3A_1570 = arith.addf %scan3A_1531, %get3A_1569 : vector<16xf32>
        scf.yield %add3A_1535, %add3A_1540, %add3A_1545, %add3A_1550, %add3A_1555, %add3A_1560, %add3A_1565, %add3A_1570 : vector<16xf32>, vector<16xf32>, vector<16xf32>, vector<16xf32>, vector<16xf32>, vector<16xf32>, vector<16xf32>, vector<16xf32>
      }
      %scan3A_512 = arith.constant 24 : i32
      %add3A_513 = arith.constant 7 : i32
      %add3A_514 = arith.addi %mul3A_62, %add3A_513 : i32
      %add3A_515 = arith.constant 5 : i32
      %add3A_516 = arith.addi %add3A_514, %add3A_515 : i32
      %lt3A_517 = arith.constant 200 : i32
      %lt3A_518 = arith.cmpi slt, %add3A_516, %lt3A_517 : i32
      %convert_element_type3A_519 = arith.extui %lt3A_518 : i1 to i32
      %cond3A_520 = arith.constant 0 : i32
      %cond3A_521 = arith.cmpi ne, %convert_element_type3A_519, %cond3A_520 : i32
      scf.if %cond3A_521 {
        %add3A_1523 = arith.constant 7 : i32
        %add3A_1524 = arith.addi %mul3A_62, %add3A_1523 : i32
        %add3A_1525 = arith.constant 5 : i32
        %add3A_1526 = arith.addi %add3A_1524, %add3A_1525 : i32
        %mul3A_1527 = arith.constant 128 : i32
        %mul3A_1528 = arith.muli %add3A_1526, %mul3A_1527 : i32
        %dma_start3A_1529 = tpu.memref_slice %arg5[%mul3A_1528] : memref<25600xi32, #tpu.memory_space<vmem>> -> memref<128xi32, #tpu.memory_space<vmem>>
        %dma_start3A_1530 = arith.constant 0 : i32
        %dma_start3A_1531 = arith.constant 0 : i32
        %dma_start3A_1532 = tpu.memref_slice %arg3[%dma_start3A_1530, %dma_start3A_1531] : memref<1000000x128xf32, #tpu.memory_space<hbm>> -> memref<1000000x128xf32, #tpu.memory_space<hbm>>
        tpu.enqueue_indirect_dma source(%dma_start3A_1532 : memref<1000000x128xf32, #tpu.memory_space<hbm>>) target(%arg8 : memref<128x128xf32, #tpu.memory_space<vmem>>) offsets(%dma_start3A_1529 : memref<128xi32, #tpu.memory_space<vmem>>) semaphore(%arg15 : memref<!tpu.dma_semaphore, #tpu.memory_space<semaphore_mem>>)
      } else {
      }
      %add3A_522 = arith.constant 8 : i32
      %add3A_523 = arith.addi %mul3A_62, %add3A_522 : i32
      %mul3A_524 = arith.constant 128 : i32
      %mul3A_525 = arith.muli %add3A_523, %mul3A_524 : i32
      %dma_wait3A_526 = tpu.memref_slice %arg5[%mul3A_525] : memref<25600xi32, #tpu.memory_space<vmem>> -> memref<128xi32, #tpu.memory_space<vmem>>
      %dma_wait3A_527 = arith.constant 0 : i32
      %dma_wait3A_528 = arith.constant 0 : i32
      %dma_wait3A_529 = tpu.memref_slice %arg3[%dma_wait3A_527, %dma_wait3A_528] : memref<1000000x128xf32, #tpu.memory_space<hbm>> -> memref<1000000x128xf32, #tpu.memory_space<hbm>>
      tpu.wait_indirect_dma semaphore(%arg16 : memref<!tpu.dma_semaphore, #tpu.memory_space<semaphore_mem>>) src(%dma_wait3A_529 : memref<1000000x128xf32, #tpu.memory_space<hbm>>) dst(%arg9 : memref<128x128xf32, #tpu.memory_space<vmem>>)
      %scan3A_530 = arith.constant 0 : i32
      %scan3A_531 = arith.constant 128 : i32
      %scan3A_532 = arith.addi %scan3A_530, %scan3A_531 : i32
      %scan3A_533 = arith.constant 1 : i32
      %scan3A_534:8 = scf.for %scan3A_1523 = %scan3A_530 to %scan3A_532 step %scan3A_533 iter_args(%scan3A_1524 = %scan3A_511#0, %scan3A_1525 = %scan3A_511#1, %scan3A_1526 = %scan3A_511#2, %scan3A_1527 = %scan3A_511#3, %scan3A_1528 = %scan3A_511#4, %scan3A_1529 = %scan3A_511#5, %scan3A_1530 = %scan3A_511#6, %scan3A_1531 = %scan3A_511#7) -> (vector<16xf32>, vector<16xf32>, vector<16xf32>, vector<16xf32>, vector<16xf32>, vector<16xf32>, vector<16xf32>, vector<16xf32>)  : i32 {
        %get3A = arith.index_cast %scan3A_1523 : i32 to index
        %get3A_1532 = arith.constant 0 : index
        %get3A_1533 = tpu.vector_load %arg9[%get3A, %get3A_1532] {strides = array<i32>} : memref<128x128xf32, #tpu.memory_space<vmem>>, vector<1x16xf32>,
        %get3A_1534 = vector.shape_cast %get3A_1533 : vector<1x16xf32> to vector<16xf32>
        %add3A_1535 = arith.addf %scan3A_1524, %get3A_1534 : vector<16xf32>
        %get3A_1536 = arith.index_cast %scan3A_1523 : i32 to index
        %get3A_1537 = arith.constant 16 : index
        %get3A_1538 = tpu.vector_load %arg9[%get3A_1536, %get3A_1537] {strides = array<i32>} : memref<128x128xf32, #tpu.memory_space<vmem>>, vector<1x16xf32>,
        %get3A_1539 = vector.shape_cast %get3A_1538 : vector<1x16xf32> to vector<16xf32>
        %add3A_1540 = arith.addf %scan3A_1525, %get3A_1539 : vector<16xf32>
        %get3A_1541 = arith.index_cast %scan3A_1523 : i32 to index
        %get3A_1542 = arith.constant 32 : index
        %get3A_1543 = tpu.vector_load %arg9[%get3A_1541, %get3A_1542] {strides = array<i32>} : memref<128x128xf32, #tpu.memory_space<vmem>>, vector<1x16xf32>,
        %get3A_1544 = vector.shape_cast %get3A_1543 : vector<1x16xf32> to vector<16xf32>
        %add3A_1545 = arith.addf %scan3A_1526, %get3A_1544 : vector<16xf32>
        %get3A_1546 = arith.index_cast %scan3A_1523 : i32 to index
        %get3A_1547 = arith.constant 48 : index
        %get3A_1548 = tpu.vector_load %arg9[%get3A_1546, %get3A_1547] {strides = array<i32>} : memref<128x128xf32, #tpu.memory_space<vmem>>, vector<1x16xf32>,
        %get3A_1549 = vector.shape_cast %get3A_1548 : vector<1x16xf32> to vector<16xf32>
        %add3A_1550 = arith.addf %scan3A_1527, %get3A_1549 : vector<16xf32>
        %get3A_1551 = arith.index_cast %scan3A_1523 : i32 to index
        %get3A_1552 = arith.constant 64 : index
        %get3A_1553 = tpu.vector_load %arg9[%get3A_1551, %get3A_1552] {strides = array<i32>} : memref<128x128xf32, #tpu.memory_space<vmem>>, vector<1x16xf32>,
        %get3A_1554 = vector.shape_cast %get3A_1553 : vector<1x16xf32> to vector<16xf32>
        %add3A_1555 = arith.addf %scan3A_1528, %get3A_1554 : vector<16xf32>
        %get3A_1556 = arith.index_cast %scan3A_1523 : i32 to index
        %get3A_1557 = arith.constant 80 : index
        %get3A_1558 = tpu.vector_load %arg9[%get3A_1556, %get3A_1557] {strides = array<i32>} : memref<128x128xf32, #tpu.memory_space<vmem>>, vector<1x16xf32>,
        %get3A_1559 = vector.shape_cast %get3A_1558 : vector<1x16xf32> to vector<16xf32>
        %add3A_1560 = arith.addf %scan3A_1529, %get3A_1559 : vector<16xf32>
        %get3A_1561 = arith.index_cast %scan3A_1523 : i32 to index
        %get3A_1562 = arith.constant 96 : index
        %get3A_1563 = tpu.vector_load %arg9[%get3A_1561, %get3A_1562] {strides = array<i32>} : memref<128x128xf32, #tpu.memory_space<vmem>>, vector<1x16xf32>,
        %get3A_1564 = vector.shape_cast %get3A_1563 : vector<1x16xf32> to vector<16xf32>
        %add3A_1565 = arith.addf %scan3A_1530, %get3A_1564 : vector<16xf32>
        %get3A_1566 = arith.index_cast %scan3A_1523 : i32 to index
        %get3A_1567 = arith.constant 112 : index
        %get3A_1568 = tpu.vector_load %arg9[%get3A_1566, %get3A_1567] {strides = array<i32>} : memref<128x128xf32, #tpu.memory_space<vmem>>, vector<1x16xf32>,
        %get3A_1569 = vector.shape_cast %get3A_1568 : vector<1x16xf32> to vector<16xf32>
        %add3A_1570 = arith.addf %scan3A_1531, %get3A_1569 : vector<16xf32>
        scf.yield %add3A_1535, %add3A_1540, %add3A_1545, %add3A_1550, %add3A_1555, %add3A_1560, %add3A_1565, %add3A_1570 : vector<16xf32>, vector<16xf32>, vector<16xf32>, vector<16xf32>, vector<16xf32>, vector<16xf32>, vector<16xf32>, vector<16xf32>
      }
      %scan3A_535 = arith.constant 128 : i32
      %add3A_536 = arith.constant 8 : i32
      %add3A_537 = arith.addi %mul3A_62, %add3A_536 : i32
      %add3A_538 = arith.constant 5 : i32
      %add3A_539 = arith.addi %add3A_537, %add3A_538 : i32
      %lt3A_540 = arith.constant 200 : i32
      %lt3A_541 = arith.cmpi slt, %add3A_539, %lt3A_540 : i32
      %convert_element_type3A_542 = arith.extui %lt3A_541 : i1 to i32
      %cond3A_543 = arith.constant 0 : i32
      %cond3A_544 = arith.cmpi ne, %convert_element_type3A_542, %cond3A_543 : i32
      scf.if %cond3A_544 {
        %add3A_1523 = arith.constant 8 : i32
        %add3A_1524 = arith.addi %mul3A_62, %add3A_1523 : i32
        %add3A_1525 = arith.constant 5 : i32
        %add3A_1526 = arith.addi %add3A_1524, %add3A_1525 : i32
        %mul3A_1527 = arith.constant 128 : i32
        %mul3A_1528 = arith.muli %add3A_1526, %mul3A_1527 : i32
        %dma_start3A_1529 = tpu.memref_slice %arg5[%mul3A_1528] : memref<25600xi32, #tpu.memory_space<vmem>> -> memref<128xi32, #tpu.memory_space<vmem>>
        %dma_start3A_1530 = arith.constant 0 : i32
        %dma_start3A_1531 = arith.constant 0 : i32
        %dma_start3A_1532 = tpu.memref_slice %arg3[%dma_start3A_1530, %dma_start3A_1531] : memref<1000000x128xf32, #tpu.memory_space<hbm>> -> memref<1000000x128xf32, #tpu.memory_space<hbm>>
        tpu.enqueue_indirect_dma source(%dma_start3A_1532 : memref<1000000x128xf32, #tpu.memory_space<hbm>>) target(%arg9 : memref<128x128xf32, #tpu.memory_space<vmem>>) offsets(%dma_start3A_1529 : memref<128xi32, #tpu.memory_space<vmem>>) semaphore(%arg16 : memref<!tpu.dma_semaphore, #tpu.memory_space<semaphore_mem>>)
      } else {
      }
      %add3A_545 = arith.constant 9 : i32
      %add3A_546 = arith.addi %mul3A_62, %add3A_545 : i32
      %mul3A_547 = arith.constant 128 : i32
      %mul3A_548 = arith.muli %add3A_546, %mul3A_547 : i32
      %dma_wait3A_549 = tpu.memref_slice %arg5[%mul3A_548] : memref<25600xi32, #tpu.memory_space<vmem>> -> memref<128xi32, #tpu.memory_space<vmem>>
      %dma_wait3A_550 = arith.constant 0 : i32
      %dma_wait3A_551 = arith.constant 0 : i32
      %dma_wait3A_552 = tpu.memref_slice %arg3[%dma_wait3A_550, %dma_wait3A_551] : memref<1000000x128xf32, #tpu.memory_space<hbm>> -> memref<1000000x128xf32, #tpu.memory_space<hbm>>
      tpu.wait_indirect_dma semaphore(%arg17 : memref<!tpu.dma_semaphore, #tpu.memory_space<semaphore_mem>>) src(%dma_wait3A_552 : memref<1000000x128xf32, #tpu.memory_space<hbm>>) dst(%arg10 : memref<128x128xf32, #tpu.memory_space<vmem>>)
      %scan3A_553 = arith.constant 0 : i32
      %scan3A_554 = arith.constant 48 : i32
      %scan3A_555 = arith.addi %scan3A_553, %scan3A_554 : i32
      %scan3A_556 = arith.constant 1 : i32
      %scan3A_557:8 = scf.for %scan3A_1523 = %scan3A_553 to %scan3A_555 step %scan3A_556 iter_args(%scan3A_1524 = %scan3A_534#0, %scan3A_1525 = %scan3A_534#1, %scan3A_1526 = %scan3A_534#2, %scan3A_1527 = %scan3A_534#3, %scan3A_1528 = %scan3A_534#4, %scan3A_1529 = %scan3A_534#5, %scan3A_1530 = %scan3A_534#6, %scan3A_1531 = %scan3A_534#7) -> (vector<16xf32>, vector<16xf32>, vector<16xf32>, vector<16xf32>, vector<16xf32>, vector<16xf32>, vector<16xf32>, vector<16xf32>)  : i32 {
        %get3A = arith.index_cast %scan3A_1523 : i32 to index
        %get3A_1532 = arith.constant 0 : index
        %get3A_1533 = tpu.vector_load %arg10[%get3A, %get3A_1532] {strides = array<i32>} : memref<128x128xf32, #tpu.memory_space<vmem>>, vector<1x16xf32>,
        %get3A_1534 = vector.shape_cast %get3A_1533 : vector<1x16xf32> to vector<16xf32>
        %add3A_1535 = arith.addf %scan3A_1524, %get3A_1534 : vector<16xf32>
        %get3A_1536 = arith.index_cast %scan3A_1523 : i32 to index
        %get3A_1537 = arith.constant 16 : index
        %get3A_1538 = tpu.vector_load %arg10[%get3A_1536, %get3A_1537] {strides = array<i32>} : memref<128x128xf32, #tpu.memory_space<vmem>>, vector<1x16xf32>,
        %get3A_1539 = vector.shape_cast %get3A_1538 : vector<1x16xf32> to vector<16xf32>
        %add3A_1540 = arith.addf %scan3A_1525, %get3A_1539 : vector<16xf32>
        %get3A_1541 = arith.index_cast %scan3A_1523 : i32 to index
        %get3A_1542 = arith.constant 32 : index
        %get3A_1543 = tpu.vector_load %arg10[%get3A_1541, %get3A_1542] {strides = array<i32>} : memref<128x128xf32, #tpu.memory_space<vmem>>, vector<1x16xf32>,
        %get3A_1544 = vector.shape_cast %get3A_1543 : vector<1x16xf32> to vector<16xf32>
        %add3A_1545 = arith.addf %scan3A_1526, %get3A_1544 : vector<16xf32>
        %get3A_1546 = arith.index_cast %scan3A_1523 : i32 to index
        %get3A_1547 = arith.constant 48 : index
        %get3A_1548 = tpu.vector_load %arg10[%get3A_1546, %get3A_1547] {strides = array<i32>} : memref<128x128xf32, #tpu.memory_space<vmem>>, vector<1x16xf32>,
        %get3A_1549 = vector.shape_cast %get3A_1548 : vector<1x16xf32> to vector<16xf32>
        %add3A_1550 = arith.addf %scan3A_1527, %get3A_1549 : vector<16xf32>
        %get3A_1551 = arith.index_cast %scan3A_1523 : i32 to index
        %get3A_1552 = arith.constant 64 : index
        %get3A_1553 = tpu.vector_load %arg10[%get3A_1551, %get3A_1552] {strides = array<i32>} : memref<128x128xf32, #tpu.memory_space<vmem>>, vector<1x16xf32>,
        %get3A_1554 = vector.shape_cast %get3A_1553 : vector<1x16xf32> to vector<16xf32>
        %add3A_1555 = arith.addf %scan3A_1528, %get3A_1554 : vector<16xf32>
        %get3A_1556 = arith.index_cast %scan3A_1523 : i32 to index
        %get3A_1557 = arith.constant 80 : index
        %get3A_1558 = tpu.vector_load %arg10[%get3A_1556, %get3A_1557] {strides = array<i32>} : memref<128x128xf32, #tpu.memory_space<vmem>>, vector<1x16xf32>,
        %get3A_1559 = vector.shape_cast %get3A_1558 : vector<1x16xf32> to vector<16xf32>
        %add3A_1560 = arith.addf %scan3A_1529, %get3A_1559 : vector<16xf32>
        %get3A_1561 = arith.index_cast %scan3A_1523 : i32 to index
        %get3A_1562 = arith.constant 96 : index
        %get3A_1563 = tpu.vector_load %arg10[%get3A_1561, %get3A_1562] {strides = array<i32>} : memref<128x128xf32, #tpu.memory_space<vmem>>, vector<1x16xf32>,
        %get3A_1564 = vector.shape_cast %get3A_1563 : vector<1x16xf32> to vector<16xf32>
        %add3A_1565 = arith.addf %scan3A_1530, %get3A_1564 : vector<16xf32>
        %get3A_1566 = arith.index_cast %scan3A_1523 : i32 to index
        %get3A_1567 = arith.constant 112 : index
        %get3A_1568 = tpu.vector_load %arg10[%get3A_1566, %get3A_1567] {strides = array<i32>} : memref<128x128xf32, #tpu.memory_space<vmem>>, vector<1x16xf32>,
        %get3A_1569 = vector.shape_cast %get3A_1568 : vector<1x16xf32> to vector<16xf32>
        %add3A_1570 = arith.addf %scan3A_1531, %get3A_1569 : vector<16xf32>
        scf.yield %add3A_1535, %add3A_1540, %add3A_1545, %add3A_1550, %add3A_1555, %add3A_1560, %add3A_1565, %add3A_1570 : vector<16xf32>, vector<16xf32>, vector<16xf32>, vector<16xf32>, vector<16xf32>, vector<16xf32>, vector<16xf32>, vector<16xf32>
      }
      %scan3A_558 = arith.constant 48 : i32
      %mul3A_559 = arith.constant 16 : i32
      %mul3A_560 = arith.muli %add3A_60, %mul3A_559 : i32
      %add3A_561 = arith.constant 5 : i32
      %add3A_562 = arith.addi %mul3A_560, %add3A_561 : i32
      %gt3A_563 = arith.constant 0 : i32
      %gt3A_564 = arith.cmpi sgt, %add3A_562, %gt3A_563 : i32
      %convert_element_type3A_565 = arith.extui %gt3A_564 : i1 to i32
      %cond3A_566 = arith.constant 0 : i32
      %cond3A_567 = arith.cmpi ne, %convert_element_type3A_565, %cond3A_566 : i32
      scf.if %cond3A_567 {
        %mul3A_1523 = arith.constant 128 : i32
        %mul3A_1524 = arith.muli %arg1, %mul3A_1523 : i32
        %add3A_1525 = arith.addi %mul3A_1524, %add3A_562 : i32
        %dma_wait3A_1526 = arith.constant 0 : i32
        %dma_wait3A_1527 = tpu.memref_slice %arg12[%add3A_1525, %dma_wait3A_1526] : memref<2048x128xf32, #tpu.memory_space<vmem_shared>> -> memref<1x128xf32, #tpu.memory_space<vmem_shared>>
        %dma_wait3A_1528 = tpu.memref_squeeze %dma_wait3A_1527 : memref<1x128xf32, #tpu.memory_space<vmem_shared>> -> memref<128xf32, #tpu.memory_space<vmem_shared>>
        %dma_wait3A_1529 = arith.constant 0 : i32
        %dma_wait3A_1530 = tpu.memref_slice %arg12[%add3A_1525, %dma_wait3A_1529] : memref<2048x128xf32, #tpu.memory_space<vmem_shared>> -> memref<1x128xf32, #tpu.memory_space<vmem_shared>>
        %dma_wait3A_1531 = tpu.memref_squeeze %dma_wait3A_1530 : memref<1x128xf32, #tpu.memory_space<vmem_shared>> -> memref<128xf32, #tpu.memory_space<vmem_shared>>
        tpu.wait_dma2 semaphore(%arg18 : memref<!tpu.dma_semaphore, #tpu.memory_space<semaphore_mem>>) src(%arg11 : memref<128xf32, #tpu.memory_space<vmem>>) dst(%dma_wait3A_1531 : memref<128xf32, #tpu.memory_space<vmem_shared>>)
      } else {
      }
      %swap3A_568 = arith.constant 0 : index
      %swap3A_569 = tpu.vector_load %arg11[%swap3A_568] {strides = array<i32>} : memref<128xf32, #tpu.memory_space<vmem>>, vector<16xf32>,
      %swap3A_570 = vector.shape_cast %swap3A_569 : vector<16xf32> to vector<16xf32>
      %swap3A_571 = vector.shape_cast %scan3A_557#0 : vector<16xf32> to vector<16xf32>
      tpu.vector_store %arg11[%swap3A_568], %swap3A_571 {strides = array<i32>} : memref<128xf32, #tpu.memory_space<vmem>>, vector<16xf32>,
      %swap3A_572 = arith.constant 16 : index
      %swap3A_573 = tpu.vector_load %arg11[%swap3A_572] {strides = array<i32>} : memref<128xf32, #tpu.memory_space<vmem>>, vector<16xf32>,
      %swap3A_574 = vector.shape_cast %swap3A_573 : vector<16xf32> to vector<16xf32>
      %swap3A_575 = vector.shape_cast %scan3A_557#1 : vector<16xf32> to vector<16xf32>
      tpu.vector_store %arg11[%swap3A_572], %swap3A_575 {strides = array<i32>} : memref<128xf32, #tpu.memory_space<vmem>>, vector<16xf32>,
      %swap3A_576 = arith.constant 32 : index
      %swap3A_577 = tpu.vector_load %arg11[%swap3A_576] {strides = array<i32>} : memref<128xf32, #tpu.memory_space<vmem>>, vector<16xf32>,
      %swap3A_578 = vector.shape_cast %swap3A_577 : vector<16xf32> to vector<16xf32>
      %swap3A_579 = vector.shape_cast %scan3A_557#2 : vector<16xf32> to vector<16xf32>
      tpu.vector_store %arg11[%swap3A_576], %swap3A_579 {strides = array<i32>} : memref<128xf32, #tpu.memory_space<vmem>>, vector<16xf32>,
      %swap3A_580 = arith.constant 48 : index
      %swap3A_581 = tpu.vector_load %arg11[%swap3A_580] {strides = array<i32>} : memref<128xf32, #tpu.memory_space<vmem>>, vector<16xf32>,
      %swap3A_582 = vector.shape_cast %swap3A_581 : vector<16xf32> to vector<16xf32>
      %swap3A_583 = vector.shape_cast %scan3A_557#3 : vector<16xf32> to vector<16xf32>
      tpu.vector_store %arg11[%swap3A_580], %swap3A_583 {strides = array<i32>} : memref<128xf32, #tpu.memory_space<vmem>>, vector<16xf32>,
      %swap3A_584 = arith.constant 64 : index
      %swap3A_585 = tpu.vector_load %arg11[%swap3A_584] {strides = array<i32>} : memref<128xf32, #tpu.memory_space<vmem>>, vector<16xf32>,
      %swap3A_586 = vector.shape_cast %swap3A_585 : vector<16xf32> to vector<16xf32>
      %swap3A_587 = vector.shape_cast %scan3A_557#4 : vector<16xf32> to vector<16xf32>
      tpu.vector_store %arg11[%swap3A_584], %swap3A_587 {strides = array<i32>} : memref<128xf32, #tpu.memory_space<vmem>>, vector<16xf32>,
      %swap3A_588 = arith.constant 80 : index
      %swap3A_589 = tpu.vector_load %arg11[%swap3A_588] {strides = array<i32>} : memref<128xf32, #tpu.memory_space<vmem>>, vector<16xf32>,
      %swap3A_590 = vector.shape_cast %swap3A_589 : vector<16xf32> to vector<16xf32>
      %swap3A_591 = vector.shape_cast %scan3A_557#5 : vector<16xf32> to vector<16xf32>
      tpu.vector_store %arg11[%swap3A_588], %swap3A_591 {strides = array<i32>} : memref<128xf32, #tpu.memory_space<vmem>>, vector<16xf32>,
      %swap3A_592 = arith.constant 96 : index
      %swap3A_593 = tpu.vector_load %arg11[%swap3A_592] {strides = array<i32>} : memref<128xf32, #tpu.memory_space<vmem>>, vector<16xf32>,
      %swap3A_594 = vector.shape_cast %swap3A_593 : vector<16xf32> to vector<16xf32>
      %swap3A_595 = vector.shape_cast %scan3A_557#6 : vector<16xf32> to vector<16xf32>
      tpu.vector_store %arg11[%swap3A_592], %swap3A_595 {strides = array<i32>} : memref<128xf32, #tpu.memory_space<vmem>>, vector<16xf32>,
      %swap3A_596 = arith.constant 112 : index
      %swap3A_597 = tpu.vector_load %arg11[%swap3A_596] {strides = array<i32>} : memref<128xf32, #tpu.memory_space<vmem>>, vector<16xf32>,
      %swap3A_598 = vector.shape_cast %swap3A_597 : vector<16xf32> to vector<16xf32>
      %swap3A_599 = vector.shape_cast %scan3A_557#7 : vector<16xf32> to vector<16xf32>
      tpu.vector_store %arg11[%swap3A_596], %swap3A_599 {strides = array<i32>} : memref<128xf32, #tpu.memory_space<vmem>>, vector<16xf32>,
      %mul3A_600 = arith.constant 128 : i32
      %mul3A_601 = arith.muli %arg1, %mul3A_600 : i32
      %add3A_602 = arith.addi %mul3A_601, %add3A_562 : i32
      %dma_start3A_603 = arith.constant 0 : i32
      %dma_start3A_604 = tpu.memref_slice %arg12[%add3A_602, %dma_start3A_603] : memref<2048x128xf32, #tpu.memory_space<vmem_shared>> -> memref<1x128xf32, #tpu.memory_space<vmem_shared>>
      %dma_start3A_605 = tpu.memref_squeeze %dma_start3A_604 : memref<1x128xf32, #tpu.memory_space<vmem_shared>> -> memref<128xf32, #tpu.memory_space<vmem_shared>>
      %dma_start3A_606 = arith.constant 0 : i32
      %dma_start3A_607 = tpu.memref_slice %arg12[%add3A_602, %dma_start3A_606] : memref<2048x128xf32, #tpu.memory_space<vmem_shared>> -> memref<1x128xf32, #tpu.memory_space<vmem_shared>>
      %dma_start3A_608 = tpu.memref_squeeze %dma_start3A_607 : memref<1x128xf32, #tpu.memory_space<vmem_shared>> -> memref<128xf32, #tpu.memory_space<vmem_shared>>
      tpu.enqueue_dma source(%arg11 : memref<128xf32, #tpu.memory_space<vmem>>) target(%dma_start3A_608 : memref<128xf32, #tpu.memory_space<vmem_shared>>) target_semaphore(%arg18 : memref<!tpu.dma_semaphore, #tpu.memory_space<semaphore_mem>>)
      %scan3A_609 = arith.constant 48 : i32
      %scan3A_610 = arith.constant 80 : i32
      %scan3A_611 = arith.addi %scan3A_609, %scan3A_610 : i32
      %scan3A_612 = arith.constant 1 : i32
      %scan3A_613:8 = scf.for %scan3A_1523 = %scan3A_609 to %scan3A_611 step %scan3A_612 iter_args(%scan3A_1524 = %broadcast_in_dim3A_3, %scan3A_1525 = %broadcast_in_dim3A_5, %scan3A_1526 = %broadcast_in_dim3A_7, %scan3A_1527 = %broadcast_in_dim3A_9, %scan3A_1528 = %broadcast_in_dim3A_11, %scan3A_1529 = %broadcast_in_dim3A_13, %scan3A_1530 = %broadcast_in_dim3A_15, %scan3A_1531 = %broadcast_in_dim3A_17) -> (vector<16xf32>, vector<16xf32>, vector<16xf32>, vector<16xf32>, vector<16xf32>, vector<16xf32>, vector<16xf32>, vector<16xf32>)  : i32 {
        %get3A = arith.index_cast %scan3A_1523 : i32 to index
        %get3A_1532 = arith.constant 0 : index
        %get3A_1533 = tpu.vector_load %arg10[%get3A, %get3A_1532] {strides = array<i32>} : memref<128x128xf32, #tpu.memory_space<vmem>>, vector<1x16xf32>,
        %get3A_1534 = vector.shape_cast %get3A_1533 : vector<1x16xf32> to vector<16xf32>
        %add3A_1535 = arith.addf %scan3A_1524, %get3A_1534 : vector<16xf32>
        %get3A_1536 = arith.index_cast %scan3A_1523 : i32 to index
        %get3A_1537 = arith.constant 16 : index
        %get3A_1538 = tpu.vector_load %arg10[%get3A_1536, %get3A_1537] {strides = array<i32>} : memref<128x128xf32, #tpu.memory_space<vmem>>, vector<1x16xf32>,
        %get3A_1539 = vector.shape_cast %get3A_1538 : vector<1x16xf32> to vector<16xf32>
        %add3A_1540 = arith.addf %scan3A_1525, %get3A_1539 : vector<16xf32>
        %get3A_1541 = arith.index_cast %scan3A_1523 : i32 to index
        %get3A_1542 = arith.constant 32 : index
        %get3A_1543 = tpu.vector_load %arg10[%get3A_1541, %get3A_1542] {strides = array<i32>} : memref<128x128xf32, #tpu.memory_space<vmem>>, vector<1x16xf32>,
        %get3A_1544 = vector.shape_cast %get3A_1543 : vector<1x16xf32> to vector<16xf32>
        %add3A_1545 = arith.addf %scan3A_1526, %get3A_1544 : vector<16xf32>
        %get3A_1546 = arith.index_cast %scan3A_1523 : i32 to index
        %get3A_1547 = arith.constant 48 : index
        %get3A_1548 = tpu.vector_load %arg10[%get3A_1546, %get3A_1547] {strides = array<i32>} : memref<128x128xf32, #tpu.memory_space<vmem>>, vector<1x16xf32>,
        %get3A_1549 = vector.shape_cast %get3A_1548 : vector<1x16xf32> to vector<16xf32>
        %add3A_1550 = arith.addf %scan3A_1527, %get3A_1549 : vector<16xf32>
        %get3A_1551 = arith.index_cast %scan3A_1523 : i32 to index
        %get3A_1552 = arith.constant 64 : index
        %get3A_1553 = tpu.vector_load %arg10[%get3A_1551, %get3A_1552] {strides = array<i32>} : memref<128x128xf32, #tpu.memory_space<vmem>>, vector<1x16xf32>,
        %get3A_1554 = vector.shape_cast %get3A_1553 : vector<1x16xf32> to vector<16xf32>
        %add3A_1555 = arith.addf %scan3A_1528, %get3A_1554 : vector<16xf32>
        %get3A_1556 = arith.index_cast %scan3A_1523 : i32 to index
        %get3A_1557 = arith.constant 80 : index
        %get3A_1558 = tpu.vector_load %arg10[%get3A_1556, %get3A_1557] {strides = array<i32>} : memref<128x128xf32, #tpu.memory_space<vmem>>, vector<1x16xf32>,
        %get3A_1559 = vector.shape_cast %get3A_1558 : vector<1x16xf32> to vector<16xf32>
        %add3A_1560 = arith.addf %scan3A_1529, %get3A_1559 : vector<16xf32>
        %get3A_1561 = arith.index_cast %scan3A_1523 : i32 to index
        %get3A_1562 = arith.constant 96 : index
        %get3A_1563 = tpu.vector_load %arg10[%get3A_1561, %get3A_1562] {strides = array<i32>} : memref<128x128xf32, #tpu.memory_space<vmem>>, vector<1x16xf32>,
        %get3A_1564 = vector.shape_cast %get3A_1563 : vector<1x16xf32> to vector<16xf32>
        %add3A_1565 = arith.addf %scan3A_1530, %get3A_1564 : vector<16xf32>
        %get3A_1566 = arith.index_cast %scan3A_1523 : i32 to index
        %get3A_1567 = arith.constant 112 : index
        %get3A_1568 = tpu.vector_load %arg10[%get3A_1566, %get3A_1567] {strides = array<i32>} : memref<128x128xf32, #tpu.memory_space<vmem>>, vector<1x16xf32>,
        %get3A_1569 = vector.shape_cast %get3A_1568 : vector<1x16xf32> to vector<16xf32>
        %add3A_1570 = arith.addf %scan3A_1531, %get3A_1569 : vector<16xf32>
        scf.yield %add3A_1535, %add3A_1540, %add3A_1545, %add3A_1550, %add3A_1555, %add3A_1560, %add3A_1565, %add3A_1570 : vector<16xf32>, vector<16xf32>, vector<16xf32>, vector<16xf32>, vector<16xf32>, vector<16xf32>, vector<16xf32>, vector<16xf32>
      }
      %scan3A_614 = arith.constant 80 : i32
      %add3A_615 = arith.constant 9 : i32
      %add3A_616 = arith.addi %mul3A_62, %add3A_615 : i32
      %add3A_617 = arith.constant 5 : i32
      %add3A_618 = arith.addi %add3A_616, %add3A_617 : i32
      %lt3A_619 = arith.constant 200 : i32
      %lt3A_620 = arith.cmpi slt, %add3A_618, %lt3A_619 : i32
      %convert_element_type3A_621 = arith.extui %lt3A_620 : i1 to i32
      %cond3A_622 = arith.constant 0 : i32
      %cond3A_623 = arith.cmpi ne, %convert_element_type3A_621, %cond3A_622 : i32
      scf.if %cond3A_623 {
        %add3A_1523 = arith.constant 9 : i32
        %add3A_1524 = arith.addi %mul3A_62, %add3A_1523 : i32
        %add3A_1525 = arith.constant 5 : i32
        %add3A_1526 = arith.addi %add3A_1524, %add3A_1525 : i32
        %mul3A_1527 = arith.constant 128 : i32
        %mul3A_1528 = arith.muli %add3A_1526, %mul3A_1527 : i32
        %dma_start3A_1529 = tpu.memref_slice %arg5[%mul3A_1528] : memref<25600xi32, #tpu.memory_space<vmem>> -> memref<128xi32, #tpu.memory_space<vmem>>
        %dma_start3A_1530 = arith.constant 0 : i32
        %dma_start3A_1531 = arith.constant 0 : i32
        %dma_start3A_1532 = tpu.memref_slice %arg3[%dma_start3A_1530, %dma_start3A_1531] : memref<1000000x128xf32, #tpu.memory_space<hbm>> -> memref<1000000x128xf32, #tpu.memory_space<hbm>>
        tpu.enqueue_indirect_dma source(%dma_start3A_1532 : memref<1000000x128xf32, #tpu.memory_space<hbm>>) target(%arg10 : memref<128x128xf32, #tpu.memory_space<vmem>>) offsets(%dma_start3A_1529 : memref<128xi32, #tpu.memory_space<vmem>>) semaphore(%arg17 : memref<!tpu.dma_semaphore, #tpu.memory_space<semaphore_mem>>)
      } else {
      }
      %add3A_624 = arith.constant 10 : i32
      %add3A_625 = arith.addi %mul3A_62, %add3A_624 : i32
      %mul3A_626 = arith.constant 128 : i32
      %mul3A_627 = arith.muli %add3A_625, %mul3A_626 : i32
      %dma_wait3A_628 = tpu.memref_slice %arg5[%mul3A_627] : memref<25600xi32, #tpu.memory_space<vmem>> -> memref<128xi32, #tpu.memory_space<vmem>>
      %dma_wait3A_629 = arith.constant 0 : i32
      %dma_wait3A_630 = arith.constant 0 : i32
      %dma_wait3A_631 = tpu.memref_slice %arg3[%dma_wait3A_629, %dma_wait3A_630] : memref<1000000x128xf32, #tpu.memory_space<hbm>> -> memref<1000000x128xf32, #tpu.memory_space<hbm>>
      tpu.wait_indirect_dma semaphore(%arg13 : memref<!tpu.dma_semaphore, #tpu.memory_space<semaphore_mem>>) src(%dma_wait3A_631 : memref<1000000x128xf32, #tpu.memory_space<hbm>>) dst(%arg6 : memref<128x128xf32, #tpu.memory_space<vmem>>)
      %scan3A_632 = arith.constant 0 : i32
      %scan3A_633 = arith.constant 120 : i32
      %scan3A_634 = arith.addi %scan3A_632, %scan3A_633 : i32
      %scan3A_635 = arith.constant 1 : i32
      %scan3A_636:8 = scf.for %scan3A_1523 = %scan3A_632 to %scan3A_634 step %scan3A_635 iter_args(%scan3A_1524 = %scan3A_613#0, %scan3A_1525 = %scan3A_613#1, %scan3A_1526 = %scan3A_613#2, %scan3A_1527 = %scan3A_613#3, %scan3A_1528 = %scan3A_613#4, %scan3A_1529 = %scan3A_613#5, %scan3A_1530 = %scan3A_613#6, %scan3A_1531 = %scan3A_613#7) -> (vector<16xf32>, vector<16xf32>, vector<16xf32>, vector<16xf32>, vector<16xf32>, vector<16xf32>, vector<16xf32>, vector<16xf32>)  : i32 {
        %get3A = arith.index_cast %scan3A_1523 : i32 to index
        %get3A_1532 = arith.constant 0 : index
        %get3A_1533 = tpu.vector_load %arg6[%get3A, %get3A_1532] {strides = array<i32>} : memref<128x128xf32, #tpu.memory_space<vmem>>, vector<1x16xf32>,
        %get3A_1534 = vector.shape_cast %get3A_1533 : vector<1x16xf32> to vector<16xf32>
        %add3A_1535 = arith.addf %scan3A_1524, %get3A_1534 : vector<16xf32>
        %get3A_1536 = arith.index_cast %scan3A_1523 : i32 to index
        %get3A_1537 = arith.constant 16 : index
        %get3A_1538 = tpu.vector_load %arg6[%get3A_1536, %get3A_1537] {strides = array<i32>} : memref<128x128xf32, #tpu.memory_space<vmem>>, vector<1x16xf32>,
        %get3A_1539 = vector.shape_cast %get3A_1538 : vector<1x16xf32> to vector<16xf32>
        %add3A_1540 = arith.addf %scan3A_1525, %get3A_1539 : vector<16xf32>
        %get3A_1541 = arith.index_cast %scan3A_1523 : i32 to index
        %get3A_1542 = arith.constant 32 : index
        %get3A_1543 = tpu.vector_load %arg6[%get3A_1541, %get3A_1542] {strides = array<i32>} : memref<128x128xf32, #tpu.memory_space<vmem>>, vector<1x16xf32>,
        %get3A_1544 = vector.shape_cast %get3A_1543 : vector<1x16xf32> to vector<16xf32>
        %add3A_1545 = arith.addf %scan3A_1526, %get3A_1544 : vector<16xf32>
        %get3A_1546 = arith.index_cast %scan3A_1523 : i32 to index
        %get3A_1547 = arith.constant 48 : index
        %get3A_1548 = tpu.vector_load %arg6[%get3A_1546, %get3A_1547] {strides = array<i32>} : memref<128x128xf32, #tpu.memory_space<vmem>>, vector<1x16xf32>,
        %get3A_1549 = vector.shape_cast %get3A_1548 : vector<1x16xf32> to vector<16xf32>
        %add3A_1550 = arith.addf %scan3A_1527, %get3A_1549 : vector<16xf32>
        %get3A_1551 = arith.index_cast %scan3A_1523 : i32 to index
        %get3A_1552 = arith.constant 64 : index
        %get3A_1553 = tpu.vector_load %arg6[%get3A_1551, %get3A_1552] {strides = array<i32>} : memref<128x128xf32, #tpu.memory_space<vmem>>, vector<1x16xf32>,
        %get3A_1554 = vector.shape_cast %get3A_1553 : vector<1x16xf32> to vector<16xf32>
        %add3A_1555 = arith.addf %scan3A_1528, %get3A_1554 : vector<16xf32>
        %get3A_1556 = arith.index_cast %scan3A_1523 : i32 to index
        %get3A_1557 = arith.constant 80 : index
        %get3A_1558 = tpu.vector_load %arg6[%get3A_1556, %get3A_1557] {strides = array<i32>} : memref<128x128xf32, #tpu.memory_space<vmem>>, vector<1x16xf32>,
        %get3A_1559 = vector.shape_cast %get3A_1558 : vector<1x16xf32> to vector<16xf32>
        %add3A_1560 = arith.addf %scan3A_1529, %get3A_1559 : vector<16xf32>
        %get3A_1561 = arith.index_cast %scan3A_1523 : i32 to index
        %get3A_1562 = arith.constant 96 : index
        %get3A_1563 = tpu.vector_load %arg6[%get3A_1561, %get3A_1562] {strides = array<i32>} : memref<128x128xf32, #tpu.memory_space<vmem>>, vector<1x16xf32>,
        %get3A_1564 = vector.shape_cast %get3A_1563 : vector<1x16xf32> to vector<16xf32>
        %add3A_1565 = arith.addf %scan3A_1530, %get3A_1564 : vector<16xf32>
        %get3A_1566 = arith.index_cast %scan3A_1523 : i32 to index
        %get3A_1567 = arith.constant 112 : index
        %get3A_1568 = tpu.vector_load %arg6[%get3A_1566, %get3A_1567] {strides = array<i32>} : memref<128x128xf32, #tpu.memory_space<vmem>>, vector<1x16xf32>,
        %get3A_1569 = vector.shape_cast %get3A_1568 : vector<1x16xf32> to vector<16xf32>
        %add3A_1570 = arith.addf %scan3A_1531, %get3A_1569 : vector<16xf32>
        scf.yield %add3A_1535, %add3A_1540, %add3A_1545, %add3A_1550, %add3A_1555, %add3A_1560, %add3A_1565, %add3A_1570 : vector<16xf32>, vector<16xf32>, vector<16xf32>, vector<16xf32>, vector<16xf32>, vector<16xf32>, vector<16xf32>, vector<16xf32>
      }
      %scan3A_637 = arith.constant 120 : i32
      %mul3A_638 = arith.constant 16 : i32
      %mul3A_639 = arith.muli %add3A_60, %mul3A_638 : i32
      %add3A_640 = arith.constant 6 : i32
      %add3A_641 = arith.addi %mul3A_639, %add3A_640 : i32
      %gt3A_642 = arith.constant 0 : i32
      %gt3A_643 = arith.cmpi sgt, %add3A_641, %gt3A_642 : i32
      %convert_element_type3A_644 = arith.extui %gt3A_643 : i1 to i32
      %cond3A_645 = arith.constant 0 : i32
      %cond3A_646 = arith.cmpi ne, %convert_element_type3A_644, %cond3A_645 : i32
      scf.if %cond3A_646 {
        %mul3A_1523 = arith.constant 128 : i32
        %mul3A_1524 = arith.muli %arg1, %mul3A_1523 : i32
        %add3A_1525 = arith.addi %mul3A_1524, %add3A_641 : i32
        %dma_wait3A_1526 = arith.constant 0 : i32
        %dma_wait3A_1527 = tpu.memref_slice %arg12[%add3A_1525, %dma_wait3A_1526] : memref<2048x128xf32, #tpu.memory_space<vmem_shared>> -> memref<1x128xf32, #tpu.memory_space<vmem_shared>>
        %dma_wait3A_1528 = tpu.memref_squeeze %dma_wait3A_1527 : memref<1x128xf32, #tpu.memory_space<vmem_shared>> -> memref<128xf32, #tpu.memory_space<vmem_shared>>
        %dma_wait3A_1529 = arith.constant 0 : i32
        %dma_wait3A_1530 = tpu.memref_slice %arg12[%add3A_1525, %dma_wait3A_1529] : memref<2048x128xf32, #tpu.memory_space<vmem_shared>> -> memref<1x128xf32, #tpu.memory_space<vmem_shared>>
        %dma_wait3A_1531 = tpu.memref_squeeze %dma_wait3A_1530 : memref<1x128xf32, #tpu.memory_space<vmem_shared>> -> memref<128xf32, #tpu.memory_space<vmem_shared>>
        tpu.wait_dma2 semaphore(%arg18 : memref<!tpu.dma_semaphore, #tpu.memory_space<semaphore_mem>>) src(%arg11 : memref<128xf32, #tpu.memory_space<vmem>>) dst(%dma_wait3A_1531 : memref<128xf32, #tpu.memory_space<vmem_shared>>)
      } else {
      }
      %swap3A_647 = arith.constant 0 : index
      %swap3A_648 = tpu.vector_load %arg11[%swap3A_647] {strides = array<i32>} : memref<128xf32, #tpu.memory_space<vmem>>, vector<16xf32>,
      %swap3A_649 = vector.shape_cast %swap3A_648 : vector<16xf32> to vector<16xf32>
      %swap3A_650 = vector.shape_cast %scan3A_636#0 : vector<16xf32> to vector<16xf32>
      tpu.vector_store %arg11[%swap3A_647], %swap3A_650 {strides = array<i32>} : memref<128xf32, #tpu.memory_space<vmem>>, vector<16xf32>,
      %swap3A_651 = arith.constant 16 : index
      %swap3A_652 = tpu.vector_load %arg11[%swap3A_651] {strides = array<i32>} : memref<128xf32, #tpu.memory_space<vmem>>, vector<16xf32>,
      %swap3A_653 = vector.shape_cast %swap3A_652 : vector<16xf32> to vector<16xf32>
      %swap3A_654 = vector.shape_cast %scan3A_636#1 : vector<16xf32> to vector<16xf32>
      tpu.vector_store %arg11[%swap3A_651], %swap3A_654 {strides = array<i32>} : memref<128xf32, #tpu.memory_space<vmem>>, vector<16xf32>,
      %swap3A_655 = arith.constant 32 : index
      %swap3A_656 = tpu.vector_load %arg11[%swap3A_655] {strides = array<i32>} : memref<128xf32, #tpu.memory_space<vmem>>, vector<16xf32>,
      %swap3A_657 = vector.shape_cast %swap3A_656 : vector<16xf32> to vector<16xf32>
      %swap3A_658 = vector.shape_cast %scan3A_636#2 : vector<16xf32> to vector<16xf32>
      tpu.vector_store %arg11[%swap3A_655], %swap3A_658 {strides = array<i32>} : memref<128xf32, #tpu.memory_space<vmem>>, vector<16xf32>,
      %swap3A_659 = arith.constant 48 : index
      %swap3A_660 = tpu.vector_load %arg11[%swap3A_659] {strides = array<i32>} : memref<128xf32, #tpu.memory_space<vmem>>, vector<16xf32>,
      %swap3A_661 = vector.shape_cast %swap3A_660 : vector<16xf32> to vector<16xf32>
      %swap3A_662 = vector.shape_cast %scan3A_636#3 : vector<16xf32> to vector<16xf32>
      tpu.vector_store %arg11[%swap3A_659], %swap3A_662 {strides = array<i32>} : memref<128xf32, #tpu.memory_space<vmem>>, vector<16xf32>,
      %swap3A_663 = arith.constant 64 : index
      %swap3A_664 = tpu.vector_load %arg11[%swap3A_663] {strides = array<i32>} : memref<128xf32, #tpu.memory_space<vmem>>, vector<16xf32>,
      %swap3A_665 = vector.shape_cast %swap3A_664 : vector<16xf32> to vector<16xf32>
      %swap3A_666 = vector.shape_cast %scan3A_636#4 : vector<16xf32> to vector<16xf32>
      tpu.vector_store %arg11[%swap3A_663], %swap3A_666 {strides = array<i32>} : memref<128xf32, #tpu.memory_space<vmem>>, vector<16xf32>,
      %swap3A_667 = arith.constant 80 : index
      %swap3A_668 = tpu.vector_load %arg11[%swap3A_667] {strides = array<i32>} : memref<128xf32, #tpu.memory_space<vmem>>, vector<16xf32>,
      %swap3A_669 = vector.shape_cast %swap3A_668 : vector<16xf32> to vector<16xf32>
      %swap3A_670 = vector.shape_cast %scan3A_636#5 : vector<16xf32> to vector<16xf32>
      tpu.vector_store %arg11[%swap3A_667], %swap3A_670 {strides = array<i32>} : memref<128xf32, #tpu.memory_space<vmem>>, vector<16xf32>,
      %swap3A_671 = arith.constant 96 : index
      %swap3A_672 = tpu.vector_load %arg11[%swap3A_671] {strides = array<i32>} : memref<128xf32, #tpu.memory_space<vmem>>, vector<16xf32>,
      %swap3A_673 = vector.shape_cast %swap3A_672 : vector<16xf32> to vector<16xf32>
      %swap3A_674 = vector.shape_cast %scan3A_636#6 : vector<16xf32> to vector<16xf32>
      tpu.vector_store %arg11[%swap3A_671], %swap3A_674 {strides = array<i32>} : memref<128xf32, #tpu.memory_space<vmem>>, vector<16xf32>,
      %swap3A_675 = arith.constant 112 : index
      %swap3A_676 = tpu.vector_load %arg11[%swap3A_675] {strides = array<i32>} : memref<128xf32, #tpu.memory_space<vmem>>, vector<16xf32>,
      %swap3A_677 = vector.shape_cast %swap3A_676 : vector<16xf32> to vector<16xf32>
      %swap3A_678 = vector.shape_cast %scan3A_636#7 : vector<16xf32> to vector<16xf32>
      tpu.vector_store %arg11[%swap3A_675], %swap3A_678 {strides = array<i32>} : memref<128xf32, #tpu.memory_space<vmem>>, vector<16xf32>,
      %mul3A_679 = arith.constant 128 : i32
      %mul3A_680 = arith.muli %arg1, %mul3A_679 : i32
      %add3A_681 = arith.addi %mul3A_680, %add3A_641 : i32
      %dma_start3A_682 = arith.constant 0 : i32
      %dma_start3A_683 = tpu.memref_slice %arg12[%add3A_681, %dma_start3A_682] : memref<2048x128xf32, #tpu.memory_space<vmem_shared>> -> memref<1x128xf32, #tpu.memory_space<vmem_shared>>
      %dma_start3A_684 = tpu.memref_squeeze %dma_start3A_683 : memref<1x128xf32, #tpu.memory_space<vmem_shared>> -> memref<128xf32, #tpu.memory_space<vmem_shared>>
      %dma_start3A_685 = arith.constant 0 : i32
      %dma_start3A_686 = tpu.memref_slice %arg12[%add3A_681, %dma_start3A_685] : memref<2048x128xf32, #tpu.memory_space<vmem_shared>> -> memref<1x128xf32, #tpu.memory_space<vmem_shared>>
      %dma_start3A_687 = tpu.memref_squeeze %dma_start3A_686 : memref<1x128xf32, #tpu.memory_space<vmem_shared>> -> memref<128xf32, #tpu.memory_space<vmem_shared>>
      tpu.enqueue_dma source(%arg11 : memref<128xf32, #tpu.memory_space<vmem>>) target(%dma_start3A_687 : memref<128xf32, #tpu.memory_space<vmem_shared>>) target_semaphore(%arg18 : memref<!tpu.dma_semaphore, #tpu.memory_space<semaphore_mem>>)
      %scan3A_688 = arith.constant 120 : i32
      %scan3A_689 = arith.constant 8 : i32
      %scan3A_690 = arith.addi %scan3A_688, %scan3A_689 : i32
      %scan3A_691 = arith.constant 1 : i32
      %scan3A_692:8 = scf.for %scan3A_1523 = %scan3A_688 to %scan3A_690 step %scan3A_691 iter_args(%scan3A_1524 = %broadcast_in_dim3A_3, %scan3A_1525 = %broadcast_in_dim3A_5, %scan3A_1526 = %broadcast_in_dim3A_7, %scan3A_1527 = %broadcast_in_dim3A_9, %scan3A_1528 = %broadcast_in_dim3A_11, %scan3A_1529 = %broadcast_in_dim3A_13, %scan3A_1530 = %broadcast_in_dim3A_15, %scan3A_1531 = %broadcast_in_dim3A_17) -> (vector<16xf32>, vector<16xf32>, vector<16xf32>, vector<16xf32>, vector<16xf32>, vector<16xf32>, vector<16xf32>, vector<16xf32>)  : i32 {
        %get3A = arith.index_cast %scan3A_1523 : i32 to index
        %get3A_1532 = arith.constant 0 : index
        %get3A_1533 = tpu.vector_load %arg6[%get3A, %get3A_1532] {strides = array<i32>} : memref<128x128xf32, #tpu.memory_space<vmem>>, vector<1x16xf32>,
        %get3A_1534 = vector.shape_cast %get3A_1533 : vector<1x16xf32> to vector<16xf32>
        %add3A_1535 = arith.addf %scan3A_1524, %get3A_1534 : vector<16xf32>
        %get3A_1536 = arith.index_cast %scan3A_1523 : i32 to index
        %get3A_1537 = arith.constant 16 : index
        %get3A_1538 = tpu.vector_load %arg6[%get3A_1536, %get3A_1537] {strides = array<i32>} : memref<128x128xf32, #tpu.memory_space<vmem>>, vector<1x16xf32>,
        %get3A_1539 = vector.shape_cast %get3A_1538 : vector<1x16xf32> to vector<16xf32>
        %add3A_1540 = arith.addf %scan3A_1525, %get3A_1539 : vector<16xf32>
        %get3A_1541 = arith.index_cast %scan3A_1523 : i32 to index
        %get3A_1542 = arith.constant 32 : index
        %get3A_1543 = tpu.vector_load %arg6[%get3A_1541, %get3A_1542] {strides = array<i32>} : memref<128x128xf32, #tpu.memory_space<vmem>>, vector<1x16xf32>,
        %get3A_1544 = vector.shape_cast %get3A_1543 : vector<1x16xf32> to vector<16xf32>
        %add3A_1545 = arith.addf %scan3A_1526, %get3A_1544 : vector<16xf32>
        %get3A_1546 = arith.index_cast %scan3A_1523 : i32 to index
        %get3A_1547 = arith.constant 48 : index
        %get3A_1548 = tpu.vector_load %arg6[%get3A_1546, %get3A_1547] {strides = array<i32>} : memref<128x128xf32, #tpu.memory_space<vmem>>, vector<1x16xf32>,
        %get3A_1549 = vector.shape_cast %get3A_1548 : vector<1x16xf32> to vector<16xf32>
        %add3A_1550 = arith.addf %scan3A_1527, %get3A_1549 : vector<16xf32>
        %get3A_1551 = arith.index_cast %scan3A_1523 : i32 to index
        %get3A_1552 = arith.constant 64 : index
        %get3A_1553 = tpu.vector_load %arg6[%get3A_1551, %get3A_1552] {strides = array<i32>} : memref<128x128xf32, #tpu.memory_space<vmem>>, vector<1x16xf32>,
        %get3A_1554 = vector.shape_cast %get3A_1553 : vector<1x16xf32> to vector<16xf32>
        %add3A_1555 = arith.addf %scan3A_1528, %get3A_1554 : vector<16xf32>
        %get3A_1556 = arith.index_cast %scan3A_1523 : i32 to index
        %get3A_1557 = arith.constant 80 : index
        %get3A_1558 = tpu.vector_load %arg6[%get3A_1556, %get3A_1557] {strides = array<i32>} : memref<128x128xf32, #tpu.memory_space<vmem>>, vector<1x16xf32>,
        %get3A_1559 = vector.shape_cast %get3A_1558 : vector<1x16xf32> to vector<16xf32>
        %add3A_1560 = arith.addf %scan3A_1529, %get3A_1559 : vector<16xf32>
        %get3A_1561 = arith.index_cast %scan3A_1523 : i32 to index
        %get3A_1562 = arith.constant 96 : index
        %get3A_1563 = tpu.vector_load %arg6[%get3A_1561, %get3A_1562] {strides = array<i32>} : memref<128x128xf32, #tpu.memory_space<vmem>>, vector<1x16xf32>,
        %get3A_1564 = vector.shape_cast %get3A_1563 : vector<1x16xf32> to vector<16xf32>
        %add3A_1565 = arith.addf %scan3A_1530, %get3A_1564 : vector<16xf32>
        %get3A_1566 = arith.index_cast %scan3A_1523 : i32 to index
        %get3A_1567 = arith.constant 112 : index
        %get3A_1568 = tpu.vector_load %arg6[%get3A_1566, %get3A_1567] {strides = array<i32>} : memref<128x128xf32, #tpu.memory_space<vmem>>, vector<1x16xf32>,
        %get3A_1569 = vector.shape_cast %get3A_1568 : vector<1x16xf32> to vector<16xf32>
        %add3A_1570 = arith.addf %scan3A_1531, %get3A_1569 : vector<16xf32>
        scf.yield %add3A_1535, %add3A_1540, %add3A_1545, %add3A_1550, %add3A_1555, %add3A_1560, %add3A_1565, %add3A_1570 : vector<16xf32>, vector<16xf32>, vector<16xf32>, vector<16xf32>, vector<16xf32>, vector<16xf32>, vector<16xf32>, vector<16xf32>
      }
      %scan3A_693 = arith.constant 8 : i32
      %add3A_694 = arith.constant 10 : i32
      %add3A_695 = arith.addi %mul3A_62, %add3A_694 : i32
      %add3A_696 = arith.constant 5 : i32
      %add3A_697 = arith.addi %add3A_695, %add3A_696 : i32
      %lt3A_698 = arith.constant 200 : i32
      %lt3A_699 = arith.cmpi slt, %add3A_697, %lt3A_698 : i32
      %convert_element_type3A_700 = arith.extui %lt3A_699 : i1 to i32
      %cond3A_701 = arith.constant 0 : i32
      %cond3A_702 = arith.cmpi ne, %convert_element_type3A_700, %cond3A_701 : i32
      scf.if %cond3A_702 {
        %add3A_1523 = arith.constant 10 : i32
        %add3A_1524 = arith.addi %mul3A_62, %add3A_1523 : i32
        %add3A_1525 = arith.constant 5 : i32
        %add3A_1526 = arith.addi %add3A_1524, %add3A_1525 : i32
        %mul3A_1527 = arith.constant 128 : i32
        %mul3A_1528 = arith.muli %add3A_1526, %mul3A_1527 : i32
        %dma_start3A_1529 = tpu.memref_slice %arg5[%mul3A_1528] : memref<25600xi32, #tpu.memory_space<vmem>> -> memref<128xi32, #tpu.memory_space<vmem>>
        %dma_start3A_1530 = arith.constant 0 : i32
        %dma_start3A_1531 = arith.constant 0 : i32
        %dma_start3A_1532 = tpu.memref_slice %arg3[%dma_start3A_1530, %dma_start3A_1531] : memref<1000000x128xf32, #tpu.memory_space<hbm>> -> memref<1000000x128xf32, #tpu.memory_space<hbm>>
        tpu.enqueue_indirect_dma source(%dma_start3A_1532 : memref<1000000x128xf32, #tpu.memory_space<hbm>>) target(%arg6 : memref<128x128xf32, #tpu.memory_space<vmem>>) offsets(%dma_start3A_1529 : memref<128xi32, #tpu.memory_space<vmem>>) semaphore(%arg13 : memref<!tpu.dma_semaphore, #tpu.memory_space<semaphore_mem>>)
      } else {
      }
      %add3A_703 = arith.constant 11 : i32
      %add3A_704 = arith.addi %mul3A_62, %add3A_703 : i32
      %mul3A_705 = arith.constant 128 : i32
      %mul3A_706 = arith.muli %add3A_704, %mul3A_705 : i32
      %dma_wait3A_707 = tpu.memref_slice %arg5[%mul3A_706] : memref<25600xi32, #tpu.memory_space<vmem>> -> memref<128xi32, #tpu.memory_space<vmem>>
      %dma_wait3A_708 = arith.constant 0 : i32
      %dma_wait3A_709 = arith.constant 0 : i32
      %dma_wait3A_710 = tpu.memref_slice %arg3[%dma_wait3A_708, %dma_wait3A_709] : memref<1000000x128xf32, #tpu.memory_space<hbm>> -> memref<1000000x128xf32, #tpu.memory_space<hbm>>
      tpu.wait_indirect_dma semaphore(%arg14 : memref<!tpu.dma_semaphore, #tpu.memory_space<semaphore_mem>>) src(%dma_wait3A_710 : memref<1000000x128xf32, #tpu.memory_space<hbm>>) dst(%arg7 : memref<128x128xf32, #tpu.memory_space<vmem>>)
      %scan3A_711 = arith.constant 0 : i32
      %scan3A_712 = arith.constant 128 : i32
      %scan3A_713 = arith.addi %scan3A_711, %scan3A_712 : i32
      %scan3A_714 = arith.constant 1 : i32
      %scan3A_715:8 = scf.for %scan3A_1523 = %scan3A_711 to %scan3A_713 step %scan3A_714 iter_args(%scan3A_1524 = %scan3A_692#0, %scan3A_1525 = %scan3A_692#1, %scan3A_1526 = %scan3A_692#2, %scan3A_1527 = %scan3A_692#3, %scan3A_1528 = %scan3A_692#4, %scan3A_1529 = %scan3A_692#5, %scan3A_1530 = %scan3A_692#6, %scan3A_1531 = %scan3A_692#7) -> (vector<16xf32>, vector<16xf32>, vector<16xf32>, vector<16xf32>, vector<16xf32>, vector<16xf32>, vector<16xf32>, vector<16xf32>)  : i32 {
        %get3A = arith.index_cast %scan3A_1523 : i32 to index
        %get3A_1532 = arith.constant 0 : index
        %get3A_1533 = tpu.vector_load %arg7[%get3A, %get3A_1532] {strides = array<i32>} : memref<128x128xf32, #tpu.memory_space<vmem>>, vector<1x16xf32>,
        %get3A_1534 = vector.shape_cast %get3A_1533 : vector<1x16xf32> to vector<16xf32>
        %add3A_1535 = arith.addf %scan3A_1524, %get3A_1534 : vector<16xf32>
        %get3A_1536 = arith.index_cast %scan3A_1523 : i32 to index
        %get3A_1537 = arith.constant 16 : index
        %get3A_1538 = tpu.vector_load %arg7[%get3A_1536, %get3A_1537] {strides = array<i32>} : memref<128x128xf32, #tpu.memory_space<vmem>>, vector<1x16xf32>,
        %get3A_1539 = vector.shape_cast %get3A_1538 : vector<1x16xf32> to vector<16xf32>
        %add3A_1540 = arith.addf %scan3A_1525, %get3A_1539 : vector<16xf32>
        %get3A_1541 = arith.index_cast %scan3A_1523 : i32 to index
        %get3A_1542 = arith.constant 32 : index
        %get3A_1543 = tpu.vector_load %arg7[%get3A_1541, %get3A_1542] {strides = array<i32>} : memref<128x128xf32, #tpu.memory_space<vmem>>, vector<1x16xf32>,
        %get3A_1544 = vector.shape_cast %get3A_1543 : vector<1x16xf32> to vector<16xf32>
        %add3A_1545 = arith.addf %scan3A_1526, %get3A_1544 : vector<16xf32>
        %get3A_1546 = arith.index_cast %scan3A_1523 : i32 to index
        %get3A_1547 = arith.constant 48 : index
        %get3A_1548 = tpu.vector_load %arg7[%get3A_1546, %get3A_1547] {strides = array<i32>} : memref<128x128xf32, #tpu.memory_space<vmem>>, vector<1x16xf32>,
        %get3A_1549 = vector.shape_cast %get3A_1548 : vector<1x16xf32> to vector<16xf32>
        %add3A_1550 = arith.addf %scan3A_1527, %get3A_1549 : vector<16xf32>
        %get3A_1551 = arith.index_cast %scan3A_1523 : i32 to index
        %get3A_1552 = arith.constant 64 : index
        %get3A_1553 = tpu.vector_load %arg7[%get3A_1551, %get3A_1552] {strides = array<i32>} : memref<128x128xf32, #tpu.memory_space<vmem>>, vector<1x16xf32>,
        %get3A_1554 = vector.shape_cast %get3A_1553 : vector<1x16xf32> to vector<16xf32>
        %add3A_1555 = arith.addf %scan3A_1528, %get3A_1554 : vector<16xf32>
        %get3A_1556 = arith.index_cast %scan3A_1523 : i32 to index
        %get3A_1557 = arith.constant 80 : index
        %get3A_1558 = tpu.vector_load %arg7[%get3A_1556, %get3A_1557] {strides = array<i32>} : memref<128x128xf32, #tpu.memory_space<vmem>>, vector<1x16xf32>,
        %get3A_1559 = vector.shape_cast %get3A_1558 : vector<1x16xf32> to vector<16xf32>
        %add3A_1560 = arith.addf %scan3A_1529, %get3A_1559 : vector<16xf32>
        %get3A_1561 = arith.index_cast %scan3A_1523 : i32 to index
        %get3A_1562 = arith.constant 96 : index
        %get3A_1563 = tpu.vector_load %arg7[%get3A_1561, %get3A_1562] {strides = array<i32>} : memref<128x128xf32, #tpu.memory_space<vmem>>, vector<1x16xf32>,
        %get3A_1564 = vector.shape_cast %get3A_1563 : vector<1x16xf32> to vector<16xf32>
        %add3A_1565 = arith.addf %scan3A_1530, %get3A_1564 : vector<16xf32>
        %get3A_1566 = arith.index_cast %scan3A_1523 : i32 to index
        %get3A_1567 = arith.constant 112 : index
        %get3A_1568 = tpu.vector_load %arg7[%get3A_1566, %get3A_1567] {strides = array<i32>} : memref<128x128xf32, #tpu.memory_space<vmem>>, vector<1x16xf32>,
        %get3A_1569 = vector.shape_cast %get3A_1568 : vector<1x16xf32> to vector<16xf32>
        %add3A_1570 = arith.addf %scan3A_1531, %get3A_1569 : vector<16xf32>
        scf.yield %add3A_1535, %add3A_1540, %add3A_1545, %add3A_1550, %add3A_1555, %add3A_1560, %add3A_1565, %add3A_1570 : vector<16xf32>, vector<16xf32>, vector<16xf32>, vector<16xf32>, vector<16xf32>, vector<16xf32>, vector<16xf32>, vector<16xf32>
      }
      %scan3A_716 = arith.constant 128 : i32
      %add3A_717 = arith.constant 11 : i32
      %add3A_718 = arith.addi %mul3A_62, %add3A_717 : i32
      %add3A_719 = arith.constant 5 : i32
      %add3A_720 = arith.addi %add3A_718, %add3A_719 : i32
      %lt3A_721 = arith.constant 200 : i32
      %lt3A_722 = arith.cmpi slt, %add3A_720, %lt3A_721 : i32
      %convert_element_type3A_723 = arith.extui %lt3A_722 : i1 to i32
      %cond3A_724 = arith.constant 0 : i32
      %cond3A_725 = arith.cmpi ne, %convert_element_type3A_723, %cond3A_724 : i32
      scf.if %cond3A_725 {
        %add3A_1523 = arith.constant 11 : i32
        %add3A_1524 = arith.addi %mul3A_62, %add3A_1523 : i32
        %add3A_1525 = arith.constant 5 : i32
        %add3A_1526 = arith.addi %add3A_1524, %add3A_1525 : i32
        %mul3A_1527 = arith.constant 128 : i32
        %mul3A_1528 = arith.muli %add3A_1526, %mul3A_1527 : i32
        %dma_start3A_1529 = tpu.memref_slice %arg5[%mul3A_1528] : memref<25600xi32, #tpu.memory_space<vmem>> -> memref<128xi32, #tpu.memory_space<vmem>>
        %dma_start3A_1530 = arith.constant 0 : i32
        %dma_start3A_1531 = arith.constant 0 : i32
        %dma_start3A_1532 = tpu.memref_slice %arg3[%dma_start3A_1530, %dma_start3A_1531] : memref<1000000x128xf32, #tpu.memory_space<hbm>> -> memref<1000000x128xf32, #tpu.memory_space<hbm>>
        tpu.enqueue_indirect_dma source(%dma_start3A_1532 : memref<1000000x128xf32, #tpu.memory_space<hbm>>) target(%arg7 : memref<128x128xf32, #tpu.memory_space<vmem>>) offsets(%dma_start3A_1529 : memref<128xi32, #tpu.memory_space<vmem>>) semaphore(%arg14 : memref<!tpu.dma_semaphore, #tpu.memory_space<semaphore_mem>>)
      } else {
      }
      %add3A_726 = arith.constant 12 : i32
      %add3A_727 = arith.addi %mul3A_62, %add3A_726 : i32
      %mul3A_728 = arith.constant 128 : i32
      %mul3A_729 = arith.muli %add3A_727, %mul3A_728 : i32
      %dma_wait3A_730 = tpu.memref_slice %arg5[%mul3A_729] : memref<25600xi32, #tpu.memory_space<vmem>> -> memref<128xi32, #tpu.memory_space<vmem>>
      %dma_wait3A_731 = arith.constant 0 : i32
      %dma_wait3A_732 = arith.constant 0 : i32
      %dma_wait3A_733 = tpu.memref_slice %arg3[%dma_wait3A_731, %dma_wait3A_732] : memref<1000000x128xf32, #tpu.memory_space<hbm>> -> memref<1000000x128xf32, #tpu.memory_space<hbm>>
      tpu.wait_indirect_dma semaphore(%arg15 : memref<!tpu.dma_semaphore, #tpu.memory_space<semaphore_mem>>) src(%dma_wait3A_733 : memref<1000000x128xf32, #tpu.memory_space<hbm>>) dst(%arg8 : memref<128x128xf32, #tpu.memory_space<vmem>>)
      %scan3A_734 = arith.constant 0 : i32
      %scan3A_735 = arith.constant 64 : i32
      %scan3A_736 = arith.addi %scan3A_734, %scan3A_735 : i32
      %scan3A_737 = arith.constant 1 : i32
      %scan3A_738:8 = scf.for %scan3A_1523 = %scan3A_734 to %scan3A_736 step %scan3A_737 iter_args(%scan3A_1524 = %scan3A_715#0, %scan3A_1525 = %scan3A_715#1, %scan3A_1526 = %scan3A_715#2, %scan3A_1527 = %scan3A_715#3, %scan3A_1528 = %scan3A_715#4, %scan3A_1529 = %scan3A_715#5, %scan3A_1530 = %scan3A_715#6, %scan3A_1531 = %scan3A_715#7) -> (vector<16xf32>, vector<16xf32>, vector<16xf32>, vector<16xf32>, vector<16xf32>, vector<16xf32>, vector<16xf32>, vector<16xf32>)  : i32 {
        %get3A = arith.index_cast %scan3A_1523 : i32 to index
        %get3A_1532 = arith.constant 0 : index
        %get3A_1533 = tpu.vector_load %arg8[%get3A, %get3A_1532] {strides = array<i32>} : memref<128x128xf32, #tpu.memory_space<vmem>>, vector<1x16xf32>,
        %get3A_1534 = vector.shape_cast %get3A_1533 : vector<1x16xf32> to vector<16xf32>
        %add3A_1535 = arith.addf %scan3A_1524, %get3A_1534 : vector<16xf32>
        %get3A_1536 = arith.index_cast %scan3A_1523 : i32 to index
        %get3A_1537 = arith.constant 16 : index
        %get3A_1538 = tpu.vector_load %arg8[%get3A_1536, %get3A_1537] {strides = array<i32>} : memref<128x128xf32, #tpu.memory_space<vmem>>, vector<1x16xf32>,
        %get3A_1539 = vector.shape_cast %get3A_1538 : vector<1x16xf32> to vector<16xf32>
        %add3A_1540 = arith.addf %scan3A_1525, %get3A_1539 : vector<16xf32>
        %get3A_1541 = arith.index_cast %scan3A_1523 : i32 to index
        %get3A_1542 = arith.constant 32 : index
        %get3A_1543 = tpu.vector_load %arg8[%get3A_1541, %get3A_1542] {strides = array<i32>} : memref<128x128xf32, #tpu.memory_space<vmem>>, vector<1x16xf32>,
        %get3A_1544 = vector.shape_cast %get3A_1543 : vector<1x16xf32> to vector<16xf32>
        %add3A_1545 = arith.addf %scan3A_1526, %get3A_1544 : vector<16xf32>
        %get3A_1546 = arith.index_cast %scan3A_1523 : i32 to index
        %get3A_1547 = arith.constant 48 : index
        %get3A_1548 = tpu.vector_load %arg8[%get3A_1546, %get3A_1547] {strides = array<i32>} : memref<128x128xf32, #tpu.memory_space<vmem>>, vector<1x16xf32>,
        %get3A_1549 = vector.shape_cast %get3A_1548 : vector<1x16xf32> to vector<16xf32>
        %add3A_1550 = arith.addf %scan3A_1527, %get3A_1549 : vector<16xf32>
        %get3A_1551 = arith.index_cast %scan3A_1523 : i32 to index
        %get3A_1552 = arith.constant 64 : index
        %get3A_1553 = tpu.vector_load %arg8[%get3A_1551, %get3A_1552] {strides = array<i32>} : memref<128x128xf32, #tpu.memory_space<vmem>>, vector<1x16xf32>,
        %get3A_1554 = vector.shape_cast %get3A_1553 : vector<1x16xf32> to vector<16xf32>
        %add3A_1555 = arith.addf %scan3A_1528, %get3A_1554 : vector<16xf32>
        %get3A_1556 = arith.index_cast %scan3A_1523 : i32 to index
        %get3A_1557 = arith.constant 80 : index
        %get3A_1558 = tpu.vector_load %arg8[%get3A_1556, %get3A_1557] {strides = array<i32>} : memref<128x128xf32, #tpu.memory_space<vmem>>, vector<1x16xf32>,
        %get3A_1559 = vector.shape_cast %get3A_1558 : vector<1x16xf32> to vector<16xf32>
        %add3A_1560 = arith.addf %scan3A_1529, %get3A_1559 : vector<16xf32>
        %get3A_1561 = arith.index_cast %scan3A_1523 : i32 to index
        %get3A_1562 = arith.constant 96 : index
        %get3A_1563 = tpu.vector_load %arg8[%get3A_1561, %get3A_1562] {strides = array<i32>} : memref<128x128xf32, #tpu.memory_space<vmem>>, vector<1x16xf32>,
        %get3A_1564 = vector.shape_cast %get3A_1563 : vector<1x16xf32> to vector<16xf32>
        %add3A_1565 = arith.addf %scan3A_1530, %get3A_1564 : vector<16xf32>
        %get3A_1566 = arith.index_cast %scan3A_1523 : i32 to index
        %get3A_1567 = arith.constant 112 : index
        %get3A_1568 = tpu.vector_load %arg8[%get3A_1566, %get3A_1567] {strides = array<i32>} : memref<128x128xf32, #tpu.memory_space<vmem>>, vector<1x16xf32>,
        %get3A_1569 = vector.shape_cast %get3A_1568 : vector<1x16xf32> to vector<16xf32>
        %add3A_1570 = arith.addf %scan3A_1531, %get3A_1569 : vector<16xf32>
        scf.yield %add3A_1535, %add3A_1540, %add3A_1545, %add3A_1550, %add3A_1555, %add3A_1560, %add3A_1565, %add3A_1570 : vector<16xf32>, vector<16xf32>, vector<16xf32>, vector<16xf32>, vector<16xf32>, vector<16xf32>, vector<16xf32>, vector<16xf32>
      }
      %scan3A_739 = arith.constant 64 : i32
      %mul3A_740 = arith.constant 16 : i32
      %mul3A_741 = arith.muli %add3A_60, %mul3A_740 : i32
      %add3A_742 = arith.constant 7 : i32
      %add3A_743 = arith.addi %mul3A_741, %add3A_742 : i32
      %gt3A_744 = arith.constant 0 : i32
      %gt3A_745 = arith.cmpi sgt, %add3A_743, %gt3A_744 : i32
      %convert_element_type3A_746 = arith.extui %gt3A_745 : i1 to i32
      %cond3A_747 = arith.constant 0 : i32
      %cond3A_748 = arith.cmpi ne, %convert_element_type3A_746, %cond3A_747 : i32
      scf.if %cond3A_748 {
        %mul3A_1523 = arith.constant 128 : i32
        %mul3A_1524 = arith.muli %arg1, %mul3A_1523 : i32
        %add3A_1525 = arith.addi %mul3A_1524, %add3A_743 : i32
        %dma_wait3A_1526 = arith.constant 0 : i32
        %dma_wait3A_1527 = tpu.memref_slice %arg12[%add3A_1525, %dma_wait3A_1526] : memref<2048x128xf32, #tpu.memory_space<vmem_shared>> -> memref<1x128xf32, #tpu.memory_space<vmem_shared>>
        %dma_wait3A_1528 = tpu.memref_squeeze %dma_wait3A_1527 : memref<1x128xf32, #tpu.memory_space<vmem_shared>> -> memref<128xf32, #tpu.memory_space<vmem_shared>>
        %dma_wait3A_1529 = arith.constant 0 : i32
        %dma_wait3A_1530 = tpu.memref_slice %arg12[%add3A_1525, %dma_wait3A_1529] : memref<2048x128xf32, #tpu.memory_space<vmem_shared>> -> memref<1x128xf32, #tpu.memory_space<vmem_shared>>
        %dma_wait3A_1531 = tpu.memref_squeeze %dma_wait3A_1530 : memref<1x128xf32, #tpu.memory_space<vmem_shared>> -> memref<128xf32, #tpu.memory_space<vmem_shared>>
        tpu.wait_dma2 semaphore(%arg18 : memref<!tpu.dma_semaphore, #tpu.memory_space<semaphore_mem>>) src(%arg11 : memref<128xf32, #tpu.memory_space<vmem>>) dst(%dma_wait3A_1531 : memref<128xf32, #tpu.memory_space<vmem_shared>>)
      } else {
      }
      %swap3A_749 = arith.constant 0 : index
      %swap3A_750 = tpu.vector_load %arg11[%swap3A_749] {strides = array<i32>} : memref<128xf32, #tpu.memory_space<vmem>>, vector<16xf32>,
      %swap3A_751 = vector.shape_cast %swap3A_750 : vector<16xf32> to vector<16xf32>
      %swap3A_752 = vector.shape_cast %scan3A_738#0 : vector<16xf32> to vector<16xf32>
      tpu.vector_store %arg11[%swap3A_749], %swap3A_752 {strides = array<i32>} : memref<128xf32, #tpu.memory_space<vmem>>, vector<16xf32>,
      %swap3A_753 = arith.constant 16 : index
      %swap3A_754 = tpu.vector_load %arg11[%swap3A_753] {strides = array<i32>} : memref<128xf32, #tpu.memory_space<vmem>>, vector<16xf32>,
      %swap3A_755 = vector.shape_cast %swap3A_754 : vector<16xf32> to vector<16xf32>
      %swap3A_756 = vector.shape_cast %scan3A_738#1 : vector<16xf32> to vector<16xf32>
      tpu.vector_store %arg11[%swap3A_753], %swap3A_756 {strides = array<i32>} : memref<128xf32, #tpu.memory_space<vmem>>, vector<16xf32>,
      %swap3A_757 = arith.constant 32 : index
      %swap3A_758 = tpu.vector_load %arg11[%swap3A_757] {strides = array<i32>} : memref<128xf32, #tpu.memory_space<vmem>>, vector<16xf32>,
      %swap3A_759 = vector.shape_cast %swap3A_758 : vector<16xf32> to vector<16xf32>
      %swap3A_760 = vector.shape_cast %scan3A_738#2 : vector<16xf32> to vector<16xf32>
      tpu.vector_store %arg11[%swap3A_757], %swap3A_760 {strides = array<i32>} : memref<128xf32, #tpu.memory_space<vmem>>, vector<16xf32>,
      %swap3A_761 = arith.constant 48 : index
      %swap3A_762 = tpu.vector_load %arg11[%swap3A_761] {strides = array<i32>} : memref<128xf32, #tpu.memory_space<vmem>>, vector<16xf32>,
      %swap3A_763 = vector.shape_cast %swap3A_762 : vector<16xf32> to vector<16xf32>
      %swap3A_764 = vector.shape_cast %scan3A_738#3 : vector<16xf32> to vector<16xf32>
      tpu.vector_store %arg11[%swap3A_761], %swap3A_764 {strides = array<i32>} : memref<128xf32, #tpu.memory_space<vmem>>, vector<16xf32>,
      %swap3A_765 = arith.constant 64 : index
      %swap3A_766 = tpu.vector_load %arg11[%swap3A_765] {strides = array<i32>} : memref<128xf32, #tpu.memory_space<vmem>>, vector<16xf32>,
      %swap3A_767 = vector.shape_cast %swap3A_766 : vector<16xf32> to vector<16xf32>
      %swap3A_768 = vector.shape_cast %scan3A_738#4 : vector<16xf32> to vector<16xf32>
      tpu.vector_store %arg11[%swap3A_765], %swap3A_768 {strides = array<i32>} : memref<128xf32, #tpu.memory_space<vmem>>, vector<16xf32>,
      %swap3A_769 = arith.constant 80 : index
      %swap3A_770 = tpu.vector_load %arg11[%swap3A_769] {strides = array<i32>} : memref<128xf32, #tpu.memory_space<vmem>>, vector<16xf32>,
      %swap3A_771 = vector.shape_cast %swap3A_770 : vector<16xf32> to vector<16xf32>
      %swap3A_772 = vector.shape_cast %scan3A_738#5 : vector<16xf32> to vector<16xf32>
      tpu.vector_store %arg11[%swap3A_769], %swap3A_772 {strides = array<i32>} : memref<128xf32, #tpu.memory_space<vmem>>, vector<16xf32>,
      %swap3A_773 = arith.constant 96 : index
      %swap3A_774 = tpu.vector_load %arg11[%swap3A_773] {strides = array<i32>} : memref<128xf32, #tpu.memory_space<vmem>>, vector<16xf32>,
      %swap3A_775 = vector.shape_cast %swap3A_774 : vector<16xf32> to vector<16xf32>
      %swap3A_776 = vector.shape_cast %scan3A_738#6 : vector<16xf32> to vector<16xf32>
      tpu.vector_store %arg11[%swap3A_773], %swap3A_776 {strides = array<i32>} : memref<128xf32, #tpu.memory_space<vmem>>, vector<16xf32>,
      %swap3A_777 = arith.constant 112 : index
      %swap3A_778 = tpu.vector_load %arg11[%swap3A_777] {strides = array<i32>} : memref<128xf32, #tpu.memory_space<vmem>>, vector<16xf32>,
      %swap3A_779 = vector.shape_cast %swap3A_778 : vector<16xf32> to vector<16xf32>
      %swap3A_780 = vector.shape_cast %scan3A_738#7 : vector<16xf32> to vector<16xf32>
      tpu.vector_store %arg11[%swap3A_777], %swap3A_780 {strides = array<i32>} : memref<128xf32, #tpu.memory_space<vmem>>, vector<16xf32>,
      %mul3A_781 = arith.constant 128 : i32
      %mul3A_782 = arith.muli %arg1, %mul3A_781 : i32
      %add3A_783 = arith.addi %mul3A_782, %add3A_743 : i32
      %dma_start3A_784 = arith.constant 0 : i32
      %dma_start3A_785 = tpu.memref_slice %arg12[%add3A_783, %dma_start3A_784] : memref<2048x128xf32, #tpu.memory_space<vmem_shared>> -> memref<1x128xf32, #tpu.memory_space<vmem_shared>>
      %dma_start3A_786 = tpu.memref_squeeze %dma_start3A_785 : memref<1x128xf32, #tpu.memory_space<vmem_shared>> -> memref<128xf32, #tpu.memory_space<vmem_shared>>
      %dma_start3A_787 = arith.constant 0 : i32
      %dma_start3A_788 = tpu.memref_slice %arg12[%add3A_783, %dma_start3A_787] : memref<2048x128xf32, #tpu.memory_space<vmem_shared>> -> memref<1x128xf32, #tpu.memory_space<vmem_shared>>
      %dma_start3A_789 = tpu.memref_squeeze %dma_start3A_788 : memref<1x128xf32, #tpu.memory_space<vmem_shared>> -> memref<128xf32, #tpu.memory_space<vmem_shared>>
      tpu.enqueue_dma source(%arg11 : memref<128xf32, #tpu.memory_space<vmem>>) target(%dma_start3A_789 : memref<128xf32, #tpu.memory_space<vmem_shared>>) target_semaphore(%arg18 : memref<!tpu.dma_semaphore, #tpu.memory_space<semaphore_mem>>)
      %scan3A_790 = arith.constant 64 : i32
      %scan3A_791 = arith.constant 64 : i32
      %scan3A_792 = arith.addi %scan3A_790, %scan3A_791 : i32
      %scan3A_793 = arith.constant 1 : i32
      %scan3A_794:8 = scf.for %scan3A_1523 = %scan3A_790 to %scan3A_792 step %scan3A_793 iter_args(%scan3A_1524 = %broadcast_in_dim3A_3, %scan3A_1525 = %broadcast_in_dim3A_5, %scan3A_1526 = %broadcast_in_dim3A_7, %scan3A_1527 = %broadcast_in_dim3A_9, %scan3A_1528 = %broadcast_in_dim3A_11, %scan3A_1529 = %broadcast_in_dim3A_13, %scan3A_1530 = %broadcast_in_dim3A_15, %scan3A_1531 = %broadcast_in_dim3A_17) -> (vector<16xf32>, vector<16xf32>, vector<16xf32>, vector<16xf32>, vector<16xf32>, vector<16xf32>, vector<16xf32>, vector<16xf32>)  : i32 {
        %get3A = arith.index_cast %scan3A_1523 : i32 to index
        %get3A_1532 = arith.constant 0 : index
        %get3A_1533 = tpu.vector_load %arg8[%get3A, %get3A_1532] {strides = array<i32>} : memref<128x128xf32, #tpu.memory_space<vmem>>, vector<1x16xf32>,
        %get3A_1534 = vector.shape_cast %get3A_1533 : vector<1x16xf32> to vector<16xf32>
        %add3A_1535 = arith.addf %scan3A_1524, %get3A_1534 : vector<16xf32>
        %get3A_1536 = arith.index_cast %scan3A_1523 : i32 to index
        %get3A_1537 = arith.constant 16 : index
        %get3A_1538 = tpu.vector_load %arg8[%get3A_1536, %get3A_1537] {strides = array<i32>} : memref<128x128xf32, #tpu.memory_space<vmem>>, vector<1x16xf32>,
        %get3A_1539 = vector.shape_cast %get3A_1538 : vector<1x16xf32> to vector<16xf32>
        %add3A_1540 = arith.addf %scan3A_1525, %get3A_1539 : vector<16xf32>
        %get3A_1541 = arith.index_cast %scan3A_1523 : i32 to index
        %get3A_1542 = arith.constant 32 : index
        %get3A_1543 = tpu.vector_load %arg8[%get3A_1541, %get3A_1542] {strides = array<i32>} : memref<128x128xf32, #tpu.memory_space<vmem>>, vector<1x16xf32>,
        %get3A_1544 = vector.shape_cast %get3A_1543 : vector<1x16xf32> to vector<16xf32>
        %add3A_1545 = arith.addf %scan3A_1526, %get3A_1544 : vector<16xf32>
        %get3A_1546 = arith.index_cast %scan3A_1523 : i32 to index
        %get3A_1547 = arith.constant 48 : index
        %get3A_1548 = tpu.vector_load %arg8[%get3A_1546, %get3A_1547] {strides = array<i32>} : memref<128x128xf32, #tpu.memory_space<vmem>>, vector<1x16xf32>,
        %get3A_1549 = vector.shape_cast %get3A_1548 : vector<1x16xf32> to vector<16xf32>
        %add3A_1550 = arith.addf %scan3A_1527, %get3A_1549 : vector<16xf32>
        %get3A_1551 = arith.index_cast %scan3A_1523 : i32 to index
        %get3A_1552 = arith.constant 64 : index
        %get3A_1553 = tpu.vector_load %arg8[%get3A_1551, %get3A_1552] {strides = array<i32>} : memref<128x128xf32, #tpu.memory_space<vmem>>, vector<1x16xf32>,
        %get3A_1554 = vector.shape_cast %get3A_1553 : vector<1x16xf32> to vector<16xf32>
        %add3A_1555 = arith.addf %scan3A_1528, %get3A_1554 : vector<16xf32>
        %get3A_1556 = arith.index_cast %scan3A_1523 : i32 to index
        %get3A_1557 = arith.constant 80 : index
        %get3A_1558 = tpu.vector_load %arg8[%get3A_1556, %get3A_1557] {strides = array<i32>} : memref<128x128xf32, #tpu.memory_space<vmem>>, vector<1x16xf32>,
        %get3A_1559 = vector.shape_cast %get3A_1558 : vector<1x16xf32> to vector<16xf32>
        %add3A_1560 = arith.addf %scan3A_1529, %get3A_1559 : vector<16xf32>
        %get3A_1561 = arith.index_cast %scan3A_1523 : i32 to index
        %get3A_1562 = arith.constant 96 : index
        %get3A_1563 = tpu.vector_load %arg8[%get3A_1561, %get3A_1562] {strides = array<i32>} : memref<128x128xf32, #tpu.memory_space<vmem>>, vector<1x16xf32>,
        %get3A_1564 = vector.shape_cast %get3A_1563 : vector<1x16xf32> to vector<16xf32>
        %add3A_1565 = arith.addf %scan3A_1530, %get3A_1564 : vector<16xf32>
        %get3A_1566 = arith.index_cast %scan3A_1523 : i32 to index
        %get3A_1567 = arith.constant 112 : index
        %get3A_1568 = tpu.vector_load %arg8[%get3A_1566, %get3A_1567] {strides = array<i32>} : memref<128x128xf32, #tpu.memory_space<vmem>>, vector<1x16xf32>,
        %get3A_1569 = vector.shape_cast %get3A_1568 : vector<1x16xf32> to vector<16xf32>
        %add3A_1570 = arith.addf %scan3A_1531, %get3A_1569 : vector<16xf32>
        scf.yield %add3A_1535, %add3A_1540, %add3A_1545, %add3A_1550, %add3A_1555, %add3A_1560, %add3A_1565, %add3A_1570 : vector<16xf32>, vector<16xf32>, vector<16xf32>, vector<16xf32>, vector<16xf32>, vector<16xf32>, vector<16xf32>, vector<16xf32>
      }
      %scan3A_795 = arith.constant 64 : i32
      %add3A_796 = arith.constant 12 : i32
      %add3A_797 = arith.addi %mul3A_62, %add3A_796 : i32
      %add3A_798 = arith.constant 5 : i32
      %add3A_799 = arith.addi %add3A_797, %add3A_798 : i32
      %lt3A_800 = arith.constant 200 : i32
      %lt3A_801 = arith.cmpi slt, %add3A_799, %lt3A_800 : i32
      %convert_element_type3A_802 = arith.extui %lt3A_801 : i1 to i32
      %cond3A_803 = arith.constant 0 : i32
      %cond3A_804 = arith.cmpi ne, %convert_element_type3A_802, %cond3A_803 : i32
      scf.if %cond3A_804 {
        %add3A_1523 = arith.constant 12 : i32
        %add3A_1524 = arith.addi %mul3A_62, %add3A_1523 : i32
        %add3A_1525 = arith.constant 5 : i32
        %add3A_1526 = arith.addi %add3A_1524, %add3A_1525 : i32
        %mul3A_1527 = arith.constant 128 : i32
        %mul3A_1528 = arith.muli %add3A_1526, %mul3A_1527 : i32
        %dma_start3A_1529 = tpu.memref_slice %arg5[%mul3A_1528] : memref<25600xi32, #tpu.memory_space<vmem>> -> memref<128xi32, #tpu.memory_space<vmem>>
        %dma_start3A_1530 = arith.constant 0 : i32
        %dma_start3A_1531 = arith.constant 0 : i32
        %dma_start3A_1532 = tpu.memref_slice %arg3[%dma_start3A_1530, %dma_start3A_1531] : memref<1000000x128xf32, #tpu.memory_space<hbm>> -> memref<1000000x128xf32, #tpu.memory_space<hbm>>
        tpu.enqueue_indirect_dma source(%dma_start3A_1532 : memref<1000000x128xf32, #tpu.memory_space<hbm>>) target(%arg8 : memref<128x128xf32, #tpu.memory_space<vmem>>) offsets(%dma_start3A_1529 : memref<128xi32, #tpu.memory_space<vmem>>) semaphore(%arg15 : memref<!tpu.dma_semaphore, #tpu.memory_space<semaphore_mem>>)
      } else {
      }
      %add3A_805 = arith.constant 13 : i32
      %add3A_806 = arith.addi %mul3A_62, %add3A_805 : i32
      %mul3A_807 = arith.constant 128 : i32
      %mul3A_808 = arith.muli %add3A_806, %mul3A_807 : i32
      %dma_wait3A_809 = tpu.memref_slice %arg5[%mul3A_808] : memref<25600xi32, #tpu.memory_space<vmem>> -> memref<128xi32, #tpu.memory_space<vmem>>
      %dma_wait3A_810 = arith.constant 0 : i32
      %dma_wait3A_811 = arith.constant 0 : i32
      %dma_wait3A_812 = tpu.memref_slice %arg3[%dma_wait3A_810, %dma_wait3A_811] : memref<1000000x128xf32, #tpu.memory_space<hbm>> -> memref<1000000x128xf32, #tpu.memory_space<hbm>>
      tpu.wait_indirect_dma semaphore(%arg16 : memref<!tpu.dma_semaphore, #tpu.memory_space<semaphore_mem>>) src(%dma_wait3A_812 : memref<1000000x128xf32, #tpu.memory_space<hbm>>) dst(%arg9 : memref<128x128xf32, #tpu.memory_space<vmem>>)
      %scan3A_813 = arith.constant 0 : i32
      %scan3A_814 = arith.constant 128 : i32
      %scan3A_815 = arith.addi %scan3A_813, %scan3A_814 : i32
      %scan3A_816 = arith.constant 1 : i32
      %scan3A_817:8 = scf.for %scan3A_1523 = %scan3A_813 to %scan3A_815 step %scan3A_816 iter_args(%scan3A_1524 = %scan3A_794#0, %scan3A_1525 = %scan3A_794#1, %scan3A_1526 = %scan3A_794#2, %scan3A_1527 = %scan3A_794#3, %scan3A_1528 = %scan3A_794#4, %scan3A_1529 = %scan3A_794#5, %scan3A_1530 = %scan3A_794#6, %scan3A_1531 = %scan3A_794#7) -> (vector<16xf32>, vector<16xf32>, vector<16xf32>, vector<16xf32>, vector<16xf32>, vector<16xf32>, vector<16xf32>, vector<16xf32>)  : i32 {
        %get3A = arith.index_cast %scan3A_1523 : i32 to index
        %get3A_1532 = arith.constant 0 : index
        %get3A_1533 = tpu.vector_load %arg9[%get3A, %get3A_1532] {strides = array<i32>} : memref<128x128xf32, #tpu.memory_space<vmem>>, vector<1x16xf32>,
        %get3A_1534 = vector.shape_cast %get3A_1533 : vector<1x16xf32> to vector<16xf32>
        %add3A_1535 = arith.addf %scan3A_1524, %get3A_1534 : vector<16xf32>
        %get3A_1536 = arith.index_cast %scan3A_1523 : i32 to index
        %get3A_1537 = arith.constant 16 : index
        %get3A_1538 = tpu.vector_load %arg9[%get3A_1536, %get3A_1537] {strides = array<i32>} : memref<128x128xf32, #tpu.memory_space<vmem>>, vector<1x16xf32>,
        %get3A_1539 = vector.shape_cast %get3A_1538 : vector<1x16xf32> to vector<16xf32>
        %add3A_1540 = arith.addf %scan3A_1525, %get3A_1539 : vector<16xf32>
        %get3A_1541 = arith.index_cast %scan3A_1523 : i32 to index
        %get3A_1542 = arith.constant 32 : index
        %get3A_1543 = tpu.vector_load %arg9[%get3A_1541, %get3A_1542] {strides = array<i32>} : memref<128x128xf32, #tpu.memory_space<vmem>>, vector<1x16xf32>,
        %get3A_1544 = vector.shape_cast %get3A_1543 : vector<1x16xf32> to vector<16xf32>
        %add3A_1545 = arith.addf %scan3A_1526, %get3A_1544 : vector<16xf32>
        %get3A_1546 = arith.index_cast %scan3A_1523 : i32 to index
        %get3A_1547 = arith.constant 48 : index
        %get3A_1548 = tpu.vector_load %arg9[%get3A_1546, %get3A_1547] {strides = array<i32>} : memref<128x128xf32, #tpu.memory_space<vmem>>, vector<1x16xf32>,
        %get3A_1549 = vector.shape_cast %get3A_1548 : vector<1x16xf32> to vector<16xf32>
        %add3A_1550 = arith.addf %scan3A_1527, %get3A_1549 : vector<16xf32>
        %get3A_1551 = arith.index_cast %scan3A_1523 : i32 to index
        %get3A_1552 = arith.constant 64 : index
        %get3A_1553 = tpu.vector_load %arg9[%get3A_1551, %get3A_1552] {strides = array<i32>} : memref<128x128xf32, #tpu.memory_space<vmem>>, vector<1x16xf32>,
        %get3A_1554 = vector.shape_cast %get3A_1553 : vector<1x16xf32> to vector<16xf32>
        %add3A_1555 = arith.addf %scan3A_1528, %get3A_1554 : vector<16xf32>
        %get3A_1556 = arith.index_cast %scan3A_1523 : i32 to index
        %get3A_1557 = arith.constant 80 : index
        %get3A_1558 = tpu.vector_load %arg9[%get3A_1556, %get3A_1557] {strides = array<i32>} : memref<128x128xf32, #tpu.memory_space<vmem>>, vector<1x16xf32>,
        %get3A_1559 = vector.shape_cast %get3A_1558 : vector<1x16xf32> to vector<16xf32>
        %add3A_1560 = arith.addf %scan3A_1529, %get3A_1559 : vector<16xf32>
        %get3A_1561 = arith.index_cast %scan3A_1523 : i32 to index
        %get3A_1562 = arith.constant 96 : index
        %get3A_1563 = tpu.vector_load %arg9[%get3A_1561, %get3A_1562] {strides = array<i32>} : memref<128x128xf32, #tpu.memory_space<vmem>>, vector<1x16xf32>,
        %get3A_1564 = vector.shape_cast %get3A_1563 : vector<1x16xf32> to vector<16xf32>
        %add3A_1565 = arith.addf %scan3A_1530, %get3A_1564 : vector<16xf32>
        %get3A_1566 = arith.index_cast %scan3A_1523 : i32 to index
        %get3A_1567 = arith.constant 112 : index
        %get3A_1568 = tpu.vector_load %arg9[%get3A_1566, %get3A_1567] {strides = array<i32>} : memref<128x128xf32, #tpu.memory_space<vmem>>, vector<1x16xf32>,
        %get3A_1569 = vector.shape_cast %get3A_1568 : vector<1x16xf32> to vector<16xf32>
        %add3A_1570 = arith.addf %scan3A_1531, %get3A_1569 : vector<16xf32>
        scf.yield %add3A_1535, %add3A_1540, %add3A_1545, %add3A_1550, %add3A_1555, %add3A_1560, %add3A_1565, %add3A_1570 : vector<16xf32>, vector<16xf32>, vector<16xf32>, vector<16xf32>, vector<16xf32>, vector<16xf32>, vector<16xf32>, vector<16xf32>
      }
      %scan3A_818 = arith.constant 128 : i32
      %add3A_819 = arith.constant 13 : i32
      %add3A_820 = arith.addi %mul3A_62, %add3A_819 : i32
      %add3A_821 = arith.constant 5 : i32
      %add3A_822 = arith.addi %add3A_820, %add3A_821 : i32
      %lt3A_823 = arith.constant 200 : i32
      %lt3A_824 = arith.cmpi slt, %add3A_822, %lt3A_823 : i32
      %convert_element_type3A_825 = arith.extui %lt3A_824 : i1 to i32
      %cond3A_826 = arith.constant 0 : i32
      %cond3A_827 = arith.cmpi ne, %convert_element_type3A_825, %cond3A_826 : i32
      scf.if %cond3A_827 {
        %add3A_1523 = arith.constant 13 : i32
        %add3A_1524 = arith.addi %mul3A_62, %add3A_1523 : i32
        %add3A_1525 = arith.constant 5 : i32
        %add3A_1526 = arith.addi %add3A_1524, %add3A_1525 : i32
        %mul3A_1527 = arith.constant 128 : i32
        %mul3A_1528 = arith.muli %add3A_1526, %mul3A_1527 : i32
        %dma_start3A_1529 = tpu.memref_slice %arg5[%mul3A_1528] : memref<25600xi32, #tpu.memory_space<vmem>> -> memref<128xi32, #tpu.memory_space<vmem>>
        %dma_start3A_1530 = arith.constant 0 : i32
        %dma_start3A_1531 = arith.constant 0 : i32
        %dma_start3A_1532 = tpu.memref_slice %arg3[%dma_start3A_1530, %dma_start3A_1531] : memref<1000000x128xf32, #tpu.memory_space<hbm>> -> memref<1000000x128xf32, #tpu.memory_space<hbm>>
        tpu.enqueue_indirect_dma source(%dma_start3A_1532 : memref<1000000x128xf32, #tpu.memory_space<hbm>>) target(%arg9 : memref<128x128xf32, #tpu.memory_space<vmem>>) offsets(%dma_start3A_1529 : memref<128xi32, #tpu.memory_space<vmem>>) semaphore(%arg16 : memref<!tpu.dma_semaphore, #tpu.memory_space<semaphore_mem>>)
      } else {
      }
      %add3A_828 = arith.constant 14 : i32
      %add3A_829 = arith.addi %mul3A_62, %add3A_828 : i32
      %mul3A_830 = arith.constant 128 : i32
      %mul3A_831 = arith.muli %add3A_829, %mul3A_830 : i32
      %dma_wait3A_832 = tpu.memref_slice %arg5[%mul3A_831] : memref<25600xi32, #tpu.memory_space<vmem>> -> memref<128xi32, #tpu.memory_space<vmem>>
      %dma_wait3A_833 = arith.constant 0 : i32
      %dma_wait3A_834 = arith.constant 0 : i32
      %dma_wait3A_835 = tpu.memref_slice %arg3[%dma_wait3A_833, %dma_wait3A_834] : memref<1000000x128xf32, #tpu.memory_space<hbm>> -> memref<1000000x128xf32, #tpu.memory_space<hbm>>
      tpu.wait_indirect_dma semaphore(%arg17 : memref<!tpu.dma_semaphore, #tpu.memory_space<semaphore_mem>>) src(%dma_wait3A_835 : memref<1000000x128xf32, #tpu.memory_space<hbm>>) dst(%arg10 : memref<128x128xf32, #tpu.memory_space<vmem>>)
      %scan3A_836 = arith.constant 0 : i32
      %scan3A_837 = arith.constant 8 : i32
      %scan3A_838 = arith.addi %scan3A_836, %scan3A_837 : i32
      %scan3A_839 = arith.constant 1 : i32
      %scan3A_840:8 = scf.for %scan3A_1523 = %scan3A_836 to %scan3A_838 step %scan3A_839 iter_args(%scan3A_1524 = %scan3A_817#0, %scan3A_1525 = %scan3A_817#1, %scan3A_1526 = %scan3A_817#2, %scan3A_1527 = %scan3A_817#3, %scan3A_1528 = %scan3A_817#4, %scan3A_1529 = %scan3A_817#5, %scan3A_1530 = %scan3A_817#6, %scan3A_1531 = %scan3A_817#7) -> (vector<16xf32>, vector<16xf32>, vector<16xf32>, vector<16xf32>, vector<16xf32>, vector<16xf32>, vector<16xf32>, vector<16xf32>)  : i32 {
        %get3A = arith.index_cast %scan3A_1523 : i32 to index
        %get3A_1532 = arith.constant 0 : index
        %get3A_1533 = tpu.vector_load %arg10[%get3A, %get3A_1532] {strides = array<i32>} : memref<128x128xf32, #tpu.memory_space<vmem>>, vector<1x16xf32>,
        %get3A_1534 = vector.shape_cast %get3A_1533 : vector<1x16xf32> to vector<16xf32>
        %add3A_1535 = arith.addf %scan3A_1524, %get3A_1534 : vector<16xf32>
        %get3A_1536 = arith.index_cast %scan3A_1523 : i32 to index
        %get3A_1537 = arith.constant 16 : index
        %get3A_1538 = tpu.vector_load %arg10[%get3A_1536, %get3A_1537] {strides = array<i32>} : memref<128x128xf32, #tpu.memory_space<vmem>>, vector<1x16xf32>,
        %get3A_1539 = vector.shape_cast %get3A_1538 : vector<1x16xf32> to vector<16xf32>
        %add3A_1540 = arith.addf %scan3A_1525, %get3A_1539 : vector<16xf32>
        %get3A_1541 = arith.index_cast %scan3A_1523 : i32 to index
        %get3A_1542 = arith.constant 32 : index
        %get3A_1543 = tpu.vector_load %arg10[%get3A_1541, %get3A_1542] {strides = array<i32>} : memref<128x128xf32, #tpu.memory_space<vmem>>, vector<1x16xf32>,
        %get3A_1544 = vector.shape_cast %get3A_1543 : vector<1x16xf32> to vector<16xf32>
        %add3A_1545 = arith.addf %scan3A_1526, %get3A_1544 : vector<16xf32>
        %get3A_1546 = arith.index_cast %scan3A_1523 : i32 to index
        %get3A_1547 = arith.constant 48 : index
        %get3A_1548 = tpu.vector_load %arg10[%get3A_1546, %get3A_1547] {strides = array<i32>} : memref<128x128xf32, #tpu.memory_space<vmem>>, vector<1x16xf32>,
        %get3A_1549 = vector.shape_cast %get3A_1548 : vector<1x16xf32> to vector<16xf32>
        %add3A_1550 = arith.addf %scan3A_1527, %get3A_1549 : vector<16xf32>
        %get3A_1551 = arith.index_cast %scan3A_1523 : i32 to index
        %get3A_1552 = arith.constant 64 : index
        %get3A_1553 = tpu.vector_load %arg10[%get3A_1551, %get3A_1552] {strides = array<i32>} : memref<128x128xf32, #tpu.memory_space<vmem>>, vector<1x16xf32>,
        %get3A_1554 = vector.shape_cast %get3A_1553 : vector<1x16xf32> to vector<16xf32>
        %add3A_1555 = arith.addf %scan3A_1528, %get3A_1554 : vector<16xf32>
        %get3A_1556 = arith.index_cast %scan3A_1523 : i32 to index
        %get3A_1557 = arith.constant 80 : index
        %get3A_1558 = tpu.vector_load %arg10[%get3A_1556, %get3A_1557] {strides = array<i32>} : memref<128x128xf32, #tpu.memory_space<vmem>>, vector<1x16xf32>,
        %get3A_1559 = vector.shape_cast %get3A_1558 : vector<1x16xf32> to vector<16xf32>
        %add3A_1560 = arith.addf %scan3A_1529, %get3A_1559 : vector<16xf32>
        %get3A_1561 = arith.index_cast %scan3A_1523 : i32 to index
        %get3A_1562 = arith.constant 96 : index
        %get3A_1563 = tpu.vector_load %arg10[%get3A_1561, %get3A_1562] {strides = array<i32>} : memref<128x128xf32, #tpu.memory_space<vmem>>, vector<1x16xf32>,
        %get3A_1564 = vector.shape_cast %get3A_1563 : vector<1x16xf32> to vector<16xf32>
        %add3A_1565 = arith.addf %scan3A_1530, %get3A_1564 : vector<16xf32>
        %get3A_1566 = arith.index_cast %scan3A_1523 : i32 to index
        %get3A_1567 = arith.constant 112 : index
        %get3A_1568 = tpu.vector_load %arg10[%get3A_1566, %get3A_1567] {strides = array<i32>} : memref<128x128xf32, #tpu.memory_space<vmem>>, vector<1x16xf32>,
        %get3A_1569 = vector.shape_cast %get3A_1568 : vector<1x16xf32> to vector<16xf32>
        %add3A_1570 = arith.addf %scan3A_1531, %get3A_1569 : vector<16xf32>
        scf.yield %add3A_1535, %add3A_1540, %add3A_1545, %add3A_1550, %add3A_1555, %add3A_1560, %add3A_1565, %add3A_1570 : vector<16xf32>, vector<16xf32>, vector<16xf32>, vector<16xf32>, vector<16xf32>, vector<16xf32>, vector<16xf32>, vector<16xf32>
      }
      %scan3A_841 = arith.constant 8 : i32
      %mul3A_842 = arith.constant 16 : i32
      %mul3A_843 = arith.muli %add3A_60, %mul3A_842 : i32
      %add3A_844 = arith.constant 8 : i32
      %add3A_845 = arith.addi %mul3A_843, %add3A_844 : i32
      %gt3A_846 = arith.constant 0 : i32
      %gt3A_847 = arith.cmpi sgt, %add3A_845, %gt3A_846 : i32
      %convert_element_type3A_848 = arith.extui %gt3A_847 : i1 to i32
      %cond3A_849 = arith.constant 0 : i32
      %cond3A_850 = arith.cmpi ne, %convert_element_type3A_848, %cond3A_849 : i32
      scf.if %cond3A_850 {
        %mul3A_1523 = arith.constant 128 : i32
        %mul3A_1524 = arith.muli %arg1, %mul3A_1523 : i32
        %add3A_1525 = arith.addi %mul3A_1524, %add3A_845 : i32
        %dma_wait3A_1526 = arith.constant 0 : i32
        %dma_wait3A_1527 = tpu.memref_slice %arg12[%add3A_1525, %dma_wait3A_1526] : memref<2048x128xf32, #tpu.memory_space<vmem_shared>> -> memref<1x128xf32, #tpu.memory_space<vmem_shared>>
        %dma_wait3A_1528 = tpu.memref_squeeze %dma_wait3A_1527 : memref<1x128xf32, #tpu.memory_space<vmem_shared>> -> memref<128xf32, #tpu.memory_space<vmem_shared>>
        %dma_wait3A_1529 = arith.constant 0 : i32
        %dma_wait3A_1530 = tpu.memref_slice %arg12[%add3A_1525, %dma_wait3A_1529] : memref<2048x128xf32, #tpu.memory_space<vmem_shared>> -> memref<1x128xf32, #tpu.memory_space<vmem_shared>>
        %dma_wait3A_1531 = tpu.memref_squeeze %dma_wait3A_1530 : memref<1x128xf32, #tpu.memory_space<vmem_shared>> -> memref<128xf32, #tpu.memory_space<vmem_shared>>
        tpu.wait_dma2 semaphore(%arg18 : memref<!tpu.dma_semaphore, #tpu.memory_space<semaphore_mem>>) src(%arg11 : memref<128xf32, #tpu.memory_space<vmem>>) dst(%dma_wait3A_1531 : memref<128xf32, #tpu.memory_space<vmem_shared>>)
      } else {
      }
      %swap3A_851 = arith.constant 0 : index
      %swap3A_852 = tpu.vector_load %arg11[%swap3A_851] {strides = array<i32>} : memref<128xf32, #tpu.memory_space<vmem>>, vector<16xf32>,
      %swap3A_853 = vector.shape_cast %swap3A_852 : vector<16xf32> to vector<16xf32>
      %swap3A_854 = vector.shape_cast %scan3A_840#0 : vector<16xf32> to vector<16xf32>
      tpu.vector_store %arg11[%swap3A_851], %swap3A_854 {strides = array<i32>} : memref<128xf32, #tpu.memory_space<vmem>>, vector<16xf32>,
      %swap3A_855 = arith.constant 16 : index
      %swap3A_856 = tpu.vector_load %arg11[%swap3A_855] {strides = array<i32>} : memref<128xf32, #tpu.memory_space<vmem>>, vector<16xf32>,
      %swap3A_857 = vector.shape_cast %swap3A_856 : vector<16xf32> to vector<16xf32>
      %swap3A_858 = vector.shape_cast %scan3A_840#1 : vector<16xf32> to vector<16xf32>
      tpu.vector_store %arg11[%swap3A_855], %swap3A_858 {strides = array<i32>} : memref<128xf32, #tpu.memory_space<vmem>>, vector<16xf32>,
      %swap3A_859 = arith.constant 32 : index
      %swap3A_860 = tpu.vector_load %arg11[%swap3A_859] {strides = array<i32>} : memref<128xf32, #tpu.memory_space<vmem>>, vector<16xf32>,
      %swap3A_861 = vector.shape_cast %swap3A_860 : vector<16xf32> to vector<16xf32>
      %swap3A_862 = vector.shape_cast %scan3A_840#2 : vector<16xf32> to vector<16xf32>
      tpu.vector_store %arg11[%swap3A_859], %swap3A_862 {strides = array<i32>} : memref<128xf32, #tpu.memory_space<vmem>>, vector<16xf32>,
      %swap3A_863 = arith.constant 48 : index
      %swap3A_864 = tpu.vector_load %arg11[%swap3A_863] {strides = array<i32>} : memref<128xf32, #tpu.memory_space<vmem>>, vector<16xf32>,
      %swap3A_865 = vector.shape_cast %swap3A_864 : vector<16xf32> to vector<16xf32>
      %swap3A_866 = vector.shape_cast %scan3A_840#3 : vector<16xf32> to vector<16xf32>
      tpu.vector_store %arg11[%swap3A_863], %swap3A_866 {strides = array<i32>} : memref<128xf32, #tpu.memory_space<vmem>>, vector<16xf32>,
      %swap3A_867 = arith.constant 64 : index
      %swap3A_868 = tpu.vector_load %arg11[%swap3A_867] {strides = array<i32>} : memref<128xf32, #tpu.memory_space<vmem>>, vector<16xf32>,
      %swap3A_869 = vector.shape_cast %swap3A_868 : vector<16xf32> to vector<16xf32>
      %swap3A_870 = vector.shape_cast %scan3A_840#4 : vector<16xf32> to vector<16xf32>
      tpu.vector_store %arg11[%swap3A_867], %swap3A_870 {strides = array<i32>} : memref<128xf32, #tpu.memory_space<vmem>>, vector<16xf32>,
      %swap3A_871 = arith.constant 80 : index
      %swap3A_872 = tpu.vector_load %arg11[%swap3A_871] {strides = array<i32>} : memref<128xf32, #tpu.memory_space<vmem>>, vector<16xf32>,
      %swap3A_873 = vector.shape_cast %swap3A_872 : vector<16xf32> to vector<16xf32>
      %swap3A_874 = vector.shape_cast %scan3A_840#5 : vector<16xf32> to vector<16xf32>
      tpu.vector_store %arg11[%swap3A_871], %swap3A_874 {strides = array<i32>} : memref<128xf32, #tpu.memory_space<vmem>>, vector<16xf32>,
      %swap3A_875 = arith.constant 96 : index
      %swap3A_876 = tpu.vector_load %arg11[%swap3A_875] {strides = array<i32>} : memref<128xf32, #tpu.memory_space<vmem>>, vector<16xf32>,
      %swap3A_877 = vector.shape_cast %swap3A_876 : vector<16xf32> to vector<16xf32>
      %swap3A_878 = vector.shape_cast %scan3A_840#6 : vector<16xf32> to vector<16xf32>
      tpu.vector_store %arg11[%swap3A_875], %swap3A_878 {strides = array<i32>} : memref<128xf32, #tpu.memory_space<vmem>>, vector<16xf32>,
      %swap3A_879 = arith.constant 112 : index
      %swap3A_880 = tpu.vector_load %arg11[%swap3A_879] {strides = array<i32>} : memref<128xf32, #tpu.memory_space<vmem>>, vector<16xf32>,
      %swap3A_881 = vector.shape_cast %swap3A_880 : vector<16xf32> to vector<16xf32>
      %swap3A_882 = vector.shape_cast %scan3A_840#7 : vector<16xf32> to vector<16xf32>
      tpu.vector_store %arg11[%swap3A_879], %swap3A_882 {strides = array<i32>} : memref<128xf32, #tpu.memory_space<vmem>>, vector<16xf32>,
      %mul3A_883 = arith.constant 128 : i32
      %mul3A_884 = arith.muli %arg1, %mul3A_883 : i32
      %add3A_885 = arith.addi %mul3A_884, %add3A_845 : i32
      %dma_start3A_886 = arith.constant 0 : i32
      %dma_start3A_887 = tpu.memref_slice %arg12[%add3A_885, %dma_start3A_886] : memref<2048x128xf32, #tpu.memory_space<vmem_shared>> -> memref<1x128xf32, #tpu.memory_space<vmem_shared>>
      %dma_start3A_888 = tpu.memref_squeeze %dma_start3A_887 : memref<1x128xf32, #tpu.memory_space<vmem_shared>> -> memref<128xf32, #tpu.memory_space<vmem_shared>>
      %dma_start3A_889 = arith.constant 0 : i32
      %dma_start3A_890 = tpu.memref_slice %arg12[%add3A_885, %dma_start3A_889] : memref<2048x128xf32, #tpu.memory_space<vmem_shared>> -> memref<1x128xf32, #tpu.memory_space<vmem_shared>>
      %dma_start3A_891 = tpu.memref_squeeze %dma_start3A_890 : memref<1x128xf32, #tpu.memory_space<vmem_shared>> -> memref<128xf32, #tpu.memory_space<vmem_shared>>
      tpu.enqueue_dma source(%arg11 : memref<128xf32, #tpu.memory_space<vmem>>) target(%dma_start3A_891 : memref<128xf32, #tpu.memory_space<vmem_shared>>) target_semaphore(%arg18 : memref<!tpu.dma_semaphore, #tpu.memory_space<semaphore_mem>>)
      %scan3A_892 = arith.constant 8 : i32
      %scan3A_893 = arith.constant 120 : i32
      %scan3A_894 = arith.addi %scan3A_892, %scan3A_893 : i32
      %scan3A_895 = arith.constant 1 : i32
      %scan3A_896:8 = scf.for %scan3A_1523 = %scan3A_892 to %scan3A_894 step %scan3A_895 iter_args(%scan3A_1524 = %broadcast_in_dim3A_3, %scan3A_1525 = %broadcast_in_dim3A_5, %scan3A_1526 = %broadcast_in_dim3A_7, %scan3A_1527 = %broadcast_in_dim3A_9, %scan3A_1528 = %broadcast_in_dim3A_11, %scan3A_1529 = %broadcast_in_dim3A_13, %scan3A_1530 = %broadcast_in_dim3A_15, %scan3A_1531 = %broadcast_in_dim3A_17) -> (vector<16xf32>, vector<16xf32>, vector<16xf32>, vector<16xf32>, vector<16xf32>, vector<16xf32>, vector<16xf32>, vector<16xf32>)  : i32 {
        %get3A = arith.index_cast %scan3A_1523 : i32 to index
        %get3A_1532 = arith.constant 0 : index
        %get3A_1533 = tpu.vector_load %arg10[%get3A, %get3A_1532] {strides = array<i32>} : memref<128x128xf32, #tpu.memory_space<vmem>>, vector<1x16xf32>,
        %get3A_1534 = vector.shape_cast %get3A_1533 : vector<1x16xf32> to vector<16xf32>
        %add3A_1535 = arith.addf %scan3A_1524, %get3A_1534 : vector<16xf32>
        %get3A_1536 = arith.index_cast %scan3A_1523 : i32 to index
        %get3A_1537 = arith.constant 16 : index
        %get3A_1538 = tpu.vector_load %arg10[%get3A_1536, %get3A_1537] {strides = array<i32>} : memref<128x128xf32, #tpu.memory_space<vmem>>, vector<1x16xf32>,
        %get3A_1539 = vector.shape_cast %get3A_1538 : vector<1x16xf32> to vector<16xf32>
        %add3A_1540 = arith.addf %scan3A_1525, %get3A_1539 : vector<16xf32>
        %get3A_1541 = arith.index_cast %scan3A_1523 : i32 to index
        %get3A_1542 = arith.constant 32 : index
        %get3A_1543 = tpu.vector_load %arg10[%get3A_1541, %get3A_1542] {strides = array<i32>} : memref<128x128xf32, #tpu.memory_space<vmem>>, vector<1x16xf32>,
        %get3A_1544 = vector.shape_cast %get3A_1543 : vector<1x16xf32> to vector<16xf32>
        %add3A_1545 = arith.addf %scan3A_1526, %get3A_1544 : vector<16xf32>
        %get3A_1546 = arith.index_cast %scan3A_1523 : i32 to index
        %get3A_1547 = arith.constant 48 : index
        %get3A_1548 = tpu.vector_load %arg10[%get3A_1546, %get3A_1547] {strides = array<i32>} : memref<128x128xf32, #tpu.memory_space<vmem>>, vector<1x16xf32>,
        %get3A_1549 = vector.shape_cast %get3A_1548 : vector<1x16xf32> to vector<16xf32>
        %add3A_1550 = arith.addf %scan3A_1527, %get3A_1549 : vector<16xf32>
        %get3A_1551 = arith.index_cast %scan3A_1523 : i32 to index
        %get3A_1552 = arith.constant 64 : index
        %get3A_1553 = tpu.vector_load %arg10[%get3A_1551, %get3A_1552] {strides = array<i32>} : memref<128x128xf32, #tpu.memory_space<vmem>>, vector<1x16xf32>,
        %get3A_1554 = vector.shape_cast %get3A_1553 : vector<1x16xf32> to vector<16xf32>
        %add3A_1555 = arith.addf %scan3A_1528, %get3A_1554 : vector<16xf32>
        %get3A_1556 = arith.index_cast %scan3A_1523 : i32 to index
        %get3A_1557 = arith.constant 80 : index
        %get3A_1558 = tpu.vector_load %arg10[%get3A_1556, %get3A_1557] {strides = array<i32>} : memref<128x128xf32, #tpu.memory_space<vmem>>, vector<1x16xf32>,
        %get3A_1559 = vector.shape_cast %get3A_1558 : vector<1x16xf32> to vector<16xf32>
        %add3A_1560 = arith.addf %scan3A_1529, %get3A_1559 : vector<16xf32>
        %get3A_1561 = arith.index_cast %scan3A_1523 : i32 to index
        %get3A_1562 = arith.constant 96 : index
        %get3A_1563 = tpu.vector_load %arg10[%get3A_1561, %get3A_1562] {strides = array<i32>} : memref<128x128xf32, #tpu.memory_space<vmem>>, vector<1x16xf32>,
        %get3A_1564 = vector.shape_cast %get3A_1563 : vector<1x16xf32> to vector<16xf32>
        %add3A_1565 = arith.addf %scan3A_1530, %get3A_1564 : vector<16xf32>
        %get3A_1566 = arith.index_cast %scan3A_1523 : i32 to index
        %get3A_1567 = arith.constant 112 : index
        %get3A_1568 = tpu.vector_load %arg10[%get3A_1566, %get3A_1567] {strides = array<i32>} : memref<128x128xf32, #tpu.memory_space<vmem>>, vector<1x16xf32>,
        %get3A_1569 = vector.shape_cast %get3A_1568 : vector<1x16xf32> to vector<16xf32>
        %add3A_1570 = arith.addf %scan3A_1531, %get3A_1569 : vector<16xf32>
        scf.yield %add3A_1535, %add3A_1540, %add3A_1545, %add3A_1550, %add3A_1555, %add3A_1560, %add3A_1565, %add3A_1570 : vector<16xf32>, vector<16xf32>, vector<16xf32>, vector<16xf32>, vector<16xf32>, vector<16xf32>, vector<16xf32>, vector<16xf32>
      }
      %scan3A_897 = arith.constant 120 : i32
      %add3A_898 = arith.constant 14 : i32
      %add3A_899 = arith.addi %mul3A_62, %add3A_898 : i32
      %add3A_900 = arith.constant 5 : i32
      %add3A_901 = arith.addi %add3A_899, %add3A_900 : i32
      %lt3A_902 = arith.constant 200 : i32
      %lt3A_903 = arith.cmpi slt, %add3A_901, %lt3A_902 : i32
      %convert_element_type3A_904 = arith.extui %lt3A_903 : i1 to i32
      %cond3A_905 = arith.constant 0 : i32
      %cond3A_906 = arith.cmpi ne, %convert_element_type3A_904, %cond3A_905 : i32
      scf.if %cond3A_906 {
        %add3A_1523 = arith.constant 14 : i32
        %add3A_1524 = arith.addi %mul3A_62, %add3A_1523 : i32
        %add3A_1525 = arith.constant 5 : i32
        %add3A_1526 = arith.addi %add3A_1524, %add3A_1525 : i32
        %mul3A_1527 = arith.constant 128 : i32
        %mul3A_1528 = arith.muli %add3A_1526, %mul3A_1527 : i32
        %dma_start3A_1529 = tpu.memref_slice %arg5[%mul3A_1528] : memref<25600xi32, #tpu.memory_space<vmem>> -> memref<128xi32, #tpu.memory_space<vmem>>
        %dma_start3A_1530 = arith.constant 0 : i32
        %dma_start3A_1531 = arith.constant 0 : i32
        %dma_start3A_1532 = tpu.memref_slice %arg3[%dma_start3A_1530, %dma_start3A_1531] : memref<1000000x128xf32, #tpu.memory_space<hbm>> -> memref<1000000x128xf32, #tpu.memory_space<hbm>>
        tpu.enqueue_indirect_dma source(%dma_start3A_1532 : memref<1000000x128xf32, #tpu.memory_space<hbm>>) target(%arg10 : memref<128x128xf32, #tpu.memory_space<vmem>>) offsets(%dma_start3A_1529 : memref<128xi32, #tpu.memory_space<vmem>>) semaphore(%arg17 : memref<!tpu.dma_semaphore, #tpu.memory_space<semaphore_mem>>)
      } else {
      }
      %add3A_907 = arith.constant 15 : i32
      %add3A_908 = arith.addi %mul3A_62, %add3A_907 : i32
      %mul3A_909 = arith.constant 128 : i32
      %mul3A_910 = arith.muli %add3A_908, %mul3A_909 : i32
      %dma_wait3A_911 = tpu.memref_slice %arg5[%mul3A_910] : memref<25600xi32, #tpu.memory_space<vmem>> -> memref<128xi32, #tpu.memory_space<vmem>>
      %dma_wait3A_912 = arith.constant 0 : i32
      %dma_wait3A_913 = arith.constant 0 : i32
      %dma_wait3A_914 = tpu.memref_slice %arg3[%dma_wait3A_912, %dma_wait3A_913] : memref<1000000x128xf32, #tpu.memory_space<hbm>> -> memref<1000000x128xf32, #tpu.memory_space<hbm>>
      tpu.wait_indirect_dma semaphore(%arg13 : memref<!tpu.dma_semaphore, #tpu.memory_space<semaphore_mem>>) src(%dma_wait3A_914 : memref<1000000x128xf32, #tpu.memory_space<hbm>>) dst(%arg6 : memref<128x128xf32, #tpu.memory_space<vmem>>)
      %scan3A_915 = arith.constant 0 : i32
      %scan3A_916 = arith.constant 80 : i32
      %scan3A_917 = arith.addi %scan3A_915, %scan3A_916 : i32
      %scan3A_918 = arith.constant 1 : i32
      %scan3A_919:8 = scf.for %scan3A_1523 = %scan3A_915 to %scan3A_917 step %scan3A_918 iter_args(%scan3A_1524 = %scan3A_896#0, %scan3A_1525 = %scan3A_896#1, %scan3A_1526 = %scan3A_896#2, %scan3A_1527 = %scan3A_896#3, %scan3A_1528 = %scan3A_896#4, %scan3A_1529 = %scan3A_896#5, %scan3A_1530 = %scan3A_896#6, %scan3A_1531 = %scan3A_896#7) -> (vector<16xf32>, vector<16xf32>, vector<16xf32>, vector<16xf32>, vector<16xf32>, vector<16xf32>, vector<16xf32>, vector<16xf32>)  : i32 {
        %get3A = arith.index_cast %scan3A_1523 : i32 to index
        %get3A_1532 = arith.constant 0 : index
        %get3A_1533 = tpu.vector_load %arg6[%get3A, %get3A_1532] {strides = array<i32>} : memref<128x128xf32, #tpu.memory_space<vmem>>, vector<1x16xf32>,
        %get3A_1534 = vector.shape_cast %get3A_1533 : vector<1x16xf32> to vector<16xf32>
        %add3A_1535 = arith.addf %scan3A_1524, %get3A_1534 : vector<16xf32>
        %get3A_1536 = arith.index_cast %scan3A_1523 : i32 to index
        %get3A_1537 = arith.constant 16 : index
        %get3A_1538 = tpu.vector_load %arg6[%get3A_1536, %get3A_1537] {strides = array<i32>} : memref<128x128xf32, #tpu.memory_space<vmem>>, vector<1x16xf32>,
        %get3A_1539 = vector.shape_cast %get3A_1538 : vector<1x16xf32> to vector<16xf32>
        %add3A_1540 = arith.addf %scan3A_1525, %get3A_1539 : vector<16xf32>
        %get3A_1541 = arith.index_cast %scan3A_1523 : i32 to index
        %get3A_1542 = arith.constant 32 : index
        %get3A_1543 = tpu.vector_load %arg6[%get3A_1541, %get3A_1542] {strides = array<i32>} : memref<128x128xf32, #tpu.memory_space<vmem>>, vector<1x16xf32>,
        %get3A_1544 = vector.shape_cast %get3A_1543 : vector<1x16xf32> to vector<16xf32>
        %add3A_1545 = arith.addf %scan3A_1526, %get3A_1544 : vector<16xf32>
        %get3A_1546 = arith.index_cast %scan3A_1523 : i32 to index
        %get3A_1547 = arith.constant 48 : index
        %get3A_1548 = tpu.vector_load %arg6[%get3A_1546, %get3A_1547] {strides = array<i32>} : memref<128x128xf32, #tpu.memory_space<vmem>>, vector<1x16xf32>,
        %get3A_1549 = vector.shape_cast %get3A_1548 : vector<1x16xf32> to vector<16xf32>
        %add3A_1550 = arith.addf %scan3A_1527, %get3A_1549 : vector<16xf32>
        %get3A_1551 = arith.index_cast %scan3A_1523 : i32 to index
        %get3A_1552 = arith.constant 64 : index
        %get3A_1553 = tpu.vector_load %arg6[%get3A_1551, %get3A_1552] {strides = array<i32>} : memref<128x128xf32, #tpu.memory_space<vmem>>, vector<1x16xf32>,
        %get3A_1554 = vector.shape_cast %get3A_1553 : vector<1x16xf32> to vector<16xf32>
        %add3A_1555 = arith.addf %scan3A_1528, %get3A_1554 : vector<16xf32>
        %get3A_1556 = arith.index_cast %scan3A_1523 : i32 to index
        %get3A_1557 = arith.constant 80 : index
        %get3A_1558 = tpu.vector_load %arg6[%get3A_1556, %get3A_1557] {strides = array<i32>} : memref<128x128xf32, #tpu.memory_space<vmem>>, vector<1x16xf32>,
        %get3A_1559 = vector.shape_cast %get3A_1558 : vector<1x16xf32> to vector<16xf32>
        %add3A_1560 = arith.addf %scan3A_1529, %get3A_1559 : vector<16xf32>
        %get3A_1561 = arith.index_cast %scan3A_1523 : i32 to index
        %get3A_1562 = arith.constant 96 : index
        %get3A_1563 = tpu.vector_load %arg6[%get3A_1561, %get3A_1562] {strides = array<i32>} : memref<128x128xf32, #tpu.memory_space<vmem>>, vector<1x16xf32>,
        %get3A_1564 = vector.shape_cast %get3A_1563 : vector<1x16xf32> to vector<16xf32>
        %add3A_1565 = arith.addf %scan3A_1530, %get3A_1564 : vector<16xf32>
        %get3A_1566 = arith.index_cast %scan3A_1523 : i32 to index
        %get3A_1567 = arith.constant 112 : index
        %get3A_1568 = tpu.vector_load %arg6[%get3A_1566, %get3A_1567] {strides = array<i32>} : memref<128x128xf32, #tpu.memory_space<vmem>>, vector<1x16xf32>,
        %get3A_1569 = vector.shape_cast %get3A_1568 : vector<1x16xf32> to vector<16xf32>
        %add3A_1570 = arith.addf %scan3A_1531, %get3A_1569 : vector<16xf32>
        scf.yield %add3A_1535, %add3A_1540, %add3A_1545, %add3A_1550, %add3A_1555, %add3A_1560, %add3A_1565, %add3A_1570 : vector<16xf32>, vector<16xf32>, vector<16xf32>, vector<16xf32>, vector<16xf32>, vector<16xf32>, vector<16xf32>, vector<16xf32>
      }
      %scan3A_920 = arith.constant 80 : i32
      %mul3A_921 = arith.constant 16 : i32
      %mul3A_922 = arith.muli %add3A_60, %mul3A_921 : i32
      %add3A_923 = arith.constant 9 : i32
      %add3A_924 = arith.addi %mul3A_922, %add3A_923 : i32
      %gt3A_925 = arith.constant 0 : i32
      %gt3A_926 = arith.cmpi sgt, %add3A_924, %gt3A_925 : i32
      %convert_element_type3A_927 = arith.extui %gt3A_926 : i1 to i32
      %cond3A_928 = arith.constant 0 : i32
      %cond3A_929 = arith.cmpi ne, %convert_element_type3A_927, %cond3A_928 : i32
      scf.if %cond3A_929 {
        %mul3A_1523 = arith.constant 128 : i32
        %mul3A_1524 = arith.muli %arg1, %mul3A_1523 : i32
        %add3A_1525 = arith.addi %mul3A_1524, %add3A_924 : i32
        %dma_wait3A_1526 = arith.constant 0 : i32
        %dma_wait3A_1527 = tpu.memref_slice %arg12[%add3A_1525, %dma_wait3A_1526] : memref<2048x128xf32, #tpu.memory_space<vmem_shared>> -> memref<1x128xf32, #tpu.memory_space<vmem_shared>>
        %dma_wait3A_1528 = tpu.memref_squeeze %dma_wait3A_1527 : memref<1x128xf32, #tpu.memory_space<vmem_shared>> -> memref<128xf32, #tpu.memory_space<vmem_shared>>
        %dma_wait3A_1529 = arith.constant 0 : i32
        %dma_wait3A_1530 = tpu.memref_slice %arg12[%add3A_1525, %dma_wait3A_1529] : memref<2048x128xf32, #tpu.memory_space<vmem_shared>> -> memref<1x128xf32, #tpu.memory_space<vmem_shared>>
        %dma_wait3A_1531 = tpu.memref_squeeze %dma_wait3A_1530 : memref<1x128xf32, #tpu.memory_space<vmem_shared>> -> memref<128xf32, #tpu.memory_space<vmem_shared>>
        tpu.wait_dma2 semaphore(%arg18 : memref<!tpu.dma_semaphore, #tpu.memory_space<semaphore_mem>>) src(%arg11 : memref<128xf32, #tpu.memory_space<vmem>>) dst(%dma_wait3A_1531 : memref<128xf32, #tpu.memory_space<vmem_shared>>)
      } else {
      }
      %swap3A_930 = arith.constant 0 : index
      %swap3A_931 = tpu.vector_load %arg11[%swap3A_930] {strides = array<i32>} : memref<128xf32, #tpu.memory_space<vmem>>, vector<16xf32>,
      %swap3A_932 = vector.shape_cast %swap3A_931 : vector<16xf32> to vector<16xf32>
      %swap3A_933 = vector.shape_cast %scan3A_919#0 : vector<16xf32> to vector<16xf32>
      tpu.vector_store %arg11[%swap3A_930], %swap3A_933 {strides = array<i32>} : memref<128xf32, #tpu.memory_space<vmem>>, vector<16xf32>,
      %swap3A_934 = arith.constant 16 : index
      %swap3A_935 = tpu.vector_load %arg11[%swap3A_934] {strides = array<i32>} : memref<128xf32, #tpu.memory_space<vmem>>, vector<16xf32>,
      %swap3A_936 = vector.shape_cast %swap3A_935 : vector<16xf32> to vector<16xf32>
      %swap3A_937 = vector.shape_cast %scan3A_919#1 : vector<16xf32> to vector<16xf32>
      tpu.vector_store %arg11[%swap3A_934], %swap3A_937 {strides = array<i32>} : memref<128xf32, #tpu.memory_space<vmem>>, vector<16xf32>,
      %swap3A_938 = arith.constant 32 : index
      %swap3A_939 = tpu.vector_load %arg11[%swap3A_938] {strides = array<i32>} : memref<128xf32, #tpu.memory_space<vmem>>, vector<16xf32>,
      %swap3A_940 = vector.shape_cast %swap3A_939 : vector<16xf32> to vector<16xf32>
      %swap3A_941 = vector.shape_cast %scan3A_919#2 : vector<16xf32> to vector<16xf32>
      tpu.vector_store %arg11[%swap3A_938], %swap3A_941 {strides = array<i32>} : memref<128xf32, #tpu.memory_space<vmem>>, vector<16xf32>,
      %swap3A_942 = arith.constant 48 : index
      %swap3A_943 = tpu.vector_load %arg11[%swap3A_942] {strides = array<i32>} : memref<128xf32, #tpu.memory_space<vmem>>, vector<16xf32>,
      %swap3A_944 = vector.shape_cast %swap3A_943 : vector<16xf32> to vector<16xf32>
      %swap3A_945 = vector.shape_cast %scan3A_919#3 : vector<16xf32> to vector<16xf32>
      tpu.vector_store %arg11[%swap3A_942], %swap3A_945 {strides = array<i32>} : memref<128xf32, #tpu.memory_space<vmem>>, vector<16xf32>,
      %swap3A_946 = arith.constant 64 : index
      %swap3A_947 = tpu.vector_load %arg11[%swap3A_946] {strides = array<i32>} : memref<128xf32, #tpu.memory_space<vmem>>, vector<16xf32>,
      %swap3A_948 = vector.shape_cast %swap3A_947 : vector<16xf32> to vector<16xf32>
      %swap3A_949 = vector.shape_cast %scan3A_919#4 : vector<16xf32> to vector<16xf32>
      tpu.vector_store %arg11[%swap3A_946], %swap3A_949 {strides = array<i32>} : memref<128xf32, #tpu.memory_space<vmem>>, vector<16xf32>,
      %swap3A_950 = arith.constant 80 : index
      %swap3A_951 = tpu.vector_load %arg11[%swap3A_950] {strides = array<i32>} : memref<128xf32, #tpu.memory_space<vmem>>, vector<16xf32>,
      %swap3A_952 = vector.shape_cast %swap3A_951 : vector<16xf32> to vector<16xf32>
      %swap3A_953 = vector.shape_cast %scan3A_919#5 : vector<16xf32> to vector<16xf32>
      tpu.vector_store %arg11[%swap3A_950], %swap3A_953 {strides = array<i32>} : memref<128xf32, #tpu.memory_space<vmem>>, vector<16xf32>,
      %swap3A_954 = arith.constant 96 : index
      %swap3A_955 = tpu.vector_load %arg11[%swap3A_954] {strides = array<i32>} : memref<128xf32, #tpu.memory_space<vmem>>, vector<16xf32>,
      %swap3A_956 = vector.shape_cast %swap3A_955 : vector<16xf32> to vector<16xf32>
      %swap3A_957 = vector.shape_cast %scan3A_919#6 : vector<16xf32> to vector<16xf32>
      tpu.vector_store %arg11[%swap3A_954], %swap3A_957 {strides = array<i32>} : memref<128xf32, #tpu.memory_space<vmem>>, vector<16xf32>,
      %swap3A_958 = arith.constant 112 : index
      %swap3A_959 = tpu.vector_load %arg11[%swap3A_958] {strides = array<i32>} : memref<128xf32, #tpu.memory_space<vmem>>, vector<16xf32>,
      %swap3A_960 = vector.shape_cast %swap3A_959 : vector<16xf32> to vector<16xf32>
      %swap3A_961 = vector.shape_cast %scan3A_919#7 : vector<16xf32> to vector<16xf32>
      tpu.vector_store %arg11[%swap3A_958], %swap3A_961 {strides = array<i32>} : memref<128xf32, #tpu.memory_space<vmem>>, vector<16xf32>,
      %mul3A_962 = arith.constant 128 : i32
      %mul3A_963 = arith.muli %arg1, %mul3A_962 : i32
      %add3A_964 = arith.addi %mul3A_963, %add3A_924 : i32
      %dma_start3A_965 = arith.constant 0 : i32
      %dma_start3A_966 = tpu.memref_slice %arg12[%add3A_964, %dma_start3A_965] : memref<2048x128xf32, #tpu.memory_space<vmem_shared>> -> memref<1x128xf32, #tpu.memory_space<vmem_shared>>
      %dma_start3A_967 = tpu.memref_squeeze %dma_start3A_966 : memref<1x128xf32, #tpu.memory_space<vmem_shared>> -> memref<128xf32, #tpu.memory_space<vmem_shared>>
      %dma_start3A_968 = arith.constant 0 : i32
      %dma_start3A_969 = tpu.memref_slice %arg12[%add3A_964, %dma_start3A_968] : memref<2048x128xf32, #tpu.memory_space<vmem_shared>> -> memref<1x128xf32, #tpu.memory_space<vmem_shared>>
      %dma_start3A_970 = tpu.memref_squeeze %dma_start3A_969 : memref<1x128xf32, #tpu.memory_space<vmem_shared>> -> memref<128xf32, #tpu.memory_space<vmem_shared>>
      tpu.enqueue_dma source(%arg11 : memref<128xf32, #tpu.memory_space<vmem>>) target(%dma_start3A_970 : memref<128xf32, #tpu.memory_space<vmem_shared>>) target_semaphore(%arg18 : memref<!tpu.dma_semaphore, #tpu.memory_space<semaphore_mem>>)
      %scan3A_971 = arith.constant 80 : i32
      %scan3A_972 = arith.constant 48 : i32
      %scan3A_973 = arith.addi %scan3A_971, %scan3A_972 : i32
      %scan3A_974 = arith.constant 1 : i32
      %scan3A_975:8 = scf.for %scan3A_1523 = %scan3A_971 to %scan3A_973 step %scan3A_974 iter_args(%scan3A_1524 = %broadcast_in_dim3A_3, %scan3A_1525 = %broadcast_in_dim3A_5, %scan3A_1526 = %broadcast_in_dim3A_7, %scan3A_1527 = %broadcast_in_dim3A_9, %scan3A_1528 = %broadcast_in_dim3A_11, %scan3A_1529 = %broadcast_in_dim3A_13, %scan3A_1530 = %broadcast_in_dim3A_15, %scan3A_1531 = %broadcast_in_dim3A_17) -> (vector<16xf32>, vector<16xf32>, vector<16xf32>, vector<16xf32>, vector<16xf32>, vector<16xf32>, vector<16xf32>, vector<16xf32>)  : i32 {
        %get3A = arith.index_cast %scan3A_1523 : i32 to index
        %get3A_1532 = arith.constant 0 : index
        %get3A_1533 = tpu.vector_load %arg6[%get3A, %get3A_1532] {strides = array<i32>} : memref<128x128xf32, #tpu.memory_space<vmem>>, vector<1x16xf32>,
        %get3A_1534 = vector.shape_cast %get3A_1533 : vector<1x16xf32> to vector<16xf32>
        %add3A_1535 = arith.addf %scan3A_1524, %get3A_1534 : vector<16xf32>
        %get3A_1536 = arith.index_cast %scan3A_1523 : i32 to index
        %get3A_1537 = arith.constant 16 : index
        %get3A_1538 = tpu.vector_load %arg6[%get3A_1536, %get3A_1537] {strides = array<i32>} : memref<128x128xf32, #tpu.memory_space<vmem>>, vector<1x16xf32>,
        %get3A_1539 = vector.shape_cast %get3A_1538 : vector<1x16xf32> to vector<16xf32>
        %add3A_1540 = arith.addf %scan3A_1525, %get3A_1539 : vector<16xf32>
        %get3A_1541 = arith.index_cast %scan3A_1523 : i32 to index
        %get3A_1542 = arith.constant 32 : index
        %get3A_1543 = tpu.vector_load %arg6[%get3A_1541, %get3A_1542] {strides = array<i32>} : memref<128x128xf32, #tpu.memory_space<vmem>>, vector<1x16xf32>,
        %get3A_1544 = vector.shape_cast %get3A_1543 : vector<1x16xf32> to vector<16xf32>
        %add3A_1545 = arith.addf %scan3A_1526, %get3A_1544 : vector<16xf32>
        %get3A_1546 = arith.index_cast %scan3A_1523 : i32 to index
        %get3A_1547 = arith.constant 48 : index
        %get3A_1548 = tpu.vector_load %arg6[%get3A_1546, %get3A_1547] {strides = array<i32>} : memref<128x128xf32, #tpu.memory_space<vmem>>, vector<1x16xf32>,
        %get3A_1549 = vector.shape_cast %get3A_1548 : vector<1x16xf32> to vector<16xf32>
        %add3A_1550 = arith.addf %scan3A_1527, %get3A_1549 : vector<16xf32>
        %get3A_1551 = arith.index_cast %scan3A_1523 : i32 to index
        %get3A_1552 = arith.constant 64 : index
        %get3A_1553 = tpu.vector_load %arg6[%get3A_1551, %get3A_1552] {strides = array<i32>} : memref<128x128xf32, #tpu.memory_space<vmem>>, vector<1x16xf32>,
        %get3A_1554 = vector.shape_cast %get3A_1553 : vector<1x16xf32> to vector<16xf32>
        %add3A_1555 = arith.addf %scan3A_1528, %get3A_1554 : vector<16xf32>
        %get3A_1556 = arith.index_cast %scan3A_1523 : i32 to index
        %get3A_1557 = arith.constant 80 : index
        %get3A_1558 = tpu.vector_load %arg6[%get3A_1556, %get3A_1557] {strides = array<i32>} : memref<128x128xf32, #tpu.memory_space<vmem>>, vector<1x16xf32>,
        %get3A_1559 = vector.shape_cast %get3A_1558 : vector<1x16xf32> to vector<16xf32>
        %add3A_1560 = arith.addf %scan3A_1529, %get3A_1559 : vector<16xf32>
        %get3A_1561 = arith.index_cast %scan3A_1523 : i32 to index
        %get3A_1562 = arith.constant 96 : index
        %get3A_1563 = tpu.vector_load %arg6[%get3A_1561, %get3A_1562] {strides = array<i32>} : memref<128x128xf32, #tpu.memory_space<vmem>>, vector<1x16xf32>,
        %get3A_1564 = vector.shape_cast %get3A_1563 : vector<1x16xf32> to vector<16xf32>
        %add3A_1565 = arith.addf %scan3A_1530, %get3A_1564 : vector<16xf32>
        %get3A_1566 = arith.index_cast %scan3A_1523 : i32 to index
        %get3A_1567 = arith.constant 112 : index
        %get3A_1568 = tpu.vector_load %arg6[%get3A_1566, %get3A_1567] {strides = array<i32>} : memref<128x128xf32, #tpu.memory_space<vmem>>, vector<1x16xf32>,
        %get3A_1569 = vector.shape_cast %get3A_1568 : vector<1x16xf32> to vector<16xf32>
        %add3A_1570 = arith.addf %scan3A_1531, %get3A_1569 : vector<16xf32>
        scf.yield %add3A_1535, %add3A_1540, %add3A_1545, %add3A_1550, %add3A_1555, %add3A_1560, %add3A_1565, %add3A_1570 : vector<16xf32>, vector<16xf32>, vector<16xf32>, vector<16xf32>, vector<16xf32>, vector<16xf32>, vector<16xf32>, vector<16xf32>
      }
      %scan3A_976 = arith.constant 48 : i32
      %add3A_977 = arith.constant 15 : i32
      %add3A_978 = arith.addi %mul3A_62, %add3A_977 : i32
      %add3A_979 = arith.constant 5 : i32
      %add3A_980 = arith.addi %add3A_978, %add3A_979 : i32
      %lt3A_981 = arith.constant 200 : i32
      %lt3A_982 = arith.cmpi slt, %add3A_980, %lt3A_981 : i32
      %convert_element_type3A_983 = arith.extui %lt3A_982 : i1 to i32
      %cond3A_984 = arith.constant 0 : i32
      %cond3A_985 = arith.cmpi ne, %convert_element_type3A_983, %cond3A_984 : i32
      scf.if %cond3A_985 {
        %add3A_1523 = arith.constant 15 : i32
        %add3A_1524 = arith.addi %mul3A_62, %add3A_1523 : i32
        %add3A_1525 = arith.constant 5 : i32
        %add3A_1526 = arith.addi %add3A_1524, %add3A_1525 : i32
        %mul3A_1527 = arith.constant 128 : i32
        %mul3A_1528 = arith.muli %add3A_1526, %mul3A_1527 : i32
        %dma_start3A_1529 = tpu.memref_slice %arg5[%mul3A_1528] : memref<25600xi32, #tpu.memory_space<vmem>> -> memref<128xi32, #tpu.memory_space<vmem>>
        %dma_start3A_1530 = arith.constant 0 : i32
        %dma_start3A_1531 = arith.constant 0 : i32
        %dma_start3A_1532 = tpu.memref_slice %arg3[%dma_start3A_1530, %dma_start3A_1531] : memref<1000000x128xf32, #tpu.memory_space<hbm>> -> memref<1000000x128xf32, #tpu.memory_space<hbm>>
        tpu.enqueue_indirect_dma source(%dma_start3A_1532 : memref<1000000x128xf32, #tpu.memory_space<hbm>>) target(%arg6 : memref<128x128xf32, #tpu.memory_space<vmem>>) offsets(%dma_start3A_1529 : memref<128xi32, #tpu.memory_space<vmem>>) semaphore(%arg13 : memref<!tpu.dma_semaphore, #tpu.memory_space<semaphore_mem>>)
      } else {
      }
      %add3A_986 = arith.constant 16 : i32
      %add3A_987 = arith.addi %mul3A_62, %add3A_986 : i32
      %mul3A_988 = arith.constant 128 : i32
      %mul3A_989 = arith.muli %add3A_987, %mul3A_988 : i32
      %dma_wait3A_990 = tpu.memref_slice %arg5[%mul3A_989] : memref<25600xi32, #tpu.memory_space<vmem>> -> memref<128xi32, #tpu.memory_space<vmem>>
      %dma_wait3A_991 = arith.constant 0 : i32
      %dma_wait3A_992 = arith.constant 0 : i32
      %dma_wait3A_993 = tpu.memref_slice %arg3[%dma_wait3A_991, %dma_wait3A_992] : memref<1000000x128xf32, #tpu.memory_space<hbm>> -> memref<1000000x128xf32, #tpu.memory_space<hbm>>
      tpu.wait_indirect_dma semaphore(%arg14 : memref<!tpu.dma_semaphore, #tpu.memory_space<semaphore_mem>>) src(%dma_wait3A_993 : memref<1000000x128xf32, #tpu.memory_space<hbm>>) dst(%arg7 : memref<128x128xf32, #tpu.memory_space<vmem>>)
      %scan3A_994 = arith.constant 0 : i32
      %scan3A_995 = arith.constant 128 : i32
      %scan3A_996 = arith.addi %scan3A_994, %scan3A_995 : i32
      %scan3A_997 = arith.constant 1 : i32
      %scan3A_998:8 = scf.for %scan3A_1523 = %scan3A_994 to %scan3A_996 step %scan3A_997 iter_args(%scan3A_1524 = %scan3A_975#0, %scan3A_1525 = %scan3A_975#1, %scan3A_1526 = %scan3A_975#2, %scan3A_1527 = %scan3A_975#3, %scan3A_1528 = %scan3A_975#4, %scan3A_1529 = %scan3A_975#5, %scan3A_1530 = %scan3A_975#6, %scan3A_1531 = %scan3A_975#7) -> (vector<16xf32>, vector<16xf32>, vector<16xf32>, vector<16xf32>, vector<16xf32>, vector<16xf32>, vector<16xf32>, vector<16xf32>)  : i32 {
        %get3A = arith.index_cast %scan3A_1523 : i32 to index
        %get3A_1532 = arith.constant 0 : index
        %get3A_1533 = tpu.vector_load %arg7[%get3A, %get3A_1532] {strides = array<i32>} : memref<128x128xf32, #tpu.memory_space<vmem>>, vector<1x16xf32>,
        %get3A_1534 = vector.shape_cast %get3A_1533 : vector<1x16xf32> to vector<16xf32>
        %add3A_1535 = arith.addf %scan3A_1524, %get3A_1534 : vector<16xf32>
        %get3A_1536 = arith.index_cast %scan3A_1523 : i32 to index
        %get3A_1537 = arith.constant 16 : index
        %get3A_1538 = tpu.vector_load %arg7[%get3A_1536, %get3A_1537] {strides = array<i32>} : memref<128x128xf32, #tpu.memory_space<vmem>>, vector<1x16xf32>,
        %get3A_1539 = vector.shape_cast %get3A_1538 : vector<1x16xf32> to vector<16xf32>
        %add3A_1540 = arith.addf %scan3A_1525, %get3A_1539 : vector<16xf32>
        %get3A_1541 = arith.index_cast %scan3A_1523 : i32 to index
        %get3A_1542 = arith.constant 32 : index
        %get3A_1543 = tpu.vector_load %arg7[%get3A_1541, %get3A_1542] {strides = array<i32>} : memref<128x128xf32, #tpu.memory_space<vmem>>, vector<1x16xf32>,
        %get3A_1544 = vector.shape_cast %get3A_1543 : vector<1x16xf32> to vector<16xf32>
        %add3A_1545 = arith.addf %scan3A_1526, %get3A_1544 : vector<16xf32>
        %get3A_1546 = arith.index_cast %scan3A_1523 : i32 to index
        %get3A_1547 = arith.constant 48 : index
        %get3A_1548 = tpu.vector_load %arg7[%get3A_1546, %get3A_1547] {strides = array<i32>} : memref<128x128xf32, #tpu.memory_space<vmem>>, vector<1x16xf32>,
        %get3A_1549 = vector.shape_cast %get3A_1548 : vector<1x16xf32> to vector<16xf32>
        %add3A_1550 = arith.addf %scan3A_1527, %get3A_1549 : vector<16xf32>
        %get3A_1551 = arith.index_cast %scan3A_1523 : i32 to index
        %get3A_1552 = arith.constant 64 : index
        %get3A_1553 = tpu.vector_load %arg7[%get3A_1551, %get3A_1552] {strides = array<i32>} : memref<128x128xf32, #tpu.memory_space<vmem>>, vector<1x16xf32>,
        %get3A_1554 = vector.shape_cast %get3A_1553 : vector<1x16xf32> to vector<16xf32>
        %add3A_1555 = arith.addf %scan3A_1528, %get3A_1554 : vector<16xf32>
        %get3A_1556 = arith.index_cast %scan3A_1523 : i32 to index
        %get3A_1557 = arith.constant 80 : index
        %get3A_1558 = tpu.vector_load %arg7[%get3A_1556, %get3A_1557] {strides = array<i32>} : memref<128x128xf32, #tpu.memory_space<vmem>>, vector<1x16xf32>,
        %get3A_1559 = vector.shape_cast %get3A_1558 : vector<1x16xf32> to vector<16xf32>
        %add3A_1560 = arith.addf %scan3A_1529, %get3A_1559 : vector<16xf32>
        %get3A_1561 = arith.index_cast %scan3A_1523 : i32 to index
        %get3A_1562 = arith.constant 96 : index
        %get3A_1563 = tpu.vector_load %arg7[%get3A_1561, %get3A_1562] {strides = array<i32>} : memref<128x128xf32, #tpu.memory_space<vmem>>, vector<1x16xf32>,
        %get3A_1564 = vector.shape_cast %get3A_1563 : vector<1x16xf32> to vector<16xf32>
        %add3A_1565 = arith.addf %scan3A_1530, %get3A_1564 : vector<16xf32>
        %get3A_1566 = arith.index_cast %scan3A_1523 : i32 to index
        %get3A_1567 = arith.constant 112 : index
        %get3A_1568 = tpu.vector_load %arg7[%get3A_1566, %get3A_1567] {strides = array<i32>} : memref<128x128xf32, #tpu.memory_space<vmem>>, vector<1x16xf32>,
        %get3A_1569 = vector.shape_cast %get3A_1568 : vector<1x16xf32> to vector<16xf32>
        %add3A_1570 = arith.addf %scan3A_1531, %get3A_1569 : vector<16xf32>
        scf.yield %add3A_1535, %add3A_1540, %add3A_1545, %add3A_1550, %add3A_1555, %add3A_1560, %add3A_1565, %add3A_1570 : vector<16xf32>, vector<16xf32>, vector<16xf32>, vector<16xf32>, vector<16xf32>, vector<16xf32>, vector<16xf32>, vector<16xf32>
      }
      %scan3A_999 = arith.constant 128 : i32
      %add3A_1000 = arith.constant 16 : i32
      %add3A_1001 = arith.addi %mul3A_62, %add3A_1000 : i32
      %add3A_1002 = arith.constant 5 : i32
      %add3A_1003 = arith.addi %add3A_1001, %add3A_1002 : i32
      %lt3A_1004 = arith.constant 200 : i32
      %lt3A_1005 = arith.cmpi slt, %add3A_1003, %lt3A_1004 : i32
      %convert_element_type3A_1006 = arith.extui %lt3A_1005 : i1 to i32
      %cond3A_1007 = arith.constant 0 : i32
      %cond3A_1008 = arith.cmpi ne, %convert_element_type3A_1006, %cond3A_1007 : i32
      scf.if %cond3A_1008 {
        %add3A_1523 = arith.constant 16 : i32
        %add3A_1524 = arith.addi %mul3A_62, %add3A_1523 : i32
        %add3A_1525 = arith.constant 5 : i32
        %add3A_1526 = arith.addi %add3A_1524, %add3A_1525 : i32
        %mul3A_1527 = arith.constant 128 : i32
        %mul3A_1528 = arith.muli %add3A_1526, %mul3A_1527 : i32
        %dma_start3A_1529 = tpu.memref_slice %arg5[%mul3A_1528] : memref<25600xi32, #tpu.memory_space<vmem>> -> memref<128xi32, #tpu.memory_space<vmem>>
        %dma_start3A_1530 = arith.constant 0 : i32
        %dma_start3A_1531 = arith.constant 0 : i32
        %dma_start3A_1532 = tpu.memref_slice %arg3[%dma_start3A_1530, %dma_start3A_1531] : memref<1000000x128xf32, #tpu.memory_space<hbm>> -> memref<1000000x128xf32, #tpu.memory_space<hbm>>
        tpu.enqueue_indirect_dma source(%dma_start3A_1532 : memref<1000000x128xf32, #tpu.memory_space<hbm>>) target(%arg7 : memref<128x128xf32, #tpu.memory_space<vmem>>) offsets(%dma_start3A_1529 : memref<128xi32, #tpu.memory_space<vmem>>) semaphore(%arg14 : memref<!tpu.dma_semaphore, #tpu.memory_space<semaphore_mem>>)
      } else {
      }
      %add3A_1009 = arith.constant 17 : i32
      %add3A_1010 = arith.addi %mul3A_62, %add3A_1009 : i32
      %mul3A_1011 = arith.constant 128 : i32
      %mul3A_1012 = arith.muli %add3A_1010, %mul3A_1011 : i32
      %dma_wait3A_1013 = tpu.memref_slice %arg5[%mul3A_1012] : memref<25600xi32, #tpu.memory_space<vmem>> -> memref<128xi32, #tpu.memory_space<vmem>>
      %dma_wait3A_1014 = arith.constant 0 : i32
      %dma_wait3A_1015 = arith.constant 0 : i32
      %dma_wait3A_1016 = tpu.memref_slice %arg3[%dma_wait3A_1014, %dma_wait3A_1015] : memref<1000000x128xf32, #tpu.memory_space<hbm>> -> memref<1000000x128xf32, #tpu.memory_space<hbm>>
      tpu.wait_indirect_dma semaphore(%arg15 : memref<!tpu.dma_semaphore, #tpu.memory_space<semaphore_mem>>) src(%dma_wait3A_1016 : memref<1000000x128xf32, #tpu.memory_space<hbm>>) dst(%arg8 : memref<128x128xf32, #tpu.memory_space<vmem>>)
      %scan3A_1017 = arith.constant 0 : i32
      %scan3A_1018 = arith.constant 24 : i32
      %scan3A_1019 = arith.addi %scan3A_1017, %scan3A_1018 : i32
      %scan3A_1020 = arith.constant 1 : i32
      %scan3A_1021:8 = scf.for %scan3A_1523 = %scan3A_1017 to %scan3A_1019 step %scan3A_1020 iter_args(%scan3A_1524 = %scan3A_998#0, %scan3A_1525 = %scan3A_998#1, %scan3A_1526 = %scan3A_998#2, %scan3A_1527 = %scan3A_998#3, %scan3A_1528 = %scan3A_998#4, %scan3A_1529 = %scan3A_998#5, %scan3A_1530 = %scan3A_998#6, %scan3A_1531 = %scan3A_998#7) -> (vector<16xf32>, vector<16xf32>, vector<16xf32>, vector<16xf32>, vector<16xf32>, vector<16xf32>, vector<16xf32>, vector<16xf32>)  : i32 {
        %get3A = arith.index_cast %scan3A_1523 : i32 to index
        %get3A_1532 = arith.constant 0 : index
        %get3A_1533 = tpu.vector_load %arg8[%get3A, %get3A_1532] {strides = array<i32>} : memref<128x128xf32, #tpu.memory_space<vmem>>, vector<1x16xf32>,
        %get3A_1534 = vector.shape_cast %get3A_1533 : vector<1x16xf32> to vector<16xf32>
        %add3A_1535 = arith.addf %scan3A_1524, %get3A_1534 : vector<16xf32>
        %get3A_1536 = arith.index_cast %scan3A_1523 : i32 to index
        %get3A_1537 = arith.constant 16 : index
        %get3A_1538 = tpu.vector_load %arg8[%get3A_1536, %get3A_1537] {strides = array<i32>} : memref<128x128xf32, #tpu.memory_space<vmem>>, vector<1x16xf32>,
        %get3A_1539 = vector.shape_cast %get3A_1538 : vector<1x16xf32> to vector<16xf32>
        %add3A_1540 = arith.addf %scan3A_1525, %get3A_1539 : vector<16xf32>
        %get3A_1541 = arith.index_cast %scan3A_1523 : i32 to index
        %get3A_1542 = arith.constant 32 : index
        %get3A_1543 = tpu.vector_load %arg8[%get3A_1541, %get3A_1542] {strides = array<i32>} : memref<128x128xf32, #tpu.memory_space<vmem>>, vector<1x16xf32>,
        %get3A_1544 = vector.shape_cast %get3A_1543 : vector<1x16xf32> to vector<16xf32>
        %add3A_1545 = arith.addf %scan3A_1526, %get3A_1544 : vector<16xf32>
        %get3A_1546 = arith.index_cast %scan3A_1523 : i32 to index
        %get3A_1547 = arith.constant 48 : index
        %get3A_1548 = tpu.vector_load %arg8[%get3A_1546, %get3A_1547] {strides = array<i32>} : memref<128x128xf32, #tpu.memory_space<vmem>>, vector<1x16xf32>,
        %get3A_1549 = vector.shape_cast %get3A_1548 : vector<1x16xf32> to vector<16xf32>
        %add3A_1550 = arith.addf %scan3A_1527, %get3A_1549 : vector<16xf32>
        %get3A_1551 = arith.index_cast %scan3A_1523 : i32 to index
        %get3A_1552 = arith.constant 64 : index
        %get3A_1553 = tpu.vector_load %arg8[%get3A_1551, %get3A_1552] {strides = array<i32>} : memref<128x128xf32, #tpu.memory_space<vmem>>, vector<1x16xf32>,
        %get3A_1554 = vector.shape_cast %get3A_1553 : vector<1x16xf32> to vector<16xf32>
        %add3A_1555 = arith.addf %scan3A_1528, %get3A_1554 : vector<16xf32>
        %get3A_1556 = arith.index_cast %scan3A_1523 : i32 to index
        %get3A_1557 = arith.constant 80 : index
        %get3A_1558 = tpu.vector_load %arg8[%get3A_1556, %get3A_1557] {strides = array<i32>} : memref<128x128xf32, #tpu.memory_space<vmem>>, vector<1x16xf32>,
        %get3A_1559 = vector.shape_cast %get3A_1558 : vector<1x16xf32> to vector<16xf32>
        %add3A_1560 = arith.addf %scan3A_1529, %get3A_1559 : vector<16xf32>
        %get3A_1561 = arith.index_cast %scan3A_1523 : i32 to index
        %get3A_1562 = arith.constant 96 : index
        %get3A_1563 = tpu.vector_load %arg8[%get3A_1561, %get3A_1562] {strides = array<i32>} : memref<128x128xf32, #tpu.memory_space<vmem>>, vector<1x16xf32>,
        %get3A_1564 = vector.shape_cast %get3A_1563 : vector<1x16xf32> to vector<16xf32>
        %add3A_1565 = arith.addf %scan3A_1530, %get3A_1564 : vector<16xf32>
        %get3A_1566 = arith.index_cast %scan3A_1523 : i32 to index
        %get3A_1567 = arith.constant 112 : index
        %get3A_1568 = tpu.vector_load %arg8[%get3A_1566, %get3A_1567] {strides = array<i32>} : memref<128x128xf32, #tpu.memory_space<vmem>>, vector<1x16xf32>,
        %get3A_1569 = vector.shape_cast %get3A_1568 : vector<1x16xf32> to vector<16xf32>
        %add3A_1570 = arith.addf %scan3A_1531, %get3A_1569 : vector<16xf32>
        scf.yield %add3A_1535, %add3A_1540, %add3A_1545, %add3A_1550, %add3A_1555, %add3A_1560, %add3A_1565, %add3A_1570 : vector<16xf32>, vector<16xf32>, vector<16xf32>, vector<16xf32>, vector<16xf32>, vector<16xf32>, vector<16xf32>, vector<16xf32>
      }
      %scan3A_1022 = arith.constant 24 : i32
      %mul3A_1023 = arith.constant 16 : i32
      %mul3A_1024 = arith.muli %add3A_60, %mul3A_1023 : i32
      %add3A_1025 = arith.constant 10 : i32
      %add3A_1026 = arith.addi %mul3A_1024, %add3A_1025 : i32
      %gt3A_1027 = arith.constant 0 : i32
      %gt3A_1028 = arith.cmpi sgt, %add3A_1026, %gt3A_1027 : i32
      %convert_element_type3A_1029 = arith.extui %gt3A_1028 : i1 to i32
      %cond3A_1030 = arith.constant 0 : i32
      %cond3A_1031 = arith.cmpi ne, %convert_element_type3A_1029, %cond3A_1030 : i32
      scf.if %cond3A_1031 {
        %mul3A_1523 = arith.constant 128 : i32
        %mul3A_1524 = arith.muli %arg1, %mul3A_1523 : i32
        %add3A_1525 = arith.addi %mul3A_1524, %add3A_1026 : i32
        %dma_wait3A_1526 = arith.constant 0 : i32
        %dma_wait3A_1527 = tpu.memref_slice %arg12[%add3A_1525, %dma_wait3A_1526] : memref<2048x128xf32, #tpu.memory_space<vmem_shared>> -> memref<1x128xf32, #tpu.memory_space<vmem_shared>>
        %dma_wait3A_1528 = tpu.memref_squeeze %dma_wait3A_1527 : memref<1x128xf32, #tpu.memory_space<vmem_shared>> -> memref<128xf32, #tpu.memory_space<vmem_shared>>
        %dma_wait3A_1529 = arith.constant 0 : i32
        %dma_wait3A_1530 = tpu.memref_slice %arg12[%add3A_1525, %dma_wait3A_1529] : memref<2048x128xf32, #tpu.memory_space<vmem_shared>> -> memref<1x128xf32, #tpu.memory_space<vmem_shared>>
        %dma_wait3A_1531 = tpu.memref_squeeze %dma_wait3A_1530 : memref<1x128xf32, #tpu.memory_space<vmem_shared>> -> memref<128xf32, #tpu.memory_space<vmem_shared>>
        tpu.wait_dma2 semaphore(%arg18 : memref<!tpu.dma_semaphore, #tpu.memory_space<semaphore_mem>>) src(%arg11 : memref<128xf32, #tpu.memory_space<vmem>>) dst(%dma_wait3A_1531 : memref<128xf32, #tpu.memory_space<vmem_shared>>)
      } else {
      }
      %swap3A_1032 = arith.constant 0 : index
      %swap3A_1033 = tpu.vector_load %arg11[%swap3A_1032] {strides = array<i32>} : memref<128xf32, #tpu.memory_space<vmem>>, vector<16xf32>,
      %swap3A_1034 = vector.shape_cast %swap3A_1033 : vector<16xf32> to vector<16xf32>
      %swap3A_1035 = vector.shape_cast %scan3A_1021#0 : vector<16xf32> to vector<16xf32>
      tpu.vector_store %arg11[%swap3A_1032], %swap3A_1035 {strides = array<i32>} : memref<128xf32, #tpu.memory_space<vmem>>, vector<16xf32>,
      %swap3A_1036 = arith.constant 16 : index
      %swap3A_1037 = tpu.vector_load %arg11[%swap3A_1036] {strides = array<i32>} : memref<128xf32, #tpu.memory_space<vmem>>, vector<16xf32>,
      %swap3A_1038 = vector.shape_cast %swap3A_1037 : vector<16xf32> to vector<16xf32>
      %swap3A_1039 = vector.shape_cast %scan3A_1021#1 : vector<16xf32> to vector<16xf32>
      tpu.vector_store %arg11[%swap3A_1036], %swap3A_1039 {strides = array<i32>} : memref<128xf32, #tpu.memory_space<vmem>>, vector<16xf32>,
      %swap3A_1040 = arith.constant 32 : index
      %swap3A_1041 = tpu.vector_load %arg11[%swap3A_1040] {strides = array<i32>} : memref<128xf32, #tpu.memory_space<vmem>>, vector<16xf32>,
      %swap3A_1042 = vector.shape_cast %swap3A_1041 : vector<16xf32> to vector<16xf32>
      %swap3A_1043 = vector.shape_cast %scan3A_1021#2 : vector<16xf32> to vector<16xf32>
      tpu.vector_store %arg11[%swap3A_1040], %swap3A_1043 {strides = array<i32>} : memref<128xf32, #tpu.memory_space<vmem>>, vector<16xf32>,
      %swap3A_1044 = arith.constant 48 : index
      %swap3A_1045 = tpu.vector_load %arg11[%swap3A_1044] {strides = array<i32>} : memref<128xf32, #tpu.memory_space<vmem>>, vector<16xf32>,
      %swap3A_1046 = vector.shape_cast %swap3A_1045 : vector<16xf32> to vector<16xf32>
      %swap3A_1047 = vector.shape_cast %scan3A_1021#3 : vector<16xf32> to vector<16xf32>
      tpu.vector_store %arg11[%swap3A_1044], %swap3A_1047 {strides = array<i32>} : memref<128xf32, #tpu.memory_space<vmem>>, vector<16xf32>,
      %swap3A_1048 = arith.constant 64 : index
      %swap3A_1049 = tpu.vector_load %arg11[%swap3A_1048] {strides = array<i32>} : memref<128xf32, #tpu.memory_space<vmem>>, vector<16xf32>,
      %swap3A_1050 = vector.shape_cast %swap3A_1049 : vector<16xf32> to vector<16xf32>
      %swap3A_1051 = vector.shape_cast %scan3A_1021#4 : vector<16xf32> to vector<16xf32>
      tpu.vector_store %arg11[%swap3A_1048], %swap3A_1051 {strides = array<i32>} : memref<128xf32, #tpu.memory_space<vmem>>, vector<16xf32>,
      %swap3A_1052 = arith.constant 80 : index
      %swap3A_1053 = tpu.vector_load %arg11[%swap3A_1052] {strides = array<i32>} : memref<128xf32, #tpu.memory_space<vmem>>, vector<16xf32>,
      %swap3A_1054 = vector.shape_cast %swap3A_1053 : vector<16xf32> to vector<16xf32>
      %swap3A_1055 = vector.shape_cast %scan3A_1021#5 : vector<16xf32> to vector<16xf32>
      tpu.vector_store %arg11[%swap3A_1052], %swap3A_1055 {strides = array<i32>} : memref<128xf32, #tpu.memory_space<vmem>>, vector<16xf32>,
      %swap3A_1056 = arith.constant 96 : index
      %swap3A_1057 = tpu.vector_load %arg11[%swap3A_1056] {strides = array<i32>} : memref<128xf32, #tpu.memory_space<vmem>>, vector<16xf32>,
      %swap3A_1058 = vector.shape_cast %swap3A_1057 : vector<16xf32> to vector<16xf32>
      %swap3A_1059 = vector.shape_cast %scan3A_1021#6 : vector<16xf32> to vector<16xf32>
      tpu.vector_store %arg11[%swap3A_1056], %swap3A_1059 {strides = array<i32>} : memref<128xf32, #tpu.memory_space<vmem>>, vector<16xf32>,
      %swap3A_1060 = arith.constant 112 : index
      %swap3A_1061 = tpu.vector_load %arg11[%swap3A_1060] {strides = array<i32>} : memref<128xf32, #tpu.memory_space<vmem>>, vector<16xf32>,
      %swap3A_1062 = vector.shape_cast %swap3A_1061 : vector<16xf32> to vector<16xf32>
      %swap3A_1063 = vector.shape_cast %scan3A_1021#7 : vector<16xf32> to vector<16xf32>
      tpu.vector_store %arg11[%swap3A_1060], %swap3A_1063 {strides = array<i32>} : memref<128xf32, #tpu.memory_space<vmem>>, vector<16xf32>,
      %mul3A_1064 = arith.constant 128 : i32
      %mul3A_1065 = arith.muli %arg1, %mul3A_1064 : i32
      %add3A_1066 = arith.addi %mul3A_1065, %add3A_1026 : i32
      %dma_start3A_1067 = arith.constant 0 : i32
      %dma_start3A_1068 = tpu.memref_slice %arg12[%add3A_1066, %dma_start3A_1067] : memref<2048x128xf32, #tpu.memory_space<vmem_shared>> -> memref<1x128xf32, #tpu.memory_space<vmem_shared>>
      %dma_start3A_1069 = tpu.memref_squeeze %dma_start3A_1068 : memref<1x128xf32, #tpu.memory_space<vmem_shared>> -> memref<128xf32, #tpu.memory_space<vmem_shared>>
      %dma_start3A_1070 = arith.constant 0 : i32
      %dma_start3A_1071 = tpu.memref_slice %arg12[%add3A_1066, %dma_start3A_1070] : memref<2048x128xf32, #tpu.memory_space<vmem_shared>> -> memref<1x128xf32, #tpu.memory_space<vmem_shared>>
      %dma_start3A_1072 = tpu.memref_squeeze %dma_start3A_1071 : memref<1x128xf32, #tpu.memory_space<vmem_shared>> -> memref<128xf32, #tpu.memory_space<vmem_shared>>
      tpu.enqueue_dma source(%arg11 : memref<128xf32, #tpu.memory_space<vmem>>) target(%dma_start3A_1072 : memref<128xf32, #tpu.memory_space<vmem_shared>>) target_semaphore(%arg18 : memref<!tpu.dma_semaphore, #tpu.memory_space<semaphore_mem>>)
      %scan3A_1073 = arith.constant 24 : i32
      %scan3A_1074 = arith.constant 104 : i32
      %scan3A_1075 = arith.addi %scan3A_1073, %scan3A_1074 : i32
      %scan3A_1076 = arith.constant 1 : i32
      %scan3A_1077:8 = scf.for %scan3A_1523 = %scan3A_1073 to %scan3A_1075 step %scan3A_1076 iter_args(%scan3A_1524 = %broadcast_in_dim3A_3, %scan3A_1525 = %broadcast_in_dim3A_5, %scan3A_1526 = %broadcast_in_dim3A_7, %scan3A_1527 = %broadcast_in_dim3A_9, %scan3A_1528 = %broadcast_in_dim3A_11, %scan3A_1529 = %broadcast_in_dim3A_13, %scan3A_1530 = %broadcast_in_dim3A_15, %scan3A_1531 = %broadcast_in_dim3A_17) -> (vector<16xf32>, vector<16xf32>, vector<16xf32>, vector<16xf32>, vector<16xf32>, vector<16xf32>, vector<16xf32>, vector<16xf32>)  : i32 {
        %get3A = arith.index_cast %scan3A_1523 : i32 to index
        %get3A_1532 = arith.constant 0 : index
        %get3A_1533 = tpu.vector_load %arg8[%get3A, %get3A_1532] {strides = array<i32>} : memref<128x128xf32, #tpu.memory_space<vmem>>, vector<1x16xf32>,
        %get3A_1534 = vector.shape_cast %get3A_1533 : vector<1x16xf32> to vector<16xf32>
        %add3A_1535 = arith.addf %scan3A_1524, %get3A_1534 : vector<16xf32>
        %get3A_1536 = arith.index_cast %scan3A_1523 : i32 to index
        %get3A_1537 = arith.constant 16 : index
        %get3A_1538 = tpu.vector_load %arg8[%get3A_1536, %get3A_1537] {strides = array<i32>} : memref<128x128xf32, #tpu.memory_space<vmem>>, vector<1x16xf32>,
        %get3A_1539 = vector.shape_cast %get3A_1538 : vector<1x16xf32> to vector<16xf32>
        %add3A_1540 = arith.addf %scan3A_1525, %get3A_1539 : vector<16xf32>
        %get3A_1541 = arith.index_cast %scan3A_1523 : i32 to index
        %get3A_1542 = arith.constant 32 : index
        %get3A_1543 = tpu.vector_load %arg8[%get3A_1541, %get3A_1542] {strides = array<i32>} : memref<128x128xf32, #tpu.memory_space<vmem>>, vector<1x16xf32>,
        %get3A_1544 = vector.shape_cast %get3A_1543 : vector<1x16xf32> to vector<16xf32>
        %add3A_1545 = arith.addf %scan3A_1526, %get3A_1544 : vector<16xf32>
        %get3A_1546 = arith.index_cast %scan3A_1523 : i32 to index
        %get3A_1547 = arith.constant 48 : index
        %get3A_1548 = tpu.vector_load %arg8[%get3A_1546, %get3A_1547] {strides = array<i32>} : memref<128x128xf32, #tpu.memory_space<vmem>>, vector<1x16xf32>,
        %get3A_1549 = vector.shape_cast %get3A_1548 : vector<1x16xf32> to vector<16xf32>
        %add3A_1550 = arith.addf %scan3A_1527, %get3A_1549 : vector<16xf32>
        %get3A_1551 = arith.index_cast %scan3A_1523 : i32 to index
        %get3A_1552 = arith.constant 64 : index
        %get3A_1553 = tpu.vector_load %arg8[%get3A_1551, %get3A_1552] {strides = array<i32>} : memref<128x128xf32, #tpu.memory_space<vmem>>, vector<1x16xf32>,
        %get3A_1554 = vector.shape_cast %get3A_1553 : vector<1x16xf32> to vector<16xf32>
        %add3A_1555 = arith.addf %scan3A_1528, %get3A_1554 : vector<16xf32>
        %get3A_1556 = arith.index_cast %scan3A_1523 : i32 to index
        %get3A_1557 = arith.constant 80 : index
        %get3A_1558 = tpu.vector_load %arg8[%get3A_1556, %get3A_1557] {strides = array<i32>} : memref<128x128xf32, #tpu.memory_space<vmem>>, vector<1x16xf32>,
        %get3A_1559 = vector.shape_cast %get3A_1558 : vector<1x16xf32> to vector<16xf32>
        %add3A_1560 = arith.addf %scan3A_1529, %get3A_1559 : vector<16xf32>
        %get3A_1561 = arith.index_cast %scan3A_1523 : i32 to index
        %get3A_1562 = arith.constant 96 : index
        %get3A_1563 = tpu.vector_load %arg8[%get3A_1561, %get3A_1562] {strides = array<i32>} : memref<128x128xf32, #tpu.memory_space<vmem>>, vector<1x16xf32>,
        %get3A_1564 = vector.shape_cast %get3A_1563 : vector<1x16xf32> to vector<16xf32>
        %add3A_1565 = arith.addf %scan3A_1530, %get3A_1564 : vector<16xf32>
        %get3A_1566 = arith.index_cast %scan3A_1523 : i32 to index
        %get3A_1567 = arith.constant 112 : index
        %get3A_1568 = tpu.vector_load %arg8[%get3A_1566, %get3A_1567] {strides = array<i32>} : memref<128x128xf32, #tpu.memory_space<vmem>>, vector<1x16xf32>,
        %get3A_1569 = vector.shape_cast %get3A_1568 : vector<1x16xf32> to vector<16xf32>
        %add3A_1570 = arith.addf %scan3A_1531, %get3A_1569 : vector<16xf32>
        scf.yield %add3A_1535, %add3A_1540, %add3A_1545, %add3A_1550, %add3A_1555, %add3A_1560, %add3A_1565, %add3A_1570 : vector<16xf32>, vector<16xf32>, vector<16xf32>, vector<16xf32>, vector<16xf32>, vector<16xf32>, vector<16xf32>, vector<16xf32>
      }
      %scan3A_1078 = arith.constant 104 : i32
      %add3A_1079 = arith.constant 17 : i32
      %add3A_1080 = arith.addi %mul3A_62, %add3A_1079 : i32
      %add3A_1081 = arith.constant 5 : i32
      %add3A_1082 = arith.addi %add3A_1080, %add3A_1081 : i32
      %lt3A_1083 = arith.constant 200 : i32
      %lt3A_1084 = arith.cmpi slt, %add3A_1082, %lt3A_1083 : i32
      %convert_element_type3A_1085 = arith.extui %lt3A_1084 : i1 to i32
      %cond3A_1086 = arith.constant 0 : i32
      %cond3A_1087 = arith.cmpi ne, %convert_element_type3A_1085, %cond3A_1086 : i32
      scf.if %cond3A_1087 {
        %add3A_1523 = arith.constant 17 : i32
        %add3A_1524 = arith.addi %mul3A_62, %add3A_1523 : i32
        %add3A_1525 = arith.constant 5 : i32
        %add3A_1526 = arith.addi %add3A_1524, %add3A_1525 : i32
        %mul3A_1527 = arith.constant 128 : i32
        %mul3A_1528 = arith.muli %add3A_1526, %mul3A_1527 : i32
        %dma_start3A_1529 = tpu.memref_slice %arg5[%mul3A_1528] : memref<25600xi32, #tpu.memory_space<vmem>> -> memref<128xi32, #tpu.memory_space<vmem>>
        %dma_start3A_1530 = arith.constant 0 : i32
        %dma_start3A_1531 = arith.constant 0 : i32
        %dma_start3A_1532 = tpu.memref_slice %arg3[%dma_start3A_1530, %dma_start3A_1531] : memref<1000000x128xf32, #tpu.memory_space<hbm>> -> memref<1000000x128xf32, #tpu.memory_space<hbm>>
        tpu.enqueue_indirect_dma source(%dma_start3A_1532 : memref<1000000x128xf32, #tpu.memory_space<hbm>>) target(%arg8 : memref<128x128xf32, #tpu.memory_space<vmem>>) offsets(%dma_start3A_1529 : memref<128xi32, #tpu.memory_space<vmem>>) semaphore(%arg15 : memref<!tpu.dma_semaphore, #tpu.memory_space<semaphore_mem>>)
      } else {
      }
      %add3A_1088 = arith.constant 18 : i32
      %add3A_1089 = arith.addi %mul3A_62, %add3A_1088 : i32
      %mul3A_1090 = arith.constant 128 : i32
      %mul3A_1091 = arith.muli %add3A_1089, %mul3A_1090 : i32
      %dma_wait3A_1092 = tpu.memref_slice %arg5[%mul3A_1091] : memref<25600xi32, #tpu.memory_space<vmem>> -> memref<128xi32, #tpu.memory_space<vmem>>
      %dma_wait3A_1093 = arith.constant 0 : i32
      %dma_wait3A_1094 = arith.constant 0 : i32
      %dma_wait3A_1095 = tpu.memref_slice %arg3[%dma_wait3A_1093, %dma_wait3A_1094] : memref<1000000x128xf32, #tpu.memory_space<hbm>> -> memref<1000000x128xf32, #tpu.memory_space<hbm>>
      tpu.wait_indirect_dma semaphore(%arg16 : memref<!tpu.dma_semaphore, #tpu.memory_space<semaphore_mem>>) src(%dma_wait3A_1095 : memref<1000000x128xf32, #tpu.memory_space<hbm>>) dst(%arg9 : memref<128x128xf32, #tpu.memory_space<vmem>>)
      %scan3A_1096 = arith.constant 0 : i32
      %scan3A_1097 = arith.constant 96 : i32
      %scan3A_1098 = arith.addi %scan3A_1096, %scan3A_1097 : i32
      %scan3A_1099 = arith.constant 1 : i32
      %scan3A_1100:8 = scf.for %scan3A_1523 = %scan3A_1096 to %scan3A_1098 step %scan3A_1099 iter_args(%scan3A_1524 = %scan3A_1077#0, %scan3A_1525 = %scan3A_1077#1, %scan3A_1526 = %scan3A_1077#2, %scan3A_1527 = %scan3A_1077#3, %scan3A_1528 = %scan3A_1077#4, %scan3A_1529 = %scan3A_1077#5, %scan3A_1530 = %scan3A_1077#6, %scan3A_1531 = %scan3A_1077#7) -> (vector<16xf32>, vector<16xf32>, vector<16xf32>, vector<16xf32>, vector<16xf32>, vector<16xf32>, vector<16xf32>, vector<16xf32>)  : i32 {
        %get3A = arith.index_cast %scan3A_1523 : i32 to index
        %get3A_1532 = arith.constant 0 : index
        %get3A_1533 = tpu.vector_load %arg9[%get3A, %get3A_1532] {strides = array<i32>} : memref<128x128xf32, #tpu.memory_space<vmem>>, vector<1x16xf32>,
        %get3A_1534 = vector.shape_cast %get3A_1533 : vector<1x16xf32> to vector<16xf32>
        %add3A_1535 = arith.addf %scan3A_1524, %get3A_1534 : vector<16xf32>
        %get3A_1536 = arith.index_cast %scan3A_1523 : i32 to index
        %get3A_1537 = arith.constant 16 : index
        %get3A_1538 = tpu.vector_load %arg9[%get3A_1536, %get3A_1537] {strides = array<i32>} : memref<128x128xf32, #tpu.memory_space<vmem>>, vector<1x16xf32>,
        %get3A_1539 = vector.shape_cast %get3A_1538 : vector<1x16xf32> to vector<16xf32>
        %add3A_1540 = arith.addf %scan3A_1525, %get3A_1539 : vector<16xf32>
        %get3A_1541 = arith.index_cast %scan3A_1523 : i32 to index
        %get3A_1542 = arith.constant 32 : index
        %get3A_1543 = tpu.vector_load %arg9[%get3A_1541, %get3A_1542] {strides = array<i32>} : memref<128x128xf32, #tpu.memory_space<vmem>>, vector<1x16xf32>,
        %get3A_1544 = vector.shape_cast %get3A_1543 : vector<1x16xf32> to vector<16xf32>
        %add3A_1545 = arith.addf %scan3A_1526, %get3A_1544 : vector<16xf32>
        %get3A_1546 = arith.index_cast %scan3A_1523 : i32 to index
        %get3A_1547 = arith.constant 48 : index
        %get3A_1548 = tpu.vector_load %arg9[%get3A_1546, %get3A_1547] {strides = array<i32>} : memref<128x128xf32, #tpu.memory_space<vmem>>, vector<1x16xf32>,
        %get3A_1549 = vector.shape_cast %get3A_1548 : vector<1x16xf32> to vector<16xf32>
        %add3A_1550 = arith.addf %scan3A_1527, %get3A_1549 : vector<16xf32>
        %get3A_1551 = arith.index_cast %scan3A_1523 : i32 to index
        %get3A_1552 = arith.constant 64 : index
        %get3A_1553 = tpu.vector_load %arg9[%get3A_1551, %get3A_1552] {strides = array<i32>} : memref<128x128xf32, #tpu.memory_space<vmem>>, vector<1x16xf32>,
        %get3A_1554 = vector.shape_cast %get3A_1553 : vector<1x16xf32> to vector<16xf32>
        %add3A_1555 = arith.addf %scan3A_1528, %get3A_1554 : vector<16xf32>
        %get3A_1556 = arith.index_cast %scan3A_1523 : i32 to index
        %get3A_1557 = arith.constant 80 : index
        %get3A_1558 = tpu.vector_load %arg9[%get3A_1556, %get3A_1557] {strides = array<i32>} : memref<128x128xf32, #tpu.memory_space<vmem>>, vector<1x16xf32>,
        %get3A_1559 = vector.shape_cast %get3A_1558 : vector<1x16xf32> to vector<16xf32>
        %add3A_1560 = arith.addf %scan3A_1529, %get3A_1559 : vector<16xf32>
        %get3A_1561 = arith.index_cast %scan3A_1523 : i32 to index
        %get3A_1562 = arith.constant 96 : index
        %get3A_1563 = tpu.vector_load %arg9[%get3A_1561, %get3A_1562] {strides = array<i32>} : memref<128x128xf32, #tpu.memory_space<vmem>>, vector<1x16xf32>,
        %get3A_1564 = vector.shape_cast %get3A_1563 : vector<1x16xf32> to vector<16xf32>
        %add3A_1565 = arith.addf %scan3A_1530, %get3A_1564 : vector<16xf32>
        %get3A_1566 = arith.index_cast %scan3A_1523 : i32 to index
        %get3A_1567 = arith.constant 112 : index
        %get3A_1568 = tpu.vector_load %arg9[%get3A_1566, %get3A_1567] {strides = array<i32>} : memref<128x128xf32, #tpu.memory_space<vmem>>, vector<1x16xf32>,
        %get3A_1569 = vector.shape_cast %get3A_1568 : vector<1x16xf32> to vector<16xf32>
        %add3A_1570 = arith.addf %scan3A_1531, %get3A_1569 : vector<16xf32>
        scf.yield %add3A_1535, %add3A_1540, %add3A_1545, %add3A_1550, %add3A_1555, %add3A_1560, %add3A_1565, %add3A_1570 : vector<16xf32>, vector<16xf32>, vector<16xf32>, vector<16xf32>, vector<16xf32>, vector<16xf32>, vector<16xf32>, vector<16xf32>
      }
      %scan3A_1101 = arith.constant 96 : i32
      %mul3A_1102 = arith.constant 16 : i32
      %mul3A_1103 = arith.muli %add3A_60, %mul3A_1102 : i32
      %add3A_1104 = arith.constant 11 : i32
      %add3A_1105 = arith.addi %mul3A_1103, %add3A_1104 : i32
      %gt3A_1106 = arith.constant 0 : i32
      %gt3A_1107 = arith.cmpi sgt, %add3A_1105, %gt3A_1106 : i32
      %convert_element_type3A_1108 = arith.extui %gt3A_1107 : i1 to i32
      %cond3A_1109 = arith.constant 0 : i32
      %cond3A_1110 = arith.cmpi ne, %convert_element_type3A_1108, %cond3A_1109 : i32
      scf.if %cond3A_1110 {
        %mul3A_1523 = arith.constant 128 : i32
        %mul3A_1524 = arith.muli %arg1, %mul3A_1523 : i32
        %add3A_1525 = arith.addi %mul3A_1524, %add3A_1105 : i32
        %dma_wait3A_1526 = arith.constant 0 : i32
        %dma_wait3A_1527 = tpu.memref_slice %arg12[%add3A_1525, %dma_wait3A_1526] : memref<2048x128xf32, #tpu.memory_space<vmem_shared>> -> memref<1x128xf32, #tpu.memory_space<vmem_shared>>
        %dma_wait3A_1528 = tpu.memref_squeeze %dma_wait3A_1527 : memref<1x128xf32, #tpu.memory_space<vmem_shared>> -> memref<128xf32, #tpu.memory_space<vmem_shared>>
        %dma_wait3A_1529 = arith.constant 0 : i32
        %dma_wait3A_1530 = tpu.memref_slice %arg12[%add3A_1525, %dma_wait3A_1529] : memref<2048x128xf32, #tpu.memory_space<vmem_shared>> -> memref<1x128xf32, #tpu.memory_space<vmem_shared>>
        %dma_wait3A_1531 = tpu.memref_squeeze %dma_wait3A_1530 : memref<1x128xf32, #tpu.memory_space<vmem_shared>> -> memref<128xf32, #tpu.memory_space<vmem_shared>>
        tpu.wait_dma2 semaphore(%arg18 : memref<!tpu.dma_semaphore, #tpu.memory_space<semaphore_mem>>) src(%arg11 : memref<128xf32, #tpu.memory_space<vmem>>) dst(%dma_wait3A_1531 : memref<128xf32, #tpu.memory_space<vmem_shared>>)
      } else {
      }
      %swap3A_1111 = arith.constant 0 : index
      %swap3A_1112 = tpu.vector_load %arg11[%swap3A_1111] {strides = array<i32>} : memref<128xf32, #tpu.memory_space<vmem>>, vector<16xf32>,
      %swap3A_1113 = vector.shape_cast %swap3A_1112 : vector<16xf32> to vector<16xf32>
      %swap3A_1114 = vector.shape_cast %scan3A_1100#0 : vector<16xf32> to vector<16xf32>
      tpu.vector_store %arg11[%swap3A_1111], %swap3A_1114 {strides = array<i32>} : memref<128xf32, #tpu.memory_space<vmem>>, vector<16xf32>,
      %swap3A_1115 = arith.constant 16 : index
      %swap3A_1116 = tpu.vector_load %arg11[%swap3A_1115] {strides = array<i32>} : memref<128xf32, #tpu.memory_space<vmem>>, vector<16xf32>,
      %swap3A_1117 = vector.shape_cast %swap3A_1116 : vector<16xf32> to vector<16xf32>
      %swap3A_1118 = vector.shape_cast %scan3A_1100#1 : vector<16xf32> to vector<16xf32>
      tpu.vector_store %arg11[%swap3A_1115], %swap3A_1118 {strides = array<i32>} : memref<128xf32, #tpu.memory_space<vmem>>, vector<16xf32>,
      %swap3A_1119 = arith.constant 32 : index
      %swap3A_1120 = tpu.vector_load %arg11[%swap3A_1119] {strides = array<i32>} : memref<128xf32, #tpu.memory_space<vmem>>, vector<16xf32>,
      %swap3A_1121 = vector.shape_cast %swap3A_1120 : vector<16xf32> to vector<16xf32>
      %swap3A_1122 = vector.shape_cast %scan3A_1100#2 : vector<16xf32> to vector<16xf32>
      tpu.vector_store %arg11[%swap3A_1119], %swap3A_1122 {strides = array<i32>} : memref<128xf32, #tpu.memory_space<vmem>>, vector<16xf32>,
      %swap3A_1123 = arith.constant 48 : index
      %swap3A_1124 = tpu.vector_load %arg11[%swap3A_1123] {strides = array<i32>} : memref<128xf32, #tpu.memory_space<vmem>>, vector<16xf32>,
      %swap3A_1125 = vector.shape_cast %swap3A_1124 : vector<16xf32> to vector<16xf32>
      %swap3A_1126 = vector.shape_cast %scan3A_1100#3 : vector<16xf32> to vector<16xf32>
      tpu.vector_store %arg11[%swap3A_1123], %swap3A_1126 {strides = array<i32>} : memref<128xf32, #tpu.memory_space<vmem>>, vector<16xf32>,
      %swap3A_1127 = arith.constant 64 : index
      %swap3A_1128 = tpu.vector_load %arg11[%swap3A_1127] {strides = array<i32>} : memref<128xf32, #tpu.memory_space<vmem>>, vector<16xf32>,
      %swap3A_1129 = vector.shape_cast %swap3A_1128 : vector<16xf32> to vector<16xf32>
      %swap3A_1130 = vector.shape_cast %scan3A_1100#4 : vector<16xf32> to vector<16xf32>
      tpu.vector_store %arg11[%swap3A_1127], %swap3A_1130 {strides = array<i32>} : memref<128xf32, #tpu.memory_space<vmem>>, vector<16xf32>,
      %swap3A_1131 = arith.constant 80 : index
      %swap3A_1132 = tpu.vector_load %arg11[%swap3A_1131] {strides = array<i32>} : memref<128xf32, #tpu.memory_space<vmem>>, vector<16xf32>,
      %swap3A_1133 = vector.shape_cast %swap3A_1132 : vector<16xf32> to vector<16xf32>
      %swap3A_1134 = vector.shape_cast %scan3A_1100#5 : vector<16xf32> to vector<16xf32>
      tpu.vector_store %arg11[%swap3A_1131], %swap3A_1134 {strides = array<i32>} : memref<128xf32, #tpu.memory_space<vmem>>, vector<16xf32>,
      %swap3A_1135 = arith.constant 96 : index
      %swap3A_1136 = tpu.vector_load %arg11[%swap3A_1135] {strides = array<i32>} : memref<128xf32, #tpu.memory_space<vmem>>, vector<16xf32>,
      %swap3A_1137 = vector.shape_cast %swap3A_1136 : vector<16xf32> to vector<16xf32>
      %swap3A_1138 = vector.shape_cast %scan3A_1100#6 : vector<16xf32> to vector<16xf32>
      tpu.vector_store %arg11[%swap3A_1135], %swap3A_1138 {strides = array<i32>} : memref<128xf32, #tpu.memory_space<vmem>>, vector<16xf32>,
      %swap3A_1139 = arith.constant 112 : index
      %swap3A_1140 = tpu.vector_load %arg11[%swap3A_1139] {strides = array<i32>} : memref<128xf32, #tpu.memory_space<vmem>>, vector<16xf32>,
      %swap3A_1141 = vector.shape_cast %swap3A_1140 : vector<16xf32> to vector<16xf32>
      %swap3A_1142 = vector.shape_cast %scan3A_1100#7 : vector<16xf32> to vector<16xf32>
      tpu.vector_store %arg11[%swap3A_1139], %swap3A_1142 {strides = array<i32>} : memref<128xf32, #tpu.memory_space<vmem>>, vector<16xf32>,
      %mul3A_1143 = arith.constant 128 : i32
      %mul3A_1144 = arith.muli %arg1, %mul3A_1143 : i32
      %add3A_1145 = arith.addi %mul3A_1144, %add3A_1105 : i32
      %dma_start3A_1146 = arith.constant 0 : i32
      %dma_start3A_1147 = tpu.memref_slice %arg12[%add3A_1145, %dma_start3A_1146] : memref<2048x128xf32, #tpu.memory_space<vmem_shared>> -> memref<1x128xf32, #tpu.memory_space<vmem_shared>>
      %dma_start3A_1148 = tpu.memref_squeeze %dma_start3A_1147 : memref<1x128xf32, #tpu.memory_space<vmem_shared>> -> memref<128xf32, #tpu.memory_space<vmem_shared>>
      %dma_start3A_1149 = arith.constant 0 : i32
      %dma_start3A_1150 = tpu.memref_slice %arg12[%add3A_1145, %dma_start3A_1149] : memref<2048x128xf32, #tpu.memory_space<vmem_shared>> -> memref<1x128xf32, #tpu.memory_space<vmem_shared>>
      %dma_start3A_1151 = tpu.memref_squeeze %dma_start3A_1150 : memref<1x128xf32, #tpu.memory_space<vmem_shared>> -> memref<128xf32, #tpu.memory_space<vmem_shared>>
      tpu.enqueue_dma source(%arg11 : memref<128xf32, #tpu.memory_space<vmem>>) target(%dma_start3A_1151 : memref<128xf32, #tpu.memory_space<vmem_shared>>) target_semaphore(%arg18 : memref<!tpu.dma_semaphore, #tpu.memory_space<semaphore_mem>>)
      %scan3A_1152 = arith.constant 96 : i32
      %scan3A_1153 = arith.constant 32 : i32
      %scan3A_1154 = arith.addi %scan3A_1152, %scan3A_1153 : i32
      %scan3A_1155 = arith.constant 1 : i32
      %scan3A_1156:8 = scf.for %scan3A_1523 = %scan3A_1152 to %scan3A_1154 step %scan3A_1155 iter_args(%scan3A_1524 = %broadcast_in_dim3A_3, %scan3A_1525 = %broadcast_in_dim3A_5, %scan3A_1526 = %broadcast_in_dim3A_7, %scan3A_1527 = %broadcast_in_dim3A_9, %scan3A_1528 = %broadcast_in_dim3A_11, %scan3A_1529 = %broadcast_in_dim3A_13, %scan3A_1530 = %broadcast_in_dim3A_15, %scan3A_1531 = %broadcast_in_dim3A_17) -> (vector<16xf32>, vector<16xf32>, vector<16xf32>, vector<16xf32>, vector<16xf32>, vector<16xf32>, vector<16xf32>, vector<16xf32>)  : i32 {
        %get3A = arith.index_cast %scan3A_1523 : i32 to index
        %get3A_1532 = arith.constant 0 : index
        %get3A_1533 = tpu.vector_load %arg9[%get3A, %get3A_1532] {strides = array<i32>} : memref<128x128xf32, #tpu.memory_space<vmem>>, vector<1x16xf32>,
        %get3A_1534 = vector.shape_cast %get3A_1533 : vector<1x16xf32> to vector<16xf32>
        %add3A_1535 = arith.addf %scan3A_1524, %get3A_1534 : vector<16xf32>
        %get3A_1536 = arith.index_cast %scan3A_1523 : i32 to index
        %get3A_1537 = arith.constant 16 : index
        %get3A_1538 = tpu.vector_load %arg9[%get3A_1536, %get3A_1537] {strides = array<i32>} : memref<128x128xf32, #tpu.memory_space<vmem>>, vector<1x16xf32>,
        %get3A_1539 = vector.shape_cast %get3A_1538 : vector<1x16xf32> to vector<16xf32>
        %add3A_1540 = arith.addf %scan3A_1525, %get3A_1539 : vector<16xf32>
        %get3A_1541 = arith.index_cast %scan3A_1523 : i32 to index
        %get3A_1542 = arith.constant 32 : index
        %get3A_1543 = tpu.vector_load %arg9[%get3A_1541, %get3A_1542] {strides = array<i32>} : memref<128x128xf32, #tpu.memory_space<vmem>>, vector<1x16xf32>,
        %get3A_1544 = vector.shape_cast %get3A_1543 : vector<1x16xf32> to vector<16xf32>
        %add3A_1545 = arith.addf %scan3A_1526, %get3A_1544 : vector<16xf32>
        %get3A_1546 = arith.index_cast %scan3A_1523 : i32 to index
        %get3A_1547 = arith.constant 48 : index
        %get3A_1548 = tpu.vector_load %arg9[%get3A_1546, %get3A_1547] {strides = array<i32>} : memref<128x128xf32, #tpu.memory_space<vmem>>, vector<1x16xf32>,
        %get3A_1549 = vector.shape_cast %get3A_1548 : vector<1x16xf32> to vector<16xf32>
        %add3A_1550 = arith.addf %scan3A_1527, %get3A_1549 : vector<16xf32>
        %get3A_1551 = arith.index_cast %scan3A_1523 : i32 to index
        %get3A_1552 = arith.constant 64 : index
        %get3A_1553 = tpu.vector_load %arg9[%get3A_1551, %get3A_1552] {strides = array<i32>} : memref<128x128xf32, #tpu.memory_space<vmem>>, vector<1x16xf32>,
        %get3A_1554 = vector.shape_cast %get3A_1553 : vector<1x16xf32> to vector<16xf32>
        %add3A_1555 = arith.addf %scan3A_1528, %get3A_1554 : vector<16xf32>
        %get3A_1556 = arith.index_cast %scan3A_1523 : i32 to index
        %get3A_1557 = arith.constant 80 : index
        %get3A_1558 = tpu.vector_load %arg9[%get3A_1556, %get3A_1557] {strides = array<i32>} : memref<128x128xf32, #tpu.memory_space<vmem>>, vector<1x16xf32>,
        %get3A_1559 = vector.shape_cast %get3A_1558 : vector<1x16xf32> to vector<16xf32>
        %add3A_1560 = arith.addf %scan3A_1529, %get3A_1559 : vector<16xf32>
        %get3A_1561 = arith.index_cast %scan3A_1523 : i32 to index
        %get3A_1562 = arith.constant 96 : index
        %get3A_1563 = tpu.vector_load %arg9[%get3A_1561, %get3A_1562] {strides = array<i32>} : memref<128x128xf32, #tpu.memory_space<vmem>>, vector<1x16xf32>,
        %get3A_1564 = vector.shape_cast %get3A_1563 : vector<1x16xf32> to vector<16xf32>
        %add3A_1565 = arith.addf %scan3A_1530, %get3A_1564 : vector<16xf32>
        %get3A_1566 = arith.index_cast %scan3A_1523 : i32 to index
        %get3A_1567 = arith.constant 112 : index
        %get3A_1568 = tpu.vector_load %arg9[%get3A_1566, %get3A_1567] {strides = array<i32>} : memref<128x128xf32, #tpu.memory_space<vmem>>, vector<1x16xf32>,
        %get3A_1569 = vector.shape_cast %get3A_1568 : vector<1x16xf32> to vector<16xf32>
        %add3A_1570 = arith.addf %scan3A_1531, %get3A_1569 : vector<16xf32>
        scf.yield %add3A_1535, %add3A_1540, %add3A_1545, %add3A_1550, %add3A_1555, %add3A_1560, %add3A_1565, %add3A_1570 : vector<16xf32>, vector<16xf32>, vector<16xf32>, vector<16xf32>, vector<16xf32>, vector<16xf32>, vector<16xf32>, vector<16xf32>
      }
      %scan3A_1157 = arith.constant 32 : i32
      %add3A_1158 = arith.constant 18 : i32
      %add3A_1159 = arith.addi %mul3A_62, %add3A_1158 : i32
      %add3A_1160 = arith.constant 5 : i32
      %add3A_1161 = arith.addi %add3A_1159, %add3A_1160 : i32
      %lt3A_1162 = arith.constant 200 : i32
      %lt3A_1163 = arith.cmpi slt, %add3A_1161, %lt3A_1162 : i32
      %convert_element_type3A_1164 = arith.extui %lt3A_1163 : i1 to i32
      %cond3A_1165 = arith.constant 0 : i32
      %cond3A_1166 = arith.cmpi ne, %convert_element_type3A_1164, %cond3A_1165 : i32
      scf.if %cond3A_1166 {
        %add3A_1523 = arith.constant 18 : i32
        %add3A_1524 = arith.addi %mul3A_62, %add3A_1523 : i32
        %add3A_1525 = arith.constant 5 : i32
        %add3A_1526 = arith.addi %add3A_1524, %add3A_1525 : i32
        %mul3A_1527 = arith.constant 128 : i32
        %mul3A_1528 = arith.muli %add3A_1526, %mul3A_1527 : i32
        %dma_start3A_1529 = tpu.memref_slice %arg5[%mul3A_1528] : memref<25600xi32, #tpu.memory_space<vmem>> -> memref<128xi32, #tpu.memory_space<vmem>>
        %dma_start3A_1530 = arith.constant 0 : i32
        %dma_start3A_1531 = arith.constant 0 : i32
        %dma_start3A_1532 = tpu.memref_slice %arg3[%dma_start3A_1530, %dma_start3A_1531] : memref<1000000x128xf32, #tpu.memory_space<hbm>> -> memref<1000000x128xf32, #tpu.memory_space<hbm>>
        tpu.enqueue_indirect_dma source(%dma_start3A_1532 : memref<1000000x128xf32, #tpu.memory_space<hbm>>) target(%arg9 : memref<128x128xf32, #tpu.memory_space<vmem>>) offsets(%dma_start3A_1529 : memref<128xi32, #tpu.memory_space<vmem>>) semaphore(%arg16 : memref<!tpu.dma_semaphore, #tpu.memory_space<semaphore_mem>>)
      } else {
      }
      %add3A_1167 = arith.constant 19 : i32
      %add3A_1168 = arith.addi %mul3A_62, %add3A_1167 : i32
      %mul3A_1169 = arith.constant 128 : i32
      %mul3A_1170 = arith.muli %add3A_1168, %mul3A_1169 : i32
      %dma_wait3A_1171 = tpu.memref_slice %arg5[%mul3A_1170] : memref<25600xi32, #tpu.memory_space<vmem>> -> memref<128xi32, #tpu.memory_space<vmem>>
      %dma_wait3A_1172 = arith.constant 0 : i32
      %dma_wait3A_1173 = arith.constant 0 : i32
      %dma_wait3A_1174 = tpu.memref_slice %arg3[%dma_wait3A_1172, %dma_wait3A_1173] : memref<1000000x128xf32, #tpu.memory_space<hbm>> -> memref<1000000x128xf32, #tpu.memory_space<hbm>>
      tpu.wait_indirect_dma semaphore(%arg17 : memref<!tpu.dma_semaphore, #tpu.memory_space<semaphore_mem>>) src(%dma_wait3A_1174 : memref<1000000x128xf32, #tpu.memory_space<hbm>>) dst(%arg10 : memref<128x128xf32, #tpu.memory_space<vmem>>)
      %scan3A_1175 = arith.constant 0 : i32
      %scan3A_1176 = arith.constant 128 : i32
      %scan3A_1177 = arith.addi %scan3A_1175, %scan3A_1176 : i32
      %scan3A_1178 = arith.constant 1 : i32
      %scan3A_1179:8 = scf.for %scan3A_1523 = %scan3A_1175 to %scan3A_1177 step %scan3A_1178 iter_args(%scan3A_1524 = %scan3A_1156#0, %scan3A_1525 = %scan3A_1156#1, %scan3A_1526 = %scan3A_1156#2, %scan3A_1527 = %scan3A_1156#3, %scan3A_1528 = %scan3A_1156#4, %scan3A_1529 = %scan3A_1156#5, %scan3A_1530 = %scan3A_1156#6, %scan3A_1531 = %scan3A_1156#7) -> (vector<16xf32>, vector<16xf32>, vector<16xf32>, vector<16xf32>, vector<16xf32>, vector<16xf32>, vector<16xf32>, vector<16xf32>)  : i32 {
        %get3A = arith.index_cast %scan3A_1523 : i32 to index
        %get3A_1532 = arith.constant 0 : index
        %get3A_1533 = tpu.vector_load %arg10[%get3A, %get3A_1532] {strides = array<i32>} : memref<128x128xf32, #tpu.memory_space<vmem>>, vector<1x16xf32>,
        %get3A_1534 = vector.shape_cast %get3A_1533 : vector<1x16xf32> to vector<16xf32>
        %add3A_1535 = arith.addf %scan3A_1524, %get3A_1534 : vector<16xf32>
        %get3A_1536 = arith.index_cast %scan3A_1523 : i32 to index
        %get3A_1537 = arith.constant 16 : index
        %get3A_1538 = tpu.vector_load %arg10[%get3A_1536, %get3A_1537] {strides = array<i32>} : memref<128x128xf32, #tpu.memory_space<vmem>>, vector<1x16xf32>,
        %get3A_1539 = vector.shape_cast %get3A_1538 : vector<1x16xf32> to vector<16xf32>
        %add3A_1540 = arith.addf %scan3A_1525, %get3A_1539 : vector<16xf32>
        %get3A_1541 = arith.index_cast %scan3A_1523 : i32 to index
        %get3A_1542 = arith.constant 32 : index
        %get3A_1543 = tpu.vector_load %arg10[%get3A_1541, %get3A_1542] {strides = array<i32>} : memref<128x128xf32, #tpu.memory_space<vmem>>, vector<1x16xf32>,
        %get3A_1544 = vector.shape_cast %get3A_1543 : vector<1x16xf32> to vector<16xf32>
        %add3A_1545 = arith.addf %scan3A_1526, %get3A_1544 : vector<16xf32>
        %get3A_1546 = arith.index_cast %scan3A_1523 : i32 to index
        %get3A_1547 = arith.constant 48 : index
        %get3A_1548 = tpu.vector_load %arg10[%get3A_1546, %get3A_1547] {strides = array<i32>} : memref<128x128xf32, #tpu.memory_space<vmem>>, vector<1x16xf32>,
        %get3A_1549 = vector.shape_cast %get3A_1548 : vector<1x16xf32> to vector<16xf32>
        %add3A_1550 = arith.addf %scan3A_1527, %get3A_1549 : vector<16xf32>
        %get3A_1551 = arith.index_cast %scan3A_1523 : i32 to index
        %get3A_1552 = arith.constant 64 : index
        %get3A_1553 = tpu.vector_load %arg10[%get3A_1551, %get3A_1552] {strides = array<i32>} : memref<128x128xf32, #tpu.memory_space<vmem>>, vector<1x16xf32>,
        %get3A_1554 = vector.shape_cast %get3A_1553 : vector<1x16xf32> to vector<16xf32>
        %add3A_1555 = arith.addf %scan3A_1528, %get3A_1554 : vector<16xf32>
        %get3A_1556 = arith.index_cast %scan3A_1523 : i32 to index
        %get3A_1557 = arith.constant 80 : index
        %get3A_1558 = tpu.vector_load %arg10[%get3A_1556, %get3A_1557] {strides = array<i32>} : memref<128x128xf32, #tpu.memory_space<vmem>>, vector<1x16xf32>,
        %get3A_1559 = vector.shape_cast %get3A_1558 : vector<1x16xf32> to vector<16xf32>
        %add3A_1560 = arith.addf %scan3A_1529, %get3A_1559 : vector<16xf32>
        %get3A_1561 = arith.index_cast %scan3A_1523 : i32 to index
        %get3A_1562 = arith.constant 96 : index
        %get3A_1563 = tpu.vector_load %arg10[%get3A_1561, %get3A_1562] {strides = array<i32>} : memref<128x128xf32, #tpu.memory_space<vmem>>, vector<1x16xf32>,
        %get3A_1564 = vector.shape_cast %get3A_1563 : vector<1x16xf32> to vector<16xf32>
        %add3A_1565 = arith.addf %scan3A_1530, %get3A_1564 : vector<16xf32>
        %get3A_1566 = arith.index_cast %scan3A_1523 : i32 to index
        %get3A_1567 = arith.constant 112 : index
        %get3A_1568 = tpu.vector_load %arg10[%get3A_1566, %get3A_1567] {strides = array<i32>} : memref<128x128xf32, #tpu.memory_space<vmem>>, vector<1x16xf32>,
        %get3A_1569 = vector.shape_cast %get3A_1568 : vector<1x16xf32> to vector<16xf32>
        %add3A_1570 = arith.addf %scan3A_1531, %get3A_1569 : vector<16xf32>
        scf.yield %add3A_1535, %add3A_1540, %add3A_1545, %add3A_1550, %add3A_1555, %add3A_1560, %add3A_1565, %add3A_1570 : vector<16xf32>, vector<16xf32>, vector<16xf32>, vector<16xf32>, vector<16xf32>, vector<16xf32>, vector<16xf32>, vector<16xf32>
      }
      %scan3A_1180 = arith.constant 128 : i32
      %add3A_1181 = arith.constant 19 : i32
      %add3A_1182 = arith.addi %mul3A_62, %add3A_1181 : i32
      %add3A_1183 = arith.constant 5 : i32
      %add3A_1184 = arith.addi %add3A_1182, %add3A_1183 : i32
      %lt3A_1185 = arith.constant 200 : i32
      %lt3A_1186 = arith.cmpi slt, %add3A_1184, %lt3A_1185 : i32
      %convert_element_type3A_1187 = arith.extui %lt3A_1186 : i1 to i32
      %cond3A_1188 = arith.constant 0 : i32
      %cond3A_1189 = arith.cmpi ne, %convert_element_type3A_1187, %cond3A_1188 : i32
      scf.if %cond3A_1189 {
        %add3A_1523 = arith.constant 19 : i32
        %add3A_1524 = arith.addi %mul3A_62, %add3A_1523 : i32
        %add3A_1525 = arith.constant 5 : i32
        %add3A_1526 = arith.addi %add3A_1524, %add3A_1525 : i32
        %mul3A_1527 = arith.constant 128 : i32
        %mul3A_1528 = arith.muli %add3A_1526, %mul3A_1527 : i32
        %dma_start3A_1529 = tpu.memref_slice %arg5[%mul3A_1528] : memref<25600xi32, #tpu.memory_space<vmem>> -> memref<128xi32, #tpu.memory_space<vmem>>
        %dma_start3A_1530 = arith.constant 0 : i32
        %dma_start3A_1531 = arith.constant 0 : i32
        %dma_start3A_1532 = tpu.memref_slice %arg3[%dma_start3A_1530, %dma_start3A_1531] : memref<1000000x128xf32, #tpu.memory_space<hbm>> -> memref<1000000x128xf32, #tpu.memory_space<hbm>>
        tpu.enqueue_indirect_dma source(%dma_start3A_1532 : memref<1000000x128xf32, #tpu.memory_space<hbm>>) target(%arg10 : memref<128x128xf32, #tpu.memory_space<vmem>>) offsets(%dma_start3A_1529 : memref<128xi32, #tpu.memory_space<vmem>>) semaphore(%arg17 : memref<!tpu.dma_semaphore, #tpu.memory_space<semaphore_mem>>)
      } else {
      }
      %add3A_1190 = arith.constant 20 : i32
      %add3A_1191 = arith.addi %mul3A_62, %add3A_1190 : i32
      %mul3A_1192 = arith.constant 128 : i32
      %mul3A_1193 = arith.muli %add3A_1191, %mul3A_1192 : i32
      %dma_wait3A_1194 = tpu.memref_slice %arg5[%mul3A_1193] : memref<25600xi32, #tpu.memory_space<vmem>> -> memref<128xi32, #tpu.memory_space<vmem>>
      %dma_wait3A_1195 = arith.constant 0 : i32
      %dma_wait3A_1196 = arith.constant 0 : i32
      %dma_wait3A_1197 = tpu.memref_slice %arg3[%dma_wait3A_1195, %dma_wait3A_1196] : memref<1000000x128xf32, #tpu.memory_space<hbm>> -> memref<1000000x128xf32, #tpu.memory_space<hbm>>
      tpu.wait_indirect_dma semaphore(%arg13 : memref<!tpu.dma_semaphore, #tpu.memory_space<semaphore_mem>>) src(%dma_wait3A_1197 : memref<1000000x128xf32, #tpu.memory_space<hbm>>) dst(%arg6 : memref<128x128xf32, #tpu.memory_space<vmem>>)
      %scan3A_1198 = arith.constant 0 : i32
      %scan3A_1199 = arith.constant 40 : i32
      %scan3A_1200 = arith.addi %scan3A_1198, %scan3A_1199 : i32
      %scan3A_1201 = arith.constant 1 : i32
      %scan3A_1202:8 = scf.for %scan3A_1523 = %scan3A_1198 to %scan3A_1200 step %scan3A_1201 iter_args(%scan3A_1524 = %scan3A_1179#0, %scan3A_1525 = %scan3A_1179#1, %scan3A_1526 = %scan3A_1179#2, %scan3A_1527 = %scan3A_1179#3, %scan3A_1528 = %scan3A_1179#4, %scan3A_1529 = %scan3A_1179#5, %scan3A_1530 = %scan3A_1179#6, %scan3A_1531 = %scan3A_1179#7) -> (vector<16xf32>, vector<16xf32>, vector<16xf32>, vector<16xf32>, vector<16xf32>, vector<16xf32>, vector<16xf32>, vector<16xf32>)  : i32 {
        %get3A = arith.index_cast %scan3A_1523 : i32 to index
        %get3A_1532 = arith.constant 0 : index
        %get3A_1533 = tpu.vector_load %arg6[%get3A, %get3A_1532] {strides = array<i32>} : memref<128x128xf32, #tpu.memory_space<vmem>>, vector<1x16xf32>,
        %get3A_1534 = vector.shape_cast %get3A_1533 : vector<1x16xf32> to vector<16xf32>
        %add3A_1535 = arith.addf %scan3A_1524, %get3A_1534 : vector<16xf32>
        %get3A_1536 = arith.index_cast %scan3A_1523 : i32 to index
        %get3A_1537 = arith.constant 16 : index
        %get3A_1538 = tpu.vector_load %arg6[%get3A_1536, %get3A_1537] {strides = array<i32>} : memref<128x128xf32, #tpu.memory_space<vmem>>, vector<1x16xf32>,
        %get3A_1539 = vector.shape_cast %get3A_1538 : vector<1x16xf32> to vector<16xf32>
        %add3A_1540 = arith.addf %scan3A_1525, %get3A_1539 : vector<16xf32>
        %get3A_1541 = arith.index_cast %scan3A_1523 : i32 to index
        %get3A_1542 = arith.constant 32 : index
        %get3A_1543 = tpu.vector_load %arg6[%get3A_1541, %get3A_1542] {strides = array<i32>} : memref<128x128xf32, #tpu.memory_space<vmem>>, vector<1x16xf32>,
        %get3A_1544 = vector.shape_cast %get3A_1543 : vector<1x16xf32> to vector<16xf32>
        %add3A_1545 = arith.addf %scan3A_1526, %get3A_1544 : vector<16xf32>
        %get3A_1546 = arith.index_cast %scan3A_1523 : i32 to index
        %get3A_1547 = arith.constant 48 : index
        %get3A_1548 = tpu.vector_load %arg6[%get3A_1546, %get3A_1547] {strides = array<i32>} : memref<128x128xf32, #tpu.memory_space<vmem>>, vector<1x16xf32>,
        %get3A_1549 = vector.shape_cast %get3A_1548 : vector<1x16xf32> to vector<16xf32>
        %add3A_1550 = arith.addf %scan3A_1527, %get3A_1549 : vector<16xf32>
        %get3A_1551 = arith.index_cast %scan3A_1523 : i32 to index
        %get3A_1552 = arith.constant 64 : index
        %get3A_1553 = tpu.vector_load %arg6[%get3A_1551, %get3A_1552] {strides = array<i32>} : memref<128x128xf32, #tpu.memory_space<vmem>>, vector<1x16xf32>,
        %get3A_1554 = vector.shape_cast %get3A_1553 : vector<1x16xf32> to vector<16xf32>
        %add3A_1555 = arith.addf %scan3A_1528, %get3A_1554 : vector<16xf32>
        %get3A_1556 = arith.index_cast %scan3A_1523 : i32 to index
        %get3A_1557 = arith.constant 80 : index
        %get3A_1558 = tpu.vector_load %arg6[%get3A_1556, %get3A_1557] {strides = array<i32>} : memref<128x128xf32, #tpu.memory_space<vmem>>, vector<1x16xf32>,
        %get3A_1559 = vector.shape_cast %get3A_1558 : vector<1x16xf32> to vector<16xf32>
        %add3A_1560 = arith.addf %scan3A_1529, %get3A_1559 : vector<16xf32>
        %get3A_1561 = arith.index_cast %scan3A_1523 : i32 to index
        %get3A_1562 = arith.constant 96 : index
        %get3A_1563 = tpu.vector_load %arg6[%get3A_1561, %get3A_1562] {strides = array<i32>} : memref<128x128xf32, #tpu.memory_space<vmem>>, vector<1x16xf32>,
        %get3A_1564 = vector.shape_cast %get3A_1563 : vector<1x16xf32> to vector<16xf32>
        %add3A_1565 = arith.addf %scan3A_1530, %get3A_1564 : vector<16xf32>
        %get3A_1566 = arith.index_cast %scan3A_1523 : i32 to index
        %get3A_1567 = arith.constant 112 : index
        %get3A_1568 = tpu.vector_load %arg6[%get3A_1566, %get3A_1567] {strides = array<i32>} : memref<128x128xf32, #tpu.memory_space<vmem>>, vector<1x16xf32>,
        %get3A_1569 = vector.shape_cast %get3A_1568 : vector<1x16xf32> to vector<16xf32>
        %add3A_1570 = arith.addf %scan3A_1531, %get3A_1569 : vector<16xf32>
        scf.yield %add3A_1535, %add3A_1540, %add3A_1545, %add3A_1550, %add3A_1555, %add3A_1560, %add3A_1565, %add3A_1570 : vector<16xf32>, vector<16xf32>, vector<16xf32>, vector<16xf32>, vector<16xf32>, vector<16xf32>, vector<16xf32>, vector<16xf32>
      }
      %scan3A_1203 = arith.constant 40 : i32
      %mul3A_1204 = arith.constant 16 : i32
      %mul3A_1205 = arith.muli %add3A_60, %mul3A_1204 : i32
      %add3A_1206 = arith.constant 12 : i32
      %add3A_1207 = arith.addi %mul3A_1205, %add3A_1206 : i32
      %gt3A_1208 = arith.constant 0 : i32
      %gt3A_1209 = arith.cmpi sgt, %add3A_1207, %gt3A_1208 : i32
      %convert_element_type3A_1210 = arith.extui %gt3A_1209 : i1 to i32
      %cond3A_1211 = arith.constant 0 : i32
      %cond3A_1212 = arith.cmpi ne, %convert_element_type3A_1210, %cond3A_1211 : i32
      scf.if %cond3A_1212 {
        %mul3A_1523 = arith.constant 128 : i32
        %mul3A_1524 = arith.muli %arg1, %mul3A_1523 : i32
        %add3A_1525 = arith.addi %mul3A_1524, %add3A_1207 : i32
        %dma_wait3A_1526 = arith.constant 0 : i32
        %dma_wait3A_1527 = tpu.memref_slice %arg12[%add3A_1525, %dma_wait3A_1526] : memref<2048x128xf32, #tpu.memory_space<vmem_shared>> -> memref<1x128xf32, #tpu.memory_space<vmem_shared>>
        %dma_wait3A_1528 = tpu.memref_squeeze %dma_wait3A_1527 : memref<1x128xf32, #tpu.memory_space<vmem_shared>> -> memref<128xf32, #tpu.memory_space<vmem_shared>>
        %dma_wait3A_1529 = arith.constant 0 : i32
        %dma_wait3A_1530 = tpu.memref_slice %arg12[%add3A_1525, %dma_wait3A_1529] : memref<2048x128xf32, #tpu.memory_space<vmem_shared>> -> memref<1x128xf32, #tpu.memory_space<vmem_shared>>
        %dma_wait3A_1531 = tpu.memref_squeeze %dma_wait3A_1530 : memref<1x128xf32, #tpu.memory_space<vmem_shared>> -> memref<128xf32, #tpu.memory_space<vmem_shared>>
        tpu.wait_dma2 semaphore(%arg18 : memref<!tpu.dma_semaphore, #tpu.memory_space<semaphore_mem>>) src(%arg11 : memref<128xf32, #tpu.memory_space<vmem>>) dst(%dma_wait3A_1531 : memref<128xf32, #tpu.memory_space<vmem_shared>>)
      } else {
      }
      %swap3A_1213 = arith.constant 0 : index
      %swap3A_1214 = tpu.vector_load %arg11[%swap3A_1213] {strides = array<i32>} : memref<128xf32, #tpu.memory_space<vmem>>, vector<16xf32>,
      %swap3A_1215 = vector.shape_cast %swap3A_1214 : vector<16xf32> to vector<16xf32>
      %swap3A_1216 = vector.shape_cast %scan3A_1202#0 : vector<16xf32> to vector<16xf32>
      tpu.vector_store %arg11[%swap3A_1213], %swap3A_1216 {strides = array<i32>} : memref<128xf32, #tpu.memory_space<vmem>>, vector<16xf32>,
      %swap3A_1217 = arith.constant 16 : index
      %swap3A_1218 = tpu.vector_load %arg11[%swap3A_1217] {strides = array<i32>} : memref<128xf32, #tpu.memory_space<vmem>>, vector<16xf32>,
      %swap3A_1219 = vector.shape_cast %swap3A_1218 : vector<16xf32> to vector<16xf32>
      %swap3A_1220 = vector.shape_cast %scan3A_1202#1 : vector<16xf32> to vector<16xf32>
      tpu.vector_store %arg11[%swap3A_1217], %swap3A_1220 {strides = array<i32>} : memref<128xf32, #tpu.memory_space<vmem>>, vector<16xf32>,
      %swap3A_1221 = arith.constant 32 : index
      %swap3A_1222 = tpu.vector_load %arg11[%swap3A_1221] {strides = array<i32>} : memref<128xf32, #tpu.memory_space<vmem>>, vector<16xf32>,
      %swap3A_1223 = vector.shape_cast %swap3A_1222 : vector<16xf32> to vector<16xf32>
      %swap3A_1224 = vector.shape_cast %scan3A_1202#2 : vector<16xf32> to vector<16xf32>
      tpu.vector_store %arg11[%swap3A_1221], %swap3A_1224 {strides = array<i32>} : memref<128xf32, #tpu.memory_space<vmem>>, vector<16xf32>,
      %swap3A_1225 = arith.constant 48 : index
      %swap3A_1226 = tpu.vector_load %arg11[%swap3A_1225] {strides = array<i32>} : memref<128xf32, #tpu.memory_space<vmem>>, vector<16xf32>,
      %swap3A_1227 = vector.shape_cast %swap3A_1226 : vector<16xf32> to vector<16xf32>
      %swap3A_1228 = vector.shape_cast %scan3A_1202#3 : vector<16xf32> to vector<16xf32>
      tpu.vector_store %arg11[%swap3A_1225], %swap3A_1228 {strides = array<i32>} : memref<128xf32, #tpu.memory_space<vmem>>, vector<16xf32>,
      %swap3A_1229 = arith.constant 64 : index
      %swap3A_1230 = tpu.vector_load %arg11[%swap3A_1229] {strides = array<i32>} : memref<128xf32, #tpu.memory_space<vmem>>, vector<16xf32>,
      %swap3A_1231 = vector.shape_cast %swap3A_1230 : vector<16xf32> to vector<16xf32>
      %swap3A_1232 = vector.shape_cast %scan3A_1202#4 : vector<16xf32> to vector<16xf32>
      tpu.vector_store %arg11[%swap3A_1229], %swap3A_1232 {strides = array<i32>} : memref<128xf32, #tpu.memory_space<vmem>>, vector<16xf32>,
      %swap3A_1233 = arith.constant 80 : index
      %swap3A_1234 = tpu.vector_load %arg11[%swap3A_1233] {strides = array<i32>} : memref<128xf32, #tpu.memory_space<vmem>>, vector<16xf32>,
      %swap3A_1235 = vector.shape_cast %swap3A_1234 : vector<16xf32> to vector<16xf32>
      %swap3A_1236 = vector.shape_cast %scan3A_1202#5 : vector<16xf32> to vector<16xf32>
      tpu.vector_store %arg11[%swap3A_1233], %swap3A_1236 {strides = array<i32>} : memref<128xf32, #tpu.memory_space<vmem>>, vector<16xf32>,
      %swap3A_1237 = arith.constant 96 : index
      %swap3A_1238 = tpu.vector_load %arg11[%swap3A_1237] {strides = array<i32>} : memref<128xf32, #tpu.memory_space<vmem>>, vector<16xf32>,
      %swap3A_1239 = vector.shape_cast %swap3A_1238 : vector<16xf32> to vector<16xf32>
      %swap3A_1240 = vector.shape_cast %scan3A_1202#6 : vector<16xf32> to vector<16xf32>
      tpu.vector_store %arg11[%swap3A_1237], %swap3A_1240 {strides = array<i32>} : memref<128xf32, #tpu.memory_space<vmem>>, vector<16xf32>,
      %swap3A_1241 = arith.constant 112 : index
      %swap3A_1242 = tpu.vector_load %arg11[%swap3A_1241] {strides = array<i32>} : memref<128xf32, #tpu.memory_space<vmem>>, vector<16xf32>,
      %swap3A_1243 = vector.shape_cast %swap3A_1242 : vector<16xf32> to vector<16xf32>
      %swap3A_1244 = vector.shape_cast %scan3A_1202#7 : vector<16xf32> to vector<16xf32>
      tpu.vector_store %arg11[%swap3A_1241], %swap3A_1244 {strides = array<i32>} : memref<128xf32, #tpu.memory_space<vmem>>, vector<16xf32>,
      %mul3A_1245 = arith.constant 128 : i32
      %mul3A_1246 = arith.muli %arg1, %mul3A_1245 : i32
      %add3A_1247 = arith.addi %mul3A_1246, %add3A_1207 : i32
      %dma_start3A_1248 = arith.constant 0 : i32
      %dma_start3A_1249 = tpu.memref_slice %arg12[%add3A_1247, %dma_start3A_1248] : memref<2048x128xf32, #tpu.memory_space<vmem_shared>> -> memref<1x128xf32, #tpu.memory_space<vmem_shared>>
      %dma_start3A_1250 = tpu.memref_squeeze %dma_start3A_1249 : memref<1x128xf32, #tpu.memory_space<vmem_shared>> -> memref<128xf32, #tpu.memory_space<vmem_shared>>
      %dma_start3A_1251 = arith.constant 0 : i32
      %dma_start3A_1252 = tpu.memref_slice %arg12[%add3A_1247, %dma_start3A_1251] : memref<2048x128xf32, #tpu.memory_space<vmem_shared>> -> memref<1x128xf32, #tpu.memory_space<vmem_shared>>
      %dma_start3A_1253 = tpu.memref_squeeze %dma_start3A_1252 : memref<1x128xf32, #tpu.memory_space<vmem_shared>> -> memref<128xf32, #tpu.memory_space<vmem_shared>>
      tpu.enqueue_dma source(%arg11 : memref<128xf32, #tpu.memory_space<vmem>>) target(%dma_start3A_1253 : memref<128xf32, #tpu.memory_space<vmem_shared>>) target_semaphore(%arg18 : memref<!tpu.dma_semaphore, #tpu.memory_space<semaphore_mem>>)
      %scan3A_1254 = arith.constant 40 : i32
      %scan3A_1255 = arith.constant 88 : i32
      %scan3A_1256 = arith.addi %scan3A_1254, %scan3A_1255 : i32
      %scan3A_1257 = arith.constant 1 : i32
      %scan3A_1258:8 = scf.for %scan3A_1523 = %scan3A_1254 to %scan3A_1256 step %scan3A_1257 iter_args(%scan3A_1524 = %broadcast_in_dim3A_3, %scan3A_1525 = %broadcast_in_dim3A_5, %scan3A_1526 = %broadcast_in_dim3A_7, %scan3A_1527 = %broadcast_in_dim3A_9, %scan3A_1528 = %broadcast_in_dim3A_11, %scan3A_1529 = %broadcast_in_dim3A_13, %scan3A_1530 = %broadcast_in_dim3A_15, %scan3A_1531 = %broadcast_in_dim3A_17) -> (vector<16xf32>, vector<16xf32>, vector<16xf32>, vector<16xf32>, vector<16xf32>, vector<16xf32>, vector<16xf32>, vector<16xf32>)  : i32 {
        %get3A = arith.index_cast %scan3A_1523 : i32 to index
        %get3A_1532 = arith.constant 0 : index
        %get3A_1533 = tpu.vector_load %arg6[%get3A, %get3A_1532] {strides = array<i32>} : memref<128x128xf32, #tpu.memory_space<vmem>>, vector<1x16xf32>,
        %get3A_1534 = vector.shape_cast %get3A_1533 : vector<1x16xf32> to vector<16xf32>
        %add3A_1535 = arith.addf %scan3A_1524, %get3A_1534 : vector<16xf32>
        %get3A_1536 = arith.index_cast %scan3A_1523 : i32 to index
        %get3A_1537 = arith.constant 16 : index
        %get3A_1538 = tpu.vector_load %arg6[%get3A_1536, %get3A_1537] {strides = array<i32>} : memref<128x128xf32, #tpu.memory_space<vmem>>, vector<1x16xf32>,
        %get3A_1539 = vector.shape_cast %get3A_1538 : vector<1x16xf32> to vector<16xf32>
        %add3A_1540 = arith.addf %scan3A_1525, %get3A_1539 : vector<16xf32>
        %get3A_1541 = arith.index_cast %scan3A_1523 : i32 to index
        %get3A_1542 = arith.constant 32 : index
        %get3A_1543 = tpu.vector_load %arg6[%get3A_1541, %get3A_1542] {strides = array<i32>} : memref<128x128xf32, #tpu.memory_space<vmem>>, vector<1x16xf32>,
        %get3A_1544 = vector.shape_cast %get3A_1543 : vector<1x16xf32> to vector<16xf32>
        %add3A_1545 = arith.addf %scan3A_1526, %get3A_1544 : vector<16xf32>
        %get3A_1546 = arith.index_cast %scan3A_1523 : i32 to index
        %get3A_1547 = arith.constant 48 : index
        %get3A_1548 = tpu.vector_load %arg6[%get3A_1546, %get3A_1547] {strides = array<i32>} : memref<128x128xf32, #tpu.memory_space<vmem>>, vector<1x16xf32>,
        %get3A_1549 = vector.shape_cast %get3A_1548 : vector<1x16xf32> to vector<16xf32>
        %add3A_1550 = arith.addf %scan3A_1527, %get3A_1549 : vector<16xf32>
        %get3A_1551 = arith.index_cast %scan3A_1523 : i32 to index
        %get3A_1552 = arith.constant 64 : index
        %get3A_1553 = tpu.vector_load %arg6[%get3A_1551, %get3A_1552] {strides = array<i32>} : memref<128x128xf32, #tpu.memory_space<vmem>>, vector<1x16xf32>,
        %get3A_1554 = vector.shape_cast %get3A_1553 : vector<1x16xf32> to vector<16xf32>
        %add3A_1555 = arith.addf %scan3A_1528, %get3A_1554 : vector<16xf32>
        %get3A_1556 = arith.index_cast %scan3A_1523 : i32 to index
        %get3A_1557 = arith.constant 80 : index
        %get3A_1558 = tpu.vector_load %arg6[%get3A_1556, %get3A_1557] {strides = array<i32>} : memref<128x128xf32, #tpu.memory_space<vmem>>, vector<1x16xf32>,
        %get3A_1559 = vector.shape_cast %get3A_1558 : vector<1x16xf32> to vector<16xf32>
        %add3A_1560 = arith.addf %scan3A_1529, %get3A_1559 : vector<16xf32>
        %get3A_1561 = arith.index_cast %scan3A_1523 : i32 to index
        %get3A_1562 = arith.constant 96 : index
        %get3A_1563 = tpu.vector_load %arg6[%get3A_1561, %get3A_1562] {strides = array<i32>} : memref<128x128xf32, #tpu.memory_space<vmem>>, vector<1x16xf32>,
        %get3A_1564 = vector.shape_cast %get3A_1563 : vector<1x16xf32> to vector<16xf32>
        %add3A_1565 = arith.addf %scan3A_1530, %get3A_1564 : vector<16xf32>
        %get3A_1566 = arith.index_cast %scan3A_1523 : i32 to index
        %get3A_1567 = arith.constant 112 : index
        %get3A_1568 = tpu.vector_load %arg6[%get3A_1566, %get3A_1567] {strides = array<i32>} : memref<128x128xf32, #tpu.memory_space<vmem>>, vector<1x16xf32>,
        %get3A_1569 = vector.shape_cast %get3A_1568 : vector<1x16xf32> to vector<16xf32>
        %add3A_1570 = arith.addf %scan3A_1531, %get3A_1569 : vector<16xf32>
        scf.yield %add3A_1535, %add3A_1540, %add3A_1545, %add3A_1550, %add3A_1555, %add3A_1560, %add3A_1565, %add3A_1570 : vector<16xf32>, vector<16xf32>, vector<16xf32>, vector<16xf32>, vector<16xf32>, vector<16xf32>, vector<16xf32>, vector<16xf32>
      }
      %scan3A_1259 = arith.constant 88 : i32
      %add3A_1260 = arith.constant 20 : i32
      %add3A_1261 = arith.addi %mul3A_62, %add3A_1260 : i32
      %add3A_1262 = arith.constant 5 : i32
      %add3A_1263 = arith.addi %add3A_1261, %add3A_1262 : i32
      %lt3A_1264 = arith.constant 200 : i32
      %lt3A_1265 = arith.cmpi slt, %add3A_1263, %lt3A_1264 : i32
      %convert_element_type3A_1266 = arith.extui %lt3A_1265 : i1 to i32
      %cond3A_1267 = arith.constant 0 : i32
      %cond3A_1268 = arith.cmpi ne, %convert_element_type3A_1266, %cond3A_1267 : i32
      scf.if %cond3A_1268 {
        %add3A_1523 = arith.constant 20 : i32
        %add3A_1524 = arith.addi %mul3A_62, %add3A_1523 : i32
        %add3A_1525 = arith.constant 5 : i32
        %add3A_1526 = arith.addi %add3A_1524, %add3A_1525 : i32
        %mul3A_1527 = arith.constant 128 : i32
        %mul3A_1528 = arith.muli %add3A_1526, %mul3A_1527 : i32
        %dma_start3A_1529 = tpu.memref_slice %arg5[%mul3A_1528] : memref<25600xi32, #tpu.memory_space<vmem>> -> memref<128xi32, #tpu.memory_space<vmem>>
        %dma_start3A_1530 = arith.constant 0 : i32
        %dma_start3A_1531 = arith.constant 0 : i32
        %dma_start3A_1532 = tpu.memref_slice %arg3[%dma_start3A_1530, %dma_start3A_1531] : memref<1000000x128xf32, #tpu.memory_space<hbm>> -> memref<1000000x128xf32, #tpu.memory_space<hbm>>
        tpu.enqueue_indirect_dma source(%dma_start3A_1532 : memref<1000000x128xf32, #tpu.memory_space<hbm>>) target(%arg6 : memref<128x128xf32, #tpu.memory_space<vmem>>) offsets(%dma_start3A_1529 : memref<128xi32, #tpu.memory_space<vmem>>) semaphore(%arg13 : memref<!tpu.dma_semaphore, #tpu.memory_space<semaphore_mem>>)
      } else {
      }
      %add3A_1269 = arith.constant 21 : i32
      %add3A_1270 = arith.addi %mul3A_62, %add3A_1269 : i32
      %mul3A_1271 = arith.constant 128 : i32
      %mul3A_1272 = arith.muli %add3A_1270, %mul3A_1271 : i32
      %dma_wait3A_1273 = tpu.memref_slice %arg5[%mul3A_1272] : memref<25600xi32, #tpu.memory_space<vmem>> -> memref<128xi32, #tpu.memory_space<vmem>>
      %dma_wait3A_1274 = arith.constant 0 : i32
      %dma_wait3A_1275 = arith.constant 0 : i32
      %dma_wait3A_1276 = tpu.memref_slice %arg3[%dma_wait3A_1274, %dma_wait3A_1275] : memref<1000000x128xf32, #tpu.memory_space<hbm>> -> memref<1000000x128xf32, #tpu.memory_space<hbm>>
      tpu.wait_indirect_dma semaphore(%arg14 : memref<!tpu.dma_semaphore, #tpu.memory_space<semaphore_mem>>) src(%dma_wait3A_1276 : memref<1000000x128xf32, #tpu.memory_space<hbm>>) dst(%arg7 : memref<128x128xf32, #tpu.memory_space<vmem>>)
      %scan3A_1277 = arith.constant 0 : i32
      %scan3A_1278 = arith.constant 112 : i32
      %scan3A_1279 = arith.addi %scan3A_1277, %scan3A_1278 : i32
      %scan3A_1280 = arith.constant 1 : i32
      %scan3A_1281:8 = scf.for %scan3A_1523 = %scan3A_1277 to %scan3A_1279 step %scan3A_1280 iter_args(%scan3A_1524 = %scan3A_1258#0, %scan3A_1525 = %scan3A_1258#1, %scan3A_1526 = %scan3A_1258#2, %scan3A_1527 = %scan3A_1258#3, %scan3A_1528 = %scan3A_1258#4, %scan3A_1529 = %scan3A_1258#5, %scan3A_1530 = %scan3A_1258#6, %scan3A_1531 = %scan3A_1258#7) -> (vector<16xf32>, vector<16xf32>, vector<16xf32>, vector<16xf32>, vector<16xf32>, vector<16xf32>, vector<16xf32>, vector<16xf32>)  : i32 {
        %get3A = arith.index_cast %scan3A_1523 : i32 to index
        %get3A_1532 = arith.constant 0 : index
        %get3A_1533 = tpu.vector_load %arg7[%get3A, %get3A_1532] {strides = array<i32>} : memref<128x128xf32, #tpu.memory_space<vmem>>, vector<1x16xf32>,
        %get3A_1534 = vector.shape_cast %get3A_1533 : vector<1x16xf32> to vector<16xf32>
        %add3A_1535 = arith.addf %scan3A_1524, %get3A_1534 : vector<16xf32>
        %get3A_1536 = arith.index_cast %scan3A_1523 : i32 to index
        %get3A_1537 = arith.constant 16 : index
        %get3A_1538 = tpu.vector_load %arg7[%get3A_1536, %get3A_1537] {strides = array<i32>} : memref<128x128xf32, #tpu.memory_space<vmem>>, vector<1x16xf32>,
        %get3A_1539 = vector.shape_cast %get3A_1538 : vector<1x16xf32> to vector<16xf32>
        %add3A_1540 = arith.addf %scan3A_1525, %get3A_1539 : vector<16xf32>
        %get3A_1541 = arith.index_cast %scan3A_1523 : i32 to index
        %get3A_1542 = arith.constant 32 : index
        %get3A_1543 = tpu.vector_load %arg7[%get3A_1541, %get3A_1542] {strides = array<i32>} : memref<128x128xf32, #tpu.memory_space<vmem>>, vector<1x16xf32>,
        %get3A_1544 = vector.shape_cast %get3A_1543 : vector<1x16xf32> to vector<16xf32>
        %add3A_1545 = arith.addf %scan3A_1526, %get3A_1544 : vector<16xf32>
        %get3A_1546 = arith.index_cast %scan3A_1523 : i32 to index
        %get3A_1547 = arith.constant 48 : index
        %get3A_1548 = tpu.vector_load %arg7[%get3A_1546, %get3A_1547] {strides = array<i32>} : memref<128x128xf32, #tpu.memory_space<vmem>>, vector<1x16xf32>,
        %get3A_1549 = vector.shape_cast %get3A_1548 : vector<1x16xf32> to vector<16xf32>
        %add3A_1550 = arith.addf %scan3A_1527, %get3A_1549 : vector<16xf32>
        %get3A_1551 = arith.index_cast %scan3A_1523 : i32 to index
        %get3A_1552 = arith.constant 64 : index
        %get3A_1553 = tpu.vector_load %arg7[%get3A_1551, %get3A_1552] {strides = array<i32>} : memref<128x128xf32, #tpu.memory_space<vmem>>, vector<1x16xf32>,
        %get3A_1554 = vector.shape_cast %get3A_1553 : vector<1x16xf32> to vector<16xf32>
        %add3A_1555 = arith.addf %scan3A_1528, %get3A_1554 : vector<16xf32>
        %get3A_1556 = arith.index_cast %scan3A_1523 : i32 to index
        %get3A_1557 = arith.constant 80 : index
        %get3A_1558 = tpu.vector_load %arg7[%get3A_1556, %get3A_1557] {strides = array<i32>} : memref<128x128xf32, #tpu.memory_space<vmem>>, vector<1x16xf32>,
        %get3A_1559 = vector.shape_cast %get3A_1558 : vector<1x16xf32> to vector<16xf32>
        %add3A_1560 = arith.addf %scan3A_1529, %get3A_1559 : vector<16xf32>
        %get3A_1561 = arith.index_cast %scan3A_1523 : i32 to index
        %get3A_1562 = arith.constant 96 : index
        %get3A_1563 = tpu.vector_load %arg7[%get3A_1561, %get3A_1562] {strides = array<i32>} : memref<128x128xf32, #tpu.memory_space<vmem>>, vector<1x16xf32>,
        %get3A_1564 = vector.shape_cast %get3A_1563 : vector<1x16xf32> to vector<16xf32>
        %add3A_1565 = arith.addf %scan3A_1530, %get3A_1564 : vector<16xf32>
        %get3A_1566 = arith.index_cast %scan3A_1523 : i32 to index
        %get3A_1567 = arith.constant 112 : index
        %get3A_1568 = tpu.vector_load %arg7[%get3A_1566, %get3A_1567] {strides = array<i32>} : memref<128x128xf32, #tpu.memory_space<vmem>>, vector<1x16xf32>,
        %get3A_1569 = vector.shape_cast %get3A_1568 : vector<1x16xf32> to vector<16xf32>
        %add3A_1570 = arith.addf %scan3A_1531, %get3A_1569 : vector<16xf32>
        scf.yield %add3A_1535, %add3A_1540, %add3A_1545, %add3A_1550, %add3A_1555, %add3A_1560, %add3A_1565, %add3A_1570 : vector<16xf32>, vector<16xf32>, vector<16xf32>, vector<16xf32>, vector<16xf32>, vector<16xf32>, vector<16xf32>, vector<16xf32>
      }
      %scan3A_1282 = arith.constant 112 : i32
      %mul3A_1283 = arith.constant 16 : i32
      %mul3A_1284 = arith.muli %add3A_60, %mul3A_1283 : i32
      %add3A_1285 = arith.constant 13 : i32
      %add3A_1286 = arith.addi %mul3A_1284, %add3A_1285 : i32
      %gt3A_1287 = arith.constant 0 : i32
      %gt3A_1288 = arith.cmpi sgt, %add3A_1286, %gt3A_1287 : i32
      %convert_element_type3A_1289 = arith.extui %gt3A_1288 : i1 to i32
      %cond3A_1290 = arith.constant 0 : i32
      %cond3A_1291 = arith.cmpi ne, %convert_element_type3A_1289, %cond3A_1290 : i32
      scf.if %cond3A_1291 {
        %mul3A_1523 = arith.constant 128 : i32
        %mul3A_1524 = arith.muli %arg1, %mul3A_1523 : i32
        %add3A_1525 = arith.addi %mul3A_1524, %add3A_1286 : i32
        %dma_wait3A_1526 = arith.constant 0 : i32
        %dma_wait3A_1527 = tpu.memref_slice %arg12[%add3A_1525, %dma_wait3A_1526] : memref<2048x128xf32, #tpu.memory_space<vmem_shared>> -> memref<1x128xf32, #tpu.memory_space<vmem_shared>>
        %dma_wait3A_1528 = tpu.memref_squeeze %dma_wait3A_1527 : memref<1x128xf32, #tpu.memory_space<vmem_shared>> -> memref<128xf32, #tpu.memory_space<vmem_shared>>
        %dma_wait3A_1529 = arith.constant 0 : i32
        %dma_wait3A_1530 = tpu.memref_slice %arg12[%add3A_1525, %dma_wait3A_1529] : memref<2048x128xf32, #tpu.memory_space<vmem_shared>> -> memref<1x128xf32, #tpu.memory_space<vmem_shared>>
        %dma_wait3A_1531 = tpu.memref_squeeze %dma_wait3A_1530 : memref<1x128xf32, #tpu.memory_space<vmem_shared>> -> memref<128xf32, #tpu.memory_space<vmem_shared>>
        tpu.wait_dma2 semaphore(%arg18 : memref<!tpu.dma_semaphore, #tpu.memory_space<semaphore_mem>>) src(%arg11 : memref<128xf32, #tpu.memory_space<vmem>>) dst(%dma_wait3A_1531 : memref<128xf32, #tpu.memory_space<vmem_shared>>)
      } else {
      }
      %swap3A_1292 = arith.constant 0 : index
      %swap3A_1293 = tpu.vector_load %arg11[%swap3A_1292] {strides = array<i32>} : memref<128xf32, #tpu.memory_space<vmem>>, vector<16xf32>,
      %swap3A_1294 = vector.shape_cast %swap3A_1293 : vector<16xf32> to vector<16xf32>
      %swap3A_1295 = vector.shape_cast %scan3A_1281#0 : vector<16xf32> to vector<16xf32>
      tpu.vector_store %arg11[%swap3A_1292], %swap3A_1295 {strides = array<i32>} : memref<128xf32, #tpu.memory_space<vmem>>, vector<16xf32>,
      %swap3A_1296 = arith.constant 16 : index
      %swap3A_1297 = tpu.vector_load %arg11[%swap3A_1296] {strides = array<i32>} : memref<128xf32, #tpu.memory_space<vmem>>, vector<16xf32>,
      %swap3A_1298 = vector.shape_cast %swap3A_1297 : vector<16xf32> to vector<16xf32>
      %swap3A_1299 = vector.shape_cast %scan3A_1281#1 : vector<16xf32> to vector<16xf32>
      tpu.vector_store %arg11[%swap3A_1296], %swap3A_1299 {strides = array<i32>} : memref<128xf32, #tpu.memory_space<vmem>>, vector<16xf32>,
      %swap3A_1300 = arith.constant 32 : index
      %swap3A_1301 = tpu.vector_load %arg11[%swap3A_1300] {strides = array<i32>} : memref<128xf32, #tpu.memory_space<vmem>>, vector<16xf32>,
      %swap3A_1302 = vector.shape_cast %swap3A_1301 : vector<16xf32> to vector<16xf32>
      %swap3A_1303 = vector.shape_cast %scan3A_1281#2 : vector<16xf32> to vector<16xf32>
      tpu.vector_store %arg11[%swap3A_1300], %swap3A_1303 {strides = array<i32>} : memref<128xf32, #tpu.memory_space<vmem>>, vector<16xf32>,
      %swap3A_1304 = arith.constant 48 : index
      %swap3A_1305 = tpu.vector_load %arg11[%swap3A_1304] {strides = array<i32>} : memref<128xf32, #tpu.memory_space<vmem>>, vector<16xf32>,
      %swap3A_1306 = vector.shape_cast %swap3A_1305 : vector<16xf32> to vector<16xf32>
      %swap3A_1307 = vector.shape_cast %scan3A_1281#3 : vector<16xf32> to vector<16xf32>
      tpu.vector_store %arg11[%swap3A_1304], %swap3A_1307 {strides = array<i32>} : memref<128xf32, #tpu.memory_space<vmem>>, vector<16xf32>,
      %swap3A_1308 = arith.constant 64 : index
      %swap3A_1309 = tpu.vector_load %arg11[%swap3A_1308] {strides = array<i32>} : memref<128xf32, #tpu.memory_space<vmem>>, vector<16xf32>,
      %swap3A_1310 = vector.shape_cast %swap3A_1309 : vector<16xf32> to vector<16xf32>
      %swap3A_1311 = vector.shape_cast %scan3A_1281#4 : vector<16xf32> to vector<16xf32>
      tpu.vector_store %arg11[%swap3A_1308], %swap3A_1311 {strides = array<i32>} : memref<128xf32, #tpu.memory_space<vmem>>, vector<16xf32>,
      %swap3A_1312 = arith.constant 80 : index
      %swap3A_1313 = tpu.vector_load %arg11[%swap3A_1312] {strides = array<i32>} : memref<128xf32, #tpu.memory_space<vmem>>, vector<16xf32>,
      %swap3A_1314 = vector.shape_cast %swap3A_1313 : vector<16xf32> to vector<16xf32>
      %swap3A_1315 = vector.shape_cast %scan3A_1281#5 : vector<16xf32> to vector<16xf32>
      tpu.vector_store %arg11[%swap3A_1312], %swap3A_1315 {strides = array<i32>} : memref<128xf32, #tpu.memory_space<vmem>>, vector<16xf32>,
      %swap3A_1316 = arith.constant 96 : index
      %swap3A_1317 = tpu.vector_load %arg11[%swap3A_1316] {strides = array<i32>} : memref<128xf32, #tpu.memory_space<vmem>>, vector<16xf32>,
      %swap3A_1318 = vector.shape_cast %swap3A_1317 : vector<16xf32> to vector<16xf32>
      %swap3A_1319 = vector.shape_cast %scan3A_1281#6 : vector<16xf32> to vector<16xf32>
      tpu.vector_store %arg11[%swap3A_1316], %swap3A_1319 {strides = array<i32>} : memref<128xf32, #tpu.memory_space<vmem>>, vector<16xf32>,
      %swap3A_1320 = arith.constant 112 : index
      %swap3A_1321 = tpu.vector_load %arg11[%swap3A_1320] {strides = array<i32>} : memref<128xf32, #tpu.memory_space<vmem>>, vector<16xf32>,
      %swap3A_1322 = vector.shape_cast %swap3A_1321 : vector<16xf32> to vector<16xf32>
      %swap3A_1323 = vector.shape_cast %scan3A_1281#7 : vector<16xf32> to vector<16xf32>
      tpu.vector_store %arg11[%swap3A_1320], %swap3A_1323 {strides = array<i32>} : memref<128xf32, #tpu.memory_space<vmem>>, vector<16xf32>,
      %mul3A_1324 = arith.constant 128 : i32
      %mul3A_1325 = arith.muli %arg1, %mul3A_1324 : i32
      %add3A_1326 = arith.addi %mul3A_1325, %add3A_1286 : i32
      %dma_start3A_1327 = arith.constant 0 : i32
      %dma_start3A_1328 = tpu.memref_slice %arg12[%add3A_1326, %dma_start3A_1327] : memref<2048x128xf32, #tpu.memory_space<vmem_shared>> -> memref<1x128xf32, #tpu.memory_space<vmem_shared>>
      %dma_start3A_1329 = tpu.memref_squeeze %dma_start3A_1328 : memref<1x128xf32, #tpu.memory_space<vmem_shared>> -> memref<128xf32, #tpu.memory_space<vmem_shared>>
      %dma_start3A_1330 = arith.constant 0 : i32
      %dma_start3A_1331 = tpu.memref_slice %arg12[%add3A_1326, %dma_start3A_1330] : memref<2048x128xf32, #tpu.memory_space<vmem_shared>> -> memref<1x128xf32, #tpu.memory_space<vmem_shared>>
      %dma_start3A_1332 = tpu.memref_squeeze %dma_start3A_1331 : memref<1x128xf32, #tpu.memory_space<vmem_shared>> -> memref<128xf32, #tpu.memory_space<vmem_shared>>
      tpu.enqueue_dma source(%arg11 : memref<128xf32, #tpu.memory_space<vmem>>) target(%dma_start3A_1332 : memref<128xf32, #tpu.memory_space<vmem_shared>>) target_semaphore(%arg18 : memref<!tpu.dma_semaphore, #tpu.memory_space<semaphore_mem>>)
      %scan3A_1333 = arith.constant 112 : i32
      %scan3A_1334 = arith.constant 16 : i32
      %scan3A_1335 = arith.addi %scan3A_1333, %scan3A_1334 : i32
      %scan3A_1336 = arith.constant 1 : i32
      %scan3A_1337:8 = scf.for %scan3A_1523 = %scan3A_1333 to %scan3A_1335 step %scan3A_1336 iter_args(%scan3A_1524 = %broadcast_in_dim3A_3, %scan3A_1525 = %broadcast_in_dim3A_5, %scan3A_1526 = %broadcast_in_dim3A_7, %scan3A_1527 = %broadcast_in_dim3A_9, %scan3A_1528 = %broadcast_in_dim3A_11, %scan3A_1529 = %broadcast_in_dim3A_13, %scan3A_1530 = %broadcast_in_dim3A_15, %scan3A_1531 = %broadcast_in_dim3A_17) -> (vector<16xf32>, vector<16xf32>, vector<16xf32>, vector<16xf32>, vector<16xf32>, vector<16xf32>, vector<16xf32>, vector<16xf32>)  : i32 {
        %get3A = arith.index_cast %scan3A_1523 : i32 to index
        %get3A_1532 = arith.constant 0 : index
        %get3A_1533 = tpu.vector_load %arg7[%get3A, %get3A_1532] {strides = array<i32>} : memref<128x128xf32, #tpu.memory_space<vmem>>, vector<1x16xf32>,
        %get3A_1534 = vector.shape_cast %get3A_1533 : vector<1x16xf32> to vector<16xf32>
        %add3A_1535 = arith.addf %scan3A_1524, %get3A_1534 : vector<16xf32>
        %get3A_1536 = arith.index_cast %scan3A_1523 : i32 to index
        %get3A_1537 = arith.constant 16 : index
        %get3A_1538 = tpu.vector_load %arg7[%get3A_1536, %get3A_1537] {strides = array<i32>} : memref<128x128xf32, #tpu.memory_space<vmem>>, vector<1x16xf32>,
        %get3A_1539 = vector.shape_cast %get3A_1538 : vector<1x16xf32> to vector<16xf32>
        %add3A_1540 = arith.addf %scan3A_1525, %get3A_1539 : vector<16xf32>
        %get3A_1541 = arith.index_cast %scan3A_1523 : i32 to index
        %get3A_1542 = arith.constant 32 : index
        %get3A_1543 = tpu.vector_load %arg7[%get3A_1541, %get3A_1542] {strides = array<i32>} : memref<128x128xf32, #tpu.memory_space<vmem>>, vector<1x16xf32>,
        %get3A_1544 = vector.shape_cast %get3A_1543 : vector<1x16xf32> to vector<16xf32>
        %add3A_1545 = arith.addf %scan3A_1526, %get3A_1544 : vector<16xf32>
        %get3A_1546 = arith.index_cast %scan3A_1523 : i32 to index
        %get3A_1547 = arith.constant 48 : index
        %get3A_1548 = tpu.vector_load %arg7[%get3A_1546, %get3A_1547] {strides = array<i32>} : memref<128x128xf32, #tpu.memory_space<vmem>>, vector<1x16xf32>,
        %get3A_1549 = vector.shape_cast %get3A_1548 : vector<1x16xf32> to vector<16xf32>
        %add3A_1550 = arith.addf %scan3A_1527, %get3A_1549 : vector<16xf32>
        %get3A_1551 = arith.index_cast %scan3A_1523 : i32 to index
        %get3A_1552 = arith.constant 64 : index
        %get3A_1553 = tpu.vector_load %arg7[%get3A_1551, %get3A_1552] {strides = array<i32>} : memref<128x128xf32, #tpu.memory_space<vmem>>, vector<1x16xf32>,
        %get3A_1554 = vector.shape_cast %get3A_1553 : vector<1x16xf32> to vector<16xf32>
        %add3A_1555 = arith.addf %scan3A_1528, %get3A_1554 : vector<16xf32>
        %get3A_1556 = arith.index_cast %scan3A_1523 : i32 to index
        %get3A_1557 = arith.constant 80 : index
        %get3A_1558 = tpu.vector_load %arg7[%get3A_1556, %get3A_1557] {strides = array<i32>} : memref<128x128xf32, #tpu.memory_space<vmem>>, vector<1x16xf32>,
        %get3A_1559 = vector.shape_cast %get3A_1558 : vector<1x16xf32> to vector<16xf32>
        %add3A_1560 = arith.addf %scan3A_1529, %get3A_1559 : vector<16xf32>
        %get3A_1561 = arith.index_cast %scan3A_1523 : i32 to index
        %get3A_1562 = arith.constant 96 : index
        %get3A_1563 = tpu.vector_load %arg7[%get3A_1561, %get3A_1562] {strides = array<i32>} : memref<128x128xf32, #tpu.memory_space<vmem>>, vector<1x16xf32>,
        %get3A_1564 = vector.shape_cast %get3A_1563 : vector<1x16xf32> to vector<16xf32>
        %add3A_1565 = arith.addf %scan3A_1530, %get3A_1564 : vector<16xf32>
        %get3A_1566 = arith.index_cast %scan3A_1523 : i32 to index
        %get3A_1567 = arith.constant 112 : index
        %get3A_1568 = tpu.vector_load %arg7[%get3A_1566, %get3A_1567] {strides = array<i32>} : memref<128x128xf32, #tpu.memory_space<vmem>>, vector<1x16xf32>,
        %get3A_1569 = vector.shape_cast %get3A_1568 : vector<1x16xf32> to vector<16xf32>
        %add3A_1570 = arith.addf %scan3A_1531, %get3A_1569 : vector<16xf32>
        scf.yield %add3A_1535, %add3A_1540, %add3A_1545, %add3A_1550, %add3A_1555, %add3A_1560, %add3A_1565, %add3A_1570 : vector<16xf32>, vector<16xf32>, vector<16xf32>, vector<16xf32>, vector<16xf32>, vector<16xf32>, vector<16xf32>, vector<16xf32>
      }
      %scan3A_1338 = arith.constant 16 : i32
      %add3A_1339 = arith.constant 21 : i32
      %add3A_1340 = arith.addi %mul3A_62, %add3A_1339 : i32
      %add3A_1341 = arith.constant 5 : i32
      %add3A_1342 = arith.addi %add3A_1340, %add3A_1341 : i32
      %lt3A_1343 = arith.constant 200 : i32
      %lt3A_1344 = arith.cmpi slt, %add3A_1342, %lt3A_1343 : i32
      %convert_element_type3A_1345 = arith.extui %lt3A_1344 : i1 to i32
      %cond3A_1346 = arith.constant 0 : i32
      %cond3A_1347 = arith.cmpi ne, %convert_element_type3A_1345, %cond3A_1346 : i32
      scf.if %cond3A_1347 {
        %add3A_1523 = arith.constant 21 : i32
        %add3A_1524 = arith.addi %mul3A_62, %add3A_1523 : i32
        %add3A_1525 = arith.constant 5 : i32
        %add3A_1526 = arith.addi %add3A_1524, %add3A_1525 : i32
        %mul3A_1527 = arith.constant 128 : i32
        %mul3A_1528 = arith.muli %add3A_1526, %mul3A_1527 : i32
        %dma_start3A_1529 = tpu.memref_slice %arg5[%mul3A_1528] : memref<25600xi32, #tpu.memory_space<vmem>> -> memref<128xi32, #tpu.memory_space<vmem>>
        %dma_start3A_1530 = arith.constant 0 : i32
        %dma_start3A_1531 = arith.constant 0 : i32
        %dma_start3A_1532 = tpu.memref_slice %arg3[%dma_start3A_1530, %dma_start3A_1531] : memref<1000000x128xf32, #tpu.memory_space<hbm>> -> memref<1000000x128xf32, #tpu.memory_space<hbm>>
        tpu.enqueue_indirect_dma source(%dma_start3A_1532 : memref<1000000x128xf32, #tpu.memory_space<hbm>>) target(%arg7 : memref<128x128xf32, #tpu.memory_space<vmem>>) offsets(%dma_start3A_1529 : memref<128xi32, #tpu.memory_space<vmem>>) semaphore(%arg14 : memref<!tpu.dma_semaphore, #tpu.memory_space<semaphore_mem>>)
      } else {
      }
      %add3A_1348 = arith.constant 22 : i32
      %add3A_1349 = arith.addi %mul3A_62, %add3A_1348 : i32
      %mul3A_1350 = arith.constant 128 : i32
      %mul3A_1351 = arith.muli %add3A_1349, %mul3A_1350 : i32
      %dma_wait3A_1352 = tpu.memref_slice %arg5[%mul3A_1351] : memref<25600xi32, #tpu.memory_space<vmem>> -> memref<128xi32, #tpu.memory_space<vmem>>
      %dma_wait3A_1353 = arith.constant 0 : i32
      %dma_wait3A_1354 = arith.constant 0 : i32
      %dma_wait3A_1355 = tpu.memref_slice %arg3[%dma_wait3A_1353, %dma_wait3A_1354] : memref<1000000x128xf32, #tpu.memory_space<hbm>> -> memref<1000000x128xf32, #tpu.memory_space<hbm>>
      tpu.wait_indirect_dma semaphore(%arg15 : memref<!tpu.dma_semaphore, #tpu.memory_space<semaphore_mem>>) src(%dma_wait3A_1355 : memref<1000000x128xf32, #tpu.memory_space<hbm>>) dst(%arg8 : memref<128x128xf32, #tpu.memory_space<vmem>>)
      %scan3A_1356 = arith.constant 0 : i32
      %scan3A_1357 = arith.constant 128 : i32
      %scan3A_1358 = arith.addi %scan3A_1356, %scan3A_1357 : i32
      %scan3A_1359 = arith.constant 1 : i32
      %scan3A_1360:8 = scf.for %scan3A_1523 = %scan3A_1356 to %scan3A_1358 step %scan3A_1359 iter_args(%scan3A_1524 = %scan3A_1337#0, %scan3A_1525 = %scan3A_1337#1, %scan3A_1526 = %scan3A_1337#2, %scan3A_1527 = %scan3A_1337#3, %scan3A_1528 = %scan3A_1337#4, %scan3A_1529 = %scan3A_1337#5, %scan3A_1530 = %scan3A_1337#6, %scan3A_1531 = %scan3A_1337#7) -> (vector<16xf32>, vector<16xf32>, vector<16xf32>, vector<16xf32>, vector<16xf32>, vector<16xf32>, vector<16xf32>, vector<16xf32>)  : i32 {
        %get3A = arith.index_cast %scan3A_1523 : i32 to index
        %get3A_1532 = arith.constant 0 : index
        %get3A_1533 = tpu.vector_load %arg8[%get3A, %get3A_1532] {strides = array<i32>} : memref<128x128xf32, #tpu.memory_space<vmem>>, vector<1x16xf32>,
        %get3A_1534 = vector.shape_cast %get3A_1533 : vector<1x16xf32> to vector<16xf32>
        %add3A_1535 = arith.addf %scan3A_1524, %get3A_1534 : vector<16xf32>
        %get3A_1536 = arith.index_cast %scan3A_1523 : i32 to index
        %get3A_1537 = arith.constant 16 : index
        %get3A_1538 = tpu.vector_load %arg8[%get3A_1536, %get3A_1537] {strides = array<i32>} : memref<128x128xf32, #tpu.memory_space<vmem>>, vector<1x16xf32>,
        %get3A_1539 = vector.shape_cast %get3A_1538 : vector<1x16xf32> to vector<16xf32>
        %add3A_1540 = arith.addf %scan3A_1525, %get3A_1539 : vector<16xf32>
        %get3A_1541 = arith.index_cast %scan3A_1523 : i32 to index
        %get3A_1542 = arith.constant 32 : index
        %get3A_1543 = tpu.vector_load %arg8[%get3A_1541, %get3A_1542] {strides = array<i32>} : memref<128x128xf32, #tpu.memory_space<vmem>>, vector<1x16xf32>,
        %get3A_1544 = vector.shape_cast %get3A_1543 : vector<1x16xf32> to vector<16xf32>
        %add3A_1545 = arith.addf %scan3A_1526, %get3A_1544 : vector<16xf32>
        %get3A_1546 = arith.index_cast %scan3A_1523 : i32 to index
        %get3A_1547 = arith.constant 48 : index
        %get3A_1548 = tpu.vector_load %arg8[%get3A_1546, %get3A_1547] {strides = array<i32>} : memref<128x128xf32, #tpu.memory_space<vmem>>, vector<1x16xf32>,
        %get3A_1549 = vector.shape_cast %get3A_1548 : vector<1x16xf32> to vector<16xf32>
        %add3A_1550 = arith.addf %scan3A_1527, %get3A_1549 : vector<16xf32>
        %get3A_1551 = arith.index_cast %scan3A_1523 : i32 to index
        %get3A_1552 = arith.constant 64 : index
        %get3A_1553 = tpu.vector_load %arg8[%get3A_1551, %get3A_1552] {strides = array<i32>} : memref<128x128xf32, #tpu.memory_space<vmem>>, vector<1x16xf32>,
        %get3A_1554 = vector.shape_cast %get3A_1553 : vector<1x16xf32> to vector<16xf32>
        %add3A_1555 = arith.addf %scan3A_1528, %get3A_1554 : vector<16xf32>
        %get3A_1556 = arith.index_cast %scan3A_1523 : i32 to index
        %get3A_1557 = arith.constant 80 : index
        %get3A_1558 = tpu.vector_load %arg8[%get3A_1556, %get3A_1557] {strides = array<i32>} : memref<128x128xf32, #tpu.memory_space<vmem>>, vector<1x16xf32>,
        %get3A_1559 = vector.shape_cast %get3A_1558 : vector<1x16xf32> to vector<16xf32>
        %add3A_1560 = arith.addf %scan3A_1529, %get3A_1559 : vector<16xf32>
        %get3A_1561 = arith.index_cast %scan3A_1523 : i32 to index
        %get3A_1562 = arith.constant 96 : index
        %get3A_1563 = tpu.vector_load %arg8[%get3A_1561, %get3A_1562] {strides = array<i32>} : memref<128x128xf32, #tpu.memory_space<vmem>>, vector<1x16xf32>,
        %get3A_1564 = vector.shape_cast %get3A_1563 : vector<1x16xf32> to vector<16xf32>
        %add3A_1565 = arith.addf %scan3A_1530, %get3A_1564 : vector<16xf32>
        %get3A_1566 = arith.index_cast %scan3A_1523 : i32 to index
        %get3A_1567 = arith.constant 112 : index
        %get3A_1568 = tpu.vector_load %arg8[%get3A_1566, %get3A_1567] {strides = array<i32>} : memref<128x128xf32, #tpu.memory_space<vmem>>, vector<1x16xf32>,
        %get3A_1569 = vector.shape_cast %get3A_1568 : vector<1x16xf32> to vector<16xf32>
        %add3A_1570 = arith.addf %scan3A_1531, %get3A_1569 : vector<16xf32>
        scf.yield %add3A_1535, %add3A_1540, %add3A_1545, %add3A_1550, %add3A_1555, %add3A_1560, %add3A_1565, %add3A_1570 : vector<16xf32>, vector<16xf32>, vector<16xf32>, vector<16xf32>, vector<16xf32>, vector<16xf32>, vector<16xf32>, vector<16xf32>
      }
      %scan3A_1361 = arith.constant 128 : i32
      %add3A_1362 = arith.constant 22 : i32
      %add3A_1363 = arith.addi %mul3A_62, %add3A_1362 : i32
      %add3A_1364 = arith.constant 5 : i32
      %add3A_1365 = arith.addi %add3A_1363, %add3A_1364 : i32
      %lt3A_1366 = arith.constant 200 : i32
      %lt3A_1367 = arith.cmpi slt, %add3A_1365, %lt3A_1366 : i32
      %convert_element_type3A_1368 = arith.extui %lt3A_1367 : i1 to i32
      %cond3A_1369 = arith.constant 0 : i32
      %cond3A_1370 = arith.cmpi ne, %convert_element_type3A_1368, %cond3A_1369 : i32
      scf.if %cond3A_1370 {
        %add3A_1523 = arith.constant 22 : i32
        %add3A_1524 = arith.addi %mul3A_62, %add3A_1523 : i32
        %add3A_1525 = arith.constant 5 : i32
        %add3A_1526 = arith.addi %add3A_1524, %add3A_1525 : i32
        %mul3A_1527 = arith.constant 128 : i32
        %mul3A_1528 = arith.muli %add3A_1526, %mul3A_1527 : i32
        %dma_start3A_1529 = tpu.memref_slice %arg5[%mul3A_1528] : memref<25600xi32, #tpu.memory_space<vmem>> -> memref<128xi32, #tpu.memory_space<vmem>>
        %dma_start3A_1530 = arith.constant 0 : i32
        %dma_start3A_1531 = arith.constant 0 : i32
        %dma_start3A_1532 = tpu.memref_slice %arg3[%dma_start3A_1530, %dma_start3A_1531] : memref<1000000x128xf32, #tpu.memory_space<hbm>> -> memref<1000000x128xf32, #tpu.memory_space<hbm>>
        tpu.enqueue_indirect_dma source(%dma_start3A_1532 : memref<1000000x128xf32, #tpu.memory_space<hbm>>) target(%arg8 : memref<128x128xf32, #tpu.memory_space<vmem>>) offsets(%dma_start3A_1529 : memref<128xi32, #tpu.memory_space<vmem>>) semaphore(%arg15 : memref<!tpu.dma_semaphore, #tpu.memory_space<semaphore_mem>>)
      } else {
      }
      %add3A_1371 = arith.constant 23 : i32
      %add3A_1372 = arith.addi %mul3A_62, %add3A_1371 : i32
      %mul3A_1373 = arith.constant 128 : i32
      %mul3A_1374 = arith.muli %add3A_1372, %mul3A_1373 : i32
      %dma_wait3A_1375 = tpu.memref_slice %arg5[%mul3A_1374] : memref<25600xi32, #tpu.memory_space<vmem>> -> memref<128xi32, #tpu.memory_space<vmem>>
      %dma_wait3A_1376 = arith.constant 0 : i32
      %dma_wait3A_1377 = arith.constant 0 : i32
      %dma_wait3A_1378 = tpu.memref_slice %arg3[%dma_wait3A_1376, %dma_wait3A_1377] : memref<1000000x128xf32, #tpu.memory_space<hbm>> -> memref<1000000x128xf32, #tpu.memory_space<hbm>>
      tpu.wait_indirect_dma semaphore(%arg16 : memref<!tpu.dma_semaphore, #tpu.memory_space<semaphore_mem>>) src(%dma_wait3A_1378 : memref<1000000x128xf32, #tpu.memory_space<hbm>>) dst(%arg9 : memref<128x128xf32, #tpu.memory_space<vmem>>)
      %scan3A_1379 = arith.constant 0 : i32
      %scan3A_1380 = arith.constant 56 : i32
      %scan3A_1381 = arith.addi %scan3A_1379, %scan3A_1380 : i32
      %scan3A_1382 = arith.constant 1 : i32
      %scan3A_1383:8 = scf.for %scan3A_1523 = %scan3A_1379 to %scan3A_1381 step %scan3A_1382 iter_args(%scan3A_1524 = %scan3A_1360#0, %scan3A_1525 = %scan3A_1360#1, %scan3A_1526 = %scan3A_1360#2, %scan3A_1527 = %scan3A_1360#3, %scan3A_1528 = %scan3A_1360#4, %scan3A_1529 = %scan3A_1360#5, %scan3A_1530 = %scan3A_1360#6, %scan3A_1531 = %scan3A_1360#7) -> (vector<16xf32>, vector<16xf32>, vector<16xf32>, vector<16xf32>, vector<16xf32>, vector<16xf32>, vector<16xf32>, vector<16xf32>)  : i32 {
        %get3A = arith.index_cast %scan3A_1523 : i32 to index
        %get3A_1532 = arith.constant 0 : index
        %get3A_1533 = tpu.vector_load %arg9[%get3A, %get3A_1532] {strides = array<i32>} : memref<128x128xf32, #tpu.memory_space<vmem>>, vector<1x16xf32>,
        %get3A_1534 = vector.shape_cast %get3A_1533 : vector<1x16xf32> to vector<16xf32>
        %add3A_1535 = arith.addf %scan3A_1524, %get3A_1534 : vector<16xf32>
        %get3A_1536 = arith.index_cast %scan3A_1523 : i32 to index
        %get3A_1537 = arith.constant 16 : index
        %get3A_1538 = tpu.vector_load %arg9[%get3A_1536, %get3A_1537] {strides = array<i32>} : memref<128x128xf32, #tpu.memory_space<vmem>>, vector<1x16xf32>,
        %get3A_1539 = vector.shape_cast %get3A_1538 : vector<1x16xf32> to vector<16xf32>
        %add3A_1540 = arith.addf %scan3A_1525, %get3A_1539 : vector<16xf32>
        %get3A_1541 = arith.index_cast %scan3A_1523 : i32 to index
        %get3A_1542 = arith.constant 32 : index
        %get3A_1543 = tpu.vector_load %arg9[%get3A_1541, %get3A_1542] {strides = array<i32>} : memref<128x128xf32, #tpu.memory_space<vmem>>, vector<1x16xf32>,
        %get3A_1544 = vector.shape_cast %get3A_1543 : vector<1x16xf32> to vector<16xf32>
        %add3A_1545 = arith.addf %scan3A_1526, %get3A_1544 : vector<16xf32>
        %get3A_1546 = arith.index_cast %scan3A_1523 : i32 to index
        %get3A_1547 = arith.constant 48 : index
        %get3A_1548 = tpu.vector_load %arg9[%get3A_1546, %get3A_1547] {strides = array<i32>} : memref<128x128xf32, #tpu.memory_space<vmem>>, vector<1x16xf32>,
        %get3A_1549 = vector.shape_cast %get3A_1548 : vector<1x16xf32> to vector<16xf32>
        %add3A_1550 = arith.addf %scan3A_1527, %get3A_1549 : vector<16xf32>
        %get3A_1551 = arith.index_cast %scan3A_1523 : i32 to index
        %get3A_1552 = arith.constant 64 : index
        %get3A_1553 = tpu.vector_load %arg9[%get3A_1551, %get3A_1552] {strides = array<i32>} : memref<128x128xf32, #tpu.memory_space<vmem>>, vector<1x16xf32>,
        %get3A_1554 = vector.shape_cast %get3A_1553 : vector<1x16xf32> to vector<16xf32>
        %add3A_1555 = arith.addf %scan3A_1528, %get3A_1554 : vector<16xf32>
        %get3A_1556 = arith.index_cast %scan3A_1523 : i32 to index
        %get3A_1557 = arith.constant 80 : index
        %get3A_1558 = tpu.vector_load %arg9[%get3A_1556, %get3A_1557] {strides = array<i32>} : memref<128x128xf32, #tpu.memory_space<vmem>>, vector<1x16xf32>,
        %get3A_1559 = vector.shape_cast %get3A_1558 : vector<1x16xf32> to vector<16xf32>
        %add3A_1560 = arith.addf %scan3A_1529, %get3A_1559 : vector<16xf32>
        %get3A_1561 = arith.index_cast %scan3A_1523 : i32 to index
        %get3A_1562 = arith.constant 96 : index
        %get3A_1563 = tpu.vector_load %arg9[%get3A_1561, %get3A_1562] {strides = array<i32>} : memref<128x128xf32, #tpu.memory_space<vmem>>, vector<1x16xf32>,
        %get3A_1564 = vector.shape_cast %get3A_1563 : vector<1x16xf32> to vector<16xf32>
        %add3A_1565 = arith.addf %scan3A_1530, %get3A_1564 : vector<16xf32>
        %get3A_1566 = arith.index_cast %scan3A_1523 : i32 to index
        %get3A_1567 = arith.constant 112 : index
        %get3A_1568 = tpu.vector_load %arg9[%get3A_1566, %get3A_1567] {strides = array<i32>} : memref<128x128xf32, #tpu.memory_space<vmem>>, vector<1x16xf32>,
        %get3A_1569 = vector.shape_cast %get3A_1568 : vector<1x16xf32> to vector<16xf32>
        %add3A_1570 = arith.addf %scan3A_1531, %get3A_1569 : vector<16xf32>
        scf.yield %add3A_1535, %add3A_1540, %add3A_1545, %add3A_1550, %add3A_1555, %add3A_1560, %add3A_1565, %add3A_1570 : vector<16xf32>, vector<16xf32>, vector<16xf32>, vector<16xf32>, vector<16xf32>, vector<16xf32>, vector<16xf32>, vector<16xf32>
      }
      %scan3A_1384 = arith.constant 56 : i32
      %mul3A_1385 = arith.constant 16 : i32
      %mul3A_1386 = arith.muli %add3A_60, %mul3A_1385 : i32
      %add3A_1387 = arith.constant 14 : i32
      %add3A_1388 = arith.addi %mul3A_1386, %add3A_1387 : i32
      %gt3A_1389 = arith.constant 0 : i32
      %gt3A_1390 = arith.cmpi sgt, %add3A_1388, %gt3A_1389 : i32
      %convert_element_type3A_1391 = arith.extui %gt3A_1390 : i1 to i32
      %cond3A_1392 = arith.constant 0 : i32
      %cond3A_1393 = arith.cmpi ne, %convert_element_type3A_1391, %cond3A_1392 : i32
      scf.if %cond3A_1393 {
        %mul3A_1523 = arith.constant 128 : i32
        %mul3A_1524 = arith.muli %arg1, %mul3A_1523 : i32
        %add3A_1525 = arith.addi %mul3A_1524, %add3A_1388 : i32
        %dma_wait3A_1526 = arith.constant 0 : i32
        %dma_wait3A_1527 = tpu.memref_slice %arg12[%add3A_1525, %dma_wait3A_1526] : memref<2048x128xf32, #tpu.memory_space<vmem_shared>> -> memref<1x128xf32, #tpu.memory_space<vmem_shared>>
        %dma_wait3A_1528 = tpu.memref_squeeze %dma_wait3A_1527 : memref<1x128xf32, #tpu.memory_space<vmem_shared>> -> memref<128xf32, #tpu.memory_space<vmem_shared>>
        %dma_wait3A_1529 = arith.constant 0 : i32
        %dma_wait3A_1530 = tpu.memref_slice %arg12[%add3A_1525, %dma_wait3A_1529] : memref<2048x128xf32, #tpu.memory_space<vmem_shared>> -> memref<1x128xf32, #tpu.memory_space<vmem_shared>>
        %dma_wait3A_1531 = tpu.memref_squeeze %dma_wait3A_1530 : memref<1x128xf32, #tpu.memory_space<vmem_shared>> -> memref<128xf32, #tpu.memory_space<vmem_shared>>
        tpu.wait_dma2 semaphore(%arg18 : memref<!tpu.dma_semaphore, #tpu.memory_space<semaphore_mem>>) src(%arg11 : memref<128xf32, #tpu.memory_space<vmem>>) dst(%dma_wait3A_1531 : memref<128xf32, #tpu.memory_space<vmem_shared>>)
      } else {
      }
      %swap3A_1394 = arith.constant 0 : index
      %swap3A_1395 = tpu.vector_load %arg11[%swap3A_1394] {strides = array<i32>} : memref<128xf32, #tpu.memory_space<vmem>>, vector<16xf32>,
      %swap3A_1396 = vector.shape_cast %swap3A_1395 : vector<16xf32> to vector<16xf32>
      %swap3A_1397 = vector.shape_cast %scan3A_1383#0 : vector<16xf32> to vector<16xf32>
      tpu.vector_store %arg11[%swap3A_1394], %swap3A_1397 {strides = array<i32>} : memref<128xf32, #tpu.memory_space<vmem>>, vector<16xf32>,
      %swap3A_1398 = arith.constant 16 : index
      %swap3A_1399 = tpu.vector_load %arg11[%swap3A_1398] {strides = array<i32>} : memref<128xf32, #tpu.memory_space<vmem>>, vector<16xf32>,
      %swap3A_1400 = vector.shape_cast %swap3A_1399 : vector<16xf32> to vector<16xf32>
      %swap3A_1401 = vector.shape_cast %scan3A_1383#1 : vector<16xf32> to vector<16xf32>
      tpu.vector_store %arg11[%swap3A_1398], %swap3A_1401 {strides = array<i32>} : memref<128xf32, #tpu.memory_space<vmem>>, vector<16xf32>,
      %swap3A_1402 = arith.constant 32 : index
      %swap3A_1403 = tpu.vector_load %arg11[%swap3A_1402] {strides = array<i32>} : memref<128xf32, #tpu.memory_space<vmem>>, vector<16xf32>,
      %swap3A_1404 = vector.shape_cast %swap3A_1403 : vector<16xf32> to vector<16xf32>
      %swap3A_1405 = vector.shape_cast %scan3A_1383#2 : vector<16xf32> to vector<16xf32>
      tpu.vector_store %arg11[%swap3A_1402], %swap3A_1405 {strides = array<i32>} : memref<128xf32, #tpu.memory_space<vmem>>, vector<16xf32>,
      %swap3A_1406 = arith.constant 48 : index
      %swap3A_1407 = tpu.vector_load %arg11[%swap3A_1406] {strides = array<i32>} : memref<128xf32, #tpu.memory_space<vmem>>, vector<16xf32>,
      %swap3A_1408 = vector.shape_cast %swap3A_1407 : vector<16xf32> to vector<16xf32>
      %swap3A_1409 = vector.shape_cast %scan3A_1383#3 : vector<16xf32> to vector<16xf32>
      tpu.vector_store %arg11[%swap3A_1406], %swap3A_1409 {strides = array<i32>} : memref<128xf32, #tpu.memory_space<vmem>>, vector<16xf32>,
      %swap3A_1410 = arith.constant 64 : index
      %swap3A_1411 = tpu.vector_load %arg11[%swap3A_1410] {strides = array<i32>} : memref<128xf32, #tpu.memory_space<vmem>>, vector<16xf32>,
      %swap3A_1412 = vector.shape_cast %swap3A_1411 : vector<16xf32> to vector<16xf32>
      %swap3A_1413 = vector.shape_cast %scan3A_1383#4 : vector<16xf32> to vector<16xf32>
      tpu.vector_store %arg11[%swap3A_1410], %swap3A_1413 {strides = array<i32>} : memref<128xf32, #tpu.memory_space<vmem>>, vector<16xf32>,
      %swap3A_1414 = arith.constant 80 : index
      %swap3A_1415 = tpu.vector_load %arg11[%swap3A_1414] {strides = array<i32>} : memref<128xf32, #tpu.memory_space<vmem>>, vector<16xf32>,
      %swap3A_1416 = vector.shape_cast %swap3A_1415 : vector<16xf32> to vector<16xf32>
      %swap3A_1417 = vector.shape_cast %scan3A_1383#5 : vector<16xf32> to vector<16xf32>
      tpu.vector_store %arg11[%swap3A_1414], %swap3A_1417 {strides = array<i32>} : memref<128xf32, #tpu.memory_space<vmem>>, vector<16xf32>,
      %swap3A_1418 = arith.constant 96 : index
      %swap3A_1419 = tpu.vector_load %arg11[%swap3A_1418] {strides = array<i32>} : memref<128xf32, #tpu.memory_space<vmem>>, vector<16xf32>,
      %swap3A_1420 = vector.shape_cast %swap3A_1419 : vector<16xf32> to vector<16xf32>
      %swap3A_1421 = vector.shape_cast %scan3A_1383#6 : vector<16xf32> to vector<16xf32>
      tpu.vector_store %arg11[%swap3A_1418], %swap3A_1421 {strides = array<i32>} : memref<128xf32, #tpu.memory_space<vmem>>, vector<16xf32>,
      %swap3A_1422 = arith.constant 112 : index
      %swap3A_1423 = tpu.vector_load %arg11[%swap3A_1422] {strides = array<i32>} : memref<128xf32, #tpu.memory_space<vmem>>, vector<16xf32>,
      %swap3A_1424 = vector.shape_cast %swap3A_1423 : vector<16xf32> to vector<16xf32>
      %swap3A_1425 = vector.shape_cast %scan3A_1383#7 : vector<16xf32> to vector<16xf32>
      tpu.vector_store %arg11[%swap3A_1422], %swap3A_1425 {strides = array<i32>} : memref<128xf32, #tpu.memory_space<vmem>>, vector<16xf32>,
      %mul3A_1426 = arith.constant 128 : i32
      %mul3A_1427 = arith.muli %arg1, %mul3A_1426 : i32
      %add3A_1428 = arith.addi %mul3A_1427, %add3A_1388 : i32
      %dma_start3A_1429 = arith.constant 0 : i32
      %dma_start3A_1430 = tpu.memref_slice %arg12[%add3A_1428, %dma_start3A_1429] : memref<2048x128xf32, #tpu.memory_space<vmem_shared>> -> memref<1x128xf32, #tpu.memory_space<vmem_shared>>
      %dma_start3A_1431 = tpu.memref_squeeze %dma_start3A_1430 : memref<1x128xf32, #tpu.memory_space<vmem_shared>> -> memref<128xf32, #tpu.memory_space<vmem_shared>>
      %dma_start3A_1432 = arith.constant 0 : i32
      %dma_start3A_1433 = tpu.memref_slice %arg12[%add3A_1428, %dma_start3A_1432] : memref<2048x128xf32, #tpu.memory_space<vmem_shared>> -> memref<1x128xf32, #tpu.memory_space<vmem_shared>>
      %dma_start3A_1434 = tpu.memref_squeeze %dma_start3A_1433 : memref<1x128xf32, #tpu.memory_space<vmem_shared>> -> memref<128xf32, #tpu.memory_space<vmem_shared>>
      tpu.enqueue_dma source(%arg11 : memref<128xf32, #tpu.memory_space<vmem>>) target(%dma_start3A_1434 : memref<128xf32, #tpu.memory_space<vmem_shared>>) target_semaphore(%arg18 : memref<!tpu.dma_semaphore, #tpu.memory_space<semaphore_mem>>)
      %scan3A_1435 = arith.constant 56 : i32
      %scan3A_1436 = arith.constant 72 : i32
      %scan3A_1437 = arith.addi %scan3A_1435, %scan3A_1436 : i32
      %scan3A_1438 = arith.constant 1 : i32
      %scan3A_1439:8 = scf.for %scan3A_1523 = %scan3A_1435 to %scan3A_1437 step %scan3A_1438 iter_args(%scan3A_1524 = %broadcast_in_dim3A_3, %scan3A_1525 = %broadcast_in_dim3A_5, %scan3A_1526 = %broadcast_in_dim3A_7, %scan3A_1527 = %broadcast_in_dim3A_9, %scan3A_1528 = %broadcast_in_dim3A_11, %scan3A_1529 = %broadcast_in_dim3A_13, %scan3A_1530 = %broadcast_in_dim3A_15, %scan3A_1531 = %broadcast_in_dim3A_17) -> (vector<16xf32>, vector<16xf32>, vector<16xf32>, vector<16xf32>, vector<16xf32>, vector<16xf32>, vector<16xf32>, vector<16xf32>)  : i32 {
        %get3A = arith.index_cast %scan3A_1523 : i32 to index
        %get3A_1532 = arith.constant 0 : index
        %get3A_1533 = tpu.vector_load %arg9[%get3A, %get3A_1532] {strides = array<i32>} : memref<128x128xf32, #tpu.memory_space<vmem>>, vector<1x16xf32>,
        %get3A_1534 = vector.shape_cast %get3A_1533 : vector<1x16xf32> to vector<16xf32>
        %add3A_1535 = arith.addf %scan3A_1524, %get3A_1534 : vector<16xf32>
        %get3A_1536 = arith.index_cast %scan3A_1523 : i32 to index
        %get3A_1537 = arith.constant 16 : index
        %get3A_1538 = tpu.vector_load %arg9[%get3A_1536, %get3A_1537] {strides = array<i32>} : memref<128x128xf32, #tpu.memory_space<vmem>>, vector<1x16xf32>,
        %get3A_1539 = vector.shape_cast %get3A_1538 : vector<1x16xf32> to vector<16xf32>
        %add3A_1540 = arith.addf %scan3A_1525, %get3A_1539 : vector<16xf32>
        %get3A_1541 = arith.index_cast %scan3A_1523 : i32 to index
        %get3A_1542 = arith.constant 32 : index
        %get3A_1543 = tpu.vector_load %arg9[%get3A_1541, %get3A_1542] {strides = array<i32>} : memref<128x128xf32, #tpu.memory_space<vmem>>, vector<1x16xf32>,
        %get3A_1544 = vector.shape_cast %get3A_1543 : vector<1x16xf32> to vector<16xf32>
        %add3A_1545 = arith.addf %scan3A_1526, %get3A_1544 : vector<16xf32>
        %get3A_1546 = arith.index_cast %scan3A_1523 : i32 to index
        %get3A_1547 = arith.constant 48 : index
        %get3A_1548 = tpu.vector_load %arg9[%get3A_1546, %get3A_1547] {strides = array<i32>} : memref<128x128xf32, #tpu.memory_space<vmem>>, vector<1x16xf32>,
        %get3A_1549 = vector.shape_cast %get3A_1548 : vector<1x16xf32> to vector<16xf32>
        %add3A_1550 = arith.addf %scan3A_1527, %get3A_1549 : vector<16xf32>
        %get3A_1551 = arith.index_cast %scan3A_1523 : i32 to index
        %get3A_1552 = arith.constant 64 : index
        %get3A_1553 = tpu.vector_load %arg9[%get3A_1551, %get3A_1552] {strides = array<i32>} : memref<128x128xf32, #tpu.memory_space<vmem>>, vector<1x16xf32>,
        %get3A_1554 = vector.shape_cast %get3A_1553 : vector<1x16xf32> to vector<16xf32>
        %add3A_1555 = arith.addf %scan3A_1528, %get3A_1554 : vector<16xf32>
        %get3A_1556 = arith.index_cast %scan3A_1523 : i32 to index
        %get3A_1557 = arith.constant 80 : index
        %get3A_1558 = tpu.vector_load %arg9[%get3A_1556, %get3A_1557] {strides = array<i32>} : memref<128x128xf32, #tpu.memory_space<vmem>>, vector<1x16xf32>,
        %get3A_1559 = vector.shape_cast %get3A_1558 : vector<1x16xf32> to vector<16xf32>
        %add3A_1560 = arith.addf %scan3A_1529, %get3A_1559 : vector<16xf32>
        %get3A_1561 = arith.index_cast %scan3A_1523 : i32 to index
        %get3A_1562 = arith.constant 96 : index
        %get3A_1563 = tpu.vector_load %arg9[%get3A_1561, %get3A_1562] {strides = array<i32>} : memref<128x128xf32, #tpu.memory_space<vmem>>, vector<1x16xf32>,
        %get3A_1564 = vector.shape_cast %get3A_1563 : vector<1x16xf32> to vector<16xf32>
        %add3A_1565 = arith.addf %scan3A_1530, %get3A_1564 : vector<16xf32>
        %get3A_1566 = arith.index_cast %scan3A_1523 : i32 to index
        %get3A_1567 = arith.constant 112 : index
        %get3A_1568 = tpu.vector_load %arg9[%get3A_1566, %get3A_1567] {strides = array<i32>} : memref<128x128xf32, #tpu.memory_space<vmem>>, vector<1x16xf32>,
        %get3A_1569 = vector.shape_cast %get3A_1568 : vector<1x16xf32> to vector<16xf32>
        %add3A_1570 = arith.addf %scan3A_1531, %get3A_1569 : vector<16xf32>
        scf.yield %add3A_1535, %add3A_1540, %add3A_1545, %add3A_1550, %add3A_1555, %add3A_1560, %add3A_1565, %add3A_1570 : vector<16xf32>, vector<16xf32>, vector<16xf32>, vector<16xf32>, vector<16xf32>, vector<16xf32>, vector<16xf32>, vector<16xf32>
      }
      %scan3A_1440 = arith.constant 72 : i32
      %add3A_1441 = arith.constant 23 : i32
      %add3A_1442 = arith.addi %mul3A_62, %add3A_1441 : i32
      %add3A_1443 = arith.constant 5 : i32
      %add3A_1444 = arith.addi %add3A_1442, %add3A_1443 : i32
      %lt3A_1445 = arith.constant 200 : i32
      %lt3A_1446 = arith.cmpi slt, %add3A_1444, %lt3A_1445 : i32
      %convert_element_type3A_1447 = arith.extui %lt3A_1446 : i1 to i32
      %cond3A_1448 = arith.constant 0 : i32
      %cond3A_1449 = arith.cmpi ne, %convert_element_type3A_1447, %cond3A_1448 : i32
      scf.if %cond3A_1449 {
        %add3A_1523 = arith.constant 23 : i32
        %add3A_1524 = arith.addi %mul3A_62, %add3A_1523 : i32
        %add3A_1525 = arith.constant 5 : i32
        %add3A_1526 = arith.addi %add3A_1524, %add3A_1525 : i32
        %mul3A_1527 = arith.constant 128 : i32
        %mul3A_1528 = arith.muli %add3A_1526, %mul3A_1527 : i32
        %dma_start3A_1529 = tpu.memref_slice %arg5[%mul3A_1528] : memref<25600xi32, #tpu.memory_space<vmem>> -> memref<128xi32, #tpu.memory_space<vmem>>
        %dma_start3A_1530 = arith.constant 0 : i32
        %dma_start3A_1531 = arith.constant 0 : i32
        %dma_start3A_1532 = tpu.memref_slice %arg3[%dma_start3A_1530, %dma_start3A_1531] : memref<1000000x128xf32, #tpu.memory_space<hbm>> -> memref<1000000x128xf32, #tpu.memory_space<hbm>>
        tpu.enqueue_indirect_dma source(%dma_start3A_1532 : memref<1000000x128xf32, #tpu.memory_space<hbm>>) target(%arg9 : memref<128x128xf32, #tpu.memory_space<vmem>>) offsets(%dma_start3A_1529 : memref<128xi32, #tpu.memory_space<vmem>>) semaphore(%arg16 : memref<!tpu.dma_semaphore, #tpu.memory_space<semaphore_mem>>)
      } else {
      }
      %add3A_1450 = arith.constant 24 : i32
      %add3A_1451 = arith.addi %mul3A_62, %add3A_1450 : i32
      %mul3A_1452 = arith.constant 128 : i32
      %mul3A_1453 = arith.muli %add3A_1451, %mul3A_1452 : i32
      %dma_wait3A_1454 = tpu.memref_slice %arg5[%mul3A_1453] : memref<25600xi32, #tpu.memory_space<vmem>> -> memref<128xi32, #tpu.memory_space<vmem>>
      %dma_wait3A_1455 = arith.constant 0 : i32
      %dma_wait3A_1456 = arith.constant 0 : i32
      %dma_wait3A_1457 = tpu.memref_slice %arg3[%dma_wait3A_1455, %dma_wait3A_1456] : memref<1000000x128xf32, #tpu.memory_space<hbm>> -> memref<1000000x128xf32, #tpu.memory_space<hbm>>
      tpu.wait_indirect_dma semaphore(%arg17 : memref<!tpu.dma_semaphore, #tpu.memory_space<semaphore_mem>>) src(%dma_wait3A_1457 : memref<1000000x128xf32, #tpu.memory_space<hbm>>) dst(%arg10 : memref<128x128xf32, #tpu.memory_space<vmem>>)
      %scan3A_1458 = arith.constant 0 : i32
      %scan3A_1459 = arith.constant 128 : i32
      %scan3A_1460 = arith.addi %scan3A_1458, %scan3A_1459 : i32
      %scan3A_1461 = arith.constant 1 : i32
      %scan3A_1462:8 = scf.for %scan3A_1523 = %scan3A_1458 to %scan3A_1460 step %scan3A_1461 iter_args(%scan3A_1524 = %scan3A_1439#0, %scan3A_1525 = %scan3A_1439#1, %scan3A_1526 = %scan3A_1439#2, %scan3A_1527 = %scan3A_1439#3, %scan3A_1528 = %scan3A_1439#4, %scan3A_1529 = %scan3A_1439#5, %scan3A_1530 = %scan3A_1439#6, %scan3A_1531 = %scan3A_1439#7) -> (vector<16xf32>, vector<16xf32>, vector<16xf32>, vector<16xf32>, vector<16xf32>, vector<16xf32>, vector<16xf32>, vector<16xf32>)  : i32 {
        %get3A = arith.index_cast %scan3A_1523 : i32 to index
        %get3A_1532 = arith.constant 0 : index
        %get3A_1533 = tpu.vector_load %arg10[%get3A, %get3A_1532] {strides = array<i32>} : memref<128x128xf32, #tpu.memory_space<vmem>>, vector<1x16xf32>,
        %get3A_1534 = vector.shape_cast %get3A_1533 : vector<1x16xf32> to vector<16xf32>
        %add3A_1535 = arith.addf %scan3A_1524, %get3A_1534 : vector<16xf32>
        %get3A_1536 = arith.index_cast %scan3A_1523 : i32 to index
        %get3A_1537 = arith.constant 16 : index
        %get3A_1538 = tpu.vector_load %arg10[%get3A_1536, %get3A_1537] {strides = array<i32>} : memref<128x128xf32, #tpu.memory_space<vmem>>, vector<1x16xf32>,
        %get3A_1539 = vector.shape_cast %get3A_1538 : vector<1x16xf32> to vector<16xf32>
        %add3A_1540 = arith.addf %scan3A_1525, %get3A_1539 : vector<16xf32>
        %get3A_1541 = arith.index_cast %scan3A_1523 : i32 to index
        %get3A_1542 = arith.constant 32 : index
        %get3A_1543 = tpu.vector_load %arg10[%get3A_1541, %get3A_1542] {strides = array<i32>} : memref<128x128xf32, #tpu.memory_space<vmem>>, vector<1x16xf32>,
        %get3A_1544 = vector.shape_cast %get3A_1543 : vector<1x16xf32> to vector<16xf32>
        %add3A_1545 = arith.addf %scan3A_1526, %get3A_1544 : vector<16xf32>
        %get3A_1546 = arith.index_cast %scan3A_1523 : i32 to index
        %get3A_1547 = arith.constant 48 : index
        %get3A_1548 = tpu.vector_load %arg10[%get3A_1546, %get3A_1547] {strides = array<i32>} : memref<128x128xf32, #tpu.memory_space<vmem>>, vector<1x16xf32>,
        %get3A_1549 = vector.shape_cast %get3A_1548 : vector<1x16xf32> to vector<16xf32>
        %add3A_1550 = arith.addf %scan3A_1527, %get3A_1549 : vector<16xf32>
        %get3A_1551 = arith.index_cast %scan3A_1523 : i32 to index
        %get3A_1552 = arith.constant 64 : index
        %get3A_1553 = tpu.vector_load %arg10[%get3A_1551, %get3A_1552] {strides = array<i32>} : memref<128x128xf32, #tpu.memory_space<vmem>>, vector<1x16xf32>,
        %get3A_1554 = vector.shape_cast %get3A_1553 : vector<1x16xf32> to vector<16xf32>
        %add3A_1555 = arith.addf %scan3A_1528, %get3A_1554 : vector<16xf32>
        %get3A_1556 = arith.index_cast %scan3A_1523 : i32 to index
        %get3A_1557 = arith.constant 80 : index
        %get3A_1558 = tpu.vector_load %arg10[%get3A_1556, %get3A_1557] {strides = array<i32>} : memref<128x128xf32, #tpu.memory_space<vmem>>, vector<1x16xf32>,
        %get3A_1559 = vector.shape_cast %get3A_1558 : vector<1x16xf32> to vector<16xf32>
        %add3A_1560 = arith.addf %scan3A_1529, %get3A_1559 : vector<16xf32>
        %get3A_1561 = arith.index_cast %scan3A_1523 : i32 to index
        %get3A_1562 = arith.constant 96 : index
        %get3A_1563 = tpu.vector_load %arg10[%get3A_1561, %get3A_1562] {strides = array<i32>} : memref<128x128xf32, #tpu.memory_space<vmem>>, vector<1x16xf32>,
        %get3A_1564 = vector.shape_cast %get3A_1563 : vector<1x16xf32> to vector<16xf32>
        %add3A_1565 = arith.addf %scan3A_1530, %get3A_1564 : vector<16xf32>
        %get3A_1566 = arith.index_cast %scan3A_1523 : i32 to index
        %get3A_1567 = arith.constant 112 : index
        %get3A_1568 = tpu.vector_load %arg10[%get3A_1566, %get3A_1567] {strides = array<i32>} : memref<128x128xf32, #tpu.memory_space<vmem>>, vector<1x16xf32>,
        %get3A_1569 = vector.shape_cast %get3A_1568 : vector<1x16xf32> to vector<16xf32>
        %add3A_1570 = arith.addf %scan3A_1531, %get3A_1569 : vector<16xf32>
        scf.yield %add3A_1535, %add3A_1540, %add3A_1545, %add3A_1550, %add3A_1555, %add3A_1560, %add3A_1565, %add3A_1570 : vector<16xf32>, vector<16xf32>, vector<16xf32>, vector<16xf32>, vector<16xf32>, vector<16xf32>, vector<16xf32>, vector<16xf32>
      }
      %scan3A_1463 = arith.constant 128 : i32
      %mul3A_1464 = arith.constant 16 : i32
      %mul3A_1465 = arith.muli %add3A_60, %mul3A_1464 : i32
      %add3A_1466 = arith.constant 15 : i32
      %add3A_1467 = arith.addi %mul3A_1465, %add3A_1466 : i32
      %gt3A_1468 = arith.constant 0 : i32
      %gt3A_1469 = arith.cmpi sgt, %add3A_1467, %gt3A_1468 : i32
      %convert_element_type3A_1470 = arith.extui %gt3A_1469 : i1 to i32
      %cond3A_1471 = arith.constant 0 : i32
      %cond3A_1472 = arith.cmpi ne, %convert_element_type3A_1470, %cond3A_1471 : i32
      scf.if %cond3A_1472 {
        %mul3A_1523 = arith.constant 128 : i32
        %mul3A_1524 = arith.muli %arg1, %mul3A_1523 : i32
        %add3A_1525 = arith.addi %mul3A_1524, %add3A_1467 : i32
        %dma_wait3A_1526 = arith.constant 0 : i32
        %dma_wait3A_1527 = tpu.memref_slice %arg12[%add3A_1525, %dma_wait3A_1526] : memref<2048x128xf32, #tpu.memory_space<vmem_shared>> -> memref<1x128xf32, #tpu.memory_space<vmem_shared>>
        %dma_wait3A_1528 = tpu.memref_squeeze %dma_wait3A_1527 : memref<1x128xf32, #tpu.memory_space<vmem_shared>> -> memref<128xf32, #tpu.memory_space<vmem_shared>>
        %dma_wait3A_1529 = arith.constant 0 : i32
        %dma_wait3A_1530 = tpu.memref_slice %arg12[%add3A_1525, %dma_wait3A_1529] : memref<2048x128xf32, #tpu.memory_space<vmem_shared>> -> memref<1x128xf32, #tpu.memory_space<vmem_shared>>
        %dma_wait3A_1531 = tpu.memref_squeeze %dma_wait3A_1530 : memref<1x128xf32, #tpu.memory_space<vmem_shared>> -> memref<128xf32, #tpu.memory_space<vmem_shared>>
        tpu.wait_dma2 semaphore(%arg18 : memref<!tpu.dma_semaphore, #tpu.memory_space<semaphore_mem>>) src(%arg11 : memref<128xf32, #tpu.memory_space<vmem>>) dst(%dma_wait3A_1531 : memref<128xf32, #tpu.memory_space<vmem_shared>>)
      } else {
      }
      %swap3A_1473 = arith.constant 0 : index
      %swap3A_1474 = tpu.vector_load %arg11[%swap3A_1473] {strides = array<i32>} : memref<128xf32, #tpu.memory_space<vmem>>, vector<16xf32>,
      %swap3A_1475 = vector.shape_cast %swap3A_1474 : vector<16xf32> to vector<16xf32>
      %swap3A_1476 = vector.shape_cast %scan3A_1462#0 : vector<16xf32> to vector<16xf32>
      tpu.vector_store %arg11[%swap3A_1473], %swap3A_1476 {strides = array<i32>} : memref<128xf32, #tpu.memory_space<vmem>>, vector<16xf32>,
      %swap3A_1477 = arith.constant 16 : index
      %swap3A_1478 = tpu.vector_load %arg11[%swap3A_1477] {strides = array<i32>} : memref<128xf32, #tpu.memory_space<vmem>>, vector<16xf32>,
      %swap3A_1479 = vector.shape_cast %swap3A_1478 : vector<16xf32> to vector<16xf32>
      %swap3A_1480 = vector.shape_cast %scan3A_1462#1 : vector<16xf32> to vector<16xf32>
      tpu.vector_store %arg11[%swap3A_1477], %swap3A_1480 {strides = array<i32>} : memref<128xf32, #tpu.memory_space<vmem>>, vector<16xf32>,
      %swap3A_1481 = arith.constant 32 : index
      %swap3A_1482 = tpu.vector_load %arg11[%swap3A_1481] {strides = array<i32>} : memref<128xf32, #tpu.memory_space<vmem>>, vector<16xf32>,
      %swap3A_1483 = vector.shape_cast %swap3A_1482 : vector<16xf32> to vector<16xf32>
      %swap3A_1484 = vector.shape_cast %scan3A_1462#2 : vector<16xf32> to vector<16xf32>
      tpu.vector_store %arg11[%swap3A_1481], %swap3A_1484 {strides = array<i32>} : memref<128xf32, #tpu.memory_space<vmem>>, vector<16xf32>,
      %swap3A_1485 = arith.constant 48 : index
      %swap3A_1486 = tpu.vector_load %arg11[%swap3A_1485] {strides = array<i32>} : memref<128xf32, #tpu.memory_space<vmem>>, vector<16xf32>,
      %swap3A_1487 = vector.shape_cast %swap3A_1486 : vector<16xf32> to vector<16xf32>
      %swap3A_1488 = vector.shape_cast %scan3A_1462#3 : vector<16xf32> to vector<16xf32>
      tpu.vector_store %arg11[%swap3A_1485], %swap3A_1488 {strides = array<i32>} : memref<128xf32, #tpu.memory_space<vmem>>, vector<16xf32>,
      %swap3A_1489 = arith.constant 64 : index
      %swap3A_1490 = tpu.vector_load %arg11[%swap3A_1489] {strides = array<i32>} : memref<128xf32, #tpu.memory_space<vmem>>, vector<16xf32>,
      %swap3A_1491 = vector.shape_cast %swap3A_1490 : vector<16xf32> to vector<16xf32>
      %swap3A_1492 = vector.shape_cast %scan3A_1462#4 : vector<16xf32> to vector<16xf32>
      tpu.vector_store %arg11[%swap3A_1489], %swap3A_1492 {strides = array<i32>} : memref<128xf32, #tpu.memory_space<vmem>>, vector<16xf32>,
      %swap3A_1493 = arith.constant 80 : index
      %swap3A_1494 = tpu.vector_load %arg11[%swap3A_1493] {strides = array<i32>} : memref<128xf32, #tpu.memory_space<vmem>>, vector<16xf32>,
      %swap3A_1495 = vector.shape_cast %swap3A_1494 : vector<16xf32> to vector<16xf32>
      %swap3A_1496 = vector.shape_cast %scan3A_1462#5 : vector<16xf32> to vector<16xf32>
      tpu.vector_store %arg11[%swap3A_1493], %swap3A_1496 {strides = array<i32>} : memref<128xf32, #tpu.memory_space<vmem>>, vector<16xf32>,
      %swap3A_1497 = arith.constant 96 : index
      %swap3A_1498 = tpu.vector_load %arg11[%swap3A_1497] {strides = array<i32>} : memref<128xf32, #tpu.memory_space<vmem>>, vector<16xf32>,
      %swap3A_1499 = vector.shape_cast %swap3A_1498 : vector<16xf32> to vector<16xf32>
      %swap3A_1500 = vector.shape_cast %scan3A_1462#6 : vector<16xf32> to vector<16xf32>
      tpu.vector_store %arg11[%swap3A_1497], %swap3A_1500 {strides = array<i32>} : memref<128xf32, #tpu.memory_space<vmem>>, vector<16xf32>,
      %swap3A_1501 = arith.constant 112 : index
      %swap3A_1502 = tpu.vector_load %arg11[%swap3A_1501] {strides = array<i32>} : memref<128xf32, #tpu.memory_space<vmem>>, vector<16xf32>,
      %swap3A_1503 = vector.shape_cast %swap3A_1502 : vector<16xf32> to vector<16xf32>
      %swap3A_1504 = vector.shape_cast %scan3A_1462#7 : vector<16xf32> to vector<16xf32>
      tpu.vector_store %arg11[%swap3A_1501], %swap3A_1504 {strides = array<i32>} : memref<128xf32, #tpu.memory_space<vmem>>, vector<16xf32>,
      %mul3A_1505 = arith.constant 128 : i32
      %mul3A_1506 = arith.muli %arg1, %mul3A_1505 : i32
      %add3A_1507 = arith.addi %mul3A_1506, %add3A_1467 : i32
      %dma_start3A_1508 = arith.constant 0 : i32
      %dma_start3A_1509 = tpu.memref_slice %arg12[%add3A_1507, %dma_start3A_1508] : memref<2048x128xf32, #tpu.memory_space<vmem_shared>> -> memref<1x128xf32, #tpu.memory_space<vmem_shared>>
      %dma_start3A_1510 = tpu.memref_squeeze %dma_start3A_1509 : memref<1x128xf32, #tpu.memory_space<vmem_shared>> -> memref<128xf32, #tpu.memory_space<vmem_shared>>
      %dma_start3A_1511 = arith.constant 0 : i32
      %dma_start3A_1512 = tpu.memref_slice %arg12[%add3A_1507, %dma_start3A_1511] : memref<2048x128xf32, #tpu.memory_space<vmem_shared>> -> memref<1x128xf32, #tpu.memory_space<vmem_shared>>
      %dma_start3A_1513 = tpu.memref_squeeze %dma_start3A_1512 : memref<1x128xf32, #tpu.memory_space<vmem_shared>> -> memref<128xf32, #tpu.memory_space<vmem_shared>>
      tpu.enqueue_dma source(%arg11 : memref<128xf32, #tpu.memory_space<vmem>>) target(%dma_start3A_1513 : memref<128xf32, #tpu.memory_space<vmem_shared>>) target_semaphore(%arg18 : memref<!tpu.dma_semaphore, #tpu.memory_space<semaphore_mem>>)
      %add3A_1514 = arith.constant 24 : i32
      %add3A_1515 = arith.addi %mul3A_62, %add3A_1514 : i32
      %add3A_1516 = arith.constant 5 : i32
      %add3A_1517 = arith.addi %add3A_1515, %add3A_1516 : i32
      %lt3A_1518 = arith.constant 200 : i32
      %lt3A_1519 = arith.cmpi slt, %add3A_1517, %lt3A_1518 : i32
      %convert_element_type3A_1520 = arith.extui %lt3A_1519 : i1 to i32
      %cond3A_1521 = arith.constant 0 : i32
      %cond3A_1522 = arith.cmpi ne, %convert_element_type3A_1520, %cond3A_1521 : i32
      scf.if %cond3A_1522 {
        %add3A_1523 = arith.constant 24 : i32
        %add3A_1524 = arith.addi %mul3A_62, %add3A_1523 : i32
        %add3A_1525 = arith.constant 5 : i32
        %add3A_1526 = arith.addi %add3A_1524, %add3A_1525 : i32
        %mul3A_1527 = arith.constant 128 : i32
        %mul3A_1528 = arith.muli %add3A_1526, %mul3A_1527 : i32
        %dma_start3A_1529 = tpu.memref_slice %arg5[%mul3A_1528] : memref<25600xi32, #tpu.memory_space<vmem>> -> memref<128xi32, #tpu.memory_space<vmem>>
        %dma_start3A_1530 = arith.constant 0 : i32
        %dma_start3A_1531 = arith.constant 0 : i32
        %dma_start3A_1532 = tpu.memref_slice %arg3[%dma_start3A_1530, %dma_start3A_1531] : memref<1000000x128xf32, #tpu.memory_space<hbm>> -> memref<1000000x128xf32, #tpu.memory_space<hbm>>
        tpu.enqueue_indirect_dma source(%dma_start3A_1532 : memref<1000000x128xf32, #tpu.memory_space<hbm>>) target(%arg10 : memref<128x128xf32, #tpu.memory_space<vmem>>) offsets(%dma_start3A_1529 : memref<128xi32, #tpu.memory_space<vmem>>) semaphore(%arg17 : memref<!tpu.dma_semaphore, #tpu.memory_space<semaphore_mem>>)
      } else {
      }
    }
    %scan3A_45 = arith.constant 8 : i32
    %dma_wait3A = arith.constant 0 : i32
    %dma_wait3A_46 = arith.constant 0 : i32
    %dma_wait3A_47 = tpu.memref_slice %arg12[%dma_wait3A, %dma_wait3A_46] : memref<2048x128xf32, #tpu.memory_space<vmem_shared>> -> memref<1x128xf32, #tpu.memory_space<vmem_shared>>
    %dma_wait3A_48 = tpu.memref_squeeze %dma_wait3A_47 : memref<1x128xf32, #tpu.memory_space<vmem_shared>> -> memref<128xf32, #tpu.memory_space<vmem_shared>>
    %dma_wait3A_49 = arith.constant 0 : i32
    %dma_wait3A_50 = tpu.memref_slice %arg12[%dma_wait3A, %dma_wait3A_49] : memref<2048x128xf32, #tpu.memory_space<vmem_shared>> -> memref<1x128xf32, #tpu.memory_space<vmem_shared>>
    %dma_wait3A_51 = tpu.memref_squeeze %dma_wait3A_50 : memref<1x128xf32, #tpu.memory_space<vmem_shared>> -> memref<128xf32, #tpu.memory_space<vmem_shared>>
    tpu.wait_dma2 semaphore(%arg18 : memref<!tpu.dma_semaphore, #tpu.memory_space<semaphore_mem>>) src(%arg11 : memref<128xf32, #tpu.memory_space<vmem>>) dst(%dma_wait3A_51 : memref<128xf32, #tpu.memory_space<vmem_shared>>)
    %mul3A_52 = arith.constant 128 : i32
    %mul3A_53 = arith.muli %arg1, %mul3A_52 : i32
    %mul3A_54 = arith.constant 128 : i32
    %mul3A_55 = arith.muli %add3A, %mul3A_54 : i32
    "tpu.region"() ({
      %run_scoped3A = tpu.sem_alloc : memref<!tpu.dma_semaphore, #tpu.memory_space<semaphore_mem>>
      %dma_start3A_56 = arith.constant 0 : i32
      %dma_start3A_57 = tpu.memref_slice %arg4[%mul3A_55, %dma_start3A_56] : memref<4096x128xf32, #tpu.memory_space<hbm>> -> memref<128x128xf32, #tpu.memory_space<hbm>>
      %dma_start3A_58 = arith.constant 0 : i32
      %dma_start3A_59 = tpu.memref_slice %arg12[%mul3A_53, %dma_start3A_58] : memref<2048x128xf32, #tpu.memory_space<vmem_shared>> -> memref<128x128xf32, #tpu.memory_space<vmem_shared>>
      tpu.enqueue_dma source(%dma_start3A_59 : memref<128x128xf32, #tpu.memory_space<vmem_shared>>) target(%dma_start3A_57 : memref<128x128xf32, #tpu.memory_space<hbm>>) target_semaphore(%run_scoped3A : memref<!tpu.dma_semaphore, #tpu.memory_space<semaphore_mem>>)
      %dma_wait3A_60 = arith.constant 0 : i32
      %dma_wait3A_61 = tpu.memref_slice %arg4[%mul3A_55, %dma_wait3A_60] : memref<4096x128xf32, #tpu.memory_space<hbm>> -> memref<128x128xf32, #tpu.memory_space<hbm>>
      %dma_wait3A_62 = arith.constant 0 : i32
      %dma_wait3A_63 = tpu.memref_slice %arg12[%mul3A_53, %dma_wait3A_62] : memref<2048x128xf32, #tpu.memory_space<vmem_shared>> -> memref<128x128xf32, #tpu.memory_space<vmem_shared>>
      tpu.wait_dma2 semaphore(%run_scoped3A : memref<!tpu.dma_semaphore, #tpu.memory_space<semaphore_mem>>) src(%dma_wait3A_63 : memref<128x128xf32, #tpu.memory_space<vmem_shared>>) dst(%dma_wait3A_61 : memref<128x128xf32, #tpu.memory_space<hbm>>)
      tpu.yield
    }) : () -> ()
    return
  }
}

module attributes {stable_mosaic.version = 14 : i64} {
  func.func @body(%arg0: i32, %arg1: memref<1024x128xf32, #tpu.memory_space<vmem>>, %arg2: memref<128x64xf32, #tpu.memory_space<vmem>>, %arg3: memref<1x64xf32, #tpu.memory_space<vmem>>, %arg4: memref<1024x64xf32, #tpu.memory_space<vmem>>) attributes {dimension_semantics = [#tpu.dimension_semantics<arbitrary>], iteration_bounds = array<i64: 4>, scalar_prefetch = 0 : i64, scratch_operands = 0 : i64, tpu.core_type = #tpu.core_type<tc>, window_params = [{transform_indices = @transform_0, window_bounds = array<i64: 1024, 128>}, {pipeline_mode = #tpu.pipeline_mode<synchronous>, transform_indices = @transform_1, window_bounds = array<i64: 128, 64>}, {pipeline_mode = #tpu.pipeline_mode<synchronous>, transform_indices = @transform_2, window_bounds = array<i64: 1, 64>}, {transform_indices = @transform_3, window_bounds = array<i64: 1024, 64>}]} {
    %get3A = arith.constant 0 : index
    %get3A_0 = arith.constant 0 : index
    %get3A_1 = vector.load %arg1[%get3A, %get3A_0] : memref<1024x128xf32, #tpu.memory_space<vmem>>, vector<1024x128xf32>
    %get3A_2 = arith.constant 0 : index
    %get3A_3 = arith.constant 0 : index
    %get3A_4 = vector.load %arg2[%get3A_2, %get3A_3] : memref<128x64xf32, #tpu.memory_space<vmem>>, vector<128x64xf32>
    %dot_general3A = arith.constant dense<0.000000e+00> : vector<1024x64xf32>
    %dot_general3A_5 = tpu.matmul %get3A_1, %get3A_4, %dot_general3A {dimension_numbers = #tpu.dot_dimension_numbers<[1], [0], [0], [1], [0, 0, 1, 1], [], []>, transpose_lhs_hint = false} : vector<1024x128xf32>, vector<128x64xf32>, vector<1024x64xf32> -> vector<1024x64xf32>
    %get3A_6 = arith.constant 0 : index
    %get3A_7 = arith.constant 0 : index
    %get3A_8 = vector.load %arg3[%get3A_6, %get3A_7] : memref<1x64xf32, #tpu.memory_space<vmem>>, vector<1x64xf32>
    %add3A = vector.broadcast %get3A_8 : vector<1x64xf32> to vector<1024x64xf32>
    %add3A_9 = arith.addf %dot_general3A_5, %add3A : vector<1024x64xf32>
    %swap3A = arith.constant 0 : index
    %swap3A_10 = arith.constant 0 : index
    %swap3A_11 = vector.load %arg4[%swap3A, %swap3A_10] : memref<1024x64xf32, #tpu.memory_space<vmem>>, vector<1024x64xf32>
    tpu.vector_store %arg4[%swap3A, %swap3A_10], %add3A_9 {strides = array<i32>} : memref<1024x64xf32, #tpu.memory_space<vmem>>, vector<1024x64xf32>,
    return
  }
  func.func @transform_0(%arg0: i32) -> (i32, i32) {
    %c0_i32 = arith.constant 0 : i32
    %c0_i32_0 = arith.constant 0 : i32
    return %arg0, %c0_i32 : i32, i32
  }
  func.func @transform_1(%arg0: i32) -> (i32, i32) {
    %c0_i32 = arith.constant 0 : i32
    %c0_i32_0 = arith.constant 0 : i32
    %c0_i32_1 = arith.constant 0 : i32
    return %c0_i32, %c0_i32_0 : i32, i32
  }
  func.func @transform_2(%arg0: i32) -> (i32, i32) {
    %c0_i32 = arith.constant 0 : i32
    %c0_i32_0 = arith.constant 0 : i32
    %c0_i32_1 = arith.constant 0 : i32
    return %c0_i32, %c0_i32_0 : i32, i32
  }
  func.func @transform_3(%arg0: i32) -> (i32, i32) {
    %c0_i32 = arith.constant 0 : i32
    %c0_i32_0 = arith.constant 0 : i32
    return %arg0, %c0_i32 : i32, i32
  }
}

</mosaic_0001>

<sc_bundles>
// kernel: kernel.4.cloned.1.call-start
scs
__scs_entry_jumppad:
0x0: {  	(pc) =	sbr.rel $0x88, $3  }
0x1: {  	(tag) =	ssettag $0x0;
	lr =	simm.s32 $0x1  }
0x2: {  	[smem:$0x3F9D] =	sst lr;
	_ =	strace $0xD0000000  }
0x3: {  	_ = 	snop  }
0x4: {  	_ = 	snop  }
0x5: {  	_ = 	snop  }
0x6: {  	_ = 	snop  }
0x7: {  	_ = 	snop  }
__scs_overlays_trampoline_lowered:
0x8: {  	[smem:$0x3FAC] =	sst s0  }
0x9: {  	[smem:$0x3FAD] =	sst s1  }
0xa: {  	[smem:$0x3FAE] =	sst s2  }
0xb: {  	[smem:$0x3FAF] =	sst s3  }
0xc: {  	[smem:$0x3FB0] =	sst s4  }
0xd: {  	[smem:$0x3FB1] =	sst s5  }
0xe: {  	[smem:$0x3FB2] =	sst s6  }
0xf: {  	[smem:$0x3FB3] =	sst s7  }
0x10: {  	[smem:$0x3FB4] =	sst s8  }
0x11: {  	[smem:$0x3FB5] =	sst s9;
	s0 =	simm.s32 @!p0 $0x0  }
0x12: {  	s1 =	sld [smem:$0x3F9B];
	s0 =	simm.s32 @p0 $0x1  }
0x13: {  	[smem:$0x3FB6] =	sst s0;
	s0 =	simm.s32 @!p1 $0x0  }
0x14: {  	s2 =	sld [smem:$0x3F9A];
	s0 =	simm.s32 @p1 $0x1  }
0x15: {  	[smem:$0x3FB7] =	sst s0;
	s0 =	simm.s32 @!p2 $0x0  }
0x16: {  	s3 =	sld [smem:$0x3FDB];
	s0 =	simm.s32 @p2 $0x1  }
0x17: {  	s4 =	simm.s32 $0x1BF5;
	[smem:$0x3FB9] =	sst s0  }
0x18: {  	s0 =	sld [smem:$0x3F9C];
	_ =	swait.ge [sflag:s4], $0x0  }
0x19: {  	s7 =	sld [smem:$0x3F9D]  }
0x1a: {  	s8 =	sadd.s32 $0xFFFFE003, lr  }
0x1b: {  	s9 =	sadd.s32 $0xFFFFFEF7, lr;
	s5 =	simm.s32 $0xFFFFFFFF;
	p2 =	slt.u32 s8, $0xFFFFF086  }
0x1c: {  	p1 =	slt.u32 s9, $0xF7A;
	s5 =	simm.s32 @!p2 $0x0  }
0x1d: {  	s5 =	simm.s32 @p1 $0x1;
	p0 =	seq.s32 s7, s2  }
0x1e: {  	s7 =	smul.u32 @!p0 $0xF7A, s2;
	p2 =	seq.s32 @!p0 s5, $0x0  }
0x1f: {  	s9 =	smul.u32 $0xF7A, s1;
	s8 =	simm.s32 @!p0 $0x1BF5;
	p2 =	por !p2, p0  }
0x20: {  	[sflag:s8] =	ssyncset.s32 @!p0 $0xFFFFF086;
	s6 =	sadd.s32 @!p0 s3, s7;
	s7 =	simm.s32 @!p0 $0x108  }
0x21: {  	s3 =	sadd.s32 s3, s9;
	s6 =	sadd.s32 @!p0 $0x88, s6;
	s7 =	simm.s32 @p2 $0x1082  }
0x22: {  	[simem:s7], [sflag:s8] =	dma.local @!p0 [hbm:s6], $0xF7A  }
0x23: {  	s9 =	sor.u32 $0xD0000000, s2;
	s6 =	simm.s32 $0x108;
	_ =	swait.ge @!p0 [sflag:s8], $0x0  }
0x24: {  	s3 =	sadd.s32 $0x88, s3;
	s6 =	simm.s32 @!p1 $0x1082;
	[sflag:s4] =	ssyncset.s32 $0xFFFFF086  }
0x25: {  	[simem:s6], [sflag:s4] =	dma.local [hbm:s3], $0xF7A  }
0x26: {  	[smem:$0x3F9D] =	sst s1;
	(tag) =	ssettag s2;
	_ =	strace s9  }
0x27: {  	s1 =	sld [smem:$0x3FAD]  }
0x28: {  	s2 =	sld [smem:$0x3FAE]  }
0x29: {  	s4 =	sld [smem:$0x3FB0]  }
0x2a: {  	p0 =	seq.s32 s5, $0x0;
	s5 =	sld [smem:$0x3FB1]  }
0x2b: {  	s6 =	sld [smem:$0x3FB2]  }
0x2c: {  	s7 =	sld [smem:$0x3FB3]  }
0x2d: {  	s3 =	simm.s32 $0x108;
	s8 =	sld [smem:$0x3FB4]  }
0x2e: {  	s3 =	simm.s32 @!p0 $0x1082;
	s9 =	sld [smem:$0x3FB5]  }
0x2f: {  	lr =	sadd.s32 s0, s3;
	s0 =	sld [smem:$0x3FAC]  }
0x30: {  	s3 =	sld [smem:$0x3FAF]  }
0x31: {  	[smem:$0x3FB8] =	sst s10  }
0x32: {  	s10 =	sld [smem:$0x3FB6];
	_ =	sdelay $0x3  }
0x33: {  	p0 =	seq.s32 s10, $0x1;
	s10 =	sld [smem:$0x3FB8];
	_ =	sdelay $0x3  }
0x34: {  	[smem:$0x3FB8] =	sst s10  }
0x35: {  	s10 =	sld [smem:$0x3FB7];
	_ =	sdelay $0x3  }
0x36: {  	p1 =	seq.s32 s10, $0x1;
	s10 =	sld [smem:$0x3FB8];
	_ =	sdelay $0x3  }
0x37: {  	[smem:$0x3FB8] =	sst s10  }
0x38: {  	s10 =	sld [smem:$0x3FB9]  }
0x39: {  	_ = 	snop;
	(pc) =	sbr.ind lr, $3  }
0x3a: {  	_ = 	snop  }
0x3b: {  	_ = 	snop  }
0x3c: {  	p2 =	seq.s32 s10, $0x1;
	s10 =	sld [smem:$0x3FB8]  }
0x3d: {  	_ =	shalt  }
0x3e: {  	_ =	shalt  }
0x3f: {  	_ =	shalt  }
0x40: {  	_ =	shalt  }
0x41: {  	_ =	shalt  }
0x42: {  	_ =	shalt  }
0x43: {  	_ =	shalt  }
0x44: {  	_ =	shalt  }
0x45: {  	_ =	shalt  }
0x46: {  	_ =	shalt  }
0x47: {  	_ =	shalt  }
0x48: {  	_ =	shalt  }
0x49: {  	_ =	shalt  }
0x4a: {  	_ =	shalt  }
0x4b: {  	_ =	shalt  }
0x4c: {  	_ =	shalt  }
0x4d: {  	_ =	shalt  }
0x4e: {  	_ =	shalt  }
0x4f: {  	_ =	shalt  }
0x50: {  	_ =	shalt  }
0x51: {  	_ =	shalt  }
0x52: {  	_ =	shalt  }
0x53: {  	_ =	shalt  }
0x54: {  	_ =	shalt  }
0x55: {  	_ =	shalt  }
0x56: {  	_ =	shalt  }
0x57: {  	_ =	shalt  }
0x58: {  	_ =	shalt  }
0x59: {  	_ =	shalt  }
0x5a: {  	_ =	shalt  }
0x5b: {  	_ =	shalt  }
0x5c: {  	_ =	shalt  }
0x5d: {  	_ =	shalt  }
0x5e: {  	_ =	shalt  }
0x5f: {  	_ =	shalt  }
0x60: {  	_ =	shalt  }
0x61: {  	_ =	shalt  }
0x62: {  	_ =	shalt  }
0x63: {  	_ =	shalt  }
0x64: {  	_ =	shalt  }
0x65: {  	_ =	shalt  }
0x66: {  	_ =	shalt  }
0x67: {  	_ =	shalt  }
0x68: {  	_ =	shalt  }
0x69: {  	_ =	shalt  }
0x6a: {  	_ =	shalt  }
0x6b: {  	_ =	shalt  }
0x6c: {  	_ =	shalt  }
0x6d: {  	_ =	shalt  }
0x6e: {  	_ =	shalt  }
0x6f: {  	_ =	shalt  }
0x70: {  	_ =	shalt  }
0x71: {  	_ =	shalt  }
0x72: {  	_ =	shalt  }
0x73: {  	_ =	shalt  }
0x74: {  	_ =	shalt  }
0x75: {  	_ =	shalt  }
0x76: {  	_ =	shalt  }
0x77: {  	_ =	shalt  }
0x78: {  	_ =	shalt  }
0x79: {  	_ =	shalt  }
0x7a: {  	_ =	shalt  }
0x7b: {  	_ =	shalt  }
0x7c: {  	_ =	shalt  }
0x7d: {  	_ =	shalt  }
0x7e: {  	_ =	shalt  }
0x7f: {  	_ =	shalt  }
0x80: {  	_ =	shalt  }
0x81: {  	_ =	shalt  }
0x82: {  	_ =	shalt  }
0x83: {  	_ =	shalt  }
0x84: {  	_ =	shalt  }
0x85: {  	_ =	shalt  }
0x86: {  	_ =	shalt  }
0x87: {  	_ =	shalt  }
.Lfunc_end0:
.L_simem_size_0:
called_computation_lowered:
.L_overlay_start_0:
0x88: {  	s2 =	sld [smem:$0x3FD9]  }
0x89: {  	s3 =	sld [smem:$0x3FFE];
	_ =	sdelay $0x1  }
0x8a: {  	s1 =	srdreg.scid  }
0x8b: {  	s0 =	sand.u32 $0x1, s1  }
0x8c: {  	s17 =	sshll.u32 s0, $0xA;
	s2 =	sadd.s32 s3, s2  }
0x8d: {  	s2 =	sadd.s32 s2, s17  }
0x8e: {  	[smem:$0x3FC4] =	sst s2  }
0x8f: {  	_ = 	snop  }
0x90: {  	s2 =	sld [smem:$0x3FC8];
	(tm) =	ssettm $0x1  }
0x91: {  	s18 =	sld [smem:$0x3FFB];
	_ =	sdelay $0x3  }
0x92: {  	_ =	strace s18  }
0x93: {  	s3 =	sld [smem:$0x3FFC];
	_ =	sdelay $0x3  }
0x94: {  	_ =	strace s3  }
0x95: {  	s3 =	sld [smem:$0x3FFD];
	_ =	sdelay $0x3  }
0x96: {  	_ =	strace s3  }
0x97: {  	_ =	strace $0x8FFFFFFF  }
0x98: {  	s19 =	sld [smem:$0x3FDB];
	_ =	sdelay $0x1  }
0x99: {  	s4 =	simm.s32 $_scs_section_size  }
0x9a: {  	s5 =	simm.s32 $_size__tile_overlayer_lowered;
	s6 =	simm.s32 $_tile_overlayer_lowered  }
0x9b: {  	s22 =	simm.s32 $0x1BFF;
	s21 =	sshll.u32 s6, $0x1;
	s3 =	sadd.s32 s4, s19  }
0x9c: {  	s7 =	simm.s32 $0x0;
	s20 =	sshll.u32 s5, $0x1;
	s5 =	sadd.s32 s21, s3  }
0x9d: {  	[timem:s7], [sflag:s22] =	dma.local [hbm:s5], s20  }
0x9e: {  	_ =	swait.ge [sflag:s22], s20  }
0x9f: {  	s4 =	ssub.s32 $0x0, s20;
	[sflag:s22] =	ssyncset.done $0x0  }
0xa0: {  	[sflag:s22] =	ssyncadd.s32 s4;
	_ =	sdelay $0x1  }
0xa1: {  	s23 =	simm.s32 $0x1B8B  }
0xa2: {  	_ =	swait.ge [sflag:s23], $0x1  }
0xa3: {  	[sflag:s23] =	ssyncset.done $0x0  }
0xa4: {  	s25 =	simm.s32 $0x1B8E;
	s24 =	sld [smem:$0x3FFE];
	[sflag:s23] =	ssyncadd.s32 $0xFFFFFFFF  }
0xa5: {  	s26 =	simm.s32 $execute0_lowered;
	[smem:$0x3FD2] =	sst s25  }
0xa6: {  	s5 =	sshll.u32 s26, $0x1;
	_ =	strace $0x80000046;
	[dreg:$0x1] =	wrdreg $0xFFFFFFFF  }
0xa7: {  	s28 =	simm.s32 $_size_execute0_lowered;
	s3 =	sadd.s32 s3, s5;
	[dreg:$0x0] =	wrdreg $0x0  }
0xa8: {  	s5 =	sshll.u32 s28, $0x1;
	[dreg:$0x2] =	wrdreg s3  }
0xa9: {  	[dreg:$0x3] =	wrdreg s5  }
0xaa: {  	[dreg:$0x4] =	wrdreg $0xC0  }
0xab: {  	_ =	task [dreg:s7], $0x5FFFF  }
0xac: {  	[dreg:$0x1] =	wrdreg $0xFFFFFFFF  }
0xad: {  	[dreg:$0x0] =	wrdreg $0x60  }
0xae: {  	[dreg:$0x2] =	wrdreg s24  }
0xaf: {  	[dreg:$0x3] =	wrdreg s2  }
0xb0: {  	[dreg:$0x4] =	wrdreg $0x1A4800  }
0xb1: {  	[dreg:$0x5] =	wrdreg $0x9  }
0xb2: {  	_ =	task.clear_ibuf [dreg:s7], $0x6FFFF;
	_ =	strace $0x90000046  }
0xb3: {  	s29 =	simm.s32 $0x9;
	_ =	strace $0x80000048  }
0xb4: {  	_ =	swait.ge [sflag:s29], $0x1  }
0xb5: {  	[sflag:s29] =	ssyncadd.s32 $0xFFFFFFFF  }
0xb6: {  	_ =	strace $0x90000048  }
0xb7: {  	_ =	sfence  }
0xb8: {  	s30 =	sld [smem:$0x0];
	_ =	sdelay $0x2  }
0xb9: {  	s31 =	sshll.u32 s1, $0xD;
	s1 =	sshrl.u32 s1, $0x2  }
0xba: {  	s3 =	sand.u32 $0x4000, s31;
	s1 =	sadd.s32 s1, s30  }
0xbb: {  	s0 =	sor.u32 s3, s0;
	s1 =	sshll.u32 s1, $0x11  }
0xbc: {  	s0 =	sor.u32 s1, s0  }
0xbd: {  	s0 =	sadd.s32 $0x8F2B, s0  }
0xbe: {  	[sflag:s0] =	ssyncadd.remote.s32 $0x1  }
0xbf: {  	_ =	sfence.sel $0xFFFF  }
0xc0: {  	[dreg:$0x0] =	wrdreg $0xFFFFFFFF;
	(pc) =	sbr.abs _section_cstart, $3  }
0xc1: {  	[dreg:$0x1] =	wrdreg $0xFFFFFFFF  }
0xc2: {  	_ =	task.clear_ibuf [dreg:s7], $0x2FFFF;
	_ =	strace $0x9FFFFFFF  }
0xc3: {  	(tm) =	ssettm $0x7FFFFFFF  }
tec
execute0_lowered:
.L_overlay_start_1:
0x0: {  	(tag) =	ssettag $0x1  }
0x1: {  	s0 =	rddreg [dreg:$0x0]  }
0x2: {  	s1 =	srdreg.scid;
	s2 =	rddreg [dreg:$0x1]  }
0x3: {  	s3 =	rddreg [dreg:$0x2];
	s4 =	simm.s32 $0x0;
	s10 =	simm.s32 $0x80  }
0x4: {  	s11 =	simm.s32 $0x6400;
	s12 =	simm.s32 $0xA400;
	s14 =	simm.s32 $0xE400  }
0x5: {  	s16 =	simm.s32 $0x12400;
	s17 =	simm.s32 $0x200;
	s18 =	simm.s32 $0x16400  }
0x6: {  	s19 =	simm.s32 $0x1;
	s20 =	simm.s32 $0x2;
	s21 =	simm.s32 $0x1A400  }
0x7: {  	s22 =	simm.s32 $0x3;
	s23 =	simm.s32 $0x4;
	s24 =	simm.s32 $0x6  }
0x8: {  	s26 =	simm.s32 $0x5;
	s28 =	simm.s32 $0x0;
	s5 =	sand.u32 $0x1, s1  }
0x9: {  	s1 =	stileid.u32;
	[smem:$0x7FF] =	sst s4;
	s6 =	sshll.u32 s5, $0x4  }
0xa: {  	_ =	strace $0x80000047;
	s5 =	ssub.s32 $0x2, s5;
	s9 =	sshll.u32 s1, $0xE  }
.Ltmp0:
0xb: {  	s6 =	sor.u32 s1, s6;
	s8 =	sshrl.u32 s5, $0x1;
	(pc) =	sbr.rel .LBB2_1-.Ltmp0, $4  }
0xc: {  	s13 =	sadd.s32 s9, s3;
	s9 =	simm.s32 $0x7;
	s7 =	smul.u32 $0xC80, s6  }
0xd: {  	s6 =	sshll.u32 s6, $0xB;
	s8 =	ssub.s32 s5, s8;
	s25 =	sshrl.u32 s13, $0x3  }
0xe: {  	s8 =	smax.u32 s8, $0x1;
	s7 =	sadd.s32 s7, s0;
	s0 =	sadd.s32 s6, s0  }
0xf: {  	s6 =	sshll.u32 s1, $0x7;
	s5 =	sadd.s32 $0xA00, s7;
	s7 =	sadd.s32 $0x19A00, s0  }
.LBB2_80:
0x10: {  	_ =	swait.ge [sflag:s24], $0x80;
	s28 =	sadd.s32 $0x1, s28  }
0x11: {  	s0 =	sshll.u32 s1, $0x6;
	[sflag:s24] =	ssyncset.done $0x0;
	p0 =	sne.s32 s28, s8  }
.Ltmp1:
0x12: {  	s0 =	sor.u32 $0x1C07, s0;
	[sflag:s24] =	ssyncadd.s32 $0xFFFFFF80;
	(pc) =	sbr.rel @!p0 .LBB2_81-.Ltmp1, $4  }
0x13: {  	[hbm:s7], [sflag:s0] =	dma.local [spmem:s25], $0x800  }
0x14: {  	_ =	swait.ge [sflag:s9], $0x800  }
0x15: {  	[sflag:s9] =	ssyncset.done $0x0  }
0x16: {  	[sflag:s9] =	ssyncadd.s32 $0xFFFFF800  }
.LBB2_1:
0x17: {  	[tilespmem:s4], [sflag:$0x7] =	stream.linear.gather [hbm4b:s5+s4], $0x6400, $0x38;
	[tilespmem:$0x1E480] =	vst v63  }
0x18: {  	_ =	swait.ge [sflag:s9], $0x6400  }
0x19: {  	[sflag:s9] =	ssyncset.done $0x0  }
0x1a: {  	[sflag:s9] =	ssyncadd.s32 $0xFFFF9C00  }
0x1b: {  	[tilespmem:s11], [sflag:$0x1] =	stream.indirect.gather [hbm4b:s2+s10], $0x80, s4, s10, $0xb8;
	[tilespmem:$0x1E480] =	vst v63  }
0x1c: {  	_ = 	snop  }
0x1d: {  	[tilespmem:s12], [sflag:$0x2] =	stream.indirect.gather [hbm4b:s2+s10], $0x80, s10, s10, $0xb8;
	[tilespmem:$0x1E480] =	vst v63  }
0x1e: {  	s0 =	simm.s32 $0x100  }
0x1f: {  	[tilespmem:s14], [sflag:$0x3] =	stream.indirect.gather [hbm4b:s2+s10], $0x80, s0, s10, $0xb8;
	[tilespmem:$0x1E480] =	vst v63  }
0x20: {  	s31 =	simm.s32 $0x180  }
0x21: {  	[tilespmem:s16], [sflag:$0x4] =	stream.indirect.gather [hbm4b:s2+s10], $0x80, s31, s10, $0xb8;
	[tilespmem:$0x1E480] =	vst v63  }
0x22: {  	s29 =	simm.s32 $0x0  }
0x23: {  	[tilespmem:s18], [sflag:$0x5] =	stream.indirect.gather [hbm4b:s2+s10], $0x80, s17, s10, $0xb8;
	[tilespmem:$0x1E480] =	vst v63  }
.LBB2_2:
0x24: {  	_ =	swait.ge [sflag:s19], $0x4000  }
0x25: {  	[sflag:s19] =	ssyncset.done $0x0  }
0x26: {  	s13 =	simm.s32 $0x0;
	[sflag:s19] =	ssyncadd.s32 $0xFFFFC000  }
0x27: {  	v0 =	vld [tilespmem:s13+$0x6470]  }
0x28: {  	v2 =	vld [tilespmem:s13+$0x6400]  }
0x29: {  	v4 =	vld [tilespmem:s13+$0x6410]  }
0x2a: {  	v5 =	vld [tilespmem:s13+$0x6420]  }
0x2b: {  	v8 =	vld [tilespmem:s13+$0x6430]  }
0x2c: {  	v3 =	vimm.f32 $0.0e+00;
	v9 =	vimm.f32 $0.0e+00;
	v6 =	vld [tilespmem:s13+$0x6440]  }
0x2d: {  	v10 =	vimm.f32 $0.0e+00;
	v7 =	vimm.f32 $0.0e+00;
	v11 =	vld [tilespmem:s13+$0x6450];
	v1 =	vadd.f32 v0, v3  }
0x2e: {  	s31 =	simm.s32 $0x80;
	s0 =	simm.s32 $0x400;
	v12 =	vld [tilespmem:s13+$0x6460];
	v0 =	vadd.f32 v2, v3;
	v2 =	vadd.f32 v4, v3;
	v4 =	vimm.f32 $0.0e+00  }
.LBB2_3:
0x2f: {  	p0 =	sne.s32 s0, $0xFE00;
	v13 =	vld [tilespmem:s31+$0x6470];
	v3 =	vadd.f32 v5, v3  }
0x30: {  	v14 =	vld [tilespmem:s31+$0x6400];
	v4 =	vadd.f32 v8, v4  }
0x31: {  	v15 =	vld [tilespmem:s31+$0x6410];
	v9 =	vadd.f32 v6, v9  }
.Ltmp2:
0x32: {  	v5 =	vld [tilespmem:s31+$0x6420];
	v10 =	vadd.f32 v11, v10;
	(pc) =	sbr.rel @p0 .LBB2_3-.Ltmp2, $4  }
0x33: {  	v8 =	vld [tilespmem:s31+$0x6430];
	v7 =	vadd.f32 v12, v7  }
0x34: {  	v6 =	vld [tilespmem:s31+$0x6440];
	v1 =	vadd.f32 v13, v1  }
0x35: {  	v0 =	vadd.f32 v14, v0;
	v11 =	vld [tilespmem:s31+$0x6450]  }
0x36: {  	v2 =	vadd.f32 v15, v2;
	v12 =	vld [tilespmem:s31+$0x6460];
	s31 =	sshra.s32 s0, $0x2;
	s0 =	sadd.s32 $0x200, s0  }
0x37: {  	v13 =	vld [tilespmem:s31+$0x6470]  }
0x38: {  	v14 =	vld [tilespmem:s31+$0x6400]  }
0x39: {  	v15 =	vld [tilespmem:s31+$0x6410]  }
0x3a: {  	v16 =	vld [tilespmem:s31+$0x6420];
	s0 =	smul.u32 $0x3200, s29  }
0x3b: {  	v17 =	vld [tilespmem:s31+$0x6430]  }
0x3c: {  	v18 =	vld [tilespmem:s31+$0x6440];
	s30 =	sshra.s32 s0, $0x2  }
0x3d: {  	v19 =	vld [tilespmem:s31+$0x6450];
	s0 =	sadd.s32 $0x280, s30  }
0x3e: {  	v20 =	vld [tilespmem:s31+$0x6460];
	[tilespmem:s11], [sflag:$0x1] =	stream.indirect.gather [hbm4b:s2+s10], $0x80, s0, s10, $0xb8  }
0x3f: {  	_ =	swait.ge [sflag:s20], $0x4000  }
0x40: {  	[sflag:s20] =	ssyncset.done $0x0  }
0x41: {  	s15 =	simm.s32 $0x0;
	[sflag:s20] =	ssyncadd.s32 $0xFFFFC000  }
0x42: {  	v3 =	vadd.f32 v5, v3;
	v4 =	vadd.f32 v8, v4;
	v21 =	vld [tilespmem:s15+$0xA470]  }
0x43: {  	v8 =	vadd.f32 v6, v9;
	v9 =	vadd.f32 v11, v10;
	v10 =	vld [tilespmem:s15+$0xA400]  }
0x44: {  	v11 =	vadd.f32 v12, v7;
	v12 =	vadd.f32 v13, v1;
	v13 =	vld [tilespmem:s15+$0xA410]  }
0x45: {  	v14 =	vadd.f32 v14, v0;
	v15 =	vadd.f32 v15, v2;
	v6 =	vld [tilespmem:s15+$0xA420]  }
0x46: {  	v5 =	vadd.f32 v16, v3;
	v4 =	vadd.f32 v17, v4;
	v7 =	vld [tilespmem:s15+$0xA430]  }
0x47: {  	v3 =	vadd.f32 v18, v8;
	v2 =	vadd.f32 v19, v9;
	v8 =	vld [tilespmem:s15+$0xA440]  }
0x48: {  	v1 =	vadd.f32 v20, v11;
	v9 =	vld [tilespmem:s15+$0xA450];
	v0 =	vadd.f32 v21, v12  }
0x49: {  	s13 =	simm.s32 $0x400;
	s0 =	simm.s32 $0x80;
	v10 =	vadd.f32 v10, v14;
	v11 =	vadd.f32 v13, v15;
	v12 =	vld [tilespmem:s15+$0xA460]  }
.LBB2_5:
0x4a: {  	p0 =	sne.s32 s13, $0x8E00;
	v13 =	vld [tilespmem:s0+$0xA470];
	v5 =	vadd.f32 v6, v5  }
0x4b: {  	v14 =	vld [tilespmem:s0+$0xA400];
	v4 =	vadd.f32 v7, v4  }
0x4c: {  	v15 =	vld [tilespmem:s0+$0xA410];
	v3 =	vadd.f32 v8, v3  }
.Ltmp3:
0x4d: {  	v6 =	vld [tilespmem:s0+$0xA420];
	v2 =	vadd.f32 v9, v2;
	(pc) =	sbr.rel @p0 .LBB2_5-.Ltmp3, $4  }
0x4e: {  	v7 =	vld [tilespmem:s0+$0xA430];
	v1 =	vadd.f32 v12, v1  }
0x4f: {  	v8 =	vld [tilespmem:s0+$0xA440];
	v0 =	vadd.f32 v13, v0  }
0x50: {  	v10 =	vadd.f32 v14, v10;
	v9 =	vld [tilespmem:s0+$0xA450]  }
0x51: {  	v11 =	vadd.f32 v15, v11;
	v12 =	vld [tilespmem:s0+$0xA460];
	s0 =	sshra.s32 s13, $0x2;
	s13 =	sadd.s32 $0x200, s13  }
0x52: {  	v13 =	vld [tilespmem:s0+$0xA470]  }
0x53: {  	v14 =	vld [tilespmem:s0+$0xA400]  }
0x54: {  	v15 =	vld [tilespmem:s0+$0xA410]  }
0x55: {  	v16 =	vld [tilespmem:s0+$0xA420]  }
0x56: {  	v17 =	vld [tilespmem:s0+$0xA430]  }
0x57: {  	v18 =	vld [tilespmem:s0+$0xA440]  }
0x58: {  	v19 =	vld [tilespmem:s0+$0xA450];
	p0 =	seq.s32 s29, $0x0  }
0x59: {  	v20 =	vld [tilespmem:s0+$0xA460];
	s0 =	simm.s32 @!p0 $0x6  }
0x5a: {  	_ =	swait.ge @!p0 [sflag:s0], $0x80  }
0x5b: {  	v5 =	vadd.f32 v6, v5;
	[sflag:s0] =	ssyncset.done @!p0 $0x0;
	v6 =	vadd.f32 v14, v10  }
0x5c: {  	v4 =	vadd.f32 v7, v4;
	[sflag:s0] =	ssyncadd.s32 @!p0 $0xFFFFFF80;
	v7 =	vadd.f32 v15, v11  }
0x5d: {  	v3 =	vadd.f32 v8, v3;
	v5 =	vadd.f32 v16, v5;
	[tilespmem:$0x1A400] =	vst v6  }
0x5e: {  	v2 =	vadd.f32 v9, v2;
	v4 =	vadd.f32 v17, v4;
	[tilespmem:$0x1A410] =	vst v7  }
0x5f: {  	v3 =	vadd.f32 v18, v3;
	[tilespmem:$0x1A420] =	vst v5  }
0x60: {  	s31 =	sshll.u32 s29, $0x4;
	v1 =	vadd.f32 v12, v1;
	v2 =	vadd.f32 v19, v2;
	[tilespmem:$0x1A430] =	vst v4  }
0x61: {  	s15 =	sadd.s32 s6, s31;
	v0 =	vadd.f32 v13, v0;
	[tilespmem:$0x1A440] =	vst v3  }
0x62: {  	s0 =	sshll.u32 s15, $0x7;
	v1 =	vadd.f32 v20, v1;
	[tilespmem:$0x1A450] =	vst v2  }
0x63: {  	s0 =	sand.u32 $0x3FFFFF80, s0;
	[tilespmem:$0x1A470] =	vst v0  }
0x64: {  	s15 =	simm.s32 $0x0;
	s0 =	sadd.s32 s0, s3;
	[tilespmem:$0x1A460] =	vst v1  }
0x65: {  	[spmem:s0] =	stream.linear.scatter [tilespmem:s21], [sflag:$0x6], $0x80, $0x38;
	[tilespmem:$0x1E480] =	vst v63  }
0x66: {  	v0 =	vld [tilespmem:s15+$0xC870]  }
0x67: {  	v2 =	vld [tilespmem:s15+$0xC800]  }
0x68: {  	v4 =	vld [tilespmem:s15+$0xC810]  }
0x69: {  	v5 =	vld [tilespmem:s15+$0xC820]  }
0x6a: {  	v8 =	vld [tilespmem:s15+$0xC830]  }
0x6b: {  	v9 =	vimm.f32 $0.0e+00;
	v3 =	vimm.f32 $0.0e+00;
	v6 =	vld [tilespmem:s15+$0xC840]  }
0x6c: {  	v10 =	vimm.f32 $0.0e+00;
	v7 =	vimm.f32 $0.0e+00;
	v11 =	vld [tilespmem:s15+$0xC850];
	v1 =	vadd.f32 v0, v3  }
0x6d: {  	s13 =	simm.s32 $0x400;
	s0 =	simm.s32 $0x80;
	v12 =	vld [tilespmem:s15+$0xC860];
	v0 =	vadd.f32 v2, v3;
	v2 =	vadd.f32 v4, v3;
	v4 =	vimm.f32 $0.0e+00  }
.LBB2_7:
0x6e: {  	p0 =	sne.s32 s13, $0x6E00;
	v13 =	vld [tilespmem:s0+$0xC870];
	v3 =	vadd.f32 v5, v3  }
0x6f: {  	v14 =	vld [tilespmem:s0+$0xC800];
	v4 =	vadd.f32 v8, v4  }
0x70: {  	v15 =	vld [tilespmem:s0+$0xC810];
	v9 =	vadd.f32 v6, v9  }
.Ltmp4:
0x71: {  	v5 =	vld [tilespmem:s0+$0xC820];
	v10 =	vadd.f32 v11, v10;
	(pc) =	sbr.rel @p0 .LBB2_7-.Ltmp4, $4  }
0x72: {  	v8 =	vld [tilespmem:s0+$0xC830];
	v7 =	vadd.f32 v12, v7  }
0x73: {  	v6 =	vld [tilespmem:s0+$0xC840];
	v1 =	vadd.f32 v13, v1  }
0x74: {  	v0 =	vadd.f32 v14, v0;
	v11 =	vld [tilespmem:s0+$0xC850]  }
0x75: {  	v2 =	vadd.f32 v15, v2;
	v12 =	vld [tilespmem:s0+$0xC860];
	s0 =	sshra.s32 s13, $0x2;
	s13 =	sadd.s32 $0x200, s13  }
0x76: {  	v13 =	vld [tilespmem:s0+$0xC870]  }
0x77: {  	v14 =	vld [tilespmem:s0+$0xC800]  }
0x78: {  	v15 =	vld [tilespmem:s0+$0xC810]  }
0x79: {  	v16 =	vld [tilespmem:s0+$0xC820]  }
0x7a: {  	v17 =	vld [tilespmem:s0+$0xC830]  }
0x7b: {  	v18 =	vld [tilespmem:s0+$0xC840]  }
0x7c: {  	v19 =	vld [tilespmem:s0+$0xC850];
	s15 =	sadd.s32 $0x300, s30  }
0x7d: {  	v20 =	vld [tilespmem:s0+$0xC860];
	[tilespmem:s12], [sflag:$0x2] =	stream.indirect.gather [hbm4b:s2+s10], $0x80, s15, s10, $0xb8  }
0x7e: {  	_ =	swait.ge [sflag:s22], $0x4000  }
0x7f: {  	[sflag:s22] =	ssyncset.done $0x0  }
0x80: {  	s15 =	simm.s32 $0x0;
	[sflag:s22] =	ssyncadd.s32 $0xFFFFC000  }
0x81: {  	v3 =	vadd.f32 v5, v3;
	v4 =	vadd.f32 v8, v4;
	v5 =	vld [tilespmem:s15+$0xE470]  }
0x82: {  	v6 =	vadd.f32 v6, v9;
	v10 =	vadd.f32 v11, v10;
	v21 =	vld [tilespmem:s15+$0xE400]  }
0x83: {  	v7 =	vadd.f32 v12, v7;
	v11 =	vadd.f32 v13, v1;
	v12 =	vld [tilespmem:s15+$0xE410]  }
0x84: {  	v13 =	vadd.f32 v14, v0;
	v14 =	vadd.f32 v15, v2;
	v8 =	vld [tilespmem:s15+$0xE420]  }
0x85: {  	v0 =	vadd.f32 v16, v3;
	v1 =	vadd.f32 v17, v4;
	v9 =	vld [tilespmem:s15+$0xE430]  }
0x86: {  	v2 =	vadd.f32 v18, v6;
	v3 =	vadd.f32 v19, v10;
	v10 =	vld [tilespmem:s15+$0xE440]  }
0x87: {  	v4 =	vadd.f32 v20, v7;
	v5 =	vadd.f32 v5, v11;
	v11 =	vld [tilespmem:s15+$0xE450]  }
0x88: {  	s0 =	simm.s32 $0x80;
	s13 =	simm.s32 $0x400;
	v6 =	vadd.f32 v21, v13;
	v7 =	vadd.f32 v12, v14;
	v12 =	vld [tilespmem:s15+$0xE460]  }
.LBB2_9:
0x89: {  	p0 =	sne.s32 s13, $0xFE00;
	v13 =	vld [tilespmem:s0+$0xE470];
	v0 =	vadd.f32 v8, v0  }
0x8a: {  	v14 =	vld [tilespmem:s0+$0xE400];
	v1 =	vadd.f32 v9, v1  }
0x8b: {  	v15 =	vld [tilespmem:s0+$0xE410];
	v2 =	vadd.f32 v10, v2  }
.Ltmp5:
0x8c: {  	v8 =	vld [tilespmem:s0+$0xE420];
	v3 =	vadd.f32 v11, v3;
	(pc) =	sbr.rel @p0 .LBB2_9-.Ltmp5, $4  }
0x8d: {  	v9 =	vld [tilespmem:s0+$0xE430];
	v4 =	vadd.f32 v12, v4  }
0x8e: {  	v10 =	vld [tilespmem:s0+$0xE440];
	v5 =	vadd.f32 v13, v5  }
0x8f: {  	v6 =	vadd.f32 v14, v6;
	v11 =	vld [tilespmem:s0+$0xE450]  }
0x90: {  	v7 =	vadd.f32 v15, v7;
	v12 =	vld [tilespmem:s0+$0xE460];
	s0 =	sshra.s32 s13, $0x2;
	s13 =	sadd.s32 $0x200, s13  }
0x91: {  	v13 =	vld [tilespmem:s0+$0xE470]  }
0x92: {  	v14 =	vld [tilespmem:s0+$0xE400]  }
0x93: {  	v15 =	vld [tilespmem:s0+$0xE410]  }
0x94: {  	v16 =	vld [tilespmem:s0+$0xE420]  }
0x95: {  	v17 =	vld [tilespmem:s0+$0xE430]  }
0x96: {  	v18 =	vld [tilespmem:s0+$0xE440]  }
0x97: {  	v19 =	vld [tilespmem:s0+$0xE450];
	s15 =	sadd.s32 $0x380, s30  }
0x98: {  	v20 =	vld [tilespmem:s0+$0xE460];
	[tilespmem:s14], [sflag:$0x3] =	stream.indirect.gather [hbm4b:s2+s10], $0x80, s15, s10, $0xb8  }
0x99: {  	_ =	swait.ge [sflag:s23], $0x4000  }
0x9a: {  	[sflag:s23] =	ssyncset.done $0x0  }
0x9b: {  	s15 =	simm.s32 $0x0;
	[sflag:s23] =	ssyncadd.s32 $0xFFFFC000  }
0x9c: {  	v0 =	vadd.f32 v8, v0;
	v1 =	vadd.f32 v9, v1;
	v9 =	vld [tilespmem:s15+$0x12470]  }
0x9d: {  	v2 =	vadd.f32 v10, v2;
	v8 =	vadd.f32 v11, v3;
	v10 =	vld [tilespmem:s15+$0x12400]  }
0x9e: {  	v11 =	vadd.f32 v12, v4;
	v12 =	vadd.f32 v13, v5;
	v13 =	vld [tilespmem:s15+$0x12410]  }
0x9f: {  	v14 =	vadd.f32 v14, v6;
	v15 =	vadd.f32 v15, v7;
	v6 =	vld [tilespmem:s15+$0x12420]  }
0xa0: {  	v5 =	vadd.f32 v16, v0;
	v4 =	vadd.f32 v17, v1;
	v7 =	vld [tilespmem:s15+$0x12430]  }
0xa1: {  	v3 =	vadd.f32 v18, v2;
	v2 =	vadd.f32 v19, v8;
	v8 =	vld [tilespmem:s15+$0x12440]  }
0xa2: {  	v1 =	vadd.f32 v20, v11;
	v0 =	vadd.f32 v9, v12;
	v9 =	vld [tilespmem:s15+$0x12450]  }
0xa3: {  	s0 =	simm.s32 $0x80;
	s13 =	simm.s32 $0x400;
	v10 =	vadd.f32 v10, v14;
	v11 =	vadd.f32 v13, v15;
	v12 =	vld [tilespmem:s15+$0x12460]  }
.LBB2_11:
0xa4: {  	p0 =	sne.s32 s13, $0x1E00;
	v13 =	vld [tilespmem:s0+$0x12470];
	v5 =	vadd.f32 v6, v5  }
0xa5: {  	v14 =	vld [tilespmem:s0+$0x12400];
	v4 =	vadd.f32 v7, v4  }
0xa6: {  	v15 =	vld [tilespmem:s0+$0x12410];
	v3 =	vadd.f32 v8, v3  }
.Ltmp6:
0xa7: {  	v6 =	vld [tilespmem:s0+$0x12420];
	v2 =	vadd.f32 v9, v2;
	(pc) =	sbr.rel @p0 .LBB2_11-.Ltmp6, $4  }
0xa8: {  	v7 =	vld [tilespmem:s0+$0x12430];
	v1 =	vadd.f32 v12, v1  }
0xa9: {  	v8 =	vld [tilespmem:s0+$0x12440];
	v0 =	vadd.f32 v13, v0  }
0xaa: {  	v10 =	vadd.f32 v14, v10;
	v9 =	vld [tilespmem:s0+$0x12450]  }
0xab: {  	v11 =	vadd.f32 v15, v11;
	v12 =	vld [tilespmem:s0+$0x12460];
	s0 =	sshra.s32 s13, $0x2;
	s13 =	sadd.s32 $0x200, s13  }
0xac: {  	v13 =	vld [tilespmem:s0+$0x12470]  }
0xad: {  	v14 =	vld [tilespmem:s0+$0x12400]  }
0xae: {  	v15 =	vld [tilespmem:s0+$0x12410]  }
0xaf: {  	v16 =	vld [tilespmem:s0+$0x12420]  }
0xb0: {  	v17 =	vld [tilespmem:s0+$0x12430]  }
0xb1: {  	v18 =	vld [tilespmem:s0+$0x12440]  }
0xb2: {  	v19 =	vld [tilespmem:s0+$0x12450]  }
0xb3: {  	v20 =	vld [tilespmem:s0+$0x12460];
	_ =	swait.ge [sflag:s24], $0x80  }
0xb4: {  	v5 =	vadd.f32 v6, v5;
	[sflag:s24] =	ssyncset.done $0x0;
	v6 =	vadd.f32 v14, v10  }
0xb5: {  	v4 =	vadd.f32 v7, v4;
	[sflag:s24] =	ssyncadd.s32 $0xFFFFFF80;
	v7 =	vadd.f32 v15, v11  }
0xb6: {  	v3 =	vadd.f32 v8, v3;
	v5 =	vadd.f32 v16, v5;
	[tilespmem:$0x1A400] =	vst v6  }
0xb7: {  	v2 =	vadd.f32 v9, v2;
	v4 =	vadd.f32 v17, v4;
	[tilespmem:$0x1A410] =	vst v7  }
0xb8: {  	v3 =	vadd.f32 v18, v3;
	[tilespmem:$0x1A420] =	vst v5  }
0xb9: {  	s15 =	sadd.s32 s31, s6;
	v1 =	vadd.f32 v12, v1;
	v2 =	vadd.f32 v19, v2;
	[tilespmem:$0x1A430] =	vst v4  }
0xba: {  	s31 =	sshll.u32 s15, $0x7;
	v0 =	vadd.f32 v13, v0;
	[tilespmem:$0x1A440] =	vst v3  }
0xbb: {  	s0 =	sadd.s32 $0x80, s31;
	v1 =	vadd.f32 v20, v1;
	[tilespmem:$0x1A450] =	vst v2  }
0xbc: {  	s0 =	sand.u32 $0x3FFFFF80, s0;
	[tilespmem:$0x1A470] =	vst v0  }
0xbd: {  	s15 =	simm.s32 $0x0;
	s0 =	sadd.s32 s0, s3;
	[tilespmem:$0x1A460] =	vst v1  }
0xbe: {  	[spmem:s0] =	stream.linear.scatter [tilespmem:s21], [sflag:$0x6], $0x80, $0x38;
	[tilespmem:$0x1E480] =	vst v63  }
0xbf: {  	v0 =	vld [tilespmem:s15+$0x12C70]  }
0xc0: {  	v2 =	vld [tilespmem:s15+$0x12C00]  }
0xc1: {  	v4 =	vld [tilespmem:s15+$0x12C10]  }
0xc2: {  	v5 =	vld [tilespmem:s15+$0x12C20]  }
0xc3: {  	v8 =	vld [tilespmem:s15+$0x12C30]  }
0xc4: {  	v9 =	vimm.f32 $0.0e+00;
	v3 =	vimm.f32 $0.0e+00;
	v6 =	vld [tilespmem:s15+$0x12C40]  }
0xc5: {  	v10 =	vimm.f32 $0.0e+00;
	v7 =	vimm.f32 $0.0e+00;
	v11 =	vld [tilespmem:s15+$0x12C50];
	v1 =	vadd.f32 v0, v3  }
0xc6: {  	s13 =	simm.s32 $0x400;
	s0 =	simm.s32 $0x80;
	v12 =	vld [tilespmem:s15+$0x12C60];
	v0 =	vadd.f32 v2, v3;
	v2 =	vadd.f32 v4, v3;
	v4 =	vimm.f32 $0.0e+00  }
.LBB2_13:
0xc7: {  	p0 =	sne.s32 s13, $0xDE00;
	v13 =	vld [tilespmem:s0+$0x12C70];
	v3 =	vadd.f32 v5, v3  }
0xc8: {  	v14 =	vld [tilespmem:s0+$0x12C00];
	v4 =	vadd.f32 v8, v4  }
0xc9: {  	v15 =	vld [tilespmem:s0+$0x12C10];
	v9 =	vadd.f32 v6, v9  }
.Ltmp7:
0xca: {  	v5 =	vld [tilespmem:s0+$0x12C20];
	v10 =	vadd.f32 v11, v10;
	(pc) =	sbr.rel @p0 .LBB2_13-.Ltmp7, $4  }
0xcb: {  	v8 =	vld [tilespmem:s0+$0x12C30];
	v7 =	vadd.f32 v12, v7  }
0xcc: {  	v6 =	vld [tilespmem:s0+$0x12C40];
	v1 =	vadd.f32 v13, v1  }
0xcd: {  	v0 =	vadd.f32 v14, v0;
	v11 =	vld [tilespmem:s0+$0x12C50]  }
0xce: {  	v2 =	vadd.f32 v15, v2;
	v12 =	vld [tilespmem:s0+$0x12C60];
	s0 =	sshra.s32 s13, $0x2;
	s13 =	sadd.s32 $0x200, s13  }
0xcf: {  	v13 =	vld [tilespmem:s0+$0x12C70]  }
0xd0: {  	v14 =	vld [tilespmem:s0+$0x12C00]  }
0xd1: {  	v15 =	vld [tilespmem:s0+$0x12C10]  }
0xd2: {  	v16 =	vld [tilespmem:s0+$0x12C20]  }
0xd3: {  	v17 =	vld [tilespmem:s0+$0x12C30]  }
0xd4: {  	v18 =	vld [tilespmem:s0+$0x12C40]  }
0xd5: {  	v19 =	vld [tilespmem:s0+$0x12C50];
	s15 =	sadd.s32 $0x400, s30  }
0xd6: {  	v20 =	vld [tilespmem:s0+$0x12C60];
	[tilespmem:s16], [sflag:$0x4] =	stream.indirect.gather [hbm4b:s2+s10], $0x80, s15, s10, $0xb8  }
0xd7: {  	_ =	swait.ge [sflag:s26], $0x4000  }
0xd8: {  	[sflag:s26] =	ssyncset.done $0x0  }
0xd9: {  	s15 =	simm.s32 $0x0;
	[sflag:s26] =	ssyncadd.s32 $0xFFFFC000  }
0xda: {  	v3 =	vadd.f32 v5, v3;
	v4 =	vadd.f32 v8, v4;
	v21 =	vld [tilespmem:s15+$0x16470]  }
0xdb: {  	v8 =	vadd.f32 v6, v9;
	v9 =	vadd.f32 v11, v10;
	v10 =	vld [tilespmem:s15+$0x16400]  }
0xdc: {  	v11 =	vadd.f32 v12, v7;
	v12 =	vadd.f32 v13, v1;
	v13 =	vld [tilespmem:s15+$0x16410]  }
0xdd: {  	v14 =	vadd.f32 v14, v0;
	v15 =	vadd.f32 v15, v2;
	v6 =	vld [tilespmem:s15+$0x16420]  }
0xde: {  	v5 =	vadd.f32 v16, v3;
	v4 =	vadd.f32 v17, v4;
	v7 =	vld [tilespmem:s15+$0x16430]  }
0xdf: {  	v3 =	vadd.f32 v18, v8;
	v2 =	vadd.f32 v19, v9;
	v8 =	vld [tilespmem:s15+$0x16440]  }
0xe0: {  	v9 =	vld [tilespmem:s15+$0x16450];
	v1 =	vadd.f32 v20, v11;
	v0 =	vadd.f32 v21, v12  }
0xe1: {  	s0 =	simm.s32 $0x80;
	s13 =	simm.s32 $0x400;
	v10 =	vadd.f32 v10, v14;
	v11 =	vadd.f32 v13, v15;
	v12 =	vld [tilespmem:s15+$0x16460]  }
.LBB2_15:
0xe2: {  	p0 =	sne.s32 s13, $0xAE00;
	v13 =	vld [tilespmem:s0+$0x16470];
	v5 =	vadd.f32 v6, v5  }
0xe3: {  	v14 =	vld [tilespmem:s0+$0x16400];
	v4 =	vadd.f32 v7, v4  }
0xe4: {  	v15 =	vld [tilespmem:s0+$0x16410];
	v3 =	vadd.f32 v8, v3  }
.Ltmp8:
0xe5: {  	v6 =	vld [tilespmem:s0+$0x16420];
	v2 =	vadd.f32 v9, v2;
	(pc) =	sbr.rel @p0 .LBB2_15-.Ltmp8, $4  }
0xe6: {  	v7 =	vld [tilespmem:s0+$0x16430];
	v1 =	vadd.f32 v12, v1  }
0xe7: {  	v8 =	vld [tilespmem:s0+$0x16440];
	v0 =	vadd.f32 v13, v0  }
0xe8: {  	v10 =	vadd.f32 v14, v10;
	v9 =	vld [tilespmem:s0+$0x16450]  }
0xe9: {  	v11 =	vadd.f32 v15, v11;
	v12 =	vld [tilespmem:s0+$0x16460];
	s0 =	sshra.s32 s13, $0x2;
	s13 =	sadd.s32 $0x200, s13  }
0xea: {  	v13 =	vld [tilespmem:s0+$0x16470]  }
0xeb: {  	v14 =	vld [tilespmem:s0+$0x16400]  }
0xec: {  	v15 =	vld [tilespmem:s0+$0x16410]  }
0xed: {  	v16 =	vld [tilespmem:s0+$0x16420]  }
0xee: {  	v17 =	vld [tilespmem:s0+$0x16430]  }
0xef: {  	v18 =	vld [tilespmem:s0+$0x16440]  }
0xf0: {  	v19 =	vld [tilespmem:s0+$0x16450]  }
0xf1: {  	v20 =	vld [tilespmem:s0+$0x16460];
	_ =	swait.ge [sflag:s24], $0x80  }
0xf2: {  	v5 =	vadd.f32 v6, v5;
	[sflag:s24] =	ssyncset.done $0x0;
	v6 =	vadd.f32 v14, v10  }
0xf3: {  	v4 =	vadd.f32 v7, v4;
	[sflag:s24] =	ssyncadd.s32 $0xFFFFFF80;
	v7 =	vadd.f32 v15, v11  }
0xf4: {  	v3 =	vadd.f32 v8, v3;
	v5 =	vadd.f32 v16, v5;
	[tilespmem:$0x1A400] =	vst v6  }
0xf5: {  	v2 =	vadd.f32 v9, v2;
	v4 =	vadd.f32 v17, v4;
	[tilespmem:$0x1A410] =	vst v7  }
0xf6: {  	v3 =	vadd.f32 v18, v3;
	[tilespmem:$0x1A420] =	vst v5  }
0xf7: {  	v1 =	vadd.f32 v12, v1;
	v2 =	vadd.f32 v19, v2;
	[tilespmem:$0x1A430] =	vst v4  }
0xf8: {  	v0 =	vadd.f32 v13, v0;
	[tilespmem:$0x1A440] =	vst v3  }
0xf9: {  	s15 =	sadd.s32 $0x100, s31;
	v1 =	vadd.f32 v20, v1;
	[tilespmem:$0x1A450] =	vst v2  }
0xfa: {  	s0 =	sand.u32 $0x3FFFFF80, s15;
	[tilespmem:$0x1A470] =	vst v0  }
0xfb: {  	s15 =	simm.s32 $0x0;
	s0 =	sadd.s32 s0, s3;
	[tilespmem:$0x1A460] =	vst v1  }
0xfc: {  	[spmem:s0] =	stream.linear.scatter [tilespmem:s21], [sflag:$0x6], $0x80, $0x38;
	[tilespmem:$0x1E480] =	vst v63  }
0xfd: {  	v0 =	vld [tilespmem:s15+$0x19070]  }
0xfe: {  	v2 =	vld [tilespmem:s15+$0x19000]  }
0xff: {  	v4 =	vld [tilespmem:s15+$0x19010]  }
0x100: {  	v5 =	vld [tilespmem:s15+$0x19020]  }
0x101: {  	v8 =	vld [tilespmem:s15+$0x19030]  }
0x102: {  	v9 =	vimm.f32 $0.0e+00;
	v3 =	vimm.f32 $0.0e+00;
	v6 =	vld [tilespmem:s15+$0x19040]  }
0x103: {  	v10 =	vimm.f32 $0.0e+00;
	v7 =	vimm.f32 $0.0e+00;
	v11 =	vld [tilespmem:s15+$0x19050];
	v1 =	vadd.f32 v0, v3  }
0x104: {  	s13 =	simm.s32 $0x400;
	s0 =	simm.s32 $0x80;
	v12 =	vld [tilespmem:s15+$0x19060];
	v0 =	vadd.f32 v2, v3;
	v2 =	vadd.f32 v4, v3;
	v4 =	vimm.f32 $0.0e+00  }
.LBB2_17:
0x105: {  	p0 =	sne.s32 s13, $0x4E00;
	v13 =	vld [tilespmem:s0+$0x19070];
	v3 =	vadd.f32 v5, v3  }
0x106: {  	v14 =	vld [tilespmem:s0+$0x19000];
	v4 =	vadd.f32 v8, v4  }
0x107: {  	v15 =	vld [tilespmem:s0+$0x19010];
	v9 =	vadd.f32 v6, v9  }
.Ltmp9:
0x108: {  	v5 =	vld [tilespmem:s0+$0x19020];
	v10 =	vadd.f32 v11, v10;
	(pc) =	sbr.rel @p0 .LBB2_17-.Ltmp9, $4  }
0x109: {  	v8 =	vld [tilespmem:s0+$0x19030];
	v7 =	vadd.f32 v12, v7  }
0x10a: {  	v6 =	vld [tilespmem:s0+$0x19040];
	v1 =	vadd.f32 v13, v1  }
0x10b: {  	v0 =	vadd.f32 v14, v0;
	v11 =	vld [tilespmem:s0+$0x19050]  }
0x10c: {  	v2 =	vadd.f32 v15, v2;
	v12 =	vld [tilespmem:s0+$0x19060];
	s0 =	sshra.s32 s13, $0x2;
	s13 =	sadd.s32 $0x200, s13  }
0x10d: {  	v13 =	vld [tilespmem:s0+$0x19070]  }
0x10e: {  	v14 =	vld [tilespmem:s0+$0x19000]  }
0x10f: {  	v15 =	vld [tilespmem:s0+$0x19010]  }
0x110: {  	v16 =	vld [tilespmem:s0+$0x19020]  }
0x111: {  	v17 =	vld [tilespmem:s0+$0x19030]  }
0x112: {  	v18 =	vld [tilespmem:s0+$0x19040]  }
0x113: {  	v19 =	vld [tilespmem:s0+$0x19050];
	s15 =	sadd.s32 $0x480, s30  }
0x114: {  	v20 =	vld [tilespmem:s0+$0x19060];
	[tilespmem:s18], [sflag:$0x5] =	stream.indirect.gather [hbm4b:s2+s10], $0x80, s15, s10, $0xb8  }
0x115: {  	_ =	swait.ge [sflag:s19], $0x4000  }
0x116: {  	[sflag:s19] =	ssyncset.done $0x0  }
0x117: {  	s15 =	simm.s32 $0x0;
	[sflag:s19] =	ssyncadd.s32 $0xFFFFC000  }
0x118: {  	v3 =	vadd.f32 v5, v3;
	v4 =	vadd.f32 v8, v4;
	v5 =	vld [tilespmem:s15+$0x6470]  }
0x119: {  	v6 =	vadd.f32 v6, v9;
	v10 =	vadd.f32 v11, v10;
	v21 =	vld [tilespmem:s15+$0x6400]  }
0x11a: {  	v7 =	vadd.f32 v12, v7;
	v11 =	vadd.f32 v13, v1;
	v12 =	vld [tilespmem:s15+$0x6410]  }
0x11b: {  	v13 =	vadd.f32 v14, v0;
	v14 =	vadd.f32 v15, v2;
	v8 =	vld [tilespmem:s15+$0x6420]  }
0x11c: {  	v0 =	vadd.f32 v16, v3;
	v1 =	vadd.f32 v17, v4;
	v9 =	vld [tilespmem:s15+$0x6430]  }
0x11d: {  	v2 =	vadd.f32 v18, v6;
	v3 =	vadd.f32 v19, v10;
	v10 =	vld [tilespmem:s15+$0x6440]  }
0x11e: {  	v4 =	vadd.f32 v20, v7;
	v5 =	vadd.f32 v5, v11;
	v11 =	vld [tilespmem:s15+$0x6450]  }
0x11f: {  	s0 =	simm.s32 $0x80;
	s13 =	simm.s32 $0x400;
	v6 =	vadd.f32 v21, v13;
	v7 =	vadd.f32 v12, v14;
	v12 =	vld [tilespmem:s15+$0x6460]  }
.LBB2_19:
0x120: {  	p0 =	sne.s32 s13, $0xFE00;
	v13 =	vld [tilespmem:s0+$0x6470];
	v0 =	vadd.f32 v8, v0  }
0x121: {  	v14 =	vld [tilespmem:s0+$0x6400];
	v1 =	vadd.f32 v9, v1  }
0x122: {  	v15 =	vld [tilespmem:s0+$0x6410];
	v2 =	vadd.f32 v10, v2  }
.Ltmp10:
0x123: {  	v8 =	vld [tilespmem:s0+$0x6420];
	v3 =	vadd.f32 v11, v3;
	(pc) =	sbr.rel @p0 .LBB2_19-.Ltmp10, $4  }
0x124: {  	v9 =	vld [tilespmem:s0+$0x6430];
	v4 =	vadd.f32 v12, v4  }
0x125: {  	v10 =	vld [tilespmem:s0+$0x6440];
	v5 =	vadd.f32 v13, v5  }
0x126: {  	v6 =	vadd.f32 v14, v6;
	v11 =	vld [tilespmem:s0+$0x6450]  }
0x127: {  	v7 =	vadd.f32 v15, v7;
	v12 =	vld [tilespmem:s0+$0x6460];
	s0 =	sshra.s32 s13, $0x2;
	s13 =	sadd.s32 $0x200, s13  }
0x128: {  	v13 =	vld [tilespmem:s0+$0x6470]  }
0x129: {  	v14 =	vld [tilespmem:s0+$0x6400]  }
0x12a: {  	v15 =	vld [tilespmem:s0+$0x6410]  }
0x12b: {  	v16 =	vld [tilespmem:s0+$0x6420]  }
0x12c: {  	v17 =	vld [tilespmem:s0+$0x6430]  }
0x12d: {  	v18 =	vld [tilespmem:s0+$0x6440]  }
0x12e: {  	v19 =	vld [tilespmem:s0+$0x6450];
	s15 =	sadd.s32 $0x500, s30  }
0x12f: {  	v20 =	vld [tilespmem:s0+$0x6460];
	[tilespmem:s11], [sflag:$0x1] =	stream.indirect.gather [hbm4b:s2+s10], $0x80, s15, s10, $0xb8  }
0x130: {  	_ =	swait.ge [sflag:s20], $0x4000  }
0x131: {  	[sflag:s20] =	ssyncset.done $0x0  }
0x132: {  	s15 =	simm.s32 $0x0;
	[sflag:s20] =	ssyncadd.s32 $0xFFFFC000  }
0x133: {  	v0 =	vadd.f32 v8, v0;
	v1 =	vadd.f32 v9, v1;
	v9 =	vld [tilespmem:s15+$0xA470]  }
0x134: {  	v2 =	vadd.f32 v10, v2;
	v8 =	vadd.f32 v11, v3;
	v10 =	vld [tilespmem:s15+$0xA400]  }
0x135: {  	v11 =	vadd.f32 v12, v4;
	v12 =	vadd.f32 v13, v5;
	v13 =	vld [tilespmem:s15+$0xA410]  }
0x136: {  	v14 =	vadd.f32 v14, v6;
	v15 =	vadd.f32 v15, v7;
	v6 =	vld [tilespmem:s15+$0xA420]  }
0x137: {  	v5 =	vadd.f32 v16, v0;
	v4 =	vadd.f32 v17, v1;
	v7 =	vld [tilespmem:s15+$0xA430]  }
0x138: {  	v3 =	vadd.f32 v18, v2;
	v2 =	vadd.f32 v19, v8;
	v8 =	vld [tilespmem:s15+$0xA440]  }
0x139: {  	v1 =	vadd.f32 v20, v11;
	v0 =	vadd.f32 v9, v12;
	v9 =	vld [tilespmem:s15+$0xA450]  }
0x13a: {  	s0 =	simm.s32 $0x80;
	s13 =	simm.s32 $0x400;
	v10 =	vadd.f32 v10, v14;
	v11 =	vadd.f32 v13, v15;
	v12 =	vld [tilespmem:s15+$0xA460]  }
.LBB2_21:
0x13b: {  	p0 =	sne.s32 s13, $0x3E00;
	v13 =	vld [tilespmem:s0+$0xA470];
	v5 =	vadd.f32 v6, v5  }
0x13c: {  	v14 =	vld [tilespmem:s0+$0xA400];
	v4 =	vadd.f32 v7, v4  }
0x13d: {  	v15 =	vld [tilespmem:s0+$0xA410];
	v3 =	vadd.f32 v8, v3  }
.Ltmp11:
0x13e: {  	v6 =	vld [tilespmem:s0+$0xA420];
	v2 =	vadd.f32 v9, v2;
	(pc) =	sbr.rel @p0 .LBB2_21-.Ltmp11, $4  }
0x13f: {  	v7 =	vld [tilespmem:s0+$0xA430];
	v1 =	vadd.f32 v12, v1  }
0x140: {  	v8 =	vld [tilespmem:s0+$0xA440];
	v0 =	vadd.f32 v13, v0  }
0x141: {  	v10 =	vadd.f32 v14, v10;
	v9 =	vld [tilespmem:s0+$0xA450]  }
0x142: {  	v11 =	vadd.f32 v15, v11;
	v12 =	vld [tilespmem:s0+$0xA460];
	s0 =	sshra.s32 s13, $0x2;
	s13 =	sadd.s32 $0x200, s13  }
0x143: {  	v13 =	vld [tilespmem:s0+$0xA470]  }
0x144: {  	v14 =	vld [tilespmem:s0+$0xA400]  }
0x145: {  	v15 =	vld [tilespmem:s0+$0xA410]  }
0x146: {  	v16 =	vld [tilespmem:s0+$0xA420]  }
0x147: {  	v17 =	vld [tilespmem:s0+$0xA430]  }
0x148: {  	v18 =	vld [tilespmem:s0+$0xA440]  }
0x149: {  	v19 =	vld [tilespmem:s0+$0xA450]  }
0x14a: {  	v20 =	vld [tilespmem:s0+$0xA460];
	_ =	swait.ge [sflag:s24], $0x80  }
0x14b: {  	v5 =	vadd.f32 v6, v5;
	[sflag:s24] =	ssyncset.done $0x0;
	v6 =	vadd.f32 v14, v10  }
0x14c: {  	v4 =	vadd.f32 v7, v4;
	[sflag:s24] =	ssyncadd.s32 $0xFFFFFF80;
	v7 =	vadd.f32 v15, v11  }
0x14d: {  	v3 =	vadd.f32 v8, v3;
	v5 =	vadd.f32 v16, v5;
	[tilespmem:$0x1A400] =	vst v6  }
0x14e: {  	v2 =	vadd.f32 v9, v2;
	v4 =	vadd.f32 v17, v4;
	[tilespmem:$0x1A410] =	vst v7  }
0x14f: {  	v3 =	vadd.f32 v18, v3;
	[tilespmem:$0x1A420] =	vst v5  }
0x150: {  	v1 =	vadd.f32 v12, v1;
	v2 =	vadd.f32 v19, v2;
	[tilespmem:$0x1A430] =	vst v4  }
0x151: {  	v0 =	vadd.f32 v13, v0;
	[tilespmem:$0x1A440] =	vst v3  }
0x152: {  	s15 =	sadd.s32 $0x180, s31;
	v1 =	vadd.f32 v20, v1;
	[tilespmem:$0x1A450] =	vst v2  }
0x153: {  	s0 =	sand.u32 $0x3FFFFF80, s15;
	[tilespmem:$0x1A470] =	vst v0  }
0x154: {  	s15 =	simm.s32 $0x0;
	s0 =	sadd.s32 s0, s3;
	[tilespmem:$0x1A460] =	vst v1  }
0x155: {  	[spmem:s0] =	stream.linear.scatter [tilespmem:s21], [sflag:$0x6], $0x80, $0x38;
	[tilespmem:$0x1E480] =	vst v63  }
0x156: {  	v0 =	vld [tilespmem:s15+$0xB470]  }
0x157: {  	v2 =	vld [tilespmem:s15+$0xB400]  }
0x158: {  	v4 =	vld [tilespmem:s15+$0xB410]  }
0x159: {  	v5 =	vld [tilespmem:s15+$0xB420]  }
0x15a: {  	v8 =	vld [tilespmem:s15+$0xB430]  }
0x15b: {  	v9 =	vimm.f32 $0.0e+00;
	v3 =	vimm.f32 $0.0e+00;
	v6 =	vld [tilespmem:s15+$0xB440]  }
0x15c: {  	v10 =	vimm.f32 $0.0e+00;
	v7 =	vimm.f32 $0.0e+00;
	v11 =	vld [tilespmem:s15+$0xB450];
	v1 =	vadd.f32 v0, v3  }
0x15d: {  	s13 =	simm.s32 $0x400;
	s0 =	simm.s32 $0x80;
	v12 =	vld [tilespmem:s15+$0xB460];
	v0 =	vadd.f32 v2, v3;
	v2 =	vadd.f32 v4, v3;
	v4 =	vimm.f32 $0.0e+00  }
.LBB2_23:
0x15e: {  	p0 =	sne.s32 s13, $0xBE00;
	v13 =	vld [tilespmem:s0+$0xB470];
	v3 =	vadd.f32 v5, v3  }
0x15f: {  	v14 =	vld [tilespmem:s0+$0xB400];
	v4 =	vadd.f32 v8, v4  }
0x160: {  	v15 =	vld [tilespmem:s0+$0xB410];
	v9 =	vadd.f32 v6, v9  }
.Ltmp12:
0x161: {  	v5 =	vld [tilespmem:s0+$0xB420];
	v10 =	vadd.f32 v11, v10;
	(pc) =	sbr.rel @p0 .LBB2_23-.Ltmp12, $4  }
0x162: {  	v8 =	vld [tilespmem:s0+$0xB430];
	v7 =	vadd.f32 v12, v7  }
0x163: {  	v6 =	vld [tilespmem:s0+$0xB440];
	v1 =	vadd.f32 v13, v1  }
0x164: {  	v0 =	vadd.f32 v14, v0;
	v11 =	vld [tilespmem:s0+$0xB450]  }
0x165: {  	v2 =	vadd.f32 v15, v2;
	v12 =	vld [tilespmem:s0+$0xB460];
	s0 =	sshra.s32 s13, $0x2;
	s13 =	sadd.s32 $0x200, s13  }
0x166: {  	v13 =	vld [tilespmem:s0+$0xB470]  }
0x167: {  	v14 =	vld [tilespmem:s0+$0xB400]  }
0x168: {  	v15 =	vld [tilespmem:s0+$0xB410]  }
0x169: {  	v16 =	vld [tilespmem:s0+$0xB420]  }
0x16a: {  	v17 =	vld [tilespmem:s0+$0xB430]  }
0x16b: {  	v18 =	vld [tilespmem:s0+$0xB440]  }
0x16c: {  	v19 =	vld [tilespmem:s0+$0xB450];
	s15 =	sadd.s32 $0x580, s30  }
0x16d: {  	v20 =	vld [tilespmem:s0+$0xB460];
	[tilespmem:s12], [sflag:$0x2] =	stream.indirect.gather [hbm4b:s2+s10], $0x80, s15, s10, $0xb8  }
0x16e: {  	_ =	swait.ge [sflag:s22], $0x4000  }
0x16f: {  	[sflag:s22] =	ssyncset.done $0x0  }
0x170: {  	s15 =	simm.s32 $0x0;
	[sflag:s22] =	ssyncadd.s32 $0xFFFFC000  }
0x171: {  	v3 =	vadd.f32 v5, v3;
	v4 =	vadd.f32 v8, v4;
	v21 =	vld [tilespmem:s15+$0xE470]  }
0x172: {  	v8 =	vadd.f32 v6, v9;
	v9 =	vadd.f32 v11, v10;
	v10 =	vld [tilespmem:s15+$0xE400]  }
0x173: {  	v11 =	vadd.f32 v12, v7;
	v12 =	vadd.f32 v13, v1;
	v13 =	vld [tilespmem:s15+$0xE410]  }
0x174: {  	v14 =	vadd.f32 v14, v0;
	v15 =	vadd.f32 v15, v2;
	v6 =	vld [tilespmem:s15+$0xE420]  }
0x175: {  	v5 =	vadd.f32 v16, v3;
	v4 =	vadd.f32 v17, v4;
	v7 =	vld [tilespmem:s15+$0xE430]  }
0x176: {  	v3 =	vadd.f32 v18, v8;
	v2 =	vadd.f32 v19, v9;
	v8 =	vld [tilespmem:s15+$0xE440]  }
0x177: {  	v9 =	vld [tilespmem:s15+$0xE450];
	v1 =	vadd.f32 v20, v11;
	v0 =	vadd.f32 v21, v12  }
0x178: {  	s0 =	simm.s32 $0x80;
	s13 =	simm.s32 $0x400;
	v10 =	vadd.f32 v10, v14;
	v11 =	vadd.f32 v13, v15;
	v12 =	vld [tilespmem:s15+$0xE460]  }
.LBB2_25:
0x179: {  	p0 =	sne.s32 s13, $0xCE00;
	v13 =	vld [tilespmem:s0+$0xE470];
	v5 =	vadd.f32 v6, v5  }
0x17a: {  	v14 =	vld [tilespmem:s0+$0xE400];
	v4 =	vadd.f32 v7, v4  }
0x17b: {  	v15 =	vld [tilespmem:s0+$0xE410];
	v3 =	vadd.f32 v8, v3  }
.Ltmp13:
0x17c: {  	v6 =	vld [tilespmem:s0+$0xE420];
	v2 =	vadd.f32 v9, v2;
	(pc) =	sbr.rel @p0 .LBB2_25-.Ltmp13, $4  }
0x17d: {  	v7 =	vld [tilespmem:s0+$0xE430];
	v1 =	vadd.f32 v12, v1  }
0x17e: {  	v8 =	vld [tilespmem:s0+$0xE440];
	v0 =	vadd.f32 v13, v0  }
0x17f: {  	v10 =	vadd.f32 v14, v10;
	v9 =	vld [tilespmem:s0+$0xE450]  }
0x180: {  	v11 =	vadd.f32 v15, v11;
	v12 =	vld [tilespmem:s0+$0xE460];
	s0 =	sshra.s32 s13, $0x2;
	s13 =	sadd.s32 $0x200, s13  }
0x181: {  	v13 =	vld [tilespmem:s0+$0xE470]  }
0x182: {  	v14 =	vld [tilespmem:s0+$0xE400]  }
0x183: {  	v15 =	vld [tilespmem:s0+$0xE410]  }
0x184: {  	v16 =	vld [tilespmem:s0+$0xE420]  }
0x185: {  	v17 =	vld [tilespmem:s0+$0xE430]  }
0x186: {  	v18 =	vld [tilespmem:s0+$0xE440]  }
0x187: {  	v19 =	vld [tilespmem:s0+$0xE450]  }
0x188: {  	v20 =	vld [tilespmem:s0+$0xE460];
	_ =	swait.ge [sflag:s24], $0x80  }
0x189: {  	v5 =	vadd.f32 v6, v5;
	[sflag:s24] =	ssyncset.done $0x0;
	v6 =	vadd.f32 v14, v10  }
0x18a: {  	v4 =	vadd.f32 v7, v4;
	[sflag:s24] =	ssyncadd.s32 $0xFFFFFF80;
	v7 =	vadd.f32 v15, v11  }
0x18b: {  	v3 =	vadd.f32 v8, v3;
	v5 =	vadd.f32 v16, v5;
	[tilespmem:$0x1A400] =	vst v6  }
0x18c: {  	v2 =	vadd.f32 v9, v2;
	v4 =	vadd.f32 v17, v4;
	[tilespmem:$0x1A410] =	vst v7  }
0x18d: {  	v3 =	vadd.f32 v18, v3;
	[tilespmem:$0x1A420] =	vst v5  }
0x18e: {  	v1 =	vadd.f32 v12, v1;
	v2 =	vadd.f32 v19, v2;
	[tilespmem:$0x1A430] =	vst v4  }
0x18f: {  	v0 =	vadd.f32 v13, v0;
	[tilespmem:$0x1A440] =	vst v3  }
0x190: {  	s15 =	sadd.s32 $0x200, s31;
	v1 =	vadd.f32 v20, v1;
	[tilespmem:$0x1A450] =	vst v2  }
0x191: {  	s0 =	sand.u32 $0x3FFFFF80, s15;
	[tilespmem:$0x1A470] =	vst v0  }
0x192: {  	s15 =	simm.s32 $0x0;
	s0 =	sadd.s32 s0, s3;
	[tilespmem:$0x1A460] =	vst v1  }
0x193: {  	[spmem:s0] =	stream.linear.scatter [tilespmem:s21], [sflag:$0x6], $0x80, $0x38;
	[tilespmem:$0x1E480] =	vst v63  }
0x194: {  	v0 =	vld [tilespmem:s15+$0x11870]  }
0x195: {  	v2 =	vld [tilespmem:s15+$0x11800]  }
0x196: {  	v4 =	vld [tilespmem:s15+$0x11810]  }
0x197: {  	v5 =	vld [tilespmem:s15+$0x11820]  }
0x198: {  	v8 =	vld [tilespmem:s15+$0x11830]  }
0x199: {  	v9 =	vimm.f32 $0.0e+00;
	v3 =	vimm.f32 $0.0e+00;
	v6 =	vld [tilespmem:s15+$0x11840]  }
0x19a: {  	v10 =	vimm.f32 $0.0e+00;
	v7 =	vimm.f32 $0.0e+00;
	v11 =	vld [tilespmem:s15+$0x11850];
	v1 =	vadd.f32 v0, v3  }
0x19b: {  	s13 =	simm.s32 $0x400;
	s0 =	simm.s32 $0x80;
	v12 =	vld [tilespmem:s15+$0x11860];
	v0 =	vadd.f32 v2, v3;
	v2 =	vadd.f32 v4, v3;
	v4 =	vimm.f32 $0.0e+00  }
.LBB2_27:
0x19c: {  	p0 =	sne.s32 s13, $0x2E00;
	v13 =	vld [tilespmem:s0+$0x11870];
	v3 =	vadd.f32 v5, v3  }
0x19d: {  	v14 =	vld [tilespmem:s0+$0x11800];
	v4 =	vadd.f32 v8, v4  }
0x19e: {  	v15 =	vld [tilespmem:s0+$0x11810];
	v9 =	vadd.f32 v6, v9  }
.Ltmp14:
0x19f: {  	v5 =	vld [tilespmem:s0+$0x11820];
	v10 =	vadd.f32 v11, v10;
	(pc) =	sbr.rel @p0 .LBB2_27-.Ltmp14, $4  }
0x1a0: {  	v8 =	vld [tilespmem:s0+$0x11830];
	v7 =	vadd.f32 v12, v7  }
0x1a1: {  	v6 =	vld [tilespmem:s0+$0x11840];
	v1 =	vadd.f32 v13, v1  }
0x1a2: {  	v0 =	vadd.f32 v14, v0;
	v11 =	vld [tilespmem:s0+$0x11850]  }
0x1a3: {  	v2 =	vadd.f32 v15, v2;
	v12 =	vld [tilespmem:s0+$0x11860];
	s0 =	sshra.s32 s13, $0x2;
	s13 =	sadd.s32 $0x200, s13  }
0x1a4: {  	v13 =	vld [tilespmem:s0+$0x11870]  }
0x1a5: {  	v14 =	vld [tilespmem:s0+$0x11800]  }
0x1a6: {  	v15 =	vld [tilespmem:s0+$0x11810]  }
0x1a7: {  	v16 =	vld [tilespmem:s0+$0x11820]  }
0x1a8: {  	v17 =	vld [tilespmem:s0+$0x11830]  }
0x1a9: {  	v18 =	vld [tilespmem:s0+$0x11840]  }
0x1aa: {  	v19 =	vld [tilespmem:s0+$0x11850];
	s15 =	sadd.s32 $0x600, s30  }
0x1ab: {  	v20 =	vld [tilespmem:s0+$0x11860];
	[tilespmem:s14], [sflag:$0x3] =	stream.indirect.gather [hbm4b:s2+s10], $0x80, s15, s10, $0xb8  }
0x1ac: {  	_ =	swait.ge [sflag:s23], $0x4000  }
0x1ad: {  	[sflag:s23] =	ssyncset.done $0x0  }
0x1ae: {  	s15 =	simm.s32 $0x0;
	[sflag:s23] =	ssyncadd.s32 $0xFFFFC000  }
0x1af: {  	v3 =	vadd.f32 v5, v3;
	v4 =	vadd.f32 v8, v4;
	v5 =	vld [tilespmem:s15+$0x12470]  }
0x1b0: {  	v6 =	vadd.f32 v6, v9;
	v10 =	vadd.f32 v11, v10;
	v21 =	vld [tilespmem:s15+$0x12400]  }
0x1b1: {  	v7 =	vadd.f32 v12, v7;
	v11 =	vadd.f32 v13, v1;
	v12 =	vld [tilespmem:s15+$0x12410]  }
0x1b2: {  	v13 =	vadd.f32 v14, v0;
	v14 =	vadd.f32 v15, v2;
	v8 =	vld [tilespmem:s15+$0x12420]  }
0x1b3: {  	v0 =	vadd.f32 v16, v3;
	v1 =	vadd.f32 v17, v4;
	v9 =	vld [tilespmem:s15+$0x12430]  }
0x1b4: {  	v2 =	vadd.f32 v18, v6;
	v3 =	vadd.f32 v19, v10;
	v10 =	vld [tilespmem:s15+$0x12440]  }
0x1b5: {  	v4 =	vadd.f32 v20, v7;
	v5 =	vadd.f32 v5, v11;
	v11 =	vld [tilespmem:s15+$0x12450]  }
0x1b6: {  	s0 =	simm.s32 $0x80;
	s13 =	simm.s32 $0x400;
	v6 =	vadd.f32 v21, v13;
	v7 =	vadd.f32 v12, v14;
	v12 =	vld [tilespmem:s15+$0x12460]  }
.LBB2_29:
0x1b7: {  	p0 =	sne.s32 s13, $0xFE00;
	v13 =	vld [tilespmem:s0+$0x12470];
	v0 =	vadd.f32 v8, v0  }
0x1b8: {  	v14 =	vld [tilespmem:s0+$0x12400];
	v1 =	vadd.f32 v9, v1  }
0x1b9: {  	v15 =	vld [tilespmem:s0+$0x12410];
	v2 =	vadd.f32 v10, v2  }
.Ltmp15:
0x1ba: {  	v8 =	vld [tilespmem:s0+$0x12420];
	v3 =	vadd.f32 v11, v3;
	(pc) =	sbr.rel @p0 .LBB2_29-.Ltmp15, $4  }
0x1bb: {  	v9 =	vld [tilespmem:s0+$0x12430];
	v4 =	vadd.f32 v12, v4  }
0x1bc: {  	v10 =	vld [tilespmem:s0+$0x12440];
	v5 =	vadd.f32 v13, v5  }
0x1bd: {  	v6 =	vadd.f32 v14, v6;
	v11 =	vld [tilespmem:s0+$0x12450]  }
0x1be: {  	v7 =	vadd.f32 v15, v7;
	v12 =	vld [tilespmem:s0+$0x12460];
	s0 =	sshra.s32 s13, $0x2;
	s13 =	sadd.s32 $0x200, s13  }
0x1bf: {  	v13 =	vld [tilespmem:s0+$0x12470]  }
0x1c0: {  	v14 =	vld [tilespmem:s0+$0x12400]  }
0x1c1: {  	v15 =	vld [tilespmem:s0+$0x12410]  }
0x1c2: {  	v16 =	vld [tilespmem:s0+$0x12420]  }
0x1c3: {  	v17 =	vld [tilespmem:s0+$0x12430]  }
0x1c4: {  	v18 =	vld [tilespmem:s0+$0x12440]  }
0x1c5: {  	v19 =	vld [tilespmem:s0+$0x12450];
	s15 =	sadd.s32 $0x680, s30  }
0x1c6: {  	v20 =	vld [tilespmem:s0+$0x12460];
	[tilespmem:s16], [sflag:$0x4] =	stream.indirect.gather [hbm4b:s2+s10], $0x80, s15, s10, $0xb8  }
0x1c7: {  	_ =	swait.ge [sflag:s26], $0x4000  }
0x1c8: {  	[sflag:s26] =	ssyncset.done $0x0  }
0x1c9: {  	s15 =	simm.s32 $0x0;
	[sflag:s26] =	ssyncadd.s32 $0xFFFFC000  }
0x1ca: {  	v0 =	vadd.f32 v8, v0;
	v1 =	vadd.f32 v9, v1;
	v9 =	vld [tilespmem:s15+$0x16470]  }
0x1cb: {  	v2 =	vadd.f32 v10, v2;
	v8 =	vadd.f32 v11, v3;
	v10 =	vld [tilespmem:s15+$0x16400]  }
0x1cc: {  	v11 =	vadd.f32 v12, v4;
	v12 =	vadd.f32 v13, v5;
	v13 =	vld [tilespmem:s15+$0x16410]  }
0x1cd: {  	v14 =	vadd.f32 v14, v6;
	v15 =	vadd.f32 v15, v7;
	v6 =	vld [tilespmem:s15+$0x16420]  }
0x1ce: {  	v5 =	vadd.f32 v16, v0;
	v4 =	vadd.f32 v17, v1;
	v7 =	vld [tilespmem:s15+$0x16430]  }
0x1cf: {  	v3 =	vadd.f32 v18, v2;
	v2 =	vadd.f32 v19, v8;
	v8 =	vld [tilespmem:s15+$0x16440]  }
0x1d0: {  	v1 =	vadd.f32 v20, v11;
	v0 =	vadd.f32 v9, v12;
	v9 =	vld [tilespmem:s15+$0x16450]  }
0x1d1: {  	s0 =	simm.s32 $0x80;
	s13 =	simm.s32 $0x400;
	v10 =	vadd.f32 v10, v14;
	v11 =	vadd.f32 v13, v15;
	v12 =	vld [tilespmem:s15+$0x16460]  }
.LBB2_31:
0x1d2: {  	p0 =	sne.s32 s13, $0x5E00;
	v13 =	vld [tilespmem:s0+$0x16470];
	v5 =	vadd.f32 v6, v5  }
0x1d3: {  	v14 =	vld [tilespmem:s0+$0x16400];
	v4 =	vadd.f32 v7, v4  }
0x1d4: {  	v15 =	vld [tilespmem:s0+$0x16410];
	v3 =	vadd.f32 v8, v3  }
.Ltmp16:
0x1d5: {  	v6 =	vld [tilespmem:s0+$0x16420];
	v2 =	vadd.f32 v9, v2;
	(pc) =	sbr.rel @p0 .LBB2_31-.Ltmp16, $4  }
0x1d6: {  	v7 =	vld [tilespmem:s0+$0x16430];
	v1 =	vadd.f32 v12, v1  }
0x1d7: {  	v8 =	vld [tilespmem:s0+$0x16440];
	v0 =	vadd.f32 v13, v0  }
0x1d8: {  	v10 =	vadd.f32 v14, v10;
	v9 =	vld [tilespmem:s0+$0x16450]  }
0x1d9: {  	v11 =	vadd.f32 v15, v11;
	v12 =	vld [tilespmem:s0+$0x16460];
	s0 =	sshra.s32 s13, $0x2;
	s13 =	sadd.s32 $0x200, s13  }
0x1da: {  	v13 =	vld [tilespmem:s0+$0x16470]  }
0x1db: {  	v14 =	vld [tilespmem:s0+$0x16400]  }
0x1dc: {  	v15 =	vld [tilespmem:s0+$0x16410]  }
0x1dd: {  	v16 =	vld [tilespmem:s0+$0x16420]  }
0x1de: {  	v17 =	vld [tilespmem:s0+$0x16430]  }
0x1df: {  	v18 =	vld [tilespmem:s0+$0x16440]  }
0x1e0: {  	v19 =	vld [tilespmem:s0+$0x16450]  }
0x1e1: {  	v20 =	vld [tilespmem:s0+$0x16460];
	_ =	swait.ge [sflag:s24], $0x80  }
0x1e2: {  	v5 =	vadd.f32 v6, v5;
	[sflag:s24] =	ssyncset.done $0x0;
	v6 =	vadd.f32 v14, v10  }
0x1e3: {  	v4 =	vadd.f32 v7, v4;
	[sflag:s24] =	ssyncadd.s32 $0xFFFFFF80;
	v7 =	vadd.f32 v15, v11  }
0x1e4: {  	v3 =	vadd.f32 v8, v3;
	v5 =	vadd.f32 v16, v5;
	[tilespmem:$0x1A400] =	vst v6  }
0x1e5: {  	v2 =	vadd.f32 v9, v2;
	v4 =	vadd.f32 v17, v4;
	[tilespmem:$0x1A410] =	vst v7  }
0x1e6: {  	v3 =	vadd.f32 v18, v3;
	[tilespmem:$0x1A420] =	vst v5  }
0x1e7: {  	v1 =	vadd.f32 v12, v1;
	v2 =	vadd.f32 v19, v2;
	[tilespmem:$0x1A430] =	vst v4  }
0x1e8: {  	v0 =	vadd.f32 v13, v0;
	[tilespmem:$0x1A440] =	vst v3  }
0x1e9: {  	s15 =	sadd.s32 $0x280, s31;
	v1 =	vadd.f32 v20, v1;
	[tilespmem:$0x1A450] =	vst v2  }
0x1ea: {  	s0 =	sand.u32 $0x3FFFFF80, s15;
	[tilespmem:$0x1A470] =	vst v0  }
0x1eb: {  	s15 =	simm.s32 $0x0;
	s0 =	sadd.s32 s0, s3;
	[tilespmem:$0x1A460] =	vst v1  }
0x1ec: {  	[spmem:s0] =	stream.linear.scatter [tilespmem:s21], [sflag:$0x6], $0x80, $0x38;
	[tilespmem:$0x1E480] =	vst v63  }
0x1ed: {  	v0 =	vld [tilespmem:s15+$0x17C70]  }
0x1ee: {  	v2 =	vld [tilespmem:s15+$0x17C00]  }
0x1ef: {  	v4 =	vld [tilespmem:s15+$0x17C10]  }
0x1f0: {  	v5 =	vld [tilespmem:s15+$0x17C20]  }
0x1f1: {  	v8 =	vld [tilespmem:s15+$0x17C30]  }
0x1f2: {  	v9 =	vimm.f32 $0.0e+00;
	v3 =	vimm.f32 $0.0e+00;
	v6 =	vld [tilespmem:s15+$0x17C40]  }
0x1f3: {  	v10 =	vimm.f32 $0.0e+00;
	v7 =	vimm.f32 $0.0e+00;
	v11 =	vld [tilespmem:s15+$0x17C50];
	v1 =	vadd.f32 v0, v3  }
0x1f4: {  	s13 =	simm.s32 $0x400;
	s0 =	simm.s32 $0x80;
	v12 =	vld [tilespmem:s15+$0x17C60];
	v0 =	vadd.f32 v2, v3;
	v2 =	vadd.f32 v4, v3;
	v4 =	vimm.f32 $0.0e+00  }
.LBB2_33:
0x1f5: {  	p0 =	sne.s32 s13, $0x9E00;
	v13 =	vld [tilespmem:s0+$0x17C70];
	v3 =	vadd.f32 v5, v3  }
0x1f6: {  	v14 =	vld [tilespmem:s0+$0x17C00];
	v4 =	vadd.f32 v8, v4  }
0x1f7: {  	v15 =	vld [tilespmem:s0+$0x17C10];
	v9 =	vadd.f32 v6, v9  }
.Ltmp17:
0x1f8: {  	v5 =	vld [tilespmem:s0+$0x17C20];
	v10 =	vadd.f32 v11, v10;
	(pc) =	sbr.rel @p0 .LBB2_33-.Ltmp17, $4  }
0x1f9: {  	v8 =	vld [tilespmem:s0+$0x17C30];
	v7 =	vadd.f32 v12, v7  }
0x1fa: {  	v6 =	vld [tilespmem:s0+$0x17C40];
	v1 =	vadd.f32 v13, v1  }
0x1fb: {  	v0 =	vadd.f32 v14, v0;
	v11 =	vld [tilespmem:s0+$0x17C50]  }
0x1fc: {  	v2 =	vadd.f32 v15, v2;
	v12 =	vld [tilespmem:s0+$0x17C60];
	s0 =	sshra.s32 s13, $0x2;
	s13 =	sadd.s32 $0x200, s13  }
0x1fd: {  	v13 =	vld [tilespmem:s0+$0x17C70]  }
0x1fe: {  	v14 =	vld [tilespmem:s0+$0x17C00]  }
0x1ff: {  	v15 =	vld [tilespmem:s0+$0x17C10]  }
0x200: {  	v16 =	vld [tilespmem:s0+$0x17C20]  }
0x201: {  	v17 =	vld [tilespmem:s0+$0x17C30]  }
0x202: {  	v18 =	vld [tilespmem:s0+$0x17C40]  }
0x203: {  	v19 =	vld [tilespmem:s0+$0x17C50];
	s15 =	sadd.s32 $0x700, s30  }
0x204: {  	v20 =	vld [tilespmem:s0+$0x17C60];
	[tilespmem:s18], [sflag:$0x5] =	stream.indirect.gather [hbm4b:s2+s10], $0x80, s15, s10, $0xb8  }
0x205: {  	_ =	swait.ge [sflag:s19], $0x4000  }
0x206: {  	[sflag:s19] =	ssyncset.done $0x0  }
0x207: {  	s15 =	simm.s32 $0x0;
	[sflag:s19] =	ssyncadd.s32 $0xFFFFC000  }
0x208: {  	v3 =	vadd.f32 v5, v3;
	v4 =	vadd.f32 v8, v4;
	v21 =	vld [tilespmem:s15+$0x6470]  }
0x209: {  	v8 =	vadd.f32 v6, v9;
	v9 =	vadd.f32 v11, v10;
	v10 =	vld [tilespmem:s15+$0x6400]  }
0x20a: {  	v11 =	vadd.f32 v12, v7;
	v12 =	vadd.f32 v13, v1;
	v13 =	vld [tilespmem:s15+$0x6410]  }
0x20b: {  	v14 =	vadd.f32 v14, v0;
	v15 =	vadd.f32 v15, v2;
	v6 =	vld [tilespmem:s15+$0x6420]  }
0x20c: {  	v5 =	vadd.f32 v16, v3;
	v4 =	vadd.f32 v17, v4;
	v7 =	vld [tilespmem:s15+$0x6430]  }
0x20d: {  	v3 =	vadd.f32 v18, v8;
	v2 =	vadd.f32 v19, v9;
	v8 =	vld [tilespmem:s15+$0x6440]  }
0x20e: {  	v9 =	vld [tilespmem:s15+$0x6450];
	v1 =	vadd.f32 v20, v11;
	v0 =	vadd.f32 v21, v12  }
0x20f: {  	s0 =	simm.s32 $0x80;
	s13 =	simm.s32 $0x400;
	v10 =	vadd.f32 v10, v14;
	v11 =	vadd.f32 v13, v15;
	v12 =	vld [tilespmem:s15+$0x6460]  }
.LBB2_35:
0x210: {  	p0 =	sne.s32 s13, $0xEE00;
	v13 =	vld [tilespmem:s0+$0x6470];
	v5 =	vadd.f32 v6, v5  }
0x211: {  	v14 =	vld [tilespmem:s0+$0x6400];
	v4 =	vadd.f32 v7, v4  }
0x212: {  	v15 =	vld [tilespmem:s0+$0x6410];
	v3 =	vadd.f32 v8, v3  }
.Ltmp18:
0x213: {  	v6 =	vld [tilespmem:s0+$0x6420];
	v2 =	vadd.f32 v9, v2;
	(pc) =	sbr.rel @p0 .LBB2_35-.Ltmp18, $4  }
0x214: {  	v7 =	vld [tilespmem:s0+$0x6430];
	v1 =	vadd.f32 v12, v1  }
0x215: {  	v8 =	vld [tilespmem:s0+$0x6440];
	v0 =	vadd.f32 v13, v0  }
0x216: {  	v10 =	vadd.f32 v14, v10;
	v9 =	vld [tilespmem:s0+$0x6450]  }
0x217: {  	v11 =	vadd.f32 v15, v11;
	v12 =	vld [tilespmem:s0+$0x6460];
	s0 =	sshra.s32 s13, $0x2;
	s13 =	sadd.s32 $0x200, s13  }
0x218: {  	v13 =	vld [tilespmem:s0+$0x6470]  }
0x219: {  	v14 =	vld [tilespmem:s0+$0x6400]  }
0x21a: {  	v15 =	vld [tilespmem:s0+$0x6410]  }
0x21b: {  	v16 =	vld [tilespmem:s0+$0x6420]  }
0x21c: {  	v17 =	vld [tilespmem:s0+$0x6430]  }
0x21d: {  	v18 =	vld [tilespmem:s0+$0x6440]  }
0x21e: {  	v19 =	vld [tilespmem:s0+$0x6450]  }
0x21f: {  	v20 =	vld [tilespmem:s0+$0x6460];
	_ =	swait.ge [sflag:s24], $0x80  }
0x220: {  	v5 =	vadd.f32 v6, v5;
	[sflag:s24] =	ssyncset.done $0x0;
	v6 =	vadd.f32 v14, v10  }
0x221: {  	v4 =	vadd.f32 v7, v4;
	[sflag:s24] =	ssyncadd.s32 $0xFFFFFF80;
	v7 =	vadd.f32 v15, v11  }
0x222: {  	v3 =	vadd.f32 v8, v3;
	v5 =	vadd.f32 v16, v5;
	[tilespmem:$0x1A400] =	vst v6  }
0x223: {  	v2 =	vadd.f32 v9, v2;
	v4 =	vadd.f32 v17, v4;
	[tilespmem:$0x1A410] =	vst v7  }
0x224: {  	v3 =	vadd.f32 v18, v3;
	[tilespmem:$0x1A420] =	vst v5  }
0x225: {  	v1 =	vadd.f32 v12, v1;
	v2 =	vadd.f32 v19, v2;
	[tilespmem:$0x1A430] =	vst v4  }
0x226: {  	v0 =	vadd.f32 v13, v0;
	[tilespmem:$0x1A440] =	vst v3  }
0x227: {  	s13 =	sadd.s32 $0x300, s31;
	v1 =	vadd.f32 v20, v1;
	[tilespmem:$0x1A450] =	vst v2  }
0x228: {  	s0 =	sand.u32 $0x3FFFFF80, s13;
	[tilespmem:$0x1A470] =	vst v0  }
0x229: {  	s0 =	sadd.s32 s0, s3;
	[tilespmem:$0x1A460] =	vst v1  }
0x22a: {  	[spmem:s0] =	stream.linear.scatter [tilespmem:s21], [sflag:$0x6], $0x80, $0x38;
	[tilespmem:$0x1E480] =	vst v63  }
0x22b: {  	v0 =	vld [tilespmem:$0xA000]  }
0x22c: {  	v1 =	vld [tilespmem:$0xA010]  }
0x22d: {  	v2 =	vld [tilespmem:$0xA020]  }
0x22e: {  	v3 =	vld [tilespmem:$0xA030]  }
0x22f: {  	v4 =	vld [tilespmem:$0xA040]  }
0x230: {  	v5 =	vld [tilespmem:$0xA050]  }
0x231: {  	v6 =	vld [tilespmem:$0xA060]  }
0x232: {  	v7 =	vld [tilespmem:$0xA070]  }
0x233: {  	v8 =	vld [tilespmem:$0xA080]  }
0x234: {  	v9 =	vld [tilespmem:$0xA090]  }
0x235: {  	v10 =	vld [tilespmem:$0xA0A0]  }
0x236: {  	v11 =	vld [tilespmem:$0xA0B0]  }
0x237: {  	v12 =	vld [tilespmem:$0xA0C0]  }
0x238: {  	v13 =	vld [tilespmem:$0xA0D0]  }
0x239: {  	v14 =	vld [tilespmem:$0xA0E0]  }
0x23a: {  	v15 =	vld [tilespmem:$0xA0F0]  }
0x23b: {  	v47 =	vld [tilespmem:$0xA100]  }
0x23c: {  	v48 =	vld [tilespmem:$0xA110]  }
0x23d: {  	v49 =	vld [tilespmem:$0xA120]  }
0x23e: {  	v50 =	vld [tilespmem:$0xA130]  }
0x23f: {  	v51 =	vld [tilespmem:$0xA140]  }
0x240: {  	v21 =	vld [tilespmem:$0xA150]  }
0x241: {  	v22 =	vld [tilespmem:$0xA160]  }
0x242: {  	v23 =	vld [tilespmem:$0xA170]  }
0x243: {  	v24 =	vld [tilespmem:$0xA180]  }
0x244: {  	v25 =	vld [tilespmem:$0xA190]  }
0x245: {  	v26 =	vld [tilespmem:$0xA1A0]  }
0x246: {  	v27 =	vld [tilespmem:$0xA1B0]  }
0x247: {  	v28 =	vld [tilespmem:$0xA1C0]  }
0x248: {  	v29 =	vld [tilespmem:$0xA1D0]  }
0x249: {  	v30 =	vld [tilespmem:$0xA1E0]  }
0x24a: {  	v31 =	vld [tilespmem:$0xA1F0]  }
0x24b: {  	v32 =	vld [tilespmem:$0xA200]  }
0x24c: {  	v33 =	vld [tilespmem:$0xA210]  }
0x24d: {  	v34 =	vld [tilespmem:$0xA220]  }
0x24e: {  	v35 =	vld [tilespmem:$0xA230]  }
0x24f: {  	v36 =	vld [tilespmem:$0xA240]  }
0x250: {  	v37 =	vld [tilespmem:$0xA250]  }
0x251: {  	v38 =	vld [tilespmem:$0xA260]  }
0x252: {  	v39 =	vld [tilespmem:$0xA270]  }
0x253: {  	v40 =	vld [tilespmem:$0xA280]  }
0x254: {  	v41 =	vld [tilespmem:$0xA290];
	v0 =	vadd.f32 $0.0e+00, v0  }
0x255: {  	v42 =	vld [tilespmem:$0xA2A0];
	v1 =	vadd.f32 $0.0e+00, v1;
	v2 =	vadd.f32 $0.0e+00, v2  }
0x256: {  	v43 =	vld [tilespmem:$0xA2B0];
	v3 =	vadd.f32 $0.0e+00, v3;
	v4 =	vadd.f32 $0.0e+00, v4  }
0x257: {  	v52 =	vld [tilespmem:$0xA340];
	v5 =	vadd.f32 $0.0e+00, v5;
	v6 =	vadd.f32 $0.0e+00, v6  }
0x258: {  	v53 =	vld [tilespmem:$0xA350];
	v7 =	vadd.f32 $0.0e+00, v7;
	v0 =	vadd.f32 v8, v0  }
0x259: {  	v54 =	vld [tilespmem:$0xA360];
	v1 =	vadd.f32 v9, v1;
	v2 =	vadd.f32 v10, v2  }
0x25a: {  	v55 =	vld [tilespmem:$0xA370];
	v3 =	vadd.f32 v11, v3;
	v4 =	vadd.f32 v12, v4  }
0x25b: {  	v56 =	vld [tilespmem:$0xA380];
	v5 =	vadd.f32 v13, v5;
	v6 =	vadd.f32 v14, v6  }
0x25c: {  	v57 =	vld [tilespmem:$0xA390];
	v7 =	vadd.f32 v15, v7;
	v0 =	vadd.f32 v47, v0  }
0x25d: {  	v58 =	vld [tilespmem:$0xA3A0];
	v1 =	vadd.f32 v48, v1;
	v2 =	vadd.f32 v49, v2  }
0x25e: {  	v59 =	vld [tilespmem:$0xA3B0];
	v3 =	vadd.f32 v50, v3;
	v4 =	vadd.f32 v51, v4  }
0x25f: {  	v60 =	vld [tilespmem:$0xA3C0];
	v5 =	vadd.f32 v21, v5;
	v6 =	vadd.f32 v22, v6  }
0x260: {  	v61 =	vld [tilespmem:$0xA3D0];
	v7 =	vadd.f32 v23, v7;
	v0 =	vadd.f32 v24, v0  }
0x261: {  	v62 =	vld [tilespmem:$0xA3E0];
	v1 =	vadd.f32 v25, v1;
	v2 =	vadd.f32 v26, v2  }
0x262: {  	v8 =	vld [tilespmem:$0xA2C0];
	v3 =	vadd.f32 v27, v3;
	v4 =	vadd.f32 v28, v4  }
0x263: {  	v9 =	vld [tilespmem:$0xA2D0];
	v5 =	vadd.f32 v29, v5;
	v6 =	vadd.f32 v30, v6  }
0x264: {  	v10 =	vld [tilespmem:$0xA2E0];
	v7 =	vadd.f32 v31, v7;
	v0 =	vadd.f32 v32, v0  }
0x265: {  	v11 =	vld [tilespmem:$0xA2F0];
	v1 =	vadd.f32 v33, v1;
	v2 =	vadd.f32 v34, v2  }
0x266: {  	v12 =	vld [tilespmem:$0xA300];
	v3 =	vadd.f32 v35, v3;
	v4 =	vadd.f32 v36, v4  }
0x267: {  	v13 =	vld [tilespmem:$0xA310];
	v5 =	vadd.f32 v37, v5;
	v6 =	vadd.f32 v38, v6  }
0x268: {  	v14 =	vld [tilespmem:$0xA320];
	v7 =	vadd.f32 v39, v7;
	v0 =	vadd.f32 v40, v0  }
0x269: {  	s15 =	sadd.s32 $0x780, s30;
	v15 =	vld [tilespmem:$0xA330];
	v1 =	vadd.f32 v41, v1;
	v2 =	vadd.f32 v42, v2  }
0x26a: {  	v63 =	vld [tilespmem:$0xA3F0];
	[tilespmem:s11], [sflag:$0x1] =	stream.indirect.gather [hbm4b:s2+s10], $0x80, s15, s10, $0xb8;
	v3 =	vadd.f32 v43, v3;
	v4 =	vadd.f32 v8, v4  }
0x26b: {  	_ =	swait.ge [sflag:s20], $0x4000;
	v5 =	vadd.f32 v9, v5;
	v6 =	vadd.f32 v10, v6  }
0x26c: {  	[sflag:s20] =	ssyncset.done $0x0;
	v7 =	vadd.f32 v11, v7;
	v0 =	vadd.f32 v12, v0  }
0x26d: {  	s15 =	simm.s32 $0x0;
	[sflag:s20] =	ssyncadd.s32 $0xFFFFC000;
	v1 =	vadd.f32 v13, v1;
	v2 =	vadd.f32 v14, v2  }
0x26e: {  	v11 =	vld [tilespmem:s15+$0xA470];
	v3 =	vadd.f32 v15, v3;
	v4 =	vadd.f32 v52, v4  }
0x26f: {  	v5 =	vadd.f32 v53, v5;
	v6 =	vadd.f32 v54, v6;
	v12 =	vld [tilespmem:s15+$0xA400]  }
0x270: {  	v7 =	vadd.f32 v55, v7;
	v14 =	vld [tilespmem:s15+$0xA410];
	v13 =	vadd.f32 v56, v0  }
0x271: {  	v8 =	vld [tilespmem:s15+$0xA420];
	v15 =	vadd.f32 v57, v1;
	v0 =	vadd.f32 v58, v2  }
0x272: {  	v9 =	vld [tilespmem:s15+$0xA430];
	v1 =	vadd.f32 v59, v3;
	v7 =	vadd.f32 v63, v7  }
0x273: {  	v10 =	vld [tilespmem:s15+$0xA440];
	v2 =	vadd.f32 v60, v4;
	v3 =	vadd.f32 v61, v5  }
0x274: {  	v4 =	vadd.f32 v62, v6;
	v5 =	vadd.f32 v11, v7;
	v11 =	vld [tilespmem:s15+$0xA450]  }
0x275: {  	s13 =	simm.s32 $0x400;
	s0 =	simm.s32 $0x80;
	v6 =	vadd.f32 v12, v13;
	v7 =	vadd.f32 v14, v15;
	v12 =	vld [tilespmem:s15+$0xA460]  }
.LBB2_37:
0x276: {  	p0 =	sne.s32 s13, $0xFE00;
	v13 =	vld [tilespmem:s0+$0xA470];
	v0 =	vadd.f32 v8, v0  }
0x277: {  	v14 =	vld [tilespmem:s0+$0xA400];
	v1 =	vadd.f32 v9, v1  }
0x278: {  	v15 =	vld [tilespmem:s0+$0xA410];
	v2 =	vadd.f32 v10, v2  }
.Ltmp19:
0x279: {  	v8 =	vld [tilespmem:s0+$0xA420];
	v3 =	vadd.f32 v11, v3;
	(pc) =	sbr.rel @p0 .LBB2_37-.Ltmp19, $4  }
0x27a: {  	v9 =	vld [tilespmem:s0+$0xA430];
	v4 =	vadd.f32 v12, v4  }
0x27b: {  	v10 =	vld [tilespmem:s0+$0xA440];
	v5 =	vadd.f32 v13, v5  }
0x27c: {  	v6 =	vadd.f32 v14, v6;
	v11 =	vld [tilespmem:s0+$0xA450]  }
0x27d: {  	v7 =	vadd.f32 v15, v7;
	v12 =	vld [tilespmem:s0+$0xA460];
	s0 =	sshra.s32 s13, $0x2;
	s13 =	sadd.s32 $0x200, s13  }
0x27e: {  	v13 =	vld [tilespmem:s0+$0xA470]  }
0x27f: {  	v14 =	vld [tilespmem:s0+$0xA400]  }
0x280: {  	v15 =	vld [tilespmem:s0+$0xA410]  }
0x281: {  	v16 =	vld [tilespmem:s0+$0xA420]  }
0x282: {  	v17 =	vld [tilespmem:s0+$0xA430]  }
0x283: {  	v18 =	vld [tilespmem:s0+$0xA440]  }
0x284: {  	v19 =	vld [tilespmem:s0+$0xA450];
	s15 =	sadd.s32 $0x800, s30  }
0x285: {  	v20 =	vld [tilespmem:s0+$0xA460];
	[tilespmem:s12], [sflag:$0x2] =	stream.indirect.gather [hbm4b:s2+s10], $0x80, s15, s10, $0xb8  }
0x286: {  	_ =	swait.ge [sflag:s22], $0x4000  }
0x287: {  	[sflag:s22] =	ssyncset.done $0x0  }
0x288: {  	s15 =	simm.s32 $0x0;
	[sflag:s22] =	ssyncadd.s32 $0xFFFFC000  }
0x289: {  	v0 =	vadd.f32 v8, v0;
	v1 =	vadd.f32 v9, v1;
	v9 =	vld [tilespmem:s15+$0xE470]  }
0x28a: {  	v2 =	vadd.f32 v10, v2;
	v8 =	vadd.f32 v11, v3;
	v10 =	vld [tilespmem:s15+$0xE400]  }
0x28b: {  	v11 =	vadd.f32 v12, v4;
	v12 =	vadd.f32 v13, v5;
	v13 =	vld [tilespmem:s15+$0xE410]  }
0x28c: {  	v14 =	vadd.f32 v14, v6;
	v15 =	vadd.f32 v15, v7;
	v6 =	vld [tilespmem:s15+$0xE420]  }
0x28d: {  	v5 =	vadd.f32 v16, v0;
	v4 =	vadd.f32 v17, v1;
	v7 =	vld [tilespmem:s15+$0xE430]  }
0x28e: {  	v3 =	vadd.f32 v18, v2;
	v2 =	vadd.f32 v19, v8;
	v8 =	vld [tilespmem:s15+$0xE440]  }
0x28f: {  	v1 =	vadd.f32 v20, v11;
	v0 =	vadd.f32 v9, v12;
	v9 =	vld [tilespmem:s15+$0xE450]  }
0x290: {  	s0 =	simm.s32 $0x80;
	s13 =	simm.s32 $0x400;
	v10 =	vadd.f32 v10, v14;
	v11 =	vadd.f32 v13, v15;
	v12 =	vld [tilespmem:s15+$0xE460]  }
.LBB2_39:
0x291: {  	p0 =	sne.s32 s13, $0x7E00;
	v13 =	vld [tilespmem:s0+$0xE470];
	v5 =	vadd.f32 v6, v5  }
0x292: {  	v14 =	vld [tilespmem:s0+$0xE400];
	v4 =	vadd.f32 v7, v4  }
0x293: {  	v15 =	vld [tilespmem:s0+$0xE410];
	v3 =	vadd.f32 v8, v3  }
.Ltmp20:
0x294: {  	v6 =	vld [tilespmem:s0+$0xE420];
	v2 =	vadd.f32 v9, v2;
	(pc) =	sbr.rel @p0 .LBB2_39-.Ltmp20, $4  }
0x295: {  	v7 =	vld [tilespmem:s0+$0xE430];
	v1 =	vadd.f32 v12, v1  }
0x296: {  	v8 =	vld [tilespmem:s0+$0xE440];
	v0 =	vadd.f32 v13, v0  }
0x297: {  	v10 =	vadd.f32 v14, v10;
	v9 =	vld [tilespmem:s0+$0xE450]  }
0x298: {  	v11 =	vadd.f32 v15, v11;
	v12 =	vld [tilespmem:s0+$0xE460];
	s0 =	sshra.s32 s13, $0x2;
	s13 =	sadd.s32 $0x200, s13  }
0x299: {  	v13 =	vld [tilespmem:s0+$0xE470]  }
0x29a: {  	v14 =	vld [tilespmem:s0+$0xE400]  }
0x29b: {  	v15 =	vld [tilespmem:s0+$0xE410]  }
0x29c: {  	v16 =	vld [tilespmem:s0+$0xE420]  }
0x29d: {  	v17 =	vld [tilespmem:s0+$0xE430]  }
0x29e: {  	v18 =	vld [tilespmem:s0+$0xE440]  }
0x29f: {  	v19 =	vld [tilespmem:s0+$0xE450]  }
0x2a0: {  	v20 =	vld [tilespmem:s0+$0xE460];
	_ =	swait.ge [sflag:s24], $0x80  }
0x2a1: {  	v5 =	vadd.f32 v6, v5;
	[sflag:s24] =	ssyncset.done $0x0;
	v6 =	vadd.f32 v14, v10  }
0x2a2: {  	v4 =	vadd.f32 v7, v4;
	[sflag:s24] =	ssyncadd.s32 $0xFFFFFF80;
	v7 =	vadd.f32 v15, v11  }
0x2a3: {  	v3 =	vadd.f32 v8, v3;
	v5 =	vadd.f32 v16, v5;
	[tilespmem:$0x1A400] =	vst v6  }
0x2a4: {  	v2 =	vadd.f32 v9, v2;
	v4 =	vadd.f32 v17, v4;
	[tilespmem:$0x1A410] =	vst v7  }
0x2a5: {  	v3 =	vadd.f32 v18, v3;
	[tilespmem:$0x1A420] =	vst v5  }
0x2a6: {  	v1 =	vadd.f32 v12, v1;
	v2 =	vadd.f32 v19, v2;
	[tilespmem:$0x1A430] =	vst v4  }
0x2a7: {  	v0 =	vadd.f32 v13, v0;
	[tilespmem:$0x1A440] =	vst v3  }
0x2a8: {  	s15 =	sadd.s32 $0x380, s31;
	v1 =	vadd.f32 v20, v1;
	[tilespmem:$0x1A450] =	vst v2  }
0x2a9: {  	s0 =	sand.u32 $0x3FFFFF80, s15;
	[tilespmem:$0x1A470] =	vst v0  }
0x2aa: {  	s15 =	simm.s32 $0x0;
	s0 =	sadd.s32 s0, s3;
	[tilespmem:$0x1A460] =	vst v1  }
0x2ab: {  	[spmem:s0] =	stream.linear.scatter [tilespmem:s21], [sflag:$0x6], $0x80, $0x38;
	[tilespmem:$0x1E480] =	vst v63  }
0x2ac: {  	v0 =	vld [tilespmem:s15+$0x10470]  }
0x2ad: {  	v2 =	vld [tilespmem:s15+$0x10400]  }
0x2ae: {  	v4 =	vld [tilespmem:s15+$0x10410]  }
0x2af: {  	v5 =	vld [tilespmem:s15+$0x10420]  }
0x2b0: {  	v8 =	vld [tilespmem:s15+$0x10430]  }
0x2b1: {  	v9 =	vimm.f32 $0.0e+00;
	v3 =	vimm.f32 $0.0e+00;
	v6 =	vld [tilespmem:s15+$0x10440]  }
0x2b2: {  	v10 =	vimm.f32 $0.0e+00;
	v7 =	vimm.f32 $0.0e+00;
	v11 =	vld [tilespmem:s15+$0x10450];
	v1 =	vadd.f32 v0, v3  }
0x2b3: {  	s13 =	simm.s32 $0x400;
	s0 =	simm.s32 $0x80;
	v12 =	vld [tilespmem:s15+$0x10460];
	v0 =	vadd.f32 v2, v3;
	v2 =	vadd.f32 v4, v3;
	v4 =	vimm.f32 $0.0e+00  }
.LBB2_41:
0x2b4: {  	p0 =	sne.s32 s13, $0x7E00;
	v13 =	vld [tilespmem:s0+$0x10470];
	v3 =	vadd.f32 v5, v3  }
0x2b5: {  	v14 =	vld [tilespmem:s0+$0x10400];
	v4 =	vadd.f32 v8, v4  }
0x2b6: {  	v15 =	vld [tilespmem:s0+$0x10410];
	v9 =	vadd.f32 v6, v9  }
.Ltmp21:
0x2b7: {  	v5 =	vld [tilespmem:s0+$0x10420];
	v10 =	vadd.f32 v11, v10;
	(pc) =	sbr.rel @p0 .LBB2_41-.Ltmp21, $4  }
0x2b8: {  	v8 =	vld [tilespmem:s0+$0x10430];
	v7 =	vadd.f32 v12, v7  }
0x2b9: {  	v6 =	vld [tilespmem:s0+$0x10440];
	v1 =	vadd.f32 v13, v1  }
0x2ba: {  	v0 =	vadd.f32 v14, v0;
	v11 =	vld [tilespmem:s0+$0x10450]  }
0x2bb: {  	v2 =	vadd.f32 v15, v2;
	v12 =	vld [tilespmem:s0+$0x10460];
	s0 =	sshra.s32 s13, $0x2;
	s13 =	sadd.s32 $0x200, s13  }
0x2bc: {  	v13 =	vld [tilespmem:s0+$0x10470]  }
0x2bd: {  	v14 =	vld [tilespmem:s0+$0x10400]  }
0x2be: {  	v15 =	vld [tilespmem:s0+$0x10410]  }
0x2bf: {  	v16 =	vld [tilespmem:s0+$0x10420]  }
0x2c0: {  	v17 =	vld [tilespmem:s0+$0x10430]  }
0x2c1: {  	v18 =	vld [tilespmem:s0+$0x10440]  }
0x2c2: {  	v19 =	vld [tilespmem:s0+$0x10450];
	s15 =	sadd.s32 $0x880, s30  }
0x2c3: {  	v20 =	vld [tilespmem:s0+$0x10460];
	[tilespmem:s14], [sflag:$0x3] =	stream.indirect.gather [hbm4b:s2+s10], $0x80, s15, s10, $0xb8  }
0x2c4: {  	_ =	swait.ge [sflag:s23], $0x4000  }
0x2c5: {  	[sflag:s23] =	ssyncset.done $0x0  }
0x2c6: {  	s15 =	simm.s32 $0x0;
	[sflag:s23] =	ssyncadd.s32 $0xFFFFC000  }
0x2c7: {  	v3 =	vadd.f32 v5, v3;
	v4 =	vadd.f32 v8, v4;
	v21 =	vld [tilespmem:s15+$0x12470]  }
0x2c8: {  	v5 =	vadd.f32 v6, v9;
	v6 =	vadd.f32 v11, v10;
	v22 =	vld [tilespmem:s15+$0x12400]  }
0x2c9: {  	v7 =	vadd.f32 v12, v7;
	v11 =	vadd.f32 v13, v1;
	v12 =	vld [tilespmem:s15+$0x12410]  }
0x2ca: {  	v13 =	vadd.f32 v14, v0;
	v14 =	vadd.f32 v15, v2;
	v8 =	vld [tilespmem:s15+$0x12420]  }
0x2cb: {  	v3 =	vadd.f32 v16, v3;
	v0 =	vadd.f32 v17, v4;
	v9 =	vld [tilespmem:s15+$0x12430]  }
0x2cc: {  	v4 =	vadd.f32 v18, v5;
	v1 =	vadd.f32 v19, v6;
	v10 =	vld [tilespmem:s15+$0x12440]  }
0x2cd: {  	v5 =	vadd.f32 v20, v7;
	v2 =	vadd.f32 v21, v11;
	v11 =	vld [tilespmem:s15+$0x12450]  }
0x2ce: {  	s0 =	simm.s32 $0x80;
	s13 =	simm.s32 $0x400;
	v6 =	vadd.f32 v22, v13;
	v7 =	vadd.f32 v12, v14;
	v12 =	vld [tilespmem:s15+$0x12460]  }
.LBB2_43:
0x2cf: {  	p0 =	sne.s32 s13, $0xFE00;
	v13 =	vld [tilespmem:s0+$0x12470];
	v3 =	vadd.f32 v8, v3  }
0x2d0: {  	v14 =	vld [tilespmem:s0+$0x12400];
	v0 =	vadd.f32 v9, v0  }
0x2d1: {  	v15 =	vld [tilespmem:s0+$0x12410];
	v4 =	vadd.f32 v10, v4  }
.Ltmp22:
0x2d2: {  	v8 =	vld [tilespmem:s0+$0x12420];
	v1 =	vadd.f32 v11, v1;
	(pc) =	sbr.rel @p0 .LBB2_43-.Ltmp22, $4  }
0x2d3: {  	v9 =	vld [tilespmem:s0+$0x12430];
	v5 =	vadd.f32 v12, v5  }
0x2d4: {  	v10 =	vld [tilespmem:s0+$0x12440];
	v2 =	vadd.f32 v13, v2  }
0x2d5: {  	v6 =	vadd.f32 v14, v6;
	v11 =	vld [tilespmem:s0+$0x12450]  }
0x2d6: {  	v7 =	vadd.f32 v15, v7;
	v12 =	vld [tilespmem:s0+$0x12460];
	s0 =	sshra.s32 s13, $0x2;
	s13 =	sadd.s32 $0x200, s13  }
0x2d7: {  	v13 =	vld [tilespmem:s0+$0x12470]  }
0x2d8: {  	v14 =	vld [tilespmem:s0+$0x12400]  }
0x2d9: {  	v15 =	vld [tilespmem:s0+$0x12410]  }
0x2da: {  	v16 =	vld [tilespmem:s0+$0x12420]  }
0x2db: {  	v17 =	vld [tilespmem:s0+$0x12430]  }
0x2dc: {  	v18 =	vld [tilespmem:s0+$0x12440]  }
0x2dd: {  	v19 =	vld [tilespmem:s0+$0x12450];
	s13 =	sadd.s32 $0x900, s30  }
0x2de: {  	v20 =	vld [tilespmem:s0+$0x12460];
	[tilespmem:s16], [sflag:$0x4] =	stream.indirect.gather [hbm4b:s2+s10], $0x80, s13, s10, $0xb8  }
0x2df: {  	_ =	swait.ge [sflag:s26], $0x4000  }
0x2e0: {  	[sflag:s26] =	ssyncset.done $0x0  }
0x2e1: {  	[sflag:s26] =	ssyncadd.s32 $0xFFFFC000  }
0x2e2: {  	v21 =	vld [tilespmem:$0x16400]  }
0x2e3: {  	v22 =	vld [tilespmem:$0x16410]  }
0x2e4: {  	v23 =	vld [tilespmem:$0x16420]  }
0x2e5: {  	v24 =	vld [tilespmem:$0x16430]  }
0x2e6: {  	v25 =	vld [tilespmem:$0x16440]  }
0x2e7: {  	v26 =	vld [tilespmem:$0x16450]  }
0x2e8: {  	v27 =	vld [tilespmem:$0x16460]  }
0x2e9: {  	v28 =	vld [tilespmem:$0x16470]  }
0x2ea: {  	v29 =	vld [tilespmem:$0x16480]  }
0x2eb: {  	v30 =	vld [tilespmem:$0x16490]  }
0x2ec: {  	v31 =	vld [tilespmem:$0x164A0]  }
0x2ed: {  	v32 =	vld [tilespmem:$0x164B0]  }
0x2ee: {  	v33 =	vld [tilespmem:$0x164C0]  }
0x2ef: {  	v34 =	vld [tilespmem:$0x164D0]  }
0x2f0: {  	v35 =	vld [tilespmem:$0x164E0]  }
0x2f1: {  	v36 =	vld [tilespmem:$0x164F0]  }
0x2f2: {  	v37 =	vld [tilespmem:$0x16500]  }
0x2f3: {  	v38 =	vld [tilespmem:$0x16510]  }
0x2f4: {  	v39 =	vld [tilespmem:$0x16520]  }
0x2f5: {  	v40 =	vld [tilespmem:$0x16530]  }
0x2f6: {  	v41 =	vld [tilespmem:$0x16540]  }
0x2f7: {  	v42 =	vld [tilespmem:$0x16550]  }
0x2f8: {  	v43 =	vld [tilespmem:$0x16560]  }
0x2f9: {  	v44 =	vld [tilespmem:$0x16570]  }
0x2fa: {  	v45 =	vld [tilespmem:$0x16580]  }
0x2fb: {  	v46 =	vld [tilespmem:$0x16590]  }
0x2fc: {  	v47 =	vld [tilespmem:$0x165A0]  }
0x2fd: {  	v48 =	vld [tilespmem:$0x165B0]  }
0x2fe: {  	v49 =	vld [tilespmem:$0x165C0]  }
0x2ff: {  	v50 =	vld [tilespmem:$0x165D0]  }
0x300: {  	v51 =	vld [tilespmem:$0x165E0]  }
0x301: {  	v52 =	vld [tilespmem:$0x165F0]  }
0x302: {  	v3 =	vadd.f32 v8, v3;
	v53 =	vld [tilespmem:$0x16600]  }
0x303: {  	v0 =	vadd.f32 v9, v0;
	v4 =	vadd.f32 v10, v4;
	v8 =	vld [tilespmem:$0x16610]  }
0x304: {  	v1 =	vadd.f32 v11, v1;
	v5 =	vadd.f32 v12, v5;
	v9 =	vld [tilespmem:$0x16620]  }
0x305: {  	v10 =	vld [tilespmem:$0x16630];
	v2 =	vadd.f32 v13, v2;
	v6 =	vadd.f32 v14, v6  }
0x306: {  	v11 =	vld [tilespmem:$0x16640];
	v7 =	vadd.f32 v15, v7;
	v3 =	vadd.f32 v16, v3  }
0x307: {  	v12 =	vld [tilespmem:$0x16650];
	v0 =	vadd.f32 v17, v0;
	v4 =	vadd.f32 v18, v4  }
0x308: {  	v13 =	vld [tilespmem:$0x16660];
	v1 =	vadd.f32 v19, v1;
	v5 =	vadd.f32 v20, v5  }
0x309: {  	v14 =	vld [tilespmem:$0x16670];
	v6 =	vadd.f32 v21, v6;
	v7 =	vadd.f32 v22, v7  }
0x30a: {  	v15 =	vld [tilespmem:$0x16680];
	v3 =	vadd.f32 v23, v3;
	v0 =	vadd.f32 v24, v0  }
0x30b: {  	v16 =	vld [tilespmem:$0x16690];
	v4 =	vadd.f32 v25, v4;
	v1 =	vadd.f32 v26, v1  }
0x30c: {  	v17 =	vld [tilespmem:$0x166A0];
	v5 =	vadd.f32 v27, v5;
	v2 =	vadd.f32 v28, v2  }
0x30d: {  	v18 =	vld [tilespmem:$0x166B0];
	v6 =	vadd.f32 v29, v6;
	v7 =	vadd.f32 v30, v7  }
0x30e: {  	v19 =	vld [tilespmem:$0x166C0];
	v3 =	vadd.f32 v31, v3;
	v0 =	vadd.f32 v32, v0  }
0x30f: {  	v54 =	vld [tilespmem:$0x166E0];
	v4 =	vadd.f32 v33, v4;
	v1 =	vadd.f32 v34, v1  }
0x310: {  	v55 =	vld [tilespmem:$0x166F0];
	v5 =	vadd.f32 v35, v5;
	v2 =	vadd.f32 v36, v2  }
0x311: {  	v56 =	vld [tilespmem:$0x16700];
	v6 =	vadd.f32 v37, v6;
	v7 =	vadd.f32 v38, v7  }
0x312: {  	v57 =	vld [tilespmem:$0x16710];
	v3 =	vadd.f32 v39, v3;
	v0 =	vadd.f32 v40, v0  }
0x313: {  	v58 =	vld [tilespmem:$0x16720];
	v4 =	vadd.f32 v41, v4;
	v1 =	vadd.f32 v42, v1  }
0x314: {  	v59 =	vld [tilespmem:$0x16730];
	v5 =	vadd.f32 v43, v5;
	v2 =	vadd.f32 v44, v2  }
0x315: {  	v60 =	vld [tilespmem:$0x16740];
	v6 =	vadd.f32 v45, v6;
	v7 =	vadd.f32 v46, v7  }
0x316: {  	v61 =	vld [tilespmem:$0x16750];
	v3 =	vadd.f32 v47, v3;
	v0 =	vadd.f32 v48, v0  }
0x317: {  	v62 =	vld [tilespmem:$0x16760];
	v4 =	vadd.f32 v49, v4;
	v1 =	vadd.f32 v50, v1  }
0x318: {  	v63 =	vld [tilespmem:$0x16770];
	v5 =	vadd.f32 v51, v5;
	v2 =	vadd.f32 v52, v2  }
0x319: {  	v20 =	vld [tilespmem:$0x166D0];
	v6 =	vadd.f32 v53, v6;
	v7 =	vadd.f32 v8, v7  }
0x31a: {  	v8 =	vld [tilespmem:$0x16780];
	v3 =	vadd.f32 v9, v3;
	v0 =	vadd.f32 v10, v0  }
0x31b: {  	v9 =	vld [tilespmem:$0x16790];
	v4 =	vadd.f32 v11, v4;
	v1 =	vadd.f32 v12, v1  }
0x31c: {  	v10 =	vld [tilespmem:$0x167A0];
	v5 =	vadd.f32 v13, v5;
	v2 =	vadd.f32 v14, v2  }
0x31d: {  	v11 =	vld [tilespmem:$0x167B0];
	v6 =	vadd.f32 v15, v6;
	v7 =	vadd.f32 v16, v7  }
0x31e: {  	v12 =	vld [tilespmem:$0x167C0];
	v3 =	vadd.f32 v17, v3;
	v0 =	vadd.f32 v18, v0  }
0x31f: {  	v13 =	vld [tilespmem:$0x167D0];
	v4 =	vadd.f32 v19, v4;
	v1 =	vadd.f32 v20, v1  }
0x320: {  	v14 =	vld [tilespmem:$0x167E0];
	v5 =	vadd.f32 v54, v5;
	v6 =	vadd.f32 v56, v6  }
0x321: {  	v15 =	vld [tilespmem:$0x167F0];
	v2 =	vadd.f32 v55, v2;
	_ =	swait.ge [sflag:s24], $0x80;
	v7 =	vadd.f32 v57, v7  }
0x322: {  	[sflag:s24] =	ssyncset.done $0x0;
	v3 =	vadd.f32 v58, v3;
	v6 =	vadd.f32 v8, v6  }
0x323: {  	v0 =	vadd.f32 v59, v0;
	[sflag:s24] =	ssyncadd.s32 $0xFFFFFF80;
	v7 =	vadd.f32 v9, v7  }
0x324: {  	v4 =	vadd.f32 v60, v4;
	v3 =	vadd.f32 v10, v3;
	[tilespmem:$0x1A400] =	vst v6  }
0x325: {  	v1 =	vadd.f32 v61, v1;
	v0 =	vadd.f32 v11, v0;
	[tilespmem:$0x1A410] =	vst v7  }
0x326: {  	v2 =	vadd.f32 v63, v2;
	v4 =	vadd.f32 v12, v4;
	[tilespmem:$0x1A420] =	vst v3  }
0x327: {  	v5 =	vadd.f32 v62, v5;
	v1 =	vadd.f32 v13, v1;
	[tilespmem:$0x1A430] =	vst v0  }
0x328: {  	v2 =	vadd.f32 v15, v2;
	[tilespmem:$0x1A440] =	vst v4  }
0x329: {  	s15 =	sadd.s32 $0x400, s31;
	v0 =	vadd.f32 v14, v5;
	[tilespmem:$0x1A450] =	vst v1  }
0x32a: {  	s0 =	sand.u32 $0x3FFFFF80, s15;
	[tilespmem:$0x1A470] =	vst v2  }
0x32b: {  	s15 =	simm.s32 $0x0;
	s0 =	sadd.s32 s0, s3;
	[tilespmem:$0x1A460] =	vst v0  }
0x32c: {  	[spmem:s0] =	stream.linear.scatter [tilespmem:s21], [sflag:$0x6], $0x80, $0x38;
	[tilespmem:$0x1E480] =	vst v63  }
0x32d: {  	v0 =	vld [tilespmem:s15+$0x16870]  }
0x32e: {  	v2 =	vld [tilespmem:s15+$0x16800]  }
0x32f: {  	v4 =	vld [tilespmem:s15+$0x16810]  }
0x330: {  	v5 =	vld [tilespmem:s15+$0x16820]  }
0x331: {  	v8 =	vld [tilespmem:s15+$0x16830]  }
0x332: {  	v9 =	vimm.f32 $0.0e+00;
	v3 =	vimm.f32 $0.0e+00;
	v6 =	vld [tilespmem:s15+$0x16840]  }
0x333: {  	v10 =	vimm.f32 $0.0e+00;
	v7 =	vimm.f32 $0.0e+00;
	v11 =	vld [tilespmem:s15+$0x16850];
	v1 =	vadd.f32 v0, v3  }
0x334: {  	s13 =	simm.s32 $0x400;
	s0 =	simm.s32 $0x80;
	v12 =	vld [tilespmem:s15+$0x16860];
	v0 =	vadd.f32 v2, v3;
	v2 =	vadd.f32 v4, v3;
	v4 =	vimm.f32 $0.0e+00  }
.LBB2_45:
0x335: {  	p0 =	sne.s32 s13, $0xEE00;
	v13 =	vld [tilespmem:s0+$0x16870];
	v3 =	vadd.f32 v5, v3  }
0x336: {  	v14 =	vld [tilespmem:s0+$0x16800];
	v4 =	vadd.f32 v8, v4  }
0x337: {  	v15 =	vld [tilespmem:s0+$0x16810];
	v9 =	vadd.f32 v6, v9  }
.Ltmp23:
0x338: {  	v5 =	vld [tilespmem:s0+$0x16820];
	v10 =	vadd.f32 v11, v10;
	(pc) =	sbr.rel @p0 .LBB2_45-.Ltmp23, $4  }
0x339: {  	v8 =	vld [tilespmem:s0+$0x16830];
	v7 =	vadd.f32 v12, v7  }
0x33a: {  	v6 =	vld [tilespmem:s0+$0x16840];
	v1 =	vadd.f32 v13, v1  }
0x33b: {  	v0 =	vadd.f32 v14, v0;
	v11 =	vld [tilespmem:s0+$0x16850]  }
0x33c: {  	v2 =	vadd.f32 v15, v2;
	v12 =	vld [tilespmem:s0+$0x16860];
	s0 =	sshra.s32 s13, $0x2;
	s13 =	sadd.s32 $0x200, s13  }
0x33d: {  	v13 =	vld [tilespmem:s0+$0x16870]  }
0x33e: {  	v14 =	vld [tilespmem:s0+$0x16800]  }
0x33f: {  	v15 =	vld [tilespmem:s0+$0x16810]  }
0x340: {  	v16 =	vld [tilespmem:s0+$0x16820]  }
0x341: {  	v17 =	vld [tilespmem:s0+$0x16830]  }
0x342: {  	v18 =	vld [tilespmem:s0+$0x16840]  }
0x343: {  	v19 =	vld [tilespmem:s0+$0x16850];
	s15 =	sadd.s32 $0x980, s30  }
0x344: {  	v20 =	vld [tilespmem:s0+$0x16860];
	[tilespmem:s18], [sflag:$0x5] =	stream.indirect.gather [hbm4b:s2+s10], $0x80, s15, s10, $0xb8  }
0x345: {  	_ =	swait.ge [sflag:s19], $0x4000  }
0x346: {  	[sflag:s19] =	ssyncset.done $0x0  }
0x347: {  	s15 =	simm.s32 $0x0;
	[sflag:s19] =	ssyncadd.s32 $0xFFFFC000  }
0x348: {  	v3 =	vadd.f32 v5, v3;
	v4 =	vadd.f32 v8, v4;
	v21 =	vld [tilespmem:s15+$0x6470]  }
0x349: {  	v8 =	vadd.f32 v6, v9;
	v9 =	vadd.f32 v11, v10;
	v10 =	vld [tilespmem:s15+$0x6400]  }
0x34a: {  	v11 =	vadd.f32 v12, v7;
	v12 =	vadd.f32 v13, v1;
	v13 =	vld [tilespmem:s15+$0x6410]  }
0x34b: {  	v14 =	vadd.f32 v14, v0;
	v15 =	vadd.f32 v15, v2;
	v6 =	vld [tilespmem:s15+$0x6420]  }
0x34c: {  	v5 =	vadd.f32 v16, v3;
	v4 =	vadd.f32 v17, v4;
	v7 =	vld [tilespmem:s15+$0x6430]  }
0x34d: {  	v3 =	vadd.f32 v18, v8;
	v2 =	vadd.f32 v19, v9;
	v8 =	vld [tilespmem:s15+$0x6440]  }
0x34e: {  	v9 =	vld [tilespmem:s15+$0x6450];
	v1 =	vadd.f32 v20, v11;
	v0 =	vadd.f32 v21, v12  }
0x34f: {  	s0 =	simm.s32 $0x80;
	s13 =	simm.s32 $0x400;
	v10 =	vadd.f32 v10, v14;
	v11 =	vadd.f32 v13, v15;
	v12 =	vld [tilespmem:s15+$0x6460]  }
.LBB2_47:
0x350: {  	p0 =	sne.s32 s13, $0x9E00;
	v13 =	vld [tilespmem:s0+$0x6470];
	v5 =	vadd.f32 v6, v5  }
0x351: {  	v14 =	vld [tilespmem:s0+$0x6400];
	v4 =	vadd.f32 v7, v4  }
0x352: {  	v15 =	vld [tilespmem:s0+$0x6410];
	v3 =	vadd.f32 v8, v3  }
.Ltmp24:
0x353: {  	v6 =	vld [tilespmem:s0+$0x6420];
	v2 =	vadd.f32 v9, v2;
	(pc) =	sbr.rel @p0 .LBB2_47-.Ltmp24, $4  }
0x354: {  	v7 =	vld [tilespmem:s0+$0x6430];
	v1 =	vadd.f32 v12, v1  }
0x355: {  	v8 =	vld [tilespmem:s0+$0x6440];
	v0 =	vadd.f32 v13, v0  }
0x356: {  	v10 =	vadd.f32 v14, v10;
	v9 =	vld [tilespmem:s0+$0x6450]  }
0x357: {  	v11 =	vadd.f32 v15, v11;
	v12 =	vld [tilespmem:s0+$0x6460];
	s0 =	sshra.s32 s13, $0x2;
	s13 =	sadd.s32 $0x200, s13  }
0x358: {  	v13 =	vld [tilespmem:s0+$0x6470]  }
0x359: {  	v14 =	vld [tilespmem:s0+$0x6400]  }
0x35a: {  	v15 =	vld [tilespmem:s0+$0x6410]  }
0x35b: {  	v16 =	vld [tilespmem:s0+$0x6420]  }
0x35c: {  	v17 =	vld [tilespmem:s0+$0x6430]  }
0x35d: {  	v18 =	vld [tilespmem:s0+$0x6440]  }
0x35e: {  	v19 =	vld [tilespmem:s0+$0x6450]  }
0x35f: {  	v20 =	vld [tilespmem:s0+$0x6460];
	_ =	swait.ge [sflag:s24], $0x80  }
0x360: {  	v5 =	vadd.f32 v6, v5;
	[sflag:s24] =	ssyncset.done $0x0;
	v6 =	vadd.f32 v14, v10  }
0x361: {  	v4 =	vadd.f32 v7, v4;
	[sflag:s24] =	ssyncadd.s32 $0xFFFFFF80;
	v7 =	vadd.f32 v15, v11  }
0x362: {  	v3 =	vadd.f32 v8, v3;
	v5 =	vadd.f32 v16, v5;
	[tilespmem:$0x1A400] =	vst v6  }
0x363: {  	v2 =	vadd.f32 v9, v2;
	v4 =	vadd.f32 v17, v4;
	[tilespmem:$0x1A410] =	vst v7  }
0x364: {  	v3 =	vadd.f32 v18, v3;
	[tilespmem:$0x1A420] =	vst v5  }
0x365: {  	v1 =	vadd.f32 v12, v1;
	v2 =	vadd.f32 v19, v2;
	[tilespmem:$0x1A430] =	vst v4  }
0x366: {  	v0 =	vadd.f32 v13, v0;
	[tilespmem:$0x1A440] =	vst v3  }
0x367: {  	s15 =	sadd.s32 $0x480, s31;
	v1 =	vadd.f32 v20, v1;
	[tilespmem:$0x1A450] =	vst v2  }
0x368: {  	s0 =	sand.u32 $0x3FFFFF80, s15;
	[tilespmem:$0x1A470] =	vst v0  }
0x369: {  	s15 =	simm.s32 $0x0;
	s0 =	sadd.s32 s0, s3;
	[tilespmem:$0x1A460] =	vst v1  }
0x36a: {  	[spmem:s0] =	stream.linear.scatter [tilespmem:s21], [sflag:$0x6], $0x80, $0x38;
	[tilespmem:$0x1E480] =	vst v63  }
0x36b: {  	v0 =	vld [tilespmem:s15+$0x8C70]  }
0x36c: {  	v2 =	vld [tilespmem:s15+$0x8C00]  }
0x36d: {  	v4 =	vld [tilespmem:s15+$0x8C10]  }
0x36e: {  	v5 =	vld [tilespmem:s15+$0x8C20]  }
0x36f: {  	v8 =	vld [tilespmem:s15+$0x8C30]  }
0x370: {  	v9 =	vimm.f32 $0.0e+00;
	v3 =	vimm.f32 $0.0e+00;
	v6 =	vld [tilespmem:s15+$0x8C40]  }
0x371: {  	v10 =	vimm.f32 $0.0e+00;
	v7 =	vimm.f32 $0.0e+00;
	v11 =	vld [tilespmem:s15+$0x8C50];
	v1 =	vadd.f32 v0, v3  }
0x372: {  	s13 =	simm.s32 $0x400;
	s0 =	simm.s32 $0x80;
	v12 =	vld [tilespmem:s15+$0x8C60];
	v0 =	vadd.f32 v2, v3;
	v2 =	vadd.f32 v4, v3;
	v4 =	vimm.f32 $0.0e+00  }
.LBB2_49:
0x373: {  	p0 =	sne.s32 s13, $0x5E00;
	v13 =	vld [tilespmem:s0+$0x8C70];
	v3 =	vadd.f32 v5, v3  }
0x374: {  	v14 =	vld [tilespmem:s0+$0x8C00];
	v4 =	vadd.f32 v8, v4  }
0x375: {  	v15 =	vld [tilespmem:s0+$0x8C10];
	v9 =	vadd.f32 v6, v9  }
.Ltmp25:
0x376: {  	v5 =	vld [tilespmem:s0+$0x8C20];
	v10 =	vadd.f32 v11, v10;
	(pc) =	sbr.rel @p0 .LBB2_49-.Ltmp25, $4  }
0x377: {  	v8 =	vld [tilespmem:s0+$0x8C30];
	v7 =	vadd.f32 v12, v7  }
0x378: {  	v6 =	vld [tilespmem:s0+$0x8C40];
	v1 =	vadd.f32 v13, v1  }
0x379: {  	v0 =	vadd.f32 v14, v0;
	v11 =	vld [tilespmem:s0+$0x8C50]  }
0x37a: {  	v2 =	vadd.f32 v15, v2;
	v12 =	vld [tilespmem:s0+$0x8C60];
	s0 =	sshra.s32 s13, $0x2;
	s13 =	sadd.s32 $0x200, s13  }
0x37b: {  	v13 =	vld [tilespmem:s0+$0x8C70]  }
0x37c: {  	v14 =	vld [tilespmem:s0+$0x8C00]  }
0x37d: {  	v15 =	vld [tilespmem:s0+$0x8C10]  }
0x37e: {  	v16 =	vld [tilespmem:s0+$0x8C20]  }
0x37f: {  	v17 =	vld [tilespmem:s0+$0x8C30]  }
0x380: {  	v18 =	vld [tilespmem:s0+$0x8C40]  }
0x381: {  	v19 =	vld [tilespmem:s0+$0x8C50];
	s15 =	sadd.s32 $0xA00, s30  }
0x382: {  	v20 =	vld [tilespmem:s0+$0x8C60];
	[tilespmem:s11], [sflag:$0x1] =	stream.indirect.gather [hbm4b:s2+s10], $0x80, s15, s10, $0xb8  }
0x383: {  	_ =	swait.ge [sflag:s20], $0x4000  }
0x384: {  	[sflag:s20] =	ssyncset.done $0x0  }
0x385: {  	s15 =	simm.s32 $0x0;
	[sflag:s20] =	ssyncadd.s32 $0xFFFFC000  }
0x386: {  	v3 =	vadd.f32 v5, v3;
	v4 =	vadd.f32 v8, v4;
	v5 =	vld [tilespmem:s15+$0xA470]  }
0x387: {  	v6 =	vadd.f32 v6, v9;
	v10 =	vadd.f32 v11, v10;
	v21 =	vld [tilespmem:s15+$0xA400]  }
0x388: {  	v7 =	vadd.f32 v12, v7;
	v11 =	vadd.f32 v13, v1;
	v12 =	vld [tilespmem:s15+$0xA410]  }
0x389: {  	v13 =	vadd.f32 v14, v0;
	v14 =	vadd.f32 v15, v2;
	v8 =	vld [tilespmem:s15+$0xA420]  }
0x38a: {  	v0 =	vadd.f32 v16, v3;
	v1 =	vadd.f32 v17, v4;
	v9 =	vld [tilespmem:s15+$0xA430]  }
0x38b: {  	v2 =	vadd.f32 v18, v6;
	v3 =	vadd.f32 v19, v10;
	v10 =	vld [tilespmem:s15+$0xA440]  }
0x38c: {  	v4 =	vadd.f32 v20, v7;
	v5 =	vadd.f32 v5, v11;
	v11 =	vld [tilespmem:s15+$0xA450]  }
0x38d: {  	s0 =	simm.s32 $0x80;
	s13 =	simm.s32 $0x400;
	v6 =	vadd.f32 v21, v13;
	v7 =	vadd.f32 v12, v14;
	v12 =	vld [tilespmem:s15+$0xA460]  }
.LBB2_51:
0x38e: {  	p0 =	sne.s32 s13, $0xFE00;
	v13 =	vld [tilespmem:s0+$0xA470];
	v0 =	vadd.f32 v8, v0  }
0x38f: {  	v14 =	vld [tilespmem:s0+$0xA400];
	v1 =	vadd.f32 v9, v1  }
0x390: {  	v15 =	vld [tilespmem:s0+$0xA410];
	v2 =	vadd.f32 v10, v2  }
.Ltmp26:
0x391: {  	v8 =	vld [tilespmem:s0+$0xA420];
	v3 =	vadd.f32 v11, v3;
	(pc) =	sbr.rel @p0 .LBB2_51-.Ltmp26, $4  }
0x392: {  	v9 =	vld [tilespmem:s0+$0xA430];
	v4 =	vadd.f32 v12, v4  }
0x393: {  	v10 =	vld [tilespmem:s0+$0xA440];
	v5 =	vadd.f32 v13, v5  }
0x394: {  	v6 =	vadd.f32 v14, v6;
	v11 =	vld [tilespmem:s0+$0xA450]  }
0x395: {  	v7 =	vadd.f32 v15, v7;
	v12 =	vld [tilespmem:s0+$0xA460];
	s0 =	sshra.s32 s13, $0x2;
	s13 =	sadd.s32 $0x200, s13  }
0x396: {  	v13 =	vld [tilespmem:s0+$0xA470]  }
0x397: {  	v14 =	vld [tilespmem:s0+$0xA400]  }
0x398: {  	v15 =	vld [tilespmem:s0+$0xA410]  }
0x399: {  	v16 =	vld [tilespmem:s0+$0xA420]  }
0x39a: {  	v17 =	vld [tilespmem:s0+$0xA430]  }
0x39b: {  	v18 =	vld [tilespmem:s0+$0xA440]  }
0x39c: {  	v19 =	vld [tilespmem:s0+$0xA450];
	s15 =	sadd.s32 $0xA80, s30  }
0x39d: {  	v20 =	vld [tilespmem:s0+$0xA460];
	[tilespmem:s12], [sflag:$0x2] =	stream.indirect.gather [hbm4b:s2+s10], $0x80, s15, s10, $0xb8  }
0x39e: {  	_ =	swait.ge [sflag:s22], $0x4000  }
0x39f: {  	[sflag:s22] =	ssyncset.done $0x0  }
0x3a0: {  	s15 =	simm.s32 $0x0;
	[sflag:s22] =	ssyncadd.s32 $0xFFFFC000  }
0x3a1: {  	v0 =	vadd.f32 v8, v0;
	v1 =	vadd.f32 v9, v1;
	v9 =	vld [tilespmem:s15+$0xE470]  }
0x3a2: {  	v2 =	vadd.f32 v10, v2;
	v8 =	vadd.f32 v11, v3;
	v10 =	vld [tilespmem:s15+$0xE400]  }
0x3a3: {  	v11 =	vadd.f32 v12, v4;
	v12 =	vadd.f32 v13, v5;
	v13 =	vld [tilespmem:s15+$0xE410]  }
0x3a4: {  	v14 =	vadd.f32 v14, v6;
	v15 =	vadd.f32 v15, v7;
	v6 =	vld [tilespmem:s15+$0xE420]  }
0x3a5: {  	v5 =	vadd.f32 v16, v0;
	v4 =	vadd.f32 v17, v1;
	v7 =	vld [tilespmem:s15+$0xE430]  }
0x3a6: {  	v3 =	vadd.f32 v18, v2;
	v2 =	vadd.f32 v19, v8;
	v8 =	vld [tilespmem:s15+$0xE440]  }
0x3a7: {  	v1 =	vadd.f32 v20, v11;
	v0 =	vadd.f32 v9, v12;
	v9 =	vld [tilespmem:s15+$0xE450]  }
0x3a8: {  	s0 =	simm.s32 $0x80;
	s13 =	simm.s32 $0x400;
	v10 =	vadd.f32 v10, v14;
	v11 =	vadd.f32 v13, v15;
	v12 =	vld [tilespmem:s15+$0xE460]  }
.LBB2_53:
0x3a9: {  	p0 =	sne.s32 s13, $0x2E00;
	v13 =	vld [tilespmem:s0+$0xE470];
	v5 =	vadd.f32 v6, v5  }
0x3aa: {  	v14 =	vld [tilespmem:s0+$0xE400];
	v4 =	vadd.f32 v7, v4  }
0x3ab: {  	v15 =	vld [tilespmem:s0+$0xE410];
	v3 =	vadd.f32 v8, v3  }
.Ltmp27:
0x3ac: {  	v6 =	vld [tilespmem:s0+$0xE420];
	v2 =	vadd.f32 v9, v2;
	(pc) =	sbr.rel @p0 .LBB2_53-.Ltmp27, $4  }
0x3ad: {  	v7 =	vld [tilespmem:s0+$0xE430];
	v1 =	vadd.f32 v12, v1  }
0x3ae: {  	v8 =	vld [tilespmem:s0+$0xE440];
	v0 =	vadd.f32 v13, v0  }
0x3af: {  	v10 =	vadd.f32 v14, v10;
	v9 =	vld [tilespmem:s0+$0xE450]  }
0x3b0: {  	v11 =	vadd.f32 v15, v11;
	v12 =	vld [tilespmem:s0+$0xE460];
	s0 =	sshra.s32 s13, $0x2;
	s13 =	sadd.s32 $0x200, s13  }
0x3b1: {  	v13 =	vld [tilespmem:s0+$0xE470]  }
0x3b2: {  	v14 =	vld [tilespmem:s0+$0xE400]  }
0x3b3: {  	v15 =	vld [tilespmem:s0+$0xE410]  }
0x3b4: {  	v16 =	vld [tilespmem:s0+$0xE420]  }
0x3b5: {  	v17 =	vld [tilespmem:s0+$0xE430]  }
0x3b6: {  	v18 =	vld [tilespmem:s0+$0xE440]  }
0x3b7: {  	v19 =	vld [tilespmem:s0+$0xE450]  }
0x3b8: {  	v20 =	vld [tilespmem:s0+$0xE460];
	_ =	swait.ge [sflag:s24], $0x80  }
0x3b9: {  	v5 =	vadd.f32 v6, v5;
	[sflag:s24] =	ssyncset.done $0x0;
	v6 =	vadd.f32 v14, v10  }
0x3ba: {  	v4 =	vadd.f32 v7, v4;
	[sflag:s24] =	ssyncadd.s32 $0xFFFFFF80;
	v7 =	vadd.f32 v15, v11  }
0x3bb: {  	v3 =	vadd.f32 v8, v3;
	v5 =	vadd.f32 v16, v5;
	[tilespmem:$0x1A400] =	vst v6  }
0x3bc: {  	v2 =	vadd.f32 v9, v2;
	v4 =	vadd.f32 v17, v4;
	[tilespmem:$0x1A410] =	vst v7  }
0x3bd: {  	v3 =	vadd.f32 v18, v3;
	[tilespmem:$0x1A420] =	vst v5  }
0x3be: {  	v1 =	vadd.f32 v12, v1;
	v2 =	vadd.f32 v19, v2;
	[tilespmem:$0x1A430] =	vst v4  }
0x3bf: {  	v0 =	vadd.f32 v13, v0;
	[tilespmem:$0x1A440] =	vst v3  }
0x3c0: {  	s15 =	sadd.s32 $0x500, s31;
	v1 =	vadd.f32 v20, v1;
	[tilespmem:$0x1A450] =	vst v2  }
0x3c1: {  	s0 =	sand.u32 $0x3FFFFF80, s15;
	[tilespmem:$0x1A470] =	vst v0  }
0x3c2: {  	s15 =	simm.s32 $0x0;
	s0 =	sadd.s32 s0, s3;
	[tilespmem:$0x1A460] =	vst v1  }
0x3c3: {  	[spmem:s0] =	stream.linear.scatter [tilespmem:s21], [sflag:$0x6], $0x80, $0x38;
	[tilespmem:$0x1E480] =	vst v63  }
0x3c4: {  	v0 =	vld [tilespmem:s15+$0xF070]  }
0x3c5: {  	v2 =	vld [tilespmem:s15+$0xF000]  }
0x3c6: {  	v4 =	vld [tilespmem:s15+$0xF010]  }
0x3c7: {  	v5 =	vld [tilespmem:s15+$0xF020]  }
0x3c8: {  	v8 =	vld [tilespmem:s15+$0xF030]  }
0x3c9: {  	v9 =	vimm.f32 $0.0e+00;
	v3 =	vimm.f32 $0.0e+00;
	v6 =	vld [tilespmem:s15+$0xF040]  }
0x3ca: {  	v10 =	vimm.f32 $0.0e+00;
	v7 =	vimm.f32 $0.0e+00;
	v11 =	vld [tilespmem:s15+$0xF050];
	v1 =	vadd.f32 v0, v3  }
0x3cb: {  	s13 =	simm.s32 $0x400;
	s0 =	simm.s32 $0x80;
	v12 =	vld [tilespmem:s15+$0xF060];
	v0 =	vadd.f32 v2, v3;
	v2 =	vadd.f32 v4, v3;
	v4 =	vimm.f32 $0.0e+00  }
.LBB2_55:
0x3cc: {  	p0 =	sne.s32 s13, $0xCE00;
	v13 =	vld [tilespmem:s0+$0xF070];
	v3 =	vadd.f32 v5, v3  }
0x3cd: {  	v14 =	vld [tilespmem:s0+$0xF000];
	v4 =	vadd.f32 v8, v4  }
0x3ce: {  	v15 =	vld [tilespmem:s0+$0xF010];
	v9 =	vadd.f32 v6, v9  }
.Ltmp28:
0x3cf: {  	v5 =	vld [tilespmem:s0+$0xF020];
	v10 =	vadd.f32 v11, v10;
	(pc) =	sbr.rel @p0 .LBB2_55-.Ltmp28, $4  }
0x3d0: {  	v8 =	vld [tilespmem:s0+$0xF030];
	v7 =	vadd.f32 v12, v7  }
0x3d1: {  	v6 =	vld [tilespmem:s0+$0xF040];
	v1 =	vadd.f32 v13, v1  }
0x3d2: {  	v0 =	vadd.f32 v14, v0;
	v11 =	vld [tilespmem:s0+$0xF050]  }
0x3d3: {  	v2 =	vadd.f32 v15, v2;
	v12 =	vld [tilespmem:s0+$0xF060];
	s0 =	sshra.s32 s13, $0x2;
	s13 =	sadd.s32 $0x200, s13  }
0x3d4: {  	v13 =	vld [tilespmem:s0+$0xF070]  }
0x3d5: {  	v14 =	vld [tilespmem:s0+$0xF000]  }
0x3d6: {  	v15 =	vld [tilespmem:s0+$0xF010]  }
0x3d7: {  	v16 =	vld [tilespmem:s0+$0xF020]  }
0x3d8: {  	v17 =	vld [tilespmem:s0+$0xF030]  }
0x3d9: {  	v18 =	vld [tilespmem:s0+$0xF040]  }
0x3da: {  	v19 =	vld [tilespmem:s0+$0xF050];
	s15 =	sadd.s32 $0xB00, s30  }
0x3db: {  	v20 =	vld [tilespmem:s0+$0xF060];
	[tilespmem:s14], [sflag:$0x3] =	stream.indirect.gather [hbm4b:s2+s10], $0x80, s15, s10, $0xb8  }
0x3dc: {  	_ =	swait.ge [sflag:s23], $0x4000  }
0x3dd: {  	[sflag:s23] =	ssyncset.done $0x0  }
0x3de: {  	s15 =	simm.s32 $0x0;
	[sflag:s23] =	ssyncadd.s32 $0xFFFFC000  }
0x3df: {  	v3 =	vadd.f32 v5, v3;
	v4 =	vadd.f32 v8, v4;
	v21 =	vld [tilespmem:s15+$0x12470]  }
0x3e0: {  	v8 =	vadd.f32 v6, v9;
	v9 =	vadd.f32 v11, v10;
	v10 =	vld [tilespmem:s15+$0x12400]  }
0x3e1: {  	v11 =	vadd.f32 v12, v7;
	v12 =	vadd.f32 v13, v1;
	v13 =	vld [tilespmem:s15+$0x12410]  }
0x3e2: {  	v14 =	vadd.f32 v14, v0;
	v15 =	vadd.f32 v15, v2;
	v6 =	vld [tilespmem:s15+$0x12420]  }
0x3e3: {  	v5 =	vadd.f32 v16, v3;
	v4 =	vadd.f32 v17, v4;
	v7 =	vld [tilespmem:s15+$0x12430]  }
0x3e4: {  	v3 =	vadd.f32 v18, v8;
	v2 =	vadd.f32 v19, v9;
	v8 =	vld [tilespmem:s15+$0x12440]  }
0x3e5: {  	v9 =	vld [tilespmem:s15+$0x12450];
	v1 =	vadd.f32 v20, v11;
	v0 =	vadd.f32 v21, v12  }
0x3e6: {  	s0 =	simm.s32 $0x80;
	s13 =	simm.s32 $0x400;
	v10 =	vadd.f32 v10, v14;
	v11 =	vadd.f32 v13, v15;
	v12 =	vld [tilespmem:s15+$0x12460]  }
.LBB2_57:
0x3e7: {  	p0 =	sne.s32 s13, $0xBE00;
	v13 =	vld [tilespmem:s0+$0x12470];
	v5 =	vadd.f32 v6, v5  }
0x3e8: {  	v14 =	vld [tilespmem:s0+$0x12400];
	v4 =	vadd.f32 v7, v4  }
0x3e9: {  	v15 =	vld [tilespmem:s0+$0x12410];
	v3 =	vadd.f32 v8, v3  }
.Ltmp29:
0x3ea: {  	v6 =	vld [tilespmem:s0+$0x12420];
	v2 =	vadd.f32 v9, v2;
	(pc) =	sbr.rel @p0 .LBB2_57-.Ltmp29, $4  }
0x3eb: {  	v7 =	vld [tilespmem:s0+$0x12430];
	v1 =	vadd.f32 v12, v1  }
0x3ec: {  	v8 =	vld [tilespmem:s0+$0x12440];
	v0 =	vadd.f32 v13, v0  }
0x3ed: {  	v10 =	vadd.f32 v14, v10;
	v9 =	vld [tilespmem:s0+$0x12450]  }
0x3ee: {  	v11 =	vadd.f32 v15, v11;
	v12 =	vld [tilespmem:s0+$0x12460];
	s0 =	sshra.s32 s13, $0x2;
	s13 =	sadd.s32 $0x200, s13  }
0x3ef: {  	v13 =	vld [tilespmem:s0+$0x12470]  }
0x3f0: {  	v14 =	vld [tilespmem:s0+$0x12400]  }
0x3f1: {  	v15 =	vld [tilespmem:s0+$0x12410]  }
0x3f2: {  	v16 =	vld [tilespmem:s0+$0x12420]  }
0x3f3: {  	v17 =	vld [tilespmem:s0+$0x12430]  }
0x3f4: {  	v18 =	vld [tilespmem:s0+$0x12440]  }
0x3f5: {  	v19 =	vld [tilespmem:s0+$0x12450]  }
0x3f6: {  	v20 =	vld [tilespmem:s0+$0x12460];
	_ =	swait.ge [sflag:s24], $0x80  }
0x3f7: {  	v5 =	vadd.f32 v6, v5;
	[sflag:s24] =	ssyncset.done $0x0;
	v6 =	vadd.f32 v14, v10  }
0x3f8: {  	v4 =	vadd.f32 v7, v4;
	[sflag:s24] =	ssyncadd.s32 $0xFFFFFF80;
	v7 =	vadd.f32 v15, v11  }
0x3f9: {  	v3 =	vadd.f32 v8, v3;
	v5 =	vadd.f32 v16, v5;
	[tilespmem:$0x1A400] =	vst v6  }
0x3fa: {  	v2 =	vadd.f32 v9, v2;
	v4 =	vadd.f32 v17, v4;
	[tilespmem:$0x1A410] =	vst v7  }
0x3fb: {  	v3 =	vadd.f32 v18, v3;
	[tilespmem:$0x1A420] =	vst v5  }
0x3fc: {  	v1 =	vadd.f32 v12, v1;
	v2 =	vadd.f32 v19, v2;
	[tilespmem:$0x1A430] =	vst v4  }
0x3fd: {  	v0 =	vadd.f32 v13, v0;
	[tilespmem:$0x1A440] =	vst v3  }
0x3fe: {  	s15 =	sadd.s32 $0x580, s31;
	v1 =	vadd.f32 v20, v1;
	[tilespmem:$0x1A450] =	vst v2  }
0x3ff: {  	s0 =	sand.u32 $0x3FFFFF80, s15;
	[tilespmem:$0x1A470] =	vst v0  }
0x400: {  	s15 =	simm.s32 $0x0;
	s0 =	sadd.s32 s0, s3;
	[tilespmem:$0x1A460] =	vst v1  }
0x401: {  	[spmem:s0] =	stream.linear.scatter [tilespmem:s21], [sflag:$0x6], $0x80, $0x38;
	[tilespmem:$0x1E480] =	vst v63  }
0x402: {  	v0 =	vld [tilespmem:s15+$0x15470]  }
0x403: {  	v2 =	vld [tilespmem:s15+$0x15400]  }
0x404: {  	v4 =	vld [tilespmem:s15+$0x15410]  }
0x405: {  	v5 =	vld [tilespmem:s15+$0x15420]  }
0x406: {  	v8 =	vld [tilespmem:s15+$0x15430]  }
0x407: {  	v9 =	vimm.f32 $0.0e+00;
	v3 =	vimm.f32 $0.0e+00;
	v6 =	vld [tilespmem:s15+$0x15440]  }
0x408: {  	v10 =	vimm.f32 $0.0e+00;
	v7 =	vimm.f32 $0.0e+00;
	v11 =	vld [tilespmem:s15+$0x15450];
	v1 =	vadd.f32 v0, v3  }
0x409: {  	s13 =	simm.s32 $0x400;
	s0 =	simm.s32 $0x80;
	v12 =	vld [tilespmem:s15+$0x15460];
	v0 =	vadd.f32 v2, v3;
	v2 =	vadd.f32 v4, v3;
	v4 =	vimm.f32 $0.0e+00  }
.LBB2_59:
0x40a: {  	p0 =	sne.s32 s13, $0x3E00;
	v13 =	vld [tilespmem:s0+$0x15470];
	v3 =	vadd.f32 v5, v3  }
0x40b: {  	v14 =	vld [tilespmem:s0+$0x15400];
	v4 =	vadd.f32 v8, v4  }
0x40c: {  	v15 =	vld [tilespmem:s0+$0x15410];
	v9 =	vadd.f32 v6, v9  }
.Ltmp30:
0x40d: {  	v5 =	vld [tilespmem:s0+$0x15420];
	v10 =	vadd.f32 v11, v10;
	(pc) =	sbr.rel @p0 .LBB2_59-.Ltmp30, $4  }
0x40e: {  	v8 =	vld [tilespmem:s0+$0x15430];
	v7 =	vadd.f32 v12, v7  }
0x40f: {  	v6 =	vld [tilespmem:s0+$0x15440];
	v1 =	vadd.f32 v13, v1  }
0x410: {  	v0 =	vadd.f32 v14, v0;
	v11 =	vld [tilespmem:s0+$0x15450]  }
0x411: {  	v2 =	vadd.f32 v15, v2;
	v12 =	vld [tilespmem:s0+$0x15460];
	s0 =	sshra.s32 s13, $0x2;
	s13 =	sadd.s32 $0x200, s13  }
0x412: {  	v13 =	vld [tilespmem:s0+$0x15470]  }
0x413: {  	v14 =	vld [tilespmem:s0+$0x15400]  }
0x414: {  	v15 =	vld [tilespmem:s0+$0x15410]  }
0x415: {  	v16 =	vld [tilespmem:s0+$0x15420]  }
0x416: {  	v17 =	vld [tilespmem:s0+$0x15430]  }
0x417: {  	v18 =	vld [tilespmem:s0+$0x15440]  }
0x418: {  	v19 =	vld [tilespmem:s0+$0x15450];
	s15 =	sadd.s32 $0xB80, s30  }
0x419: {  	v20 =	vld [tilespmem:s0+$0x15460];
	[tilespmem:s16], [sflag:$0x4] =	stream.indirect.gather [hbm4b:s2+s10], $0x80, s15, s10, $0xb8  }
0x41a: {  	_ =	swait.ge [sflag:s26], $0x4000  }
0x41b: {  	[sflag:s26] =	ssyncset.done $0x0  }
0x41c: {  	s15 =	simm.s32 $0x0;
	[sflag:s26] =	ssyncadd.s32 $0xFFFFC000  }
0x41d: {  	v3 =	vadd.f32 v5, v3;
	v4 =	vadd.f32 v8, v4;
	v5 =	vld [tilespmem:s15+$0x16470]  }
0x41e: {  	v6 =	vadd.f32 v6, v9;
	v10 =	vadd.f32 v11, v10;
	v21 =	vld [tilespmem:s15+$0x16400]  }
0x41f: {  	v7 =	vadd.f32 v12, v7;
	v11 =	vadd.f32 v13, v1;
	v12 =	vld [tilespmem:s15+$0x16410]  }
0x420: {  	v13 =	vadd.f32 v14, v0;
	v14 =	vadd.f32 v15, v2;
	v8 =	vld [tilespmem:s15+$0x16420]  }
0x421: {  	v0 =	vadd.f32 v16, v3;
	v1 =	vadd.f32 v17, v4;
	v9 =	vld [tilespmem:s15+$0x16430]  }
0x422: {  	v2 =	vadd.f32 v18, v6;
	v3 =	vadd.f32 v19, v10;
	v10 =	vld [tilespmem:s15+$0x16440]  }
0x423: {  	v4 =	vadd.f32 v20, v7;
	v5 =	vadd.f32 v5, v11;
	v11 =	vld [tilespmem:s15+$0x16450]  }
0x424: {  	s0 =	simm.s32 $0x80;
	s13 =	simm.s32 $0x400;
	v6 =	vadd.f32 v21, v13;
	v7 =	vadd.f32 v12, v14;
	v12 =	vld [tilespmem:s15+$0x16460]  }
.LBB2_61:
0x425: {  	p0 =	sne.s32 s13, $0xFE00;
	v13 =	vld [tilespmem:s0+$0x16470];
	v0 =	vadd.f32 v8, v0  }
0x426: {  	v14 =	vld [tilespmem:s0+$0x16400];
	v1 =	vadd.f32 v9, v1  }
0x427: {  	v15 =	vld [tilespmem:s0+$0x16410];
	v2 =	vadd.f32 v10, v2  }
.Ltmp31:
0x428: {  	v8 =	vld [tilespmem:s0+$0x16420];
	v3 =	vadd.f32 v11, v3;
	(pc) =	sbr.rel @p0 .LBB2_61-.Ltmp31, $4  }
0x429: {  	v9 =	vld [tilespmem:s0+$0x16430];
	v4 =	vadd.f32 v12, v4  }
0x42a: {  	v10 =	vld [tilespmem:s0+$0x16440];
	v5 =	vadd.f32 v13, v5  }
0x42b: {  	v6 =	vadd.f32 v14, v6;
	v11 =	vld [tilespmem:s0+$0x16450]  }
0x42c: {  	v7 =	vadd.f32 v15, v7;
	v12 =	vld [tilespmem:s0+$0x16460];
	s0 =	sshra.s32 s13, $0x2;
	s13 =	sadd.s32 $0x200, s13  }
0x42d: {  	v13 =	vld [tilespmem:s0+$0x16470]  }
0x42e: {  	v14 =	vld [tilespmem:s0+$0x16400]  }
0x42f: {  	v15 =	vld [tilespmem:s0+$0x16410]  }
0x430: {  	v16 =	vld [tilespmem:s0+$0x16420]  }
0x431: {  	v17 =	vld [tilespmem:s0+$0x16430]  }
0x432: {  	v18 =	vld [tilespmem:s0+$0x16440]  }
0x433: {  	v19 =	vld [tilespmem:s0+$0x16450];
	s15 =	sadd.s32 $0xC00, s30  }
0x434: {  	v20 =	vld [tilespmem:s0+$0x16460];
	[tilespmem:s18], [sflag:$0x5] =	stream.indirect.gather [hbm4b:s2+s10], $0x80, s15, s10, $0xb8  }
0x435: {  	_ =	swait.ge [sflag:s19], $0x4000  }
0x436: {  	[sflag:s19] =	ssyncset.done $0x0  }
0x437: {  	s15 =	simm.s32 $0x0;
	[sflag:s19] =	ssyncadd.s32 $0xFFFFC000  }
0x438: {  	v0 =	vadd.f32 v8, v0;
	v1 =	vadd.f32 v9, v1;
	v9 =	vld [tilespmem:s15+$0x6470]  }
0x439: {  	v2 =	vadd.f32 v10, v2;
	v8 =	vadd.f32 v11, v3;
	v10 =	vld [tilespmem:s15+$0x6400]  }
0x43a: {  	v11 =	vadd.f32 v12, v4;
	v12 =	vadd.f32 v13, v5;
	v13 =	vld [tilespmem:s15+$0x6410]  }
0x43b: {  	v14 =	vadd.f32 v14, v6;
	v15 =	vadd.f32 v15, v7;
	v6 =	vld [tilespmem:s15+$0x6420]  }
0x43c: {  	v5 =	vadd.f32 v16, v0;
	v4 =	vadd.f32 v17, v1;
	v7 =	vld [tilespmem:s15+$0x6430]  }
0x43d: {  	v3 =	vadd.f32 v18, v2;
	v2 =	vadd.f32 v19, v8;
	v8 =	vld [tilespmem:s15+$0x6440]  }
0x43e: {  	v1 =	vadd.f32 v20, v11;
	v0 =	vadd.f32 v9, v12;
	v9 =	vld [tilespmem:s15+$0x6450]  }
0x43f: {  	s0 =	simm.s32 $0x80;
	s13 =	simm.s32 $0x400;
	v10 =	vadd.f32 v10, v14;
	v11 =	vadd.f32 v13, v15;
	v12 =	vld [tilespmem:s15+$0x6460]  }
.LBB2_63:
0x440: {  	p0 =	sne.s32 s13, $0x4E00;
	v13 =	vld [tilespmem:s0+$0x6470];
	v5 =	vadd.f32 v6, v5  }
0x441: {  	v14 =	vld [tilespmem:s0+$0x6400];
	v4 =	vadd.f32 v7, v4  }
0x442: {  	v15 =	vld [tilespmem:s0+$0x6410];
	v3 =	vadd.f32 v8, v3  }
.Ltmp32:
0x443: {  	v6 =	vld [tilespmem:s0+$0x6420];
	v2 =	vadd.f32 v9, v2;
	(pc) =	sbr.rel @p0 .LBB2_63-.Ltmp32, $4  }
0x444: {  	v7 =	vld [tilespmem:s0+$0x6430];
	v1 =	vadd.f32 v12, v1  }
0x445: {  	v8 =	vld [tilespmem:s0+$0x6440];
	v0 =	vadd.f32 v13, v0  }
0x446: {  	v10 =	vadd.f32 v14, v10;
	v9 =	vld [tilespmem:s0+$0x6450]  }
0x447: {  	v11 =	vadd.f32 v15, v11;
	v12 =	vld [tilespmem:s0+$0x6460];
	s0 =	sshra.s32 s13, $0x2;
	s13 =	sadd.s32 $0x200, s13  }
0x448: {  	v13 =	vld [tilespmem:s0+$0x6470]  }
0x449: {  	v14 =	vld [tilespmem:s0+$0x6400]  }
0x44a: {  	v15 =	vld [tilespmem:s0+$0x6410]  }
0x44b: {  	v16 =	vld [tilespmem:s0+$0x6420]  }
0x44c: {  	v17 =	vld [tilespmem:s0+$0x6430]  }
0x44d: {  	v18 =	vld [tilespmem:s0+$0x6440]  }
0x44e: {  	v19 =	vld [tilespmem:s0+$0x6450]  }
0x44f: {  	v20 =	vld [tilespmem:s0+$0x6460];
	_ =	swait.ge [sflag:s24], $0x80  }
0x450: {  	v5 =	vadd.f32 v6, v5;
	[sflag:s24] =	ssyncset.done $0x0;
	v6 =	vadd.f32 v14, v10  }
0x451: {  	v4 =	vadd.f32 v7, v4;
	[sflag:s24] =	ssyncadd.s32 $0xFFFFFF80;
	v7 =	vadd.f32 v15, v11  }
0x452: {  	v3 =	vadd.f32 v8, v3;
	v5 =	vadd.f32 v16, v5;
	[tilespmem:$0x1A400] =	vst v6  }
0x453: {  	v2 =	vadd.f32 v9, v2;
	v4 =	vadd.f32 v17, v4;
	[tilespmem:$0x1A410] =	vst v7  }
0x454: {  	v3 =	vadd.f32 v18, v3;
	[tilespmem:$0x1A420] =	vst v5  }
0x455: {  	v1 =	vadd.f32 v12, v1;
	v2 =	vadd.f32 v19, v2;
	[tilespmem:$0x1A430] =	vst v4  }
0x456: {  	v0 =	vadd.f32 v13, v0;
	[tilespmem:$0x1A440] =	vst v3  }
0x457: {  	s15 =	sadd.s32 $0x600, s31;
	v1 =	vadd.f32 v20, v1;
	[tilespmem:$0x1A450] =	vst v2  }
0x458: {  	s0 =	sand.u32 $0x3FFFFF80, s15;
	[tilespmem:$0x1A470] =	vst v0  }
0x459: {  	s15 =	simm.s32 $0x0;
	s0 =	sadd.s32 s0, s3;
	[tilespmem:$0x1A460] =	vst v1  }
0x45a: {  	[spmem:s0] =	stream.linear.scatter [tilespmem:s21], [sflag:$0x6], $0x80, $0x38;
	[tilespmem:$0x1E480] =	vst v63  }
0x45b: {  	v0 =	vld [tilespmem:s15+$0x7870]  }
0x45c: {  	v2 =	vld [tilespmem:s15+$0x7800]  }
0x45d: {  	v4 =	vld [tilespmem:s15+$0x7810]  }
0x45e: {  	v5 =	vld [tilespmem:s15+$0x7820]  }
0x45f: {  	v8 =	vld [tilespmem:s15+$0x7830]  }
0x460: {  	v9 =	vimm.f32 $0.0e+00;
	v3 =	vimm.f32 $0.0e+00;
	v6 =	vld [tilespmem:s15+$0x7840]  }
0x461: {  	v10 =	vimm.f32 $0.0e+00;
	v7 =	vimm.f32 $0.0e+00;
	v11 =	vld [tilespmem:s15+$0x7850];
	v1 =	vadd.f32 v0, v3  }
0x462: {  	s13 =	simm.s32 $0x400;
	s0 =	simm.s32 $0x80;
	v12 =	vld [tilespmem:s15+$0x7860];
	v0 =	vadd.f32 v2, v3;
	v2 =	vadd.f32 v4, v3;
	v4 =	vimm.f32 $0.0e+00  }
.LBB2_65:
0x463: {  	p0 =	sne.s32 s13, $0xAE00;
	v13 =	vld [tilespmem:s0+$0x7870];
	v3 =	vadd.f32 v5, v3  }
0x464: {  	v14 =	vld [tilespmem:s0+$0x7800];
	v4 =	vadd.f32 v8, v4  }
0x465: {  	v15 =	vld [tilespmem:s0+$0x7810];
	v9 =	vadd.f32 v6, v9  }
.Ltmp33:
0x466: {  	v5 =	vld [tilespmem:s0+$0x7820];
	v10 =	vadd.f32 v11, v10;
	(pc) =	sbr.rel @p0 .LBB2_65-.Ltmp33, $4  }
0x467: {  	v8 =	vld [tilespmem:s0+$0x7830];
	v7 =	vadd.f32 v12, v7  }
0x468: {  	v6 =	vld [tilespmem:s0+$0x7840];
	v1 =	vadd.f32 v13, v1  }
0x469: {  	v0 =	vadd.f32 v14, v0;
	v11 =	vld [tilespmem:s0+$0x7850]  }
0x46a: {  	v2 =	vadd.f32 v15, v2;
	v12 =	vld [tilespmem:s0+$0x7860];
	s0 =	sshra.s32 s13, $0x2;
	s13 =	sadd.s32 $0x200, s13  }
0x46b: {  	v13 =	vld [tilespmem:s0+$0x7870]  }
0x46c: {  	v14 =	vld [tilespmem:s0+$0x7800]  }
0x46d: {  	v15 =	vld [tilespmem:s0+$0x7810]  }
0x46e: {  	v16 =	vld [tilespmem:s0+$0x7820]  }
0x46f: {  	v17 =	vld [tilespmem:s0+$0x7830]  }
0x470: {  	v18 =	vld [tilespmem:s0+$0x7840]  }
0x471: {  	v19 =	vld [tilespmem:s0+$0x7850];
	p0 =	seq.s32 s29, $0x7  }
0x472: {  	v20 =	vld [tilespmem:s0+$0x7860];
	s0 =	sadd.s32 @!p0 $0xC80, s30;
	s13 =	simm.s32 @!p0 $0x80;
	s15 =	simm.s32 @!p0 $0x6400  }
0x473: {  	[tilespmem:s15], [sflag:$0x1] =	stream.indirect.gather @!p0 [hbm4b:s2+s13], $0x80, s0, s13, $0xb8;
	[tilespmem:$0x1E480] =	vst v63  }
0x474: {  	_ =	swait.ge [sflag:s20], $0x4000  }
0x475: {  	[sflag:s20] =	ssyncset.done $0x0  }
0x476: {  	s15 =	simm.s32 $0x0;
	[sflag:s20] =	ssyncadd.s32 $0xFFFFC000  }
0x477: {  	v3 =	vadd.f32 v5, v3;
	v4 =	vadd.f32 v8, v4;
	v21 =	vld [tilespmem:s15+$0xA470]  }
0x478: {  	v8 =	vadd.f32 v6, v9;
	v9 =	vadd.f32 v11, v10;
	v10 =	vld [tilespmem:s15+$0xA400]  }
0x479: {  	v11 =	vadd.f32 v12, v7;
	v12 =	vadd.f32 v13, v1;
	v13 =	vld [tilespmem:s15+$0xA410]  }
0x47a: {  	v14 =	vadd.f32 v14, v0;
	v15 =	vadd.f32 v15, v2;
	v6 =	vld [tilespmem:s15+$0xA420]  }
0x47b: {  	v5 =	vadd.f32 v16, v3;
	v4 =	vadd.f32 v17, v4;
	v7 =	vld [tilespmem:s15+$0xA430]  }
0x47c: {  	v3 =	vadd.f32 v18, v8;
	v2 =	vadd.f32 v19, v9;
	v8 =	vld [tilespmem:s15+$0xA440]  }
0x47d: {  	v1 =	vadd.f32 v20, v11;
	v9 =	vld [tilespmem:s15+$0xA450];
	v0 =	vadd.f32 v21, v12  }
0x47e: {  	s0 =	simm.s32 $0x80;
	s13 =	simm.s32 $0x400;
	v10 =	vadd.f32 v10, v14;
	v11 =	vadd.f32 v13, v15;
	v12 =	vld [tilespmem:s15+$0xA460]  }
.LBB2_67:
0x47f: {  	p1 =	sne.s32 s13, $0xDE00;
	v13 =	vld [tilespmem:s0+$0xA470];
	v5 =	vadd.f32 v6, v5  }
0x480: {  	v14 =	vld [tilespmem:s0+$0xA400];
	v4 =	vadd.f32 v7, v4  }
0x481: {  	v15 =	vld [tilespmem:s0+$0xA410];
	v3 =	vadd.f32 v8, v3  }
.Ltmp34:
0x482: {  	v6 =	vld [tilespmem:s0+$0xA420];
	v2 =	vadd.f32 v9, v2;
	(pc) =	sbr.rel @p1 .LBB2_67-.Ltmp34, $4  }
0x483: {  	v7 =	vld [tilespmem:s0+$0xA430];
	v1 =	vadd.f32 v12, v1  }
0x484: {  	v8 =	vld [tilespmem:s0+$0xA440];
	v0 =	vadd.f32 v13, v0  }
0x485: {  	v10 =	vadd.f32 v14, v10;
	v9 =	vld [tilespmem:s0+$0xA450]  }
0x486: {  	v11 =	vadd.f32 v15, v11;
	v12 =	vld [tilespmem:s0+$0xA460];
	s0 =	sshra.s32 s13, $0x2;
	s13 =	sadd.s32 $0x200, s13  }
0x487: {  	v13 =	vld [tilespmem:s0+$0xA470]  }
0x488: {  	v14 =	vld [tilespmem:s0+$0xA400]  }
0x489: {  	v15 =	vld [tilespmem:s0+$0xA410]  }
0x48a: {  	v16 =	vld [tilespmem:s0+$0xA420]  }
0x48b: {  	v17 =	vld [tilespmem:s0+$0xA430]  }
0x48c: {  	v18 =	vld [tilespmem:s0+$0xA440]  }
0x48d: {  	v19 =	vld [tilespmem:s0+$0xA450]  }
0x48e: {  	v20 =	vld [tilespmem:s0+$0xA460];
	_ =	swait.ge [sflag:s24], $0x80  }
0x48f: {  	v5 =	vadd.f32 v6, v5;
	[sflag:s24] =	ssyncset.done $0x0;
	v6 =	vadd.f32 v14, v10  }
0x490: {  	v4 =	vadd.f32 v7, v4;
	[sflag:s24] =	ssyncadd.s32 $0xFFFFFF80;
	v7 =	vadd.f32 v15, v11  }
0x491: {  	v3 =	vadd.f32 v8, v3;
	v5 =	vadd.f32 v16, v5;
	[tilespmem:$0x1A400] =	vst v6  }
0x492: {  	v2 =	vadd.f32 v9, v2;
	v4 =	vadd.f32 v17, v4;
	[tilespmem:$0x1A410] =	vst v7  }
0x493: {  	v3 =	vadd.f32 v18, v3;
	[tilespmem:$0x1A420] =	vst v5  }
0x494: {  	v1 =	vadd.f32 v12, v1;
	v2 =	vadd.f32 v19, v2;
	[tilespmem:$0x1A430] =	vst v4  }
0x495: {  	v0 =	vadd.f32 v13, v0;
	[tilespmem:$0x1A440] =	vst v3  }
0x496: {  	s15 =	sadd.s32 $0x680, s31;
	v1 =	vadd.f32 v20, v1;
	[tilespmem:$0x1A450] =	vst v2  }
0x497: {  	s0 =	sand.u32 $0x3FFFFF80, s15;
	[tilespmem:$0x1A470] =	vst v0  }
0x498: {  	s15 =	simm.s32 $0x0;
	s0 =	sadd.s32 s0, s3;
	[tilespmem:$0x1A460] =	vst v1  }
0x499: {  	[spmem:s0] =	stream.linear.scatter [tilespmem:s21], [sflag:$0x6], $0x80, $0x38;
	[tilespmem:$0x1E480] =	vst v63  }
0x49a: {  	v0 =	vld [tilespmem:s15+$0xDC70]  }
0x49b: {  	v2 =	vld [tilespmem:s15+$0xDC00]  }
0x49c: {  	v4 =	vld [tilespmem:s15+$0xDC10]  }
0x49d: {  	v5 =	vld [tilespmem:s15+$0xDC20]  }
0x49e: {  	v8 =	vld [tilespmem:s15+$0xDC30]  }
0x49f: {  	v9 =	vimm.f32 $0.0e+00;
	v3 =	vimm.f32 $0.0e+00;
	v6 =	vld [tilespmem:s15+$0xDC40]  }
0x4a0: {  	v10 =	vimm.f32 $0.0e+00;
	v7 =	vimm.f32 $0.0e+00;
	v11 =	vld [tilespmem:s15+$0xDC50];
	v1 =	vadd.f32 v0, v3  }
0x4a1: {  	s13 =	simm.s32 $0x400;
	s0 =	simm.s32 $0x80;
	v12 =	vld [tilespmem:s15+$0xDC60];
	v0 =	vadd.f32 v2, v3;
	v2 =	vadd.f32 v4, v3;
	v4 =	vimm.f32 $0.0e+00  }
.LBB2_69:
0x4a2: {  	p1 =	sne.s32 s13, $0x1E00;
	v13 =	vld [tilespmem:s0+$0xDC70];
	v3 =	vadd.f32 v5, v3  }
0x4a3: {  	v14 =	vld [tilespmem:s0+$0xDC00];
	v4 =	vadd.f32 v8, v4  }
0x4a4: {  	v15 =	vld [tilespmem:s0+$0xDC10];
	v9 =	vadd.f32 v6, v9  }
.Ltmp35:
0x4a5: {  	v5 =	vld [tilespmem:s0+$0xDC20];
	v10 =	vadd.f32 v11, v10;
	(pc) =	sbr.rel @p1 .LBB2_69-.Ltmp35, $4  }
0x4a6: {  	v8 =	vld [tilespmem:s0+$0xDC30];
	v7 =	vadd.f32 v12, v7  }
0x4a7: {  	v6 =	vld [tilespmem:s0+$0xDC40];
	v1 =	vadd.f32 v13, v1  }
0x4a8: {  	v0 =	vadd.f32 v14, v0;
	v11 =	vld [tilespmem:s0+$0xDC50]  }
0x4a9: {  	v2 =	vadd.f32 v15, v2;
	v12 =	vld [tilespmem:s0+$0xDC60];
	s0 =	sshra.s32 s13, $0x2;
	s13 =	sadd.s32 $0x200, s13  }
0x4aa: {  	v13 =	vld [tilespmem:s0+$0xDC70]  }
0x4ab: {  	v14 =	vld [tilespmem:s0+$0xDC00]  }
0x4ac: {  	v15 =	vld [tilespmem:s0+$0xDC10]  }
0x4ad: {  	v16 =	vld [tilespmem:s0+$0xDC20]  }
0x4ae: {  	v17 =	vld [tilespmem:s0+$0xDC30]  }
0x4af: {  	v18 =	vld [tilespmem:s0+$0xDC40]  }
0x4b0: {  	v19 =	vld [tilespmem:s0+$0xDC50]  }
0x4b1: {  	v20 =	vld [tilespmem:s0+$0xDC60];
	s0 =	sadd.s32 @!p0 $0xD00, s30;
	s13 =	simm.s32 @!p0 $0x80;
	s15 =	simm.s32 @!p0 $0xA400  }
0x4b2: {  	[tilespmem:s15], [sflag:$0x2] =	stream.indirect.gather @!p0 [hbm4b:s2+s13], $0x80, s0, s13, $0xb8;
	[tilespmem:$0x1E480] =	vst v63  }
0x4b3: {  	_ =	swait.ge [sflag:s22], $0x4000  }
0x4b4: {  	[sflag:s22] =	ssyncset.done $0x0  }
0x4b5: {  	s15 =	simm.s32 $0x0;
	[sflag:s22] =	ssyncadd.s32 $0xFFFFC000  }
0x4b6: {  	v3 =	vadd.f32 v5, v3;
	v4 =	vadd.f32 v8, v4;
	v5 =	vld [tilespmem:s15+$0xE470]  }
0x4b7: {  	v6 =	vadd.f32 v6, v9;
	v10 =	vadd.f32 v11, v10;
	v21 =	vld [tilespmem:s15+$0xE400]  }
0x4b8: {  	v7 =	vadd.f32 v12, v7;
	v11 =	vadd.f32 v13, v1;
	v12 =	vld [tilespmem:s15+$0xE410]  }
0x4b9: {  	v13 =	vadd.f32 v14, v0;
	v14 =	vadd.f32 v15, v2;
	v8 =	vld [tilespmem:s15+$0xE420]  }
0x4ba: {  	v0 =	vadd.f32 v16, v3;
	v1 =	vadd.f32 v17, v4;
	v9 =	vld [tilespmem:s15+$0xE430]  }
0x4bb: {  	v2 =	vadd.f32 v18, v6;
	v3 =	vadd.f32 v19, v10;
	v10 =	vld [tilespmem:s15+$0xE440]  }
0x4bc: {  	v4 =	vadd.f32 v20, v7;
	v5 =	vadd.f32 v5, v11;
	v11 =	vld [tilespmem:s15+$0xE450]  }
0x4bd: {  	s0 =	simm.s32 $0x80;
	s13 =	simm.s32 $0x400;
	v6 =	vadd.f32 v21, v13;
	v7 =	vadd.f32 v12, v14;
	v12 =	vld [tilespmem:s15+$0xE460]  }
.LBB2_71:
0x4be: {  	p1 =	sne.s32 s13, $0xFE00;
	v13 =	vld [tilespmem:s0+$0xE470];
	v0 =	vadd.f32 v8, v0  }
0x4bf: {  	v14 =	vld [tilespmem:s0+$0xE400];
	v1 =	vadd.f32 v9, v1  }
0x4c0: {  	v15 =	vld [tilespmem:s0+$0xE410];
	v2 =	vadd.f32 v10, v2  }
.Ltmp36:
0x4c1: {  	v8 =	vld [tilespmem:s0+$0xE420];
	v3 =	vadd.f32 v11, v3;
	(pc) =	sbr.rel @p1 .LBB2_71-.Ltmp36, $4  }
0x4c2: {  	v9 =	vld [tilespmem:s0+$0xE430];
	v4 =	vadd.f32 v12, v4  }
0x4c3: {  	v10 =	vld [tilespmem:s0+$0xE440];
	v5 =	vadd.f32 v13, v5  }
0x4c4: {  	v6 =	vadd.f32 v14, v6;
	v11 =	vld [tilespmem:s0+$0xE450]  }
0x4c5: {  	v7 =	vadd.f32 v15, v7;
	v12 =	vld [tilespmem:s0+$0xE460];
	s0 =	sshra.s32 s13, $0x2;
	s13 =	sadd.s32 $0x200, s13  }
0x4c6: {  	v13 =	vld [tilespmem:s0+$0xE470]  }
0x4c7: {  	v14 =	vld [tilespmem:s0+$0xE400]  }
0x4c8: {  	v15 =	vld [tilespmem:s0+$0xE410]  }
0x4c9: {  	v16 =	vld [tilespmem:s0+$0xE420]  }
0x4ca: {  	v17 =	vld [tilespmem:s0+$0xE430]  }
0x4cb: {  	v18 =	vld [tilespmem:s0+$0xE440]  }
0x4cc: {  	v19 =	vld [tilespmem:s0+$0xE450]  }
0x4cd: {  	v20 =	vld [tilespmem:s0+$0xE460];
	s0 =	sadd.s32 @!p0 $0xD80, s30;
	s13 =	simm.s32 @!p0 $0x80;
	s15 =	simm.s32 @!p0 $0xE400  }
0x4ce: {  	[tilespmem:s15], [sflag:$0x3] =	stream.indirect.gather @!p0 [hbm4b:s2+s13], $0x80, s0, s13, $0xb8;
	[tilespmem:$0x1E480] =	vst v63  }
0x4cf: {  	_ =	swait.ge [sflag:s23], $0x4000  }
0x4d0: {  	[sflag:s23] =	ssyncset.done $0x0  }
0x4d1: {  	s15 =	simm.s32 $0x0;
	[sflag:s23] =	ssyncadd.s32 $0xFFFFC000  }
0x4d2: {  	v0 =	vadd.f32 v8, v0;
	v1 =	vadd.f32 v9, v1;
	v9 =	vld [tilespmem:s15+$0x12470]  }
0x4d3: {  	v2 =	vadd.f32 v10, v2;
	v8 =	vadd.f32 v11, v3;
	v10 =	vld [tilespmem:s15+$0x12400]  }
0x4d4: {  	v11 =	vadd.f32 v12, v4;
	v12 =	vadd.f32 v13, v5;
	v13 =	vld [tilespmem:s15+$0x12410]  }
0x4d5: {  	v14 =	vadd.f32 v14, v6;
	v15 =	vadd.f32 v15, v7;
	v6 =	vld [tilespmem:s15+$0x12420]  }
0x4d6: {  	v5 =	vadd.f32 v16, v0;
	v4 =	vadd.f32 v17, v1;
	v7 =	vld [tilespmem:s15+$0x12430]  }
0x4d7: {  	v3 =	vadd.f32 v18, v2;
	v2 =	vadd.f32 v19, v8;
	v8 =	vld [tilespmem:s15+$0x12440]  }
0x4d8: {  	v1 =	vadd.f32 v20, v11;
	v0 =	vadd.f32 v9, v12;
	v9 =	vld [tilespmem:s15+$0x12450]  }
0x4d9: {  	s0 =	simm.s32 $0x80;
	s13 =	simm.s32 $0x400;
	v10 =	vadd.f32 v10, v14;
	v11 =	vadd.f32 v13, v15;
	v12 =	vld [tilespmem:s15+$0x12460]  }
.LBB2_73:
0x4da: {  	p1 =	sne.s32 s13, $0x6E00;
	v13 =	vld [tilespmem:s0+$0x12470];
	v5 =	vadd.f32 v6, v5  }
0x4db: {  	v14 =	vld [tilespmem:s0+$0x12400];
	v4 =	vadd.f32 v7, v4  }
0x4dc: {  	v15 =	vld [tilespmem:s0+$0x12410];
	v3 =	vadd.f32 v8, v3  }
.Ltmp37:
0x4dd: {  	v6 =	vld [tilespmem:s0+$0x12420];
	v2 =	vadd.f32 v9, v2;
	(pc) =	sbr.rel @p1 .LBB2_73-.Ltmp37, $4  }
0x4de: {  	v7 =	vld [tilespmem:s0+$0x12430];
	v1 =	vadd.f32 v12, v1  }
0x4df: {  	v8 =	vld [tilespmem:s0+$0x12440];
	v0 =	vadd.f32 v13, v0  }
0x4e0: {  	v10 =	vadd.f32 v14, v10;
	v9 =	vld [tilespmem:s0+$0x12450]  }
0x4e1: {  	v11 =	vadd.f32 v15, v11;
	v12 =	vld [tilespmem:s0+$0x12460];
	s0 =	sshra.s32 s13, $0x2;
	s13 =	sadd.s32 $0x200, s13  }
0x4e2: {  	v13 =	vld [tilespmem:s0+$0x12470]  }
0x4e3: {  	v14 =	vld [tilespmem:s0+$0x12400]  }
0x4e4: {  	v15 =	vld [tilespmem:s0+$0x12410]  }
0x4e5: {  	v16 =	vld [tilespmem:s0+$0x12420]  }
0x4e6: {  	v17 =	vld [tilespmem:s0+$0x12430]  }
0x4e7: {  	v18 =	vld [tilespmem:s0+$0x12440]  }
0x4e8: {  	v19 =	vld [tilespmem:s0+$0x12450]  }
0x4e9: {  	v20 =	vld [tilespmem:s0+$0x12460];
	_ =	swait.ge [sflag:s24], $0x80  }
0x4ea: {  	v5 =	vadd.f32 v6, v5;
	[sflag:s24] =	ssyncset.done $0x0;
	v6 =	vadd.f32 v14, v10  }
0x4eb: {  	v4 =	vadd.f32 v7, v4;
	[sflag:s24] =	ssyncadd.s32 $0xFFFFFF80;
	v7 =	vadd.f32 v15, v11  }
0x4ec: {  	v3 =	vadd.f32 v8, v3;
	v5 =	vadd.f32 v16, v5;
	[tilespmem:$0x1A400] =	vst v6  }
0x4ed: {  	v2 =	vadd.f32 v9, v2;
	v4 =	vadd.f32 v17, v4;
	[tilespmem:$0x1A410] =	vst v7  }
0x4ee: {  	v3 =	vadd.f32 v18, v3;
	[tilespmem:$0x1A420] =	vst v5  }
0x4ef: {  	v1 =	vadd.f32 v12, v1;
	v2 =	vadd.f32 v19, v2;
	[tilespmem:$0x1A430] =	vst v4  }
0x4f0: {  	v0 =	vadd.f32 v13, v0;
	[tilespmem:$0x1A440] =	vst v3  }
0x4f1: {  	s15 =	sadd.s32 $0x700, s31;
	v1 =	vadd.f32 v20, v1;
	[tilespmem:$0x1A450] =	vst v2  }
0x4f2: {  	s0 =	sand.u32 $0x3FFFFF80, s15;
	[tilespmem:$0x1A470] =	vst v0  }
0x4f3: {  	s15 =	simm.s32 $0x0;
	s0 =	sadd.s32 s0, s3;
	[tilespmem:$0x1A460] =	vst v1  }
0x4f4: {  	[spmem:s0] =	stream.linear.scatter [tilespmem:s21], [sflag:$0x6], $0x80, $0x38;
	[tilespmem:$0x1E480] =	vst v63  }
0x4f5: {  	v0 =	vld [tilespmem:s15+$0x14070]  }
0x4f6: {  	v2 =	vld [tilespmem:s15+$0x14000]  }
0x4f7: {  	v4 =	vld [tilespmem:s15+$0x14010]  }
0x4f8: {  	v5 =	vld [tilespmem:s15+$0x14020]  }
0x4f9: {  	v8 =	vld [tilespmem:s15+$0x14030]  }
0x4fa: {  	v9 =	vimm.f32 $0.0e+00;
	v3 =	vimm.f32 $0.0e+00;
	v6 =	vld [tilespmem:s15+$0x14040]  }
0x4fb: {  	v10 =	vimm.f32 $0.0e+00;
	v7 =	vimm.f32 $0.0e+00;
	v11 =	vld [tilespmem:s15+$0x14050];
	v1 =	vadd.f32 v0, v3  }
0x4fc: {  	s13 =	simm.s32 $0x400;
	s0 =	simm.s32 $0x80;
	v12 =	vld [tilespmem:s15+$0x14060];
	v0 =	vadd.f32 v2, v3;
	v2 =	vadd.f32 v4, v3;
	v4 =	vimm.f32 $0.0e+00  }
.LBB2_75:
0x4fd: {  	p1 =	sne.s32 s13, $0x8E00;
	v13 =	vld [tilespmem:s0+$0x14070];
	v3 =	vadd.f32 v5, v3  }
0x4fe: {  	v14 =	vld [tilespmem:s0+$0x14000];
	v4 =	vadd.f32 v8, v4  }
0x4ff: {  	v15 =	vld [tilespmem:s0+$0x14010];
	v9 =	vadd.f32 v6, v9  }
.Ltmp38:
0x500: {  	v5 =	vld [tilespmem:s0+$0x14020];
	v10 =	vadd.f32 v11, v10;
	(pc) =	sbr.rel @p1 .LBB2_75-.Ltmp38, $4  }
0x501: {  	v8 =	vld [tilespmem:s0+$0x14030];
	v7 =	vadd.f32 v12, v7  }
0x502: {  	v6 =	vld [tilespmem:s0+$0x14040];
	v1 =	vadd.f32 v13, v1  }
0x503: {  	v0 =	vadd.f32 v14, v0;
	v11 =	vld [tilespmem:s0+$0x14050]  }
0x504: {  	v2 =	vadd.f32 v15, v2;
	v12 =	vld [tilespmem:s0+$0x14060];
	s0 =	sshra.s32 s13, $0x2;
	s13 =	sadd.s32 $0x200, s13  }
0x505: {  	v13 =	vld [tilespmem:s0+$0x14070]  }
0x506: {  	v14 =	vld [tilespmem:s0+$0x14000]  }
0x507: {  	v15 =	vld [tilespmem:s0+$0x14010]  }
0x508: {  	v16 =	vld [tilespmem:s0+$0x14020]  }
0x509: {  	v17 =	vld [tilespmem:s0+$0x14030]  }
0x50a: {  	v18 =	vld [tilespmem:s0+$0x14040]  }
0x50b: {  	v19 =	vld [tilespmem:s0+$0x14050]  }
0x50c: {  	v20 =	vld [tilespmem:s0+$0x14060];
	s0 =	sadd.s32 @!p0 $0xE00, s30;
	s13 =	simm.s32 @!p0 $0x80;
	s15 =	simm.s32 @!p0 $0x12400  }
0x50d: {  	[tilespmem:s15], [sflag:$0x4] =	stream.indirect.gather @!p0 [hbm4b:s2+s13], $0x80, s0, s13, $0xb8;
	[tilespmem:$0x1E480] =	vst v63  }
0x50e: {  	_ =	swait.ge [sflag:s26], $0x4000  }
0x50f: {  	[sflag:s26] =	ssyncset.done $0x0  }
0x510: {  	s15 =	simm.s32 $0x0;
	[sflag:s26] =	ssyncadd.s32 $0xFFFFC000  }
0x511: {  	v3 =	vadd.f32 v5, v3;
	v4 =	vadd.f32 v8, v4;
	v21 =	vld [tilespmem:s15+$0x16470]  }
0x512: {  	v8 =	vadd.f32 v6, v9;
	v9 =	vadd.f32 v11, v10;
	v10 =	vld [tilespmem:s15+$0x16400]  }
0x513: {  	v11 =	vadd.f32 v12, v7;
	v12 =	vadd.f32 v13, v1;
	v13 =	vld [tilespmem:s15+$0x16410]  }
0x514: {  	v14 =	vadd.f32 v14, v0;
	v15 =	vadd.f32 v15, v2;
	v6 =	vld [tilespmem:s15+$0x16420]  }
0x515: {  	v5 =	vadd.f32 v16, v3;
	v4 =	vadd.f32 v17, v4;
	v7 =	vld [tilespmem:s15+$0x16430]  }
0x516: {  	v3 =	vadd.f32 v18, v8;
	v2 =	vadd.f32 v19, v9;
	v8 =	vld [tilespmem:s15+$0x16440]  }
0x517: {  	v9 =	vld [tilespmem:s15+$0x16450];
	v1 =	vadd.f32 v20, v11;
	v0 =	vadd.f32 v21, v12  }
0x518: {  	s0 =	simm.s32 $0x80;
	s13 =	simm.s32 $0x400;
	v10 =	vadd.f32 v10, v14;
	v11 =	vadd.f32 v13, v15;
	v12 =	vld [tilespmem:s15+$0x16460]  }
.LBB2_77:
0x519: {  	p1 =	sne.s32 s13, $0xFE00;
	v13 =	vld [tilespmem:s0+$0x16470];
	v5 =	vadd.f32 v6, v5  }
0x51a: {  	v14 =	vld [tilespmem:s0+$0x16400];
	v4 =	vadd.f32 v7, v4  }
0x51b: {  	v15 =	vld [tilespmem:s0+$0x16410];
	v3 =	vadd.f32 v8, v3  }
.Ltmp39:
0x51c: {  	v6 =	vld [tilespmem:s0+$0x16420];
	v2 =	vadd.f32 v9, v2;
	(pc) =	sbr.rel @p1 .LBB2_77-.Ltmp39, $4  }
0x51d: {  	v7 =	vld [tilespmem:s0+$0x16430];
	v1 =	vadd.f32 v12, v1  }
0x51e: {  	v8 =	vld [tilespmem:s0+$0x16440];
	v0 =	vadd.f32 v13, v0  }
0x51f: {  	v10 =	vadd.f32 v14, v10;
	v9 =	vld [tilespmem:s0+$0x16450]  }
0x520: {  	v11 =	vadd.f32 v15, v11;
	v12 =	vld [tilespmem:s0+$0x16460];
	s0 =	sshra.s32 s13, $0x2;
	s13 =	sadd.s32 $0x200, s13  }
0x521: {  	v13 =	vld [tilespmem:s0+$0x16470]  }
0x522: {  	v14 =	vld [tilespmem:s0+$0x16400]  }
0x523: {  	v15 =	vld [tilespmem:s0+$0x16410]  }
0x524: {  	v16 =	vld [tilespmem:s0+$0x16420]  }
0x525: {  	v17 =	vld [tilespmem:s0+$0x16430]  }
0x526: {  	v18 =	vld [tilespmem:s0+$0x16440]  }
0x527: {  	v19 =	vld [tilespmem:s0+$0x16450]  }
0x528: {  	v20 =	vld [tilespmem:s0+$0x16460];
	_ =	swait.ge [sflag:s24], $0x80  }
0x529: {  	v5 =	vadd.f32 v6, v5;
	[sflag:s24] =	ssyncset.done $0x0;
	v62 =	vadd.f32 v14, v10  }
0x52a: {  	v4 =	vadd.f32 v7, v4;
	[sflag:s24] =	ssyncadd.s32 $0xFFFFFF80;
	v63 =	vadd.f32 v15, v11  }
0x52b: {  	v3 =	vadd.f32 v8, v3;
	v5 =	vadd.f32 v16, v5;
	[tilespmem:$0x1A400] =	vst v62  }
0x52c: {  	v2 =	vadd.f32 v9, v2;
	v4 =	vadd.f32 v17, v4;
	[tilespmem:$0x1A410] =	vst v63  }
0x52d: {  	v3 =	vadd.f32 v18, v3;
	[tilespmem:$0x1A420] =	vst v5  }
0x52e: {  	v1 =	vadd.f32 v12, v1;
	v2 =	vadd.f32 v19, v2;
	[tilespmem:$0x1A430] =	vst v4  }
.Ltmp40:
0x52f: {  	v0 =	vadd.f32 v13, v0;
	[tilespmem:$0x1A440] =	vst v3;
	(pc) =	sbr.rel @p0 .LBB2_80-.Ltmp40, $4  }
0x530: {  	s31 =	sadd.s32 $0x780, s31;
	v1 =	vadd.f32 v20, v1;
	[tilespmem:$0x1A450] =	vst v2  }
0x531: {  	s0 =	sand.u32 $0x3FFFFF80, s31;
	[tilespmem:$0x1A470] =	vst v0  }
0x532: {  	s0 =	sadd.s32 s0, s3;
	[tilespmem:$0x1A460] =	vst v1  }
0x533: {  	[spmem:s0] =	stream.linear.scatter [tilespmem:s21], [sflag:$0x6], $0x80, $0x38;
	[tilespmem:$0x1E480] =	vst v63  }
.Ltmp41:
0x534: {  	(pc) =	sbr.rel .LBB2_2-.Ltmp41, $3  }
0x535: {  	_ =	sdelay $0x1  }
0x536: {  	s0 =	sadd.s32 $0xE80, s30;
	s29 =	sadd.s32 $0x1, s29  }
0x537: {  	[tilespmem:s18], [sflag:$0x5] =	stream.indirect.gather [hbm4b:s2+s10], $0x80, s0, s10, $0xb8;
	[tilespmem:$0x1E480] =	vst v63  }
.LBB2_81:
0x538: {  	_ =	sfence.sel $0x180000  }
0x539: {  	[bflag:$0x0] =	sbarrier.arrive $0xFFFF  }
0x53a: {  	_ =	strace $0x90000047  }
0x53b: {  	[bflag:$0x2] =	sbarrier.arrive $0xFFFF  }
0x53c: {  	p0 =	sne.s32 s1, $0x0;
	s0 =	rddreg [dreg:$0x3]  }
0x53d: {  	s0 =	sadd.s32 @!p0 $0x100000, s0  }
0x53e: {  	[sflag:s0] =	ssyncadd.tile.s32 @!p0 $0x1;
	_ =	shalt  }
.Lfunc_end2:
_tile_overlayer_lowered:
.L_overlay_start_2:
0x53f: {  	(tag) =	ssettag $0x2  }
0x540: {  	s0 =	rddreg [dreg:$0x0];
	s2 =	stileid.u32  }
0x541: {  	s1 =	rddreg [dreg:$0x1];
	p0 =	sne.s32 s2, $0x0  }
0x542: {  	s3 =	rddreg [dreg:$0x2];
	[bflag:$0x3] =	sbarrier.arrive $0xFFFF;
	s2 =	simm.s32 @!p0 $0x1C07  }
0x543: {  	[timem:s3], [sflag:s2] =	dma.local @!p0 [hbm:s0], s1  }
0x544: {  	s0 =	simm.s32 @!p0 $0x7  }
0x545: {  	_ =	swait.ge @!p0 [sflag:s0], s1  }
0x546: {  	s1 =	ssub.s32 @!p0 $0x0, s1;
	[sflag:s0] =	ssyncset.done @!p0 $0x0  }
0x547: {  	[sflag:s0] =	ssyncadd.s32 @!p0 s1  }
0x548: {  	[bflag:$0x3] =	sbarrier.arrive $0xFFFF  }
0x549: {  	_ =	shalt  }

</sc_bundles>
